<compile_context>
chip_gen: v7x
topology: tpu7x:2x2x1
jax: 0.10.2.dev20260603
libtpu: 0.0.44.dev20260713+nightly
codegen_flags: <defaults>
</compile_context>

<pallas_src>
import functools

import jax
import jax.numpy as jnp
from jax import lax
from jax.experimental import pallas as pl
from jax.experimental.pallas import tpu as pltpu
from jax.experimental.pallas import tpu_sc as plsc

DIM = 64
NC = 2
NS = 16
NW = NC * NS
B_BLK = 128
NBUF = 4
SKEW_I = 3
SKEW_G = 2


@functools.lru_cache(maxsize=None)
def _gather_kernel(NROW, SEQ, V):
    n_blk = NROW // B_BLK
    n_tasks = SEQ * n_blk // NW
    assert n_tasks % NBUF == 0
    mesh = plsc.VectorSubcoreMesh(core_axis_name="c", subcore_axis_name="s")

    @functools.partial(
        pl.kernel,
        mesh=mesh,
        out_type=jax.ShapeDtypeStruct((SEQ, DIM // 8, n_blk, 8, B_BLK),
                                      jnp.float32),
        scratch_types=[
            pltpu.VMEM((NBUF, B_BLK), jnp.int32),
            pltpu.VMEM((NBUF, B_BLK, DIM), jnp.float32),
            pltpu.VMEM((NBUF, DIM // 8, 8, B_BLK), jnp.float32),
            pltpu.SemaphoreType.DMA((NBUF,)),
            pltpu.SemaphoreType.DMA((NBUF,)),
            pltpu.SemaphoreType.DMA((NBUF,)),
        ],
        compiler_params=pltpu.CompilerParams(use_tc_tiling_on_sc=False,
                                             needs_layout_passes=False),
    )
    def k(xt_hbm, table_hbm, out_hbm, idx_v, rows_v, trows_v,
          sem_i, sem_g, sem_o):
        wid = lax.axis_index("s") * NC + lax.axis_index("c")
        base = wid * n_tasks

        lane = lax.iota(jnp.int32, 16)
        row_idx = [lane + 16 * bb for bb in range(B_BLK // 16)]

        def coords(t):
            T = base + t
            return T // n_blk, (T % n_blk) * B_BLK

        def start_idx(t, slot):
            s, b0 = coords(t)
            pltpu.async_copy(xt_hbm.at[s, pl.ds(b0, B_BLK)], idx_v.at[slot],
                             sem_i.at[slot])

        def wait_idx(t, slot):
            s, b0 = coords(t)
            pltpu.make_async_copy(xt_hbm.at[s, pl.ds(b0, B_BLK)],
                                  idx_v.at[slot], sem_i.at[slot]).wait()

        def start_gather(slot):
            pltpu.async_copy(table_hbm.at[idx_v.at[slot]], rows_v.at[slot],
                             sem_g.at[slot])

        def wait_gather(slot):
            pltpu.make_async_copy(table_hbm.at[idx_v.at[slot]],
                                  rows_v.at[slot], sem_g.at[slot]).wait()

        def transpose(slot):
            @plsc.parallel_loop(0, DIM, unroll=4)
            def dbody(d0):
                col = lax.bitwise_and(d0 + lane, DIM - 1)
                dt = lax.shift_right_logical(col, 3)
                dw = lax.bitwise_and(col, 7)
                for bb in range(B_BLK // 16):
                    vec = plsc.load_gather(rows_v.at[slot],
                                           [row_idx[bb], col])
                    plsc.store_scatter(trows_v.at[slot],
                                       [dt, dw, row_idx[bb]], vec)

        def start_out(t, slot):
            s, b0 = coords(t)
            pltpu.async_copy(trows_v.at[slot],
                             out_hbm.at[s, :, b0 // B_BLK, :, :],
                             sem_o.at[slot])

        def wait_out(t, slot):
            s, b0 = coords(t)
            pltpu.make_async_copy(trows_v.at[slot],
                                  out_hbm.at[s, :, b0 // B_BLK, :, :],
                                  sem_o.at[slot]).wait()

        for t in range(SKEW_I):
            start_idx(t, t % NBUF)
        for t in range(SKEW_G):
            wait_idx(t, t % NBUF)
            start_gather(t % NBUF)

        def body(g, carry):
            for b in range(NBUF):
                t = g * NBUF + b
                s_i = (b + SKEW_I) % NBUF

                @pl.when(t + SKEW_I < n_tasks)
                def _():
                    start_idx(t + SKEW_I, s_i)

                s_g = (b + SKEW_G) % NBUF

                @pl.when(t + SKEW_G < n_tasks)
                def _():
                    wait_idx(t + SKEW_G, s_g)
                    start_gather(s_g)

                wait_gather(b)

                @pl.when(t >= NBUF)
                def _():
                    wait_out(t - NBUF, b)

                transpose(b)
                start_out(t, b)
            return carry

        lax.fori_loop(0, n_tasks // NBUF, body, 0)

        for b in range(NBUF):
            wait_out(n_tasks - NBUF + b, b)

    return k


@jax.jit
def kernel(x, table):
    xi = x.astype(jnp.int32)
    seq_pad = (x.shape[1] + 7) // 8 * 8
    xp = jnp.pad(xi, ((0, 0), (0, seq_pad - x.shape[1])))
    out5 = _gather_kernel(x.shape[0], x.shape[1], table.shape[0])(xp.T, table)
    return out5.transpose(2, 4, 0, 1, 3).reshape(x.shape[0], x.shape[1], DIM)

# --- scband reference (transcript-rebuilt; emitter-appended) ---
"""Pipeline reference for scband-input-embedding-15333033247330 (READ-ONLY COPY).

The authoritative reference and input builder live on the scoring server;
editing this copy changes nothing except your own understanding.
"""

import jax, jax.numpy as jnp
import numpy as np

VOCAB = 1000000
DIM = 64

def setup_inputs(seed: int = 0) -> dict:
    key = jax.random.key(seed)
    k1, k2 = jax.random.split(key)
    x = jax.random.randint(k1, (16384, 50), 0, VOCAB, dtype=jnp.int64 if jax.config.jax_enable_x64 else jnp.int32)
    table = jax.random.normal(k2, (VOCAB, DIM), dtype=jnp.float32)
    return {"x": x, "table": table}

def reference(x, table):
    # nn.Embedding forward: gather rows of the embedding table
    return jnp.take(table, x, axis=0)

if __name__ == "__main__":
    import jax
    _d = setup_inputs()
    print(jax.jit(kernel)(*tuple(_d.values())))

</pallas_src>

<mosaic_0001>
#map = affine_map<(d0, d1) -> (0, 0)>
#map1 = affine_map<(d0, d1) -> (0, 0, 0, 0, 0)>
module attributes {stable_mosaic.version = 14 : i64} {
  func.func @k(%arg0: i32, %arg1: i32, %arg2: memref<56x16384xi32, #tpu.memory_space<hbm>>, %arg3: memref<1000000x64xf32, #tpu.memory_space<hbm>>, %arg4: memref<50x8x128x8x128xf32, #tpu.memory_space<hbm>>, %arg5: memref<4x128xi32, #tpu.memory_space<vmem>>, %arg6: memref<4x128x64xf32, #tpu.memory_space<vmem>>, %arg7: memref<4x8x8x128xf32, #tpu.memory_space<vmem>>, %arg8: memref<4x!tpu.dma_semaphore, #tpu.memory_space<semaphore_mem>>, %arg9: memref<4x!tpu.dma_semaphore, #tpu.memory_space<semaphore_mem>>, %arg10: memref<4x!tpu.dma_semaphore, #tpu.memory_space<semaphore_mem>>) attributes {dimension_semantics = [#tpu.dimension_semantics<core_parallel>, #tpu.dimension_semantics<subcore_parallel>], iteration_bounds = array<i64: 2, 16>, scalar_prefetch = 0 : i64, scratch_operands = 6 : i64, tpu.core_type = #tpu.core_type<sc_vector_subcore>, window_params = [{transform_indices = #map}, {transform_indices = #map}, {transform_indices = #map1}]} {
    %mul3A = arith.constant 2 : i32
    %mul3A_0 = arith.muli %arg1, %mul3A : i32
    %add3A = arith.addi %mul3A_0, %arg0 : i32
    %mul3A_1 = arith.constant 200 : i32
    %mul3A_2 = arith.muli %add3A, %mul3A_1 : i32
    %iota3A = tpu.iota {dimensions = array<i32: 0>} : vector<16xi32>
    %add3A_3 = arith.constant 0 : i32
    %add3A_4 = vector.broadcast %add3A_3 : i32 to vector<16xi32>
    %add3A_5 = arith.addi %iota3A, %add3A_4 : vector<16xi32>
    %add3A_6 = arith.constant 16 : i32
    %add3A_7 = vector.broadcast %add3A_6 : i32 to vector<16xi32>
    %add3A_8 = arith.addi %iota3A, %add3A_7 : vector<16xi32>
    %add3A_9 = arith.constant 32 : i32
    %add3A_10 = vector.broadcast %add3A_9 : i32 to vector<16xi32>
    %add3A_11 = arith.addi %iota3A, %add3A_10 : vector<16xi32>
    %add3A_12 = arith.constant 48 : i32
    %add3A_13 = vector.broadcast %add3A_12 : i32 to vector<16xi32>
    %add3A_14 = arith.addi %iota3A, %add3A_13 : vector<16xi32>
    %add3A_15 = arith.constant 64 : i32
    %add3A_16 = vector.broadcast %add3A_15 : i32 to vector<16xi32>
    %add3A_17 = arith.addi %iota3A, %add3A_16 : vector<16xi32>
    %add3A_18 = arith.constant 80 : i32
    %add3A_19 = vector.broadcast %add3A_18 : i32 to vector<16xi32>
    %add3A_20 = arith.addi %iota3A, %add3A_19 : vector<16xi32>
    %add3A_21 = arith.constant 96 : i32
    %add3A_22 = vector.broadcast %add3A_21 : i32 to vector<16xi32>
    %add3A_23 = arith.addi %iota3A, %add3A_22 : vector<16xi32>
    %add3A_24 = arith.constant 112 : i32
    %add3A_25 = vector.broadcast %add3A_24 : i32 to vector<16xi32>
    %add3A_26 = arith.addi %iota3A, %add3A_25 : vector<16xi32>
    %add3A_27 = arith.constant 0 : i32
    %add3A_28 = arith.addi %mul3A_2, %add3A_27 : i32
    %jit3A = arith.constant 128 : i32
    %div3A = arith.divsi %add3A_28, %jit3A : i32
    %sign3A = arith.constant 0 : i32
    %sign3A_29 = arith.cmpi sgt, %add3A_28, %sign3A : i32
    %sign3A_30 = arith.extui %sign3A_29 : i1 to i32
    %sign3A_31 = arith.constant 0 : i32
    %sign3A_32 = arith.cmpi slt, %add3A_28, %sign3A_31 : i32
    %sign3A_33 = arith.extui %sign3A_32 : i1 to i32
    %sign3A_34 = arith.subi %sign3A_30, %sign3A_33 : i32
    %sign3A_35 = arith.constant 0 : i32
    %sign3A_36 = arith.cmpi sgt, %jit3A, %sign3A_35 : i32
    %sign3A_37 = arith.extui %sign3A_36 : i1 to i32
    %sign3A_38 = arith.constant 0 : i32
    %sign3A_39 = arith.cmpi slt, %jit3A, %sign3A_38 : i32
    %sign3A_40 = arith.extui %sign3A_39 : i1 to i32
    %sign3A_41 = arith.subi %sign3A_37, %sign3A_40 : i32
    %ne3A = arith.cmpi ne, %sign3A_34, %sign3A_41 : i32
    %rem3A = arith.remsi %add3A_28, %jit3A : i32
    %ne3A_42 = arith.constant 0 : i32
    %ne3A_43 = arith.cmpi ne, %rem3A, %ne3A_42 : i32
    %and3A = arith.andi %ne3A, %ne3A_43 : i1
    %sub3A = arith.constant 1 : i32
    %sub3A_44 = arith.subi %div3A, %sub3A : i32
    %select_n3A = arith.select %and3A, %sub3A_44, %div3A : i32
    %jit3A_45 = arith.constant 128 : i32
    %eq3A = arith.constant 0 : i32
    %eq3A_46 = arith.cmpi eq, %jit3A_45, %eq3A : i32
    %jit3A_47 = arith.constant 1 : i32
    %select_n3A_48 = arith.select %eq3A_46, %jit3A_47, %jit3A_45 : i32
    %rem3A_49 = arith.remsi %add3A_28, %select_n3A_48 : i32
    %ne3A_50 = arith.constant 0 : i32
    %ne3A_51 = arith.cmpi ne, %rem3A_49, %ne3A_50 : i32
    %lt3A = arith.constant 0 : i32
    %lt3A_52 = arith.cmpi slt, %rem3A_49, %lt3A : i32
    %lt3A_53 = arith.constant 0 : i32
    %lt3A_54 = arith.cmpi slt, %select_n3A_48, %lt3A_53 : i32
    %ne3A_55 = arith.xori %lt3A_52, %lt3A_54 : i1
    %and3A_56 = arith.andi %ne3A_55, %ne3A_51 : i1
    %add3A_57 = arith.addi %rem3A_49, %select_n3A_48 : i32
    %select_n3A_58 = arith.select %and3A_56, %add3A_57, %rem3A_49 : i32
    %mul3A_59 = arith.constant 128 : i32
    %mul3A_60 = arith.muli %select_n3A_58, %mul3A_59 : i32
    %dma_start3A = arith.constant 0 : i32
    %dma_start3A_61 = arith.constant 0 : i32
    %dma_start3A_62 = arith.constant 0 : i32
    %dma_start3A_63 = tpu.memref_slice %arg5[%dma_start3A, %dma_start3A_62] : memref<4x128xi32, #tpu.memory_space<vmem>> -> memref<1x128xi32, #tpu.memory_space<vmem>>
    %dma_start3A_64 = tpu.memref_squeeze %dma_start3A_63 : memref<1x128xi32, #tpu.memory_space<vmem>> -> memref<128xi32, #tpu.memory_space<vmem>>
    %dma_start3A_65 = tpu.memref_slice %arg2[%select_n3A, %mul3A_60] : memref<56x16384xi32, #tpu.memory_space<hbm>> -> memref<1x128xi32, #tpu.memory_space<hbm>>
    %dma_start3A_66 = tpu.memref_squeeze %dma_start3A_65 : memref<1x128xi32, #tpu.memory_space<hbm>> -> memref<128xi32, #tpu.memory_space<hbm>>
    %dma_start3A_67 = tpu.memref_slice %arg8[%dma_start3A_61] : memref<4x!tpu.dma_semaphore, #tpu.memory_space<semaphore_mem>> -> memref<1x!tpu.dma_semaphore, #tpu.memory_space<semaphore_mem>>
    %dma_start3A_68 = tpu.memref_squeeze %dma_start3A_67 : memref<1x!tpu.dma_semaphore, #tpu.memory_space<semaphore_mem>> -> memref<!tpu.dma_semaphore, #tpu.memory_space<semaphore_mem>>
    %dma_start3A_69 = arith.constant 0 : i32
    %dma_start3A_70 = tpu.memref_slice %arg5[%dma_start3A, %dma_start3A_69] : memref<4x128xi32, #tpu.memory_space<vmem>> -> memref<1x128xi32, #tpu.memory_space<vmem>>
    %dma_start3A_71 = tpu.memref_squeeze %dma_start3A_70 : memref<1x128xi32, #tpu.memory_space<vmem>> -> memref<128xi32, #tpu.memory_space<vmem>>
    %dma_start3A_72 = tpu.memref_slice %arg2[%select_n3A, %mul3A_60] : memref<56x16384xi32, #tpu.memory_space<hbm>> -> memref<1x128xi32, #tpu.memory_space<hbm>>
    %dma_start3A_73 = tpu.memref_squeeze %dma_start3A_72 : memref<1x128xi32, #tpu.memory_space<hbm>> -> memref<128xi32, #tpu.memory_space<hbm>>
    tpu.enqueue_dma source(%dma_start3A_73 : memref<128xi32, #tpu.memory_space<hbm>>) target(%dma_start3A_71 : memref<128xi32, #tpu.memory_space<vmem>>) target_semaphore(%dma_start3A_68 : memref<!tpu.dma_semaphore, #tpu.memory_space<semaphore_mem>>)
    %add3A_74 = arith.constant 1 : i32
    %add3A_75 = arith.addi %mul3A_2, %add3A_74 : i32
    %jit3A_76 = arith.constant 128 : i32
    %div3A_77 = arith.divsi %add3A_75, %jit3A_76 : i32
    %sign3A_78 = arith.constant 0 : i32
    %sign3A_79 = arith.cmpi sgt, %add3A_75, %sign3A_78 : i32
    %sign3A_80 = arith.extui %sign3A_79 : i1 to i32
    %sign3A_81 = arith.constant 0 : i32
    %sign3A_82 = arith.cmpi slt, %add3A_75, %sign3A_81 : i32
    %sign3A_83 = arith.extui %sign3A_82 : i1 to i32
    %sign3A_84 = arith.subi %sign3A_80, %sign3A_83 : i32
    %sign3A_85 = arith.constant 0 : i32
    %sign3A_86 = arith.cmpi sgt, %jit3A_76, %sign3A_85 : i32
    %sign3A_87 = arith.extui %sign3A_86 : i1 to i32
    %sign3A_88 = arith.constant 0 : i32
    %sign3A_89 = arith.cmpi slt, %jit3A_76, %sign3A_88 : i32
    %sign3A_90 = arith.extui %sign3A_89 : i1 to i32
    %sign3A_91 = arith.subi %sign3A_87, %sign3A_90 : i32
    %ne3A_92 = arith.cmpi ne, %sign3A_84, %sign3A_91 : i32
    %rem3A_93 = arith.remsi %add3A_75, %jit3A_76 : i32
    %ne3A_94 = arith.constant 0 : i32
    %ne3A_95 = arith.cmpi ne, %rem3A_93, %ne3A_94 : i32
    %and3A_96 = arith.andi %ne3A_92, %ne3A_95 : i1
    %sub3A_97 = arith.constant 1 : i32
    %sub3A_98 = arith.subi %div3A_77, %sub3A_97 : i32
    %select_n3A_99 = arith.select %and3A_96, %sub3A_98, %div3A_77 : i32
    %jit3A_100 = arith.constant 128 : i32
    %eq3A_101 = arith.constant 0 : i32
    %eq3A_102 = arith.cmpi eq, %jit3A_100, %eq3A_101 : i32
    %jit3A_103 = arith.constant 1 : i32
    %select_n3A_104 = arith.select %eq3A_102, %jit3A_103, %jit3A_100 : i32
    %rem3A_105 = arith.remsi %add3A_75, %select_n3A_104 : i32
    %ne3A_106 = arith.constant 0 : i32
    %ne3A_107 = arith.cmpi ne, %rem3A_105, %ne3A_106 : i32
    %lt3A_108 = arith.constant 0 : i32
    %lt3A_109 = arith.cmpi slt, %rem3A_105, %lt3A_108 : i32
    %lt3A_110 = arith.constant 0 : i32
    %lt3A_111 = arith.cmpi slt, %select_n3A_104, %lt3A_110 : i32
    %ne3A_112 = arith.xori %lt3A_109, %lt3A_111 : i1
    %and3A_113 = arith.andi %ne3A_112, %ne3A_107 : i1
    %add3A_114 = arith.addi %rem3A_105, %select_n3A_104 : i32
    %select_n3A_115 = arith.select %and3A_113, %add3A_114, %rem3A_105 : i32
    %mul3A_116 = arith.constant 128 : i32
    %mul3A_117 = arith.muli %select_n3A_115, %mul3A_116 : i32
    %dma_start3A_118 = arith.constant 1 : i32
    %dma_start3A_119 = arith.constant 1 : i32
    %dma_start3A_120 = arith.constant 0 : i32
    %dma_start3A_121 = tpu.memref_slice %arg5[%dma_start3A_118, %dma_start3A_120] : memref<4x128xi32, #tpu.memory_space<vmem>> -> memref<1x128xi32, #tpu.memory_space<vmem>>
    %dma_start3A_122 = tpu.memref_squeeze %dma_start3A_121 : memref<1x128xi32, #tpu.memory_space<vmem>> -> memref<128xi32, #tpu.memory_space<vmem>>
    %dma_start3A_123 = tpu.memref_slice %arg2[%select_n3A_99, %mul3A_117] : memref<56x16384xi32, #tpu.memory_space<hbm>> -> memref<1x128xi32, #tpu.memory_space<hbm>>
    %dma_start3A_124 = tpu.memref_squeeze %dma_start3A_123 : memref<1x128xi32, #tpu.memory_space<hbm>> -> memref<128xi32, #tpu.memory_space<hbm>>
    %dma_start3A_125 = tpu.memref_slice %arg8[%dma_start3A_119] : memref<4x!tpu.dma_semaphore, #tpu.memory_space<semaphore_mem>> -> memref<1x!tpu.dma_semaphore, #tpu.memory_space<semaphore_mem>>
    %dma_start3A_126 = tpu.memref_squeeze %dma_start3A_125 : memref<1x!tpu.dma_semaphore, #tpu.memory_space<semaphore_mem>> -> memref<!tpu.dma_semaphore, #tpu.memory_space<semaphore_mem>>
    %dma_start3A_127 = arith.constant 0 : i32
    %dma_start3A_128 = tpu.memref_slice %arg5[%dma_start3A_118, %dma_start3A_127] : memref<4x128xi32, #tpu.memory_space<vmem>> -> memref<1x128xi32, #tpu.memory_space<vmem>>
    %dma_start3A_129 = tpu.memref_squeeze %dma_start3A_128 : memref<1x128xi32, #tpu.memory_space<vmem>> -> memref<128xi32, #tpu.memory_space<vmem>>
    %dma_start3A_130 = tpu.memref_slice %arg2[%select_n3A_99, %mul3A_117] : memref<56x16384xi32, #tpu.memory_space<hbm>> -> memref<1x128xi32, #tpu.memory_space<hbm>>
    %dma_start3A_131 = tpu.memref_squeeze %dma_start3A_130 : memref<1x128xi32, #tpu.memory_space<hbm>> -> memref<128xi32, #tpu.memory_space<hbm>>
    tpu.enqueue_dma source(%dma_start3A_131 : memref<128xi32, #tpu.memory_space<hbm>>) target(%dma_start3A_129 : memref<128xi32, #tpu.memory_space<vmem>>) target_semaphore(%dma_start3A_126 : memref<!tpu.dma_semaphore, #tpu.memory_space<semaphore_mem>>)
    %add3A_132 = arith.constant 2 : i32
    %add3A_133 = arith.addi %mul3A_2, %add3A_132 : i32
    %jit3A_134 = arith.constant 128 : i32
    %div3A_135 = arith.divsi %add3A_133, %jit3A_134 : i32
    %sign3A_136 = arith.constant 0 : i32
    %sign3A_137 = arith.cmpi sgt, %add3A_133, %sign3A_136 : i32
    %sign3A_138 = arith.extui %sign3A_137 : i1 to i32
    %sign3A_139 = arith.constant 0 : i32
    %sign3A_140 = arith.cmpi slt, %add3A_133, %sign3A_139 : i32
    %sign3A_141 = arith.extui %sign3A_140 : i1 to i32
    %sign3A_142 = arith.subi %sign3A_138, %sign3A_141 : i32
    %sign3A_143 = arith.constant 0 : i32
    %sign3A_144 = arith.cmpi sgt, %jit3A_134, %sign3A_143 : i32
    %sign3A_145 = arith.extui %sign3A_144 : i1 to i32
    %sign3A_146 = arith.constant 0 : i32
    %sign3A_147 = arith.cmpi slt, %jit3A_134, %sign3A_146 : i32
    %sign3A_148 = arith.extui %sign3A_147 : i1 to i32
    %sign3A_149 = arith.subi %sign3A_145, %sign3A_148 : i32
    %ne3A_150 = arith.cmpi ne, %sign3A_142, %sign3A_149 : i32
    %rem3A_151 = arith.remsi %add3A_133, %jit3A_134 : i32
    %ne3A_152 = arith.constant 0 : i32
    %ne3A_153 = arith.cmpi ne, %rem3A_151, %ne3A_152 : i32
    %and3A_154 = arith.andi %ne3A_150, %ne3A_153 : i1
    %sub3A_155 = arith.constant 1 : i32
    %sub3A_156 = arith.subi %div3A_135, %sub3A_155 : i32
    %select_n3A_157 = arith.select %and3A_154, %sub3A_156, %div3A_135 : i32
    %jit3A_158 = arith.constant 128 : i32
    %eq3A_159 = arith.constant 0 : i32
    %eq3A_160 = arith.cmpi eq, %jit3A_158, %eq3A_159 : i32
    %jit3A_161 = arith.constant 1 : i32
    %select_n3A_162 = arith.select %eq3A_160, %jit3A_161, %jit3A_158 : i32
    %rem3A_163 = arith.remsi %add3A_133, %select_n3A_162 : i32
    %ne3A_164 = arith.constant 0 : i32
    %ne3A_165 = arith.cmpi ne, %rem3A_163, %ne3A_164 : i32
    %lt3A_166 = arith.constant 0 : i32
    %lt3A_167 = arith.cmpi slt, %rem3A_163, %lt3A_166 : i32
    %lt3A_168 = arith.constant 0 : i32
    %lt3A_169 = arith.cmpi slt, %select_n3A_162, %lt3A_168 : i32
    %ne3A_170 = arith.xori %lt3A_167, %lt3A_169 : i1
    %and3A_171 = arith.andi %ne3A_170, %ne3A_165 : i1
    %add3A_172 = arith.addi %rem3A_163, %select_n3A_162 : i32
    %select_n3A_173 = arith.select %and3A_171, %add3A_172, %rem3A_163 : i32
    %mul3A_174 = arith.constant 128 : i32
    %mul3A_175 = arith.muli %select_n3A_173, %mul3A_174 : i32
    %dma_start3A_176 = arith.constant 2 : i32
    %dma_start3A_177 = arith.constant 2 : i32
    %dma_start3A_178 = arith.constant 0 : i32
    %dma_start3A_179 = tpu.memref_slice %arg5[%dma_start3A_176, %dma_start3A_178] : memref<4x128xi32, #tpu.memory_space<vmem>> -> memref<1x128xi32, #tpu.memory_space<vmem>>
    %dma_start3A_180 = tpu.memref_squeeze %dma_start3A_179 : memref<1x128xi32, #tpu.memory_space<vmem>> -> memref<128xi32, #tpu.memory_space<vmem>>
    %dma_start3A_181 = tpu.memref_slice %arg2[%select_n3A_157, %mul3A_175] : memref<56x16384xi32, #tpu.memory_space<hbm>> -> memref<1x128xi32, #tpu.memory_space<hbm>>
    %dma_start3A_182 = tpu.memref_squeeze %dma_start3A_181 : memref<1x128xi32, #tpu.memory_space<hbm>> -> memref<128xi32, #tpu.memory_space<hbm>>
    %dma_start3A_183 = tpu.memref_slice %arg8[%dma_start3A_177] : memref<4x!tpu.dma_semaphore, #tpu.memory_space<semaphore_mem>> -> memref<1x!tpu.dma_semaphore, #tpu.memory_space<semaphore_mem>>
    %dma_start3A_184 = tpu.memref_squeeze %dma_start3A_183 : memref<1x!tpu.dma_semaphore, #tpu.memory_space<semaphore_mem>> -> memref<!tpu.dma_semaphore, #tpu.memory_space<semaphore_mem>>
    %dma_start3A_185 = arith.constant 0 : i32
    %dma_start3A_186 = tpu.memref_slice %arg5[%dma_start3A_176, %dma_start3A_185] : memref<4x128xi32, #tpu.memory_space<vmem>> -> memref<1x128xi32, #tpu.memory_space<vmem>>
    %dma_start3A_187 = tpu.memref_squeeze %dma_start3A_186 : memref<1x128xi32, #tpu.memory_space<vmem>> -> memref<128xi32, #tpu.memory_space<vmem>>
    %dma_start3A_188 = tpu.memref_slice %arg2[%select_n3A_157, %mul3A_175] : memref<56x16384xi32, #tpu.memory_space<hbm>> -> memref<1x128xi32, #tpu.memory_space<hbm>>
    %dma_start3A_189 = tpu.memref_squeeze %dma_start3A_188 : memref<1x128xi32, #tpu.memory_space<hbm>> -> memref<128xi32, #tpu.memory_space<hbm>>
    tpu.enqueue_dma source(%dma_start3A_189 : memref<128xi32, #tpu.memory_space<hbm>>) target(%dma_start3A_187 : memref<128xi32, #tpu.memory_space<vmem>>) target_semaphore(%dma_start3A_184 : memref<!tpu.dma_semaphore, #tpu.memory_space<semaphore_mem>>)
    %add3A_190 = arith.constant 0 : i32
    %add3A_191 = arith.addi %mul3A_2, %add3A_190 : i32
    %jit3A_192 = arith.constant 128 : i32
    %div3A_193 = arith.divsi %add3A_191, %jit3A_192 : i32
    %sign3A_194 = arith.constant 0 : i32
    %sign3A_195 = arith.cmpi sgt, %add3A_191, %sign3A_194 : i32
    %sign3A_196 = arith.extui %sign3A_195 : i1 to i32
    %sign3A_197 = arith.constant 0 : i32
    %sign3A_198 = arith.cmpi slt, %add3A_191, %sign3A_197 : i32
    %sign3A_199 = arith.extui %sign3A_198 : i1 to i32
    %sign3A_200 = arith.subi %sign3A_196, %sign3A_199 : i32
    %sign3A_201 = arith.constant 0 : i32
    %sign3A_202 = arith.cmpi sgt, %jit3A_192, %sign3A_201 : i32
    %sign3A_203 = arith.extui %sign3A_202 : i1 to i32
    %sign3A_204 = arith.constant 0 : i32
    %sign3A_205 = arith.cmpi slt, %jit3A_192, %sign3A_204 : i32
    %sign3A_206 = arith.extui %sign3A_205 : i1 to i32
    %sign3A_207 = arith.subi %sign3A_203, %sign3A_206 : i32
    %ne3A_208 = arith.cmpi ne, %sign3A_200, %sign3A_207 : i32
    %rem3A_209 = arith.remsi %add3A_191, %jit3A_192 : i32
    %ne3A_210 = arith.constant 0 : i32
    %ne3A_211 = arith.cmpi ne, %rem3A_209, %ne3A_210 : i32
    %and3A_212 = arith.andi %ne3A_208, %ne3A_211 : i1
    %sub3A_213 = arith.constant 1 : i32
    %sub3A_214 = arith.subi %div3A_193, %sub3A_213 : i32
    %select_n3A_215 = arith.select %and3A_212, %sub3A_214, %div3A_193 : i32
    %jit3A_216 = arith.constant 128 : i32
    %eq3A_217 = arith.constant 0 : i32
    %eq3A_218 = arith.cmpi eq, %jit3A_216, %eq3A_217 : i32
    %jit3A_219 = arith.constant 1 : i32
    %select_n3A_220 = arith.select %eq3A_218, %jit3A_219, %jit3A_216 : i32
    %rem3A_221 = arith.remsi %add3A_191, %select_n3A_220 : i32
    %ne3A_222 = arith.constant 0 : i32
    %ne3A_223 = arith.cmpi ne, %rem3A_221, %ne3A_222 : i32
    %lt3A_224 = arith.constant 0 : i32
    %lt3A_225 = arith.cmpi slt, %rem3A_221, %lt3A_224 : i32
    %lt3A_226 = arith.constant 0 : i32
    %lt3A_227 = arith.cmpi slt, %select_n3A_220, %lt3A_226 : i32
    %ne3A_228 = arith.xori %lt3A_225, %lt3A_227 : i1
    %and3A_229 = arith.andi %ne3A_228, %ne3A_223 : i1
    %add3A_230 = arith.addi %rem3A_221, %select_n3A_220 : i32
    %select_n3A_231 = arith.select %and3A_229, %add3A_230, %rem3A_221 : i32
    %mul3A_232 = arith.constant 128 : i32
    %mul3A_233 = arith.muli %select_n3A_231, %mul3A_232 : i32
    %dma_wait3A = arith.constant 0 : i32
    %dma_wait3A_234 = arith.constant 0 : i32
    %dma_wait3A_235 = arith.constant 0 : i32
    %dma_wait3A_236 = tpu.memref_slice %arg5[%dma_wait3A, %dma_wait3A_235] : memref<4x128xi32, #tpu.memory_space<vmem>> -> memref<1x128xi32, #tpu.memory_space<vmem>>
    %dma_wait3A_237 = tpu.memref_squeeze %dma_wait3A_236 : memref<1x128xi32, #tpu.memory_space<vmem>> -> memref<128xi32, #tpu.memory_space<vmem>>
    %dma_wait3A_238 = tpu.memref_slice %arg2[%select_n3A_215, %mul3A_233] : memref<56x16384xi32, #tpu.memory_space<hbm>> -> memref<1x128xi32, #tpu.memory_space<hbm>>
    %dma_wait3A_239 = tpu.memref_squeeze %dma_wait3A_238 : memref<1x128xi32, #tpu.memory_space<hbm>> -> memref<128xi32, #tpu.memory_space<hbm>>
    %dma_wait3A_240 = tpu.memref_slice %arg8[%dma_wait3A_234] : memref<4x!tpu.dma_semaphore, #tpu.memory_space<semaphore_mem>> -> memref<1x!tpu.dma_semaphore, #tpu.memory_space<semaphore_mem>>
    %dma_wait3A_241 = tpu.memref_squeeze %dma_wait3A_240 : memref<1x!tpu.dma_semaphore, #tpu.memory_space<semaphore_mem>> -> memref<!tpu.dma_semaphore, #tpu.memory_space<semaphore_mem>>
    %dma_wait3A_242 = arith.constant 0 : i32
    %dma_wait3A_243 = tpu.memref_slice %arg5[%dma_wait3A, %dma_wait3A_242] : memref<4x128xi32, #tpu.memory_space<vmem>> -> memref<1x128xi32, #tpu.memory_space<vmem>>
    %dma_wait3A_244 = tpu.memref_squeeze %dma_wait3A_243 : memref<1x128xi32, #tpu.memory_space<vmem>> -> memref<128xi32, #tpu.memory_space<vmem>>
    %dma_wait3A_245 = tpu.memref_slice %arg2[%select_n3A_215, %mul3A_233] : memref<56x16384xi32, #tpu.memory_space<hbm>> -> memref<1x128xi32, #tpu.memory_space<hbm>>
    %dma_wait3A_246 = tpu.memref_squeeze %dma_wait3A_245 : memref<1x128xi32, #tpu.memory_space<hbm>> -> memref<128xi32, #tpu.memory_space<hbm>>
    tpu.wait_dma2 semaphore(%dma_wait3A_241 : memref<!tpu.dma_semaphore, #tpu.memory_space<semaphore_mem>>) src(%dma_wait3A_246 : memref<128xi32, #tpu.memory_space<hbm>>) dst(%dma_wait3A_244 : memref<128xi32, #tpu.memory_space<vmem>>)
    %dma_start3A_247 = arith.constant 0 : i32
    %dma_start3A_248 = arith.constant 0 : i32
    %dma_start3A_249 = arith.constant 0 : i32
    %dma_start3A_250 = arith.constant 0 : i32
    %dma_start3A_251 = arith.constant 0 : i32
    %dma_start3A_252 = tpu.memref_slice %arg6[%dma_start3A_248, %dma_start3A_250, %dma_start3A_251] : memref<4x128x64xf32, #tpu.memory_space<vmem>> -> memref<1x128x64xf32, #tpu.memory_space<vmem>>
    %dma_start3A_253 = tpu.memref_squeeze %dma_start3A_252 : memref<1x128x64xf32, #tpu.memory_space<vmem>> -> memref<128x64xf32, #tpu.memory_space<vmem>>
    %dma_start3A_254 = arith.constant 0 : i32
    %dma_start3A_255 = tpu.memref_slice %arg5[%dma_start3A_247, %dma_start3A_254] : memref<4x128xi32, #tpu.memory_space<vmem>> -> memref<1x128xi32, #tpu.memory_space<vmem>>
    %dma_start3A_256 = tpu.memref_squeeze %dma_start3A_255 : memref<1x128xi32, #tpu.memory_space<vmem>> -> memref<128xi32, #tpu.memory_space<vmem>>
    %dma_start3A_257 = arith.constant 0 : i32
    %dma_start3A_258 = arith.constant 0 : i32
    %dma_start3A_259 = tpu.memref_slice %arg3[%dma_start3A_257, %dma_start3A_258] : memref<1000000x64xf32, #tpu.memory_space<hbm>> -> memref<1000000x64xf32, #tpu.memory_space<hbm>>
    %dma_start3A_260 = tpu.memref_slice %arg9[%dma_start3A_249] : memref<4x!tpu.dma_semaphore, #tpu.memory_space<semaphore_mem>> -> memref<1x!tpu.dma_semaphore, #tpu.memory_space<semaphore_mem>>
    %dma_start3A_261 = tpu.memref_squeeze %dma_start3A_260 : memref<1x!tpu.dma_semaphore, #tpu.memory_space<semaphore_mem>> -> memref<!tpu.dma_semaphore, #tpu.memory_space<semaphore_mem>>
    tpu.enqueue_indirect_dma source(%dma_start3A_259 : memref<1000000x64xf32, #tpu.memory_space<hbm>>) target(%dma_start3A_253 : memref<128x64xf32, #tpu.memory_space<vmem>>) offsets(%dma_start3A_256 : memref<128xi32, #tpu.memory_space<vmem>>) semaphore(%dma_start3A_261 : memref<!tpu.dma_semaphore, #tpu.memory_space<semaphore_mem>>)
    %add3A_262 = arith.constant 1 : i32
    %add3A_263 = arith.addi %mul3A_2, %add3A_262 : i32
    %jit3A_264 = arith.constant 128 : i32
    %div3A_265 = arith.divsi %add3A_263, %jit3A_264 : i32
    %sign3A_266 = arith.constant 0 : i32
    %sign3A_267 = arith.cmpi sgt, %add3A_263, %sign3A_266 : i32
    %sign3A_268 = arith.extui %sign3A_267 : i1 to i32
    %sign3A_269 = arith.constant 0 : i32
    %sign3A_270 = arith.cmpi slt, %add3A_263, %sign3A_269 : i32
    %sign3A_271 = arith.extui %sign3A_270 : i1 to i32
    %sign3A_272 = arith.subi %sign3A_268, %sign3A_271 : i32
    %sign3A_273 = arith.constant 0 : i32
    %sign3A_274 = arith.cmpi sgt, %jit3A_264, %sign3A_273 : i32
    %sign3A_275 = arith.extui %sign3A_274 : i1 to i32
    %sign3A_276 = arith.constant 0 : i32
    %sign3A_277 = arith.cmpi slt, %jit3A_264, %sign3A_276 : i32
    %sign3A_278 = arith.extui %sign3A_277 : i1 to i32
    %sign3A_279 = arith.subi %sign3A_275, %sign3A_278 : i32
    %ne3A_280 = arith.cmpi ne, %sign3A_272, %sign3A_279 : i32
    %rem3A_281 = arith.remsi %add3A_263, %jit3A_264 : i32
    %ne3A_282 = arith.constant 0 : i32
    %ne3A_283 = arith.cmpi ne, %rem3A_281, %ne3A_282 : i32
    %and3A_284 = arith.andi %ne3A_280, %ne3A_283 : i1
    %sub3A_285 = arith.constant 1 : i32
    %sub3A_286 = arith.subi %div3A_265, %sub3A_285 : i32
    %select_n3A_287 = arith.select %and3A_284, %sub3A_286, %div3A_265 : i32
    %jit3A_288 = arith.constant 128 : i32
    %eq3A_289 = arith.constant 0 : i32
    %eq3A_290 = arith.cmpi eq, %jit3A_288, %eq3A_289 : i32
    %jit3A_291 = arith.constant 1 : i32
    %select_n3A_292 = arith.select %eq3A_290, %jit3A_291, %jit3A_288 : i32
    %rem3A_293 = arith.remsi %add3A_263, %select_n3A_292 : i32
    %ne3A_294 = arith.constant 0 : i32
    %ne3A_295 = arith.cmpi ne, %rem3A_293, %ne3A_294 : i32
    %lt3A_296 = arith.constant 0 : i32
    %lt3A_297 = arith.cmpi slt, %rem3A_293, %lt3A_296 : i32
    %lt3A_298 = arith.constant 0 : i32
    %lt3A_299 = arith.cmpi slt, %select_n3A_292, %lt3A_298 : i32
    %ne3A_300 = arith.xori %lt3A_297, %lt3A_299 : i1
    %and3A_301 = arith.andi %ne3A_300, %ne3A_295 : i1
    %add3A_302 = arith.addi %rem3A_293, %select_n3A_292 : i32
    %select_n3A_303 = arith.select %and3A_301, %add3A_302, %rem3A_293 : i32
    %mul3A_304 = arith.constant 128 : i32
    %mul3A_305 = arith.muli %select_n3A_303, %mul3A_304 : i32
    %dma_wait3A_306 = arith.constant 1 : i32
    %dma_wait3A_307 = arith.constant 1 : i32
    %dma_wait3A_308 = arith.constant 0 : i32
    %dma_wait3A_309 = tpu.memref_slice %arg5[%dma_wait3A_306, %dma_wait3A_308] : memref<4x128xi32, #tpu.memory_space<vmem>> -> memref<1x128xi32, #tpu.memory_space<vmem>>
    %dma_wait3A_310 = tpu.memref_squeeze %dma_wait3A_309 : memref<1x128xi32, #tpu.memory_space<vmem>> -> memref<128xi32, #tpu.memory_space<vmem>>
    %dma_wait3A_311 = tpu.memref_slice %arg2[%select_n3A_287, %mul3A_305] : memref<56x16384xi32, #tpu.memory_space<hbm>> -> memref<1x128xi32, #tpu.memory_space<hbm>>
    %dma_wait3A_312 = tpu.memref_squeeze %dma_wait3A_311 : memref<1x128xi32, #tpu.memory_space<hbm>> -> memref<128xi32, #tpu.memory_space<hbm>>
    %dma_wait3A_313 = tpu.memref_slice %arg8[%dma_wait3A_307] : memref<4x!tpu.dma_semaphore, #tpu.memory_space<semaphore_mem>> -> memref<1x!tpu.dma_semaphore, #tpu.memory_space<semaphore_mem>>
    %dma_wait3A_314 = tpu.memref_squeeze %dma_wait3A_313 : memref<1x!tpu.dma_semaphore, #tpu.memory_space<semaphore_mem>> -> memref<!tpu.dma_semaphore, #tpu.memory_space<semaphore_mem>>
    %dma_wait3A_315 = arith.constant 0 : i32
    %dma_wait3A_316 = tpu.memref_slice %arg5[%dma_wait3A_306, %dma_wait3A_315] : memref<4x128xi32, #tpu.memory_space<vmem>> -> memref<1x128xi32, #tpu.memory_space<vmem>>
    %dma_wait3A_317 = tpu.memref_squeeze %dma_wait3A_316 : memref<1x128xi32, #tpu.memory_space<vmem>> -> memref<128xi32, #tpu.memory_space<vmem>>
    %dma_wait3A_318 = tpu.memref_slice %arg2[%select_n3A_287, %mul3A_305] : memref<56x16384xi32, #tpu.memory_space<hbm>> -> memref<1x128xi32, #tpu.memory_space<hbm>>
    %dma_wait3A_319 = tpu.memref_squeeze %dma_wait3A_318 : memref<1x128xi32, #tpu.memory_space<hbm>> -> memref<128xi32, #tpu.memory_space<hbm>>
    tpu.wait_dma2 semaphore(%dma_wait3A_314 : memref<!tpu.dma_semaphore, #tpu.memory_space<semaphore_mem>>) src(%dma_wait3A_319 : memref<128xi32, #tpu.memory_space<hbm>>) dst(%dma_wait3A_317 : memref<128xi32, #tpu.memory_space<vmem>>)
    %dma_start3A_320 = arith.constant 1 : i32
    %dma_start3A_321 = arith.constant 1 : i32
    %dma_start3A_322 = arith.constant 1 : i32
    %dma_start3A_323 = arith.constant 0 : i32
    %dma_start3A_324 = arith.constant 0 : i32
    %dma_start3A_325 = tpu.memref_slice %arg6[%dma_start3A_321, %dma_start3A_323, %dma_start3A_324] : memref<4x128x64xf32, #tpu.memory_space<vmem>> -> memref<1x128x64xf32, #tpu.memory_space<vmem>>
    %dma_start3A_326 = tpu.memref_squeeze %dma_start3A_325 : memref<1x128x64xf32, #tpu.memory_space<vmem>> -> memref<128x64xf32, #tpu.memory_space<vmem>>
    %dma_start3A_327 = arith.constant 0 : i32
    %dma_start3A_328 = tpu.memref_slice %arg5[%dma_start3A_320, %dma_start3A_327] : memref<4x128xi32, #tpu.memory_space<vmem>> -> memref<1x128xi32, #tpu.memory_space<vmem>>
    %dma_start3A_329 = tpu.memref_squeeze %dma_start3A_328 : memref<1x128xi32, #tpu.memory_space<vmem>> -> memref<128xi32, #tpu.memory_space<vmem>>
    %dma_start3A_330 = arith.constant 0 : i32
    %dma_start3A_331 = arith.constant 0 : i32
    %dma_start3A_332 = tpu.memref_slice %arg3[%dma_start3A_330, %dma_start3A_331] : memref<1000000x64xf32, #tpu.memory_space<hbm>> -> memref<1000000x64xf32, #tpu.memory_space<hbm>>
    %dma_start3A_333 = tpu.memref_slice %arg9[%dma_start3A_322] : memref<4x!tpu.dma_semaphore, #tpu.memory_space<semaphore_mem>> -> memref<1x!tpu.dma_semaphore, #tpu.memory_space<semaphore_mem>>
    %dma_start3A_334 = tpu.memref_squeeze %dma_start3A_333 : memref<1x!tpu.dma_semaphore, #tpu.memory_space<semaphore_mem>> -> memref<!tpu.dma_semaphore, #tpu.memory_space<semaphore_mem>>
    tpu.enqueue_indirect_dma source(%dma_start3A_332 : memref<1000000x64xf32, #tpu.memory_space<hbm>>) target(%dma_start3A_326 : memref<128x64xf32, #tpu.memory_space<vmem>>) offsets(%dma_start3A_329 : memref<128xi32, #tpu.memory_space<vmem>>) semaphore(%dma_start3A_334 : memref<!tpu.dma_semaphore, #tpu.memory_space<semaphore_mem>>)
    %scan3A = arith.constant 0 : i32
    %scan3A_335 = arith.constant 0 : i32
    %scan3A_336 = arith.constant 50 : i32
    %scan3A_337 = arith.addi %scan3A_335, %scan3A_336 : i32
    %scan3A_338 = arith.constant 1 : i32
    scf.for %scan3A_708 = %scan3A_335 to %scan3A_337 step %scan3A_338  : i32 {
      %mul3A_709 = arith.constant 4 : i32
      %mul3A_710 = arith.muli %scan3A_708, %mul3A_709 : i32
      %add3A_711 = arith.constant 0 : i32
      %add3A_712 = arith.addi %mul3A_710, %add3A_711 : i32
      %add3A_713 = arith.constant 3 : i32
      %add3A_714 = arith.addi %add3A_712, %add3A_713 : i32
      %lt3A_715 = arith.constant 200 : i32
      %lt3A_716 = arith.cmpi slt, %add3A_714, %lt3A_715 : i32
      %convert_element_type3A = arith.extui %lt3A_716 : i1 to i32
      %cond3A = arith.constant 0 : i32
      %cond3A_717 = arith.cmpi ne, %convert_element_type3A, %cond3A : i32
      scf.if %cond3A_717 {
        %add3A_1233 = arith.constant 3 : i32
        %add3A_1234 = arith.addi %add3A_712, %add3A_1233 : i32
        %add3A_1235 = arith.addi %mul3A_2, %add3A_1234 : i32
        %jit3A_1236 = arith.constant 128 : i32
        %div3A_1237 = arith.divsi %add3A_1235, %jit3A_1236 : i32
        %sign3A_1238 = arith.constant 0 : i32
        %sign3A_1239 = arith.cmpi sgt, %add3A_1235, %sign3A_1238 : i32
        %sign3A_1240 = arith.extui %sign3A_1239 : i1 to i32
        %sign3A_1241 = arith.constant 0 : i32
        %sign3A_1242 = arith.cmpi slt, %add3A_1235, %sign3A_1241 : i32
        %sign3A_1243 = arith.extui %sign3A_1242 : i1 to i32
        %sign3A_1244 = arith.subi %sign3A_1240, %sign3A_1243 : i32
        %sign3A_1245 = arith.constant 0 : i32
        %sign3A_1246 = arith.cmpi sgt, %jit3A_1236, %sign3A_1245 : i32
        %sign3A_1247 = arith.extui %sign3A_1246 : i1 to i32
        %sign3A_1248 = arith.constant 0 : i32
        %sign3A_1249 = arith.cmpi slt, %jit3A_1236, %sign3A_1248 : i32
        %sign3A_1250 = arith.extui %sign3A_1249 : i1 to i32
        %sign3A_1251 = arith.subi %sign3A_1247, %sign3A_1250 : i32
        %ne3A_1252 = arith.cmpi ne, %sign3A_1244, %sign3A_1251 : i32
        %rem3A_1253 = arith.remsi %add3A_1235, %jit3A_1236 : i32
        %ne3A_1254 = arith.constant 0 : i32
        %ne3A_1255 = arith.cmpi ne, %rem3A_1253, %ne3A_1254 : i32
        %and3A_1256 = arith.andi %ne3A_1252, %ne3A_1255 : i1
        %sub3A_1257 = arith.constant 1 : i32
        %sub3A_1258 = arith.subi %div3A_1237, %sub3A_1257 : i32
        %select_n3A_1259 = arith.select %and3A_1256, %sub3A_1258, %div3A_1237 : i32
        %jit3A_1260 = arith.constant 128 : i32
        %eq3A_1261 = arith.constant 0 : i32
        %eq3A_1262 = arith.cmpi eq, %jit3A_1260, %eq3A_1261 : i32
        %jit3A_1263 = arith.constant 1 : i32
        %select_n3A_1264 = arith.select %eq3A_1262, %jit3A_1263, %jit3A_1260 : i32
        %rem3A_1265 = arith.remsi %add3A_1235, %select_n3A_1264 : i32
        %ne3A_1266 = arith.constant 0 : i32
        %ne3A_1267 = arith.cmpi ne, %rem3A_1265, %ne3A_1266 : i32
        %lt3A_1268 = arith.constant 0 : i32
        %lt3A_1269 = arith.cmpi slt, %rem3A_1265, %lt3A_1268 : i32
        %lt3A_1270 = arith.constant 0 : i32
        %lt3A_1271 = arith.cmpi slt, %select_n3A_1264, %lt3A_1270 : i32
        %ne3A_1272 = arith.xori %lt3A_1269, %lt3A_1271 : i1
        %and3A_1273 = arith.andi %ne3A_1272, %ne3A_1267 : i1
        %add3A_1274 = arith.addi %rem3A_1265, %select_n3A_1264 : i32
        %select_n3A_1275 = arith.select %and3A_1273, %add3A_1274, %rem3A_1265 : i32
        %mul3A_1276 = arith.constant 128 : i32
        %mul3A_1277 = arith.muli %select_n3A_1275, %mul3A_1276 : i32
        %dma_start3A_1278 = arith.constant 3 : i32
        %dma_start3A_1279 = arith.constant 3 : i32
        %dma_start3A_1280 = arith.constant 0 : i32
        %dma_start3A_1281 = tpu.memref_slice %arg5[%dma_start3A_1278, %dma_start3A_1280] : memref<4x128xi32, #tpu.memory_space<vmem>> -> memref<1x128xi32, #tpu.memory_space<vmem>>
        %dma_start3A_1282 = tpu.memref_squeeze %dma_start3A_1281 : memref<1x128xi32, #tpu.memory_space<vmem>> -> memref<128xi32, #tpu.memory_space<vmem>>
        %dma_start3A_1283 = tpu.memref_slice %arg2[%select_n3A_1259, %mul3A_1277] : memref<56x16384xi32, #tpu.memory_space<hbm>> -> memref<1x128xi32, #tpu.memory_space<hbm>>
        %dma_start3A_1284 = tpu.memref_squeeze %dma_start3A_1283 : memref<1x128xi32, #tpu.memory_space<hbm>> -> memref<128xi32, #tpu.memory_space<hbm>>
        %dma_start3A_1285 = tpu.memref_slice %arg8[%dma_start3A_1279] : memref<4x!tpu.dma_semaphore, #tpu.memory_space<semaphore_mem>> -> memref<1x!tpu.dma_semaphore, #tpu.memory_space<semaphore_mem>>
        %dma_start3A_1286 = tpu.memref_squeeze %dma_start3A_1285 : memref<1x!tpu.dma_semaphore, #tpu.memory_space<semaphore_mem>> -> memref<!tpu.dma_semaphore, #tpu.memory_space<semaphore_mem>>
        %dma_start3A_1287 = arith.constant 0 : i32
        %dma_start3A_1288 = tpu.memref_slice %arg5[%dma_start3A_1278, %dma_start3A_1287] : memref<4x128xi32, #tpu.memory_space<vmem>> -> memref<1x128xi32, #tpu.memory_space<vmem>>
        %dma_start3A_1289 = tpu.memref_squeeze %dma_start3A_1288 : memref<1x128xi32, #tpu.memory_space<vmem>> -> memref<128xi32, #tpu.memory_space<vmem>>
        %dma_start3A_1290 = tpu.memref_slice %arg2[%select_n3A_1259, %mul3A_1277] : memref<56x16384xi32, #tpu.memory_space<hbm>> -> memref<1x128xi32, #tpu.memory_space<hbm>>
        %dma_start3A_1291 = tpu.memref_squeeze %dma_start3A_1290 : memref<1x128xi32, #tpu.memory_space<hbm>> -> memref<128xi32, #tpu.memory_space<hbm>>
        tpu.enqueue_dma source(%dma_start3A_1291 : memref<128xi32, #tpu.memory_space<hbm>>) target(%dma_start3A_1289 : memref<128xi32, #tpu.memory_space<vmem>>) target_semaphore(%dma_start3A_1286 : memref<!tpu.dma_semaphore, #tpu.memory_space<semaphore_mem>>)
      } else {
      }
      %add3A_718 = arith.constant 2 : i32
      %add3A_719 = arith.addi %add3A_712, %add3A_718 : i32
      %lt3A_720 = arith.constant 200 : i32
      %lt3A_721 = arith.cmpi slt, %add3A_719, %lt3A_720 : i32
      %convert_element_type3A_722 = arith.extui %lt3A_721 : i1 to i32
      %cond3A_723 = arith.constant 0 : i32
      %cond3A_724 = arith.cmpi ne, %convert_element_type3A_722, %cond3A_723 : i32
      scf.if %cond3A_724 {
        %add3A_1233 = arith.constant 2 : i32
        %add3A_1234 = arith.addi %add3A_712, %add3A_1233 : i32
        %add3A_1235 = arith.addi %mul3A_2, %add3A_1234 : i32
        %jit3A_1236 = arith.constant 128 : i32
        %div3A_1237 = arith.divsi %add3A_1235, %jit3A_1236 : i32
        %sign3A_1238 = arith.constant 0 : i32
        %sign3A_1239 = arith.cmpi sgt, %add3A_1235, %sign3A_1238 : i32
        %sign3A_1240 = arith.extui %sign3A_1239 : i1 to i32
        %sign3A_1241 = arith.constant 0 : i32
        %sign3A_1242 = arith.cmpi slt, %add3A_1235, %sign3A_1241 : i32
        %sign3A_1243 = arith.extui %sign3A_1242 : i1 to i32
        %sign3A_1244 = arith.subi %sign3A_1240, %sign3A_1243 : i32
        %sign3A_1245 = arith.constant 0 : i32
        %sign3A_1246 = arith.cmpi sgt, %jit3A_1236, %sign3A_1245 : i32
        %sign3A_1247 = arith.extui %sign3A_1246 : i1 to i32
        %sign3A_1248 = arith.constant 0 : i32
        %sign3A_1249 = arith.cmpi slt, %jit3A_1236, %sign3A_1248 : i32
        %sign3A_1250 = arith.extui %sign3A_1249 : i1 to i32
        %sign3A_1251 = arith.subi %sign3A_1247, %sign3A_1250 : i32
        %ne3A_1252 = arith.cmpi ne, %sign3A_1244, %sign3A_1251 : i32
        %rem3A_1253 = arith.remsi %add3A_1235, %jit3A_1236 : i32
        %ne3A_1254 = arith.constant 0 : i32
        %ne3A_1255 = arith.cmpi ne, %rem3A_1253, %ne3A_1254 : i32
        %and3A_1256 = arith.andi %ne3A_1252, %ne3A_1255 : i1
        %sub3A_1257 = arith.constant 1 : i32
        %sub3A_1258 = arith.subi %div3A_1237, %sub3A_1257 : i32
        %select_n3A_1259 = arith.select %and3A_1256, %sub3A_1258, %div3A_1237 : i32
        %jit3A_1260 = arith.constant 128 : i32
        %eq3A_1261 = arith.constant 0 : i32
        %eq3A_1262 = arith.cmpi eq, %jit3A_1260, %eq3A_1261 : i32
        %jit3A_1263 = arith.constant 1 : i32
        %select_n3A_1264 = arith.select %eq3A_1262, %jit3A_1263, %jit3A_1260 : i32
        %rem3A_1265 = arith.remsi %add3A_1235, %select_n3A_1264 : i32
        %ne3A_1266 = arith.constant 0 : i32
        %ne3A_1267 = arith.cmpi ne, %rem3A_1265, %ne3A_1266 : i32
        %lt3A_1268 = arith.constant 0 : i32
        %lt3A_1269 = arith.cmpi slt, %rem3A_1265, %lt3A_1268 : i32
        %lt3A_1270 = arith.constant 0 : i32
        %lt3A_1271 = arith.cmpi slt, %select_n3A_1264, %lt3A_1270 : i32
        %ne3A_1272 = arith.xori %lt3A_1269, %lt3A_1271 : i1
        %and3A_1273 = arith.andi %ne3A_1272, %ne3A_1267 : i1
        %add3A_1274 = arith.addi %rem3A_1265, %select_n3A_1264 : i32
        %select_n3A_1275 = arith.select %and3A_1273, %add3A_1274, %rem3A_1265 : i32
        %mul3A_1276 = arith.constant 128 : i32
        %mul3A_1277 = arith.muli %select_n3A_1275, %mul3A_1276 : i32
        %dma_wait3A_1278 = arith.constant 2 : i32
        %dma_wait3A_1279 = arith.constant 2 : i32
        %dma_wait3A_1280 = arith.constant 0 : i32
        %dma_wait3A_1281 = tpu.memref_slice %arg5[%dma_wait3A_1278, %dma_wait3A_1280] : memref<4x128xi32, #tpu.memory_space<vmem>> -> memref<1x128xi32, #tpu.memory_space<vmem>>
        %dma_wait3A_1282 = tpu.memref_squeeze %dma_wait3A_1281 : memref<1x128xi32, #tpu.memory_space<vmem>> -> memref<128xi32, #tpu.memory_space<vmem>>
        %dma_wait3A_1283 = tpu.memref_slice %arg2[%select_n3A_1259, %mul3A_1277] : memref<56x16384xi32, #tpu.memory_space<hbm>> -> memref<1x128xi32, #tpu.memory_space<hbm>>
        %dma_wait3A_1284 = tpu.memref_squeeze %dma_wait3A_1283 : memref<1x128xi32, #tpu.memory_space<hbm>> -> memref<128xi32, #tpu.memory_space<hbm>>
        %dma_wait3A_1285 = tpu.memref_slice %arg8[%dma_wait3A_1279] : memref<4x!tpu.dma_semaphore, #tpu.memory_space<semaphore_mem>> -> memref<1x!tpu.dma_semaphore, #tpu.memory_space<semaphore_mem>>
        %dma_wait3A_1286 = tpu.memref_squeeze %dma_wait3A_1285 : memref<1x!tpu.dma_semaphore, #tpu.memory_space<semaphore_mem>> -> memref<!tpu.dma_semaphore, #tpu.memory_space<semaphore_mem>>
        %dma_wait3A_1287 = arith.constant 0 : i32
        %dma_wait3A_1288 = tpu.memref_slice %arg5[%dma_wait3A_1278, %dma_wait3A_1287] : memref<4x128xi32, #tpu.memory_space<vmem>> -> memref<1x128xi32, #tpu.memory_space<vmem>>
        %dma_wait3A_1289 = tpu.memref_squeeze %dma_wait3A_1288 : memref<1x128xi32, #tpu.memory_space<vmem>> -> memref<128xi32, #tpu.memory_space<vmem>>
        %dma_wait3A_1290 = tpu.memref_slice %arg2[%select_n3A_1259, %mul3A_1277] : memref<56x16384xi32, #tpu.memory_space<hbm>> -> memref<1x128xi32, #tpu.memory_space<hbm>>
        %dma_wait3A_1291 = tpu.memref_squeeze %dma_wait3A_1290 : memref<1x128xi32, #tpu.memory_space<hbm>> -> memref<128xi32, #tpu.memory_space<hbm>>
        tpu.wait_dma2 semaphore(%dma_wait3A_1286 : memref<!tpu.dma_semaphore, #tpu.memory_space<semaphore_mem>>) src(%dma_wait3A_1291 : memref<128xi32, #tpu.memory_space<hbm>>) dst(%dma_wait3A_1289 : memref<128xi32, #tpu.memory_space<vmem>>)
        %dma_start3A_1292 = arith.constant 2 : i32
        %dma_start3A_1293 = arith.constant 2 : i32
        %dma_start3A_1294 = arith.constant 2 : i32
        %dma_start3A_1295 = arith.constant 0 : i32
        %dma_start3A_1296 = arith.constant 0 : i32
        %dma_start3A_1297 = tpu.memref_slice %arg6[%dma_start3A_1293, %dma_start3A_1295, %dma_start3A_1296] : memref<4x128x64xf32, #tpu.memory_space<vmem>> -> memref<1x128x64xf32, #tpu.memory_space<vmem>>
        %dma_start3A_1298 = tpu.memref_squeeze %dma_start3A_1297 : memref<1x128x64xf32, #tpu.memory_space<vmem>> -> memref<128x64xf32, #tpu.memory_space<vmem>>
        %dma_start3A_1299 = arith.constant 0 : i32
        %dma_start3A_1300 = tpu.memref_slice %arg5[%dma_start3A_1292, %dma_start3A_1299] : memref<4x128xi32, #tpu.memory_space<vmem>> -> memref<1x128xi32, #tpu.memory_space<vmem>>
        %dma_start3A_1301 = tpu.memref_squeeze %dma_start3A_1300 : memref<1x128xi32, #tpu.memory_space<vmem>> -> memref<128xi32, #tpu.memory_space<vmem>>
        %dma_start3A_1302 = arith.constant 0 : i32
        %dma_start3A_1303 = arith.constant 0 : i32
        %dma_start3A_1304 = tpu.memref_slice %arg3[%dma_start3A_1302, %dma_start3A_1303] : memref<1000000x64xf32, #tpu.memory_space<hbm>> -> memref<1000000x64xf32, #tpu.memory_space<hbm>>
        %dma_start3A_1305 = tpu.memref_slice %arg9[%dma_start3A_1294] : memref<4x!tpu.dma_semaphore, #tpu.memory_space<semaphore_mem>> -> memref<1x!tpu.dma_semaphore, #tpu.memory_space<semaphore_mem>>
        %dma_start3A_1306 = tpu.memref_squeeze %dma_start3A_1305 : memref<1x!tpu.dma_semaphore, #tpu.memory_space<semaphore_mem>> -> memref<!tpu.dma_semaphore, #tpu.memory_space<semaphore_mem>>
        tpu.enqueue_indirect_dma source(%dma_start3A_1304 : memref<1000000x64xf32, #tpu.memory_space<hbm>>) target(%dma_start3A_1298 : memref<128x64xf32, #tpu.memory_space<vmem>>) offsets(%dma_start3A_1301 : memref<128xi32, #tpu.memory_space<vmem>>) semaphore(%dma_start3A_1306 : memref<!tpu.dma_semaphore, #tpu.memory_space<semaphore_mem>>)
      } else {
      }
      %dma_wait3A_725 = arith.constant 0 : i32
      %dma_wait3A_726 = arith.constant 0 : i32
      %dma_wait3A_727 = arith.constant 0 : i32
      %dma_wait3A_728 = arith.constant 0 : i32
      %dma_wait3A_729 = arith.constant 0 : i32
      %dma_wait3A_730 = tpu.memref_slice %arg6[%dma_wait3A_726, %dma_wait3A_728, %dma_wait3A_729] : memref<4x128x64xf32, #tpu.memory_space<vmem>> -> memref<1x128x64xf32, #tpu.memory_space<vmem>>
      %dma_wait3A_731 = tpu.memref_squeeze %dma_wait3A_730 : memref<1x128x64xf32, #tpu.memory_space<vmem>> -> memref<128x64xf32, #tpu.memory_space<vmem>>
      %dma_wait3A_732 = arith.constant 0 : i32
      %dma_wait3A_733 = tpu.memref_slice %arg5[%dma_wait3A_725, %dma_wait3A_732] : memref<4x128xi32, #tpu.memory_space<vmem>> -> memref<1x128xi32, #tpu.memory_space<vmem>>
      %dma_wait3A_734 = tpu.memref_squeeze %dma_wait3A_733 : memref<1x128xi32, #tpu.memory_space<vmem>> -> memref<128xi32, #tpu.memory_space<vmem>>
      %dma_wait3A_735 = arith.constant 0 : i32
      %dma_wait3A_736 = arith.constant 0 : i32
      %dma_wait3A_737 = tpu.memref_slice %arg3[%dma_wait3A_735, %dma_wait3A_736] : memref<1000000x64xf32, #tpu.memory_space<hbm>> -> memref<1000000x64xf32, #tpu.memory_space<hbm>>
      %dma_wait3A_738 = tpu.memref_slice %arg9[%dma_wait3A_727] : memref<4x!tpu.dma_semaphore, #tpu.memory_space<semaphore_mem>> -> memref<1x!tpu.dma_semaphore, #tpu.memory_space<semaphore_mem>>
      %dma_wait3A_739 = tpu.memref_squeeze %dma_wait3A_738 : memref<1x!tpu.dma_semaphore, #tpu.memory_space<semaphore_mem>> -> memref<!tpu.dma_semaphore, #tpu.memory_space<semaphore_mem>>
      tpu.wait_indirect_dma semaphore(%dma_wait3A_739 : memref<!tpu.dma_semaphore, #tpu.memory_space<semaphore_mem>>) src(%dma_wait3A_737 : memref<1000000x64xf32, #tpu.memory_space<hbm>>) dst(%dma_wait3A_731 : memref<128x64xf32, #tpu.memory_space<vmem>>)
      %ge3A = arith.constant 4 : i32
      %ge3A_740 = arith.cmpi sge, %add3A_712, %ge3A : i32
      %convert_element_type3A_741 = arith.extui %ge3A_740 : i1 to i32
      %cond3A_742 = arith.constant 0 : i32
      %cond3A_743 = arith.cmpi ne, %convert_element_type3A_741, %cond3A_742 : i32
      scf.if %cond3A_743 {
        %sub3A_1233 = arith.constant 4 : i32
        %sub3A_1234 = arith.subi %add3A_712, %sub3A_1233 : i32
        %add3A_1235 = arith.addi %mul3A_2, %sub3A_1234 : i32
        %jit3A_1236 = arith.constant 128 : i32
        %div3A_1237 = arith.divsi %add3A_1235, %jit3A_1236 : i32
        %sign3A_1238 = arith.constant 0 : i32
        %sign3A_1239 = arith.cmpi sgt, %add3A_1235, %sign3A_1238 : i32
        %sign3A_1240 = arith.extui %sign3A_1239 : i1 to i32
        %sign3A_1241 = arith.constant 0 : i32
        %sign3A_1242 = arith.cmpi slt, %add3A_1235, %sign3A_1241 : i32
        %sign3A_1243 = arith.extui %sign3A_1242 : i1 to i32
        %sign3A_1244 = arith.subi %sign3A_1240, %sign3A_1243 : i32
        %sign3A_1245 = arith.constant 0 : i32
        %sign3A_1246 = arith.cmpi sgt, %jit3A_1236, %sign3A_1245 : i32
        %sign3A_1247 = arith.extui %sign3A_1246 : i1 to i32
        %sign3A_1248 = arith.constant 0 : i32
        %sign3A_1249 = arith.cmpi slt, %jit3A_1236, %sign3A_1248 : i32
        %sign3A_1250 = arith.extui %sign3A_1249 : i1 to i32
        %sign3A_1251 = arith.subi %sign3A_1247, %sign3A_1250 : i32
        %ne3A_1252 = arith.cmpi ne, %sign3A_1244, %sign3A_1251 : i32
        %rem3A_1253 = arith.remsi %add3A_1235, %jit3A_1236 : i32
        %ne3A_1254 = arith.constant 0 : i32
        %ne3A_1255 = arith.cmpi ne, %rem3A_1253, %ne3A_1254 : i32
        %and3A_1256 = arith.andi %ne3A_1252, %ne3A_1255 : i1
        %sub3A_1257 = arith.constant 1 : i32
        %sub3A_1258 = arith.subi %div3A_1237, %sub3A_1257 : i32
        %select_n3A_1259 = arith.select %and3A_1256, %sub3A_1258, %div3A_1237 : i32
        %jit3A_1260 = arith.constant 128 : i32
        %eq3A_1261 = arith.constant 0 : i32
        %eq3A_1262 = arith.cmpi eq, %jit3A_1260, %eq3A_1261 : i32
        %jit3A_1263 = arith.constant 1 : i32
        %select_n3A_1264 = arith.select %eq3A_1262, %jit3A_1263, %jit3A_1260 : i32
        %rem3A_1265 = arith.remsi %add3A_1235, %select_n3A_1264 : i32
        %ne3A_1266 = arith.constant 0 : i32
        %ne3A_1267 = arith.cmpi ne, %rem3A_1265, %ne3A_1266 : i32
        %lt3A_1268 = arith.constant 0 : i32
        %lt3A_1269 = arith.cmpi slt, %rem3A_1265, %lt3A_1268 : i32
        %lt3A_1270 = arith.constant 0 : i32
        %lt3A_1271 = arith.cmpi slt, %select_n3A_1264, %lt3A_1270 : i32
        %ne3A_1272 = arith.xori %lt3A_1269, %lt3A_1271 : i1
        %and3A_1273 = arith.andi %ne3A_1272, %ne3A_1267 : i1
        %add3A_1274 = arith.addi %rem3A_1265, %select_n3A_1264 : i32
        %select_n3A_1275 = arith.select %and3A_1273, %add3A_1274, %rem3A_1265 : i32
        %mul3A_1276 = arith.constant 128 : i32
        %mul3A_1277 = arith.muli %select_n3A_1275, %mul3A_1276 : i32
        %jit3A_1278 = arith.constant 128 : i32
        %div3A_1279 = arith.divsi %mul3A_1277, %jit3A_1278 : i32
        %sign3A_1280 = arith.constant 0 : i32
        %sign3A_1281 = arith.cmpi sgt, %mul3A_1277, %sign3A_1280 : i32
        %sign3A_1282 = arith.extui %sign3A_1281 : i1 to i32
        %sign3A_1283 = arith.constant 0 : i32
        %sign3A_1284 = arith.cmpi slt, %mul3A_1277, %sign3A_1283 : i32
        %sign3A_1285 = arith.extui %sign3A_1284 : i1 to i32
        %sign3A_1286 = arith.subi %sign3A_1282, %sign3A_1285 : i32
        %sign3A_1287 = arith.constant 0 : i32
        %sign3A_1288 = arith.cmpi sgt, %jit3A_1278, %sign3A_1287 : i32
        %sign3A_1289 = arith.extui %sign3A_1288 : i1 to i32
        %sign3A_1290 = arith.constant 0 : i32
        %sign3A_1291 = arith.cmpi slt, %jit3A_1278, %sign3A_1290 : i32
        %sign3A_1292 = arith.extui %sign3A_1291 : i1 to i32
        %sign3A_1293 = arith.subi %sign3A_1289, %sign3A_1292 : i32
        %ne3A_1294 = arith.cmpi ne, %sign3A_1286, %sign3A_1293 : i32
        %rem3A_1295 = arith.remsi %mul3A_1277, %jit3A_1278 : i32
        %ne3A_1296 = arith.constant 0 : i32
        %ne3A_1297 = arith.cmpi ne, %rem3A_1295, %ne3A_1296 : i32
        %and3A_1298 = arith.andi %ne3A_1294, %ne3A_1297 : i1
        %sub3A_1299 = arith.constant 1 : i32
        %sub3A_1300 = arith.subi %div3A_1279, %sub3A_1299 : i32
        %select_n3A_1301 = arith.select %and3A_1298, %sub3A_1300, %div3A_1279 : i32
        %dma_wait3A_1302 = arith.constant 0 : i32
        %dma_wait3A_1303 = arith.constant 0 : i32
        %dma_wait3A_1304 = arith.constant 0 : i32
        %dma_wait3A_1305 = arith.constant 0 : i32
        %dma_wait3A_1306 = arith.constant 0 : i32
        %dma_wait3A_1307 = tpu.memref_slice %arg7[%dma_wait3A_1302, %dma_wait3A_1304, %dma_wait3A_1305, %dma_wait3A_1306] : memref<4x8x8x128xf32, #tpu.memory_space<vmem>> -> memref<1x8x8x128xf32, #tpu.memory_space<vmem>>
        %dma_wait3A_1308 = tpu.memref_squeeze %dma_wait3A_1307 : memref<1x8x8x128xf32, #tpu.memory_space<vmem>> -> memref<8x8x128xf32, #tpu.memory_space<vmem>>
        %dma_wait3A_1309 = arith.constant 0 : i32
        %dma_wait3A_1310 = arith.constant 0 : i32
        %dma_wait3A_1311 = arith.constant 0 : i32
        %dma_wait3A_1312 = tpu.memref_slice %arg4[%select_n3A_1259, %dma_wait3A_1309, %select_n3A_1301, %dma_wait3A_1310, %dma_wait3A_1311] : memref<50x8x128x8x128xf32, #tpu.memory_space<hbm>> -> memref<1x8x1x8x128xf32, #tpu.memory_space<hbm>>
        %dma_wait3A_1313 = tpu.memref_squeeze %dma_wait3A_1312 : memref<1x8x1x8x128xf32, #tpu.memory_space<hbm>> -> memref<8x8x128xf32, #tpu.memory_space<hbm>>
        %dma_wait3A_1314 = tpu.memref_slice %arg10[%dma_wait3A_1303] : memref<4x!tpu.dma_semaphore, #tpu.memory_space<semaphore_mem>> -> memref<1x!tpu.dma_semaphore, #tpu.memory_space<semaphore_mem>>
        %dma_wait3A_1315 = tpu.memref_squeeze %dma_wait3A_1314 : memref<1x!tpu.dma_semaphore, #tpu.memory_space<semaphore_mem>> -> memref<!tpu.dma_semaphore, #tpu.memory_space<semaphore_mem>>
        %dma_wait3A_1316 = arith.constant 0 : i32
        %dma_wait3A_1317 = arith.constant 0 : i32
        %dma_wait3A_1318 = arith.constant 0 : i32
        %dma_wait3A_1319 = tpu.memref_slice %arg4[%select_n3A_1259, %dma_wait3A_1316, %select_n3A_1301, %dma_wait3A_1317, %dma_wait3A_1318] : memref<50x8x128x8x128xf32, #tpu.memory_space<hbm>> -> memref<1x8x1x8x128xf32, #tpu.memory_space<hbm>>
        %dma_wait3A_1320 = tpu.memref_squeeze %dma_wait3A_1319 : memref<1x8x1x8x128xf32, #tpu.memory_space<hbm>> -> memref<8x8x128xf32, #tpu.memory_space<hbm>>
        %dma_wait3A_1321 = arith.constant 0 : i32
        %dma_wait3A_1322 = arith.constant 0 : i32
        %dma_wait3A_1323 = arith.constant 0 : i32
        %dma_wait3A_1324 = tpu.memref_slice %arg7[%dma_wait3A_1302, %dma_wait3A_1321, %dma_wait3A_1322, %dma_wait3A_1323] : memref<4x8x8x128xf32, #tpu.memory_space<vmem>> -> memref<1x8x8x128xf32, #tpu.memory_space<vmem>>
        %dma_wait3A_1325 = tpu.memref_squeeze %dma_wait3A_1324 : memref<1x8x8x128xf32, #tpu.memory_space<vmem>> -> memref<8x8x128xf32, #tpu.memory_space<vmem>>
        tpu.wait_dma2 semaphore(%dma_wait3A_1315 : memref<!tpu.dma_semaphore, #tpu.memory_space<semaphore_mem>>) src(%dma_wait3A_1325 : memref<8x8x128xf32, #tpu.memory_space<vmem>>) dst(%dma_wait3A_1320 : memref<8x8x128xf32, #tpu.memory_space<hbm>>)
      } else {
      }
      %parallel_loop3A = arith.constant 0 : i32
      %parallel_loop3A_744 = arith.constant 64 : i32
      %parallel_loop3A_745 = arith.constant 1 : i32
      scf.for %parallel_loop3A_1233 = %parallel_loop3A to %parallel_loop3A_744 step %parallel_loop3A_745  : i32 {
        %parallel_loop3A_1234 = vector.broadcast %parallel_loop3A_1233 : i32 to vector<16xi32>
        %parallel_loop3A_1235 = arith.addi %parallel_loop3A_1234, %iota3A : vector<16xi32>
        %parallel_loop3A_1236 = arith.constant 63 : i32
        %parallel_loop3A_1237 = vector.broadcast %parallel_loop3A_1236 : i32 to vector<16xi32>
        %parallel_loop3A_1238 = arith.andi %parallel_loop3A_1235, %parallel_loop3A_1237 : vector<16xi32>
        %parallel_loop3A_1239 = arith.constant 3 : i32
        %parallel_loop3A_1240 = vector.broadcast %parallel_loop3A_1239 : i32 to vector<16xi32>
        %parallel_loop3A_1241 = arith.shrui %parallel_loop3A_1238, %parallel_loop3A_1240 : vector<16xi32>
        %parallel_loop3A_1242 = arith.constant 7 : i32
        %parallel_loop3A_1243 = vector.broadcast %parallel_loop3A_1242 : i32 to vector<16xi32>
        %parallel_loop3A_1244 = arith.andi %parallel_loop3A_1238, %parallel_loop3A_1243 : vector<16xi32>
        %parallel_loop3A_1245 = arith.constant 0 : i32
        %parallel_loop3A_1246 = arith.constant 0 : i32
        %parallel_loop3A_1247 = arith.constant 0 : i32
        %parallel_loop3A_1248 = tpu.memref_slice %arg6[%parallel_loop3A_1245, %parallel_loop3A_1246, %parallel_loop3A_1247] : memref<4x128x64xf32, #tpu.memory_space<vmem>> -> memref<1x128x64xf32, #tpu.memory_space<vmem>>
        %parallel_loop3A_1249 = tpu.memref_squeeze %parallel_loop3A_1248 : memref<1x128x64xf32, #tpu.memory_space<vmem>> -> memref<128x64xf32, #tpu.memory_space<vmem>>
        %parallel_loop3A_1250 = tpu.vector_load_idx %parallel_loop3A_1249[%add3A_5, %parallel_loop3A_1238] : memref<128x64xf32, #tpu.memory_space<vmem>>[vector<16xi32>, vector<16xi32>], vector<16xf32>,
        %parallel_loop3A_1251 = arith.constant 0 : i32
        %parallel_loop3A_1252 = arith.constant 0 : i32
        %parallel_loop3A_1253 = arith.constant 0 : i32
        %parallel_loop3A_1254 = arith.constant 0 : i32
        %parallel_loop3A_1255 = tpu.memref_slice %arg7[%parallel_loop3A_1251, %parallel_loop3A_1252, %parallel_loop3A_1253, %parallel_loop3A_1254] : memref<4x8x8x128xf32, #tpu.memory_space<vmem>> -> memref<1x8x8x128xf32, #tpu.memory_space<vmem>>
        %parallel_loop3A_1256 = tpu.memref_squeeze %parallel_loop3A_1255 : memref<1x8x8x128xf32, #tpu.memory_space<vmem>> -> memref<8x8x128xf32, #tpu.memory_space<vmem>>
        tpu.vector_store_idx %parallel_loop3A_1256[%parallel_loop3A_1241, %parallel_loop3A_1244, %add3A_5], %parallel_loop3A_1250 : memref<8x8x128xf32, #tpu.memory_space<vmem>>[vector<16xi32>, vector<16xi32>, vector<16xi32>], vector<16xf32>,
        %parallel_loop3A_1257 = arith.constant 0 : i32
        %parallel_loop3A_1258 = arith.constant 0 : i32
        %parallel_loop3A_1259 = arith.constant 0 : i32
        %parallel_loop3A_1260 = tpu.memref_slice %arg6[%parallel_loop3A_1257, %parallel_loop3A_1258, %parallel_loop3A_1259] : memref<4x128x64xf32, #tpu.memory_space<vmem>> -> memref<1x128x64xf32, #tpu.memory_space<vmem>>
        %parallel_loop3A_1261 = tpu.memref_squeeze %parallel_loop3A_1260 : memref<1x128x64xf32, #tpu.memory_space<vmem>> -> memref<128x64xf32, #tpu.memory_space<vmem>>
        %parallel_loop3A_1262 = tpu.vector_load_idx %parallel_loop3A_1261[%add3A_8, %parallel_loop3A_1238] : memref<128x64xf32, #tpu.memory_space<vmem>>[vector<16xi32>, vector<16xi32>], vector<16xf32>,
        %parallel_loop3A_1263 = arith.constant 0 : i32
        %parallel_loop3A_1264 = arith.constant 0 : i32
        %parallel_loop3A_1265 = arith.constant 0 : i32
        %parallel_loop3A_1266 = arith.constant 0 : i32
        %parallel_loop3A_1267 = tpu.memref_slice %arg7[%parallel_loop3A_1263, %parallel_loop3A_1264, %parallel_loop3A_1265, %parallel_loop3A_1266] : memref<4x8x8x128xf32, #tpu.memory_space<vmem>> -> memref<1x8x8x128xf32, #tpu.memory_space<vmem>>
        %parallel_loop3A_1268 = tpu.memref_squeeze %parallel_loop3A_1267 : memref<1x8x8x128xf32, #tpu.memory_space<vmem>> -> memref<8x8x128xf32, #tpu.memory_space<vmem>>
        tpu.vector_store_idx %parallel_loop3A_1268[%parallel_loop3A_1241, %parallel_loop3A_1244, %add3A_8], %parallel_loop3A_1262 : memref<8x8x128xf32, #tpu.memory_space<vmem>>[vector<16xi32>, vector<16xi32>, vector<16xi32>], vector<16xf32>,
        %parallel_loop3A_1269 = arith.constant 0 : i32
        %parallel_loop3A_1270 = arith.constant 0 : i32
        %parallel_loop3A_1271 = arith.constant 0 : i32
        %parallel_loop3A_1272 = tpu.memref_slice %arg6[%parallel_loop3A_1269, %parallel_loop3A_1270, %parallel_loop3A_1271] : memref<4x128x64xf32, #tpu.memory_space<vmem>> -> memref<1x128x64xf32, #tpu.memory_space<vmem>>
        %parallel_loop3A_1273 = tpu.memref_squeeze %parallel_loop3A_1272 : memref<1x128x64xf32, #tpu.memory_space<vmem>> -> memref<128x64xf32, #tpu.memory_space<vmem>>
        %parallel_loop3A_1274 = tpu.vector_load_idx %parallel_loop3A_1273[%add3A_11, %parallel_loop3A_1238] : memref<128x64xf32, #tpu.memory_space<vmem>>[vector<16xi32>, vector<16xi32>], vector<16xf32>,
        %parallel_loop3A_1275 = arith.constant 0 : i32
        %parallel_loop3A_1276 = arith.constant 0 : i32
        %parallel_loop3A_1277 = arith.constant 0 : i32
        %parallel_loop3A_1278 = arith.constant 0 : i32
        %parallel_loop3A_1279 = tpu.memref_slice %arg7[%parallel_loop3A_1275, %parallel_loop3A_1276, %parallel_loop3A_1277, %parallel_loop3A_1278] : memref<4x8x8x128xf32, #tpu.memory_space<vmem>> -> memref<1x8x8x128xf32, #tpu.memory_space<vmem>>
        %parallel_loop3A_1280 = tpu.memref_squeeze %parallel_loop3A_1279 : memref<1x8x8x128xf32, #tpu.memory_space<vmem>> -> memref<8x8x128xf32, #tpu.memory_space<vmem>>
        tpu.vector_store_idx %parallel_loop3A_1280[%parallel_loop3A_1241, %parallel_loop3A_1244, %add3A_11], %parallel_loop3A_1274 : memref<8x8x128xf32, #tpu.memory_space<vmem>>[vector<16xi32>, vector<16xi32>, vector<16xi32>], vector<16xf32>,
        %parallel_loop3A_1281 = arith.constant 0 : i32
        %parallel_loop3A_1282 = arith.constant 0 : i32
        %parallel_loop3A_1283 = arith.constant 0 : i32
        %parallel_loop3A_1284 = tpu.memref_slice %arg6[%parallel_loop3A_1281, %parallel_loop3A_1282, %parallel_loop3A_1283] : memref<4x128x64xf32, #tpu.memory_space<vmem>> -> memref<1x128x64xf32, #tpu.memory_space<vmem>>
        %parallel_loop3A_1285 = tpu.memref_squeeze %parallel_loop3A_1284 : memref<1x128x64xf32, #tpu.memory_space<vmem>> -> memref<128x64xf32, #tpu.memory_space<vmem>>
        %parallel_loop3A_1286 = tpu.vector_load_idx %parallel_loop3A_1285[%add3A_14, %parallel_loop3A_1238] : memref<128x64xf32, #tpu.memory_space<vmem>>[vector<16xi32>, vector<16xi32>], vector<16xf32>,
        %parallel_loop3A_1287 = arith.constant 0 : i32
        %parallel_loop3A_1288 = arith.constant 0 : i32
        %parallel_loop3A_1289 = arith.constant 0 : i32
        %parallel_loop3A_1290 = arith.constant 0 : i32
        %parallel_loop3A_1291 = tpu.memref_slice %arg7[%parallel_loop3A_1287, %parallel_loop3A_1288, %parallel_loop3A_1289, %parallel_loop3A_1290] : memref<4x8x8x128xf32, #tpu.memory_space<vmem>> -> memref<1x8x8x128xf32, #tpu.memory_space<vmem>>
        %parallel_loop3A_1292 = tpu.memref_squeeze %parallel_loop3A_1291 : memref<1x8x8x128xf32, #tpu.memory_space<vmem>> -> memref<8x8x128xf32, #tpu.memory_space<vmem>>
        tpu.vector_store_idx %parallel_loop3A_1292[%parallel_loop3A_1241, %parallel_loop3A_1244, %add3A_14], %parallel_loop3A_1286 : memref<8x8x128xf32, #tpu.memory_space<vmem>>[vector<16xi32>, vector<16xi32>, vector<16xi32>], vector<16xf32>,
        %parallel_loop3A_1293 = arith.constant 0 : i32
        %parallel_loop3A_1294 = arith.constant 0 : i32
        %parallel_loop3A_1295 = arith.constant 0 : i32
        %parallel_loop3A_1296 = tpu.memref_slice %arg6[%parallel_loop3A_1293, %parallel_loop3A_1294, %parallel_loop3A_1295] : memref<4x128x64xf32, #tpu.memory_space<vmem>> -> memref<1x128x64xf32, #tpu.memory_space<vmem>>
        %parallel_loop3A_1297 = tpu.memref_squeeze %parallel_loop3A_1296 : memref<1x128x64xf32, #tpu.memory_space<vmem>> -> memref<128x64xf32, #tpu.memory_space<vmem>>
        %parallel_loop3A_1298 = tpu.vector_load_idx %parallel_loop3A_1297[%add3A_17, %parallel_loop3A_1238] : memref<128x64xf32, #tpu.memory_space<vmem>>[vector<16xi32>, vector<16xi32>], vector<16xf32>,
        %parallel_loop3A_1299 = arith.constant 0 : i32
        %parallel_loop3A_1300 = arith.constant 0 : i32
        %parallel_loop3A_1301 = arith.constant 0 : i32
        %parallel_loop3A_1302 = arith.constant 0 : i32
        %parallel_loop3A_1303 = tpu.memref_slice %arg7[%parallel_loop3A_1299, %parallel_loop3A_1300, %parallel_loop3A_1301, %parallel_loop3A_1302] : memref<4x8x8x128xf32, #tpu.memory_space<vmem>> -> memref<1x8x8x128xf32, #tpu.memory_space<vmem>>
        %parallel_loop3A_1304 = tpu.memref_squeeze %parallel_loop3A_1303 : memref<1x8x8x128xf32, #tpu.memory_space<vmem>> -> memref<8x8x128xf32, #tpu.memory_space<vmem>>
        tpu.vector_store_idx %parallel_loop3A_1304[%parallel_loop3A_1241, %parallel_loop3A_1244, %add3A_17], %parallel_loop3A_1298 : memref<8x8x128xf32, #tpu.memory_space<vmem>>[vector<16xi32>, vector<16xi32>, vector<16xi32>], vector<16xf32>,
        %parallel_loop3A_1305 = arith.constant 0 : i32
        %parallel_loop3A_1306 = arith.constant 0 : i32
        %parallel_loop3A_1307 = arith.constant 0 : i32
        %parallel_loop3A_1308 = tpu.memref_slice %arg6[%parallel_loop3A_1305, %parallel_loop3A_1306, %parallel_loop3A_1307] : memref<4x128x64xf32, #tpu.memory_space<vmem>> -> memref<1x128x64xf32, #tpu.memory_space<vmem>>
        %parallel_loop3A_1309 = tpu.memref_squeeze %parallel_loop3A_1308 : memref<1x128x64xf32, #tpu.memory_space<vmem>> -> memref<128x64xf32, #tpu.memory_space<vmem>>
        %parallel_loop3A_1310 = tpu.vector_load_idx %parallel_loop3A_1309[%add3A_20, %parallel_loop3A_1238] : memref<128x64xf32, #tpu.memory_space<vmem>>[vector<16xi32>, vector<16xi32>], vector<16xf32>,
        %parallel_loop3A_1311 = arith.constant 0 : i32
        %parallel_loop3A_1312 = arith.constant 0 : i32
        %parallel_loop3A_1313 = arith.constant 0 : i32
        %parallel_loop3A_1314 = arith.constant 0 : i32
        %parallel_loop3A_1315 = tpu.memref_slice %arg7[%parallel_loop3A_1311, %parallel_loop3A_1312, %parallel_loop3A_1313, %parallel_loop3A_1314] : memref<4x8x8x128xf32, #tpu.memory_space<vmem>> -> memref<1x8x8x128xf32, #tpu.memory_space<vmem>>
        %parallel_loop3A_1316 = tpu.memref_squeeze %parallel_loop3A_1315 : memref<1x8x8x128xf32, #tpu.memory_space<vmem>> -> memref<8x8x128xf32, #tpu.memory_space<vmem>>
        tpu.vector_store_idx %parallel_loop3A_1316[%parallel_loop3A_1241, %parallel_loop3A_1244, %add3A_20], %parallel_loop3A_1310 : memref<8x8x128xf32, #tpu.memory_space<vmem>>[vector<16xi32>, vector<16xi32>, vector<16xi32>], vector<16xf32>,
        %parallel_loop3A_1317 = arith.constant 0 : i32
        %parallel_loop3A_1318 = arith.constant 0 : i32
        %parallel_loop3A_1319 = arith.constant 0 : i32
        %parallel_loop3A_1320 = tpu.memref_slice %arg6[%parallel_loop3A_1317, %parallel_loop3A_1318, %parallel_loop3A_1319] : memref<4x128x64xf32, #tpu.memory_space<vmem>> -> memref<1x128x64xf32, #tpu.memory_space<vmem>>
        %parallel_loop3A_1321 = tpu.memref_squeeze %parallel_loop3A_1320 : memref<1x128x64xf32, #tpu.memory_space<vmem>> -> memref<128x64xf32, #tpu.memory_space<vmem>>
        %parallel_loop3A_1322 = tpu.vector_load_idx %parallel_loop3A_1321[%add3A_23, %parallel_loop3A_1238] : memref<128x64xf32, #tpu.memory_space<vmem>>[vector<16xi32>, vector<16xi32>], vector<16xf32>,
        %parallel_loop3A_1323 = arith.constant 0 : i32
        %parallel_loop3A_1324 = arith.constant 0 : i32
        %parallel_loop3A_1325 = arith.constant 0 : i32
        %parallel_loop3A_1326 = arith.constant 0 : i32
        %parallel_loop3A_1327 = tpu.memref_slice %arg7[%parallel_loop3A_1323, %parallel_loop3A_1324, %parallel_loop3A_1325, %parallel_loop3A_1326] : memref<4x8x8x128xf32, #tpu.memory_space<vmem>> -> memref<1x8x8x128xf32, #tpu.memory_space<vmem>>
        %parallel_loop3A_1328 = tpu.memref_squeeze %parallel_loop3A_1327 : memref<1x8x8x128xf32, #tpu.memory_space<vmem>> -> memref<8x8x128xf32, #tpu.memory_space<vmem>>
        tpu.vector_store_idx %parallel_loop3A_1328[%parallel_loop3A_1241, %parallel_loop3A_1244, %add3A_23], %parallel_loop3A_1322 : memref<8x8x128xf32, #tpu.memory_space<vmem>>[vector<16xi32>, vector<16xi32>, vector<16xi32>], vector<16xf32>,
        %parallel_loop3A_1329 = arith.constant 0 : i32
        %parallel_loop3A_1330 = arith.constant 0 : i32
        %parallel_loop3A_1331 = arith.constant 0 : i32
        %parallel_loop3A_1332 = tpu.memref_slice %arg6[%parallel_loop3A_1329, %parallel_loop3A_1330, %parallel_loop3A_1331] : memref<4x128x64xf32, #tpu.memory_space<vmem>> -> memref<1x128x64xf32, #tpu.memory_space<vmem>>
        %parallel_loop3A_1333 = tpu.memref_squeeze %parallel_loop3A_1332 : memref<1x128x64xf32, #tpu.memory_space<vmem>> -> memref<128x64xf32, #tpu.memory_space<vmem>>
        %parallel_loop3A_1334 = tpu.vector_load_idx %parallel_loop3A_1333[%add3A_26, %parallel_loop3A_1238] : memref<128x64xf32, #tpu.memory_space<vmem>>[vector<16xi32>, vector<16xi32>], vector<16xf32>,
        %parallel_loop3A_1335 = arith.constant 0 : i32
        %parallel_loop3A_1336 = arith.constant 0 : i32
        %parallel_loop3A_1337 = arith.constant 0 : i32
        %parallel_loop3A_1338 = arith.constant 0 : i32
        %parallel_loop3A_1339 = tpu.memref_slice %arg7[%parallel_loop3A_1335, %parallel_loop3A_1336, %parallel_loop3A_1337, %parallel_loop3A_1338] : memref<4x8x8x128xf32, #tpu.memory_space<vmem>> -> memref<1x8x8x128xf32, #tpu.memory_space<vmem>>
        %parallel_loop3A_1340 = tpu.memref_squeeze %parallel_loop3A_1339 : memref<1x8x8x128xf32, #tpu.memory_space<vmem>> -> memref<8x8x128xf32, #tpu.memory_space<vmem>>
        tpu.vector_store_idx %parallel_loop3A_1340[%parallel_loop3A_1241, %parallel_loop3A_1244, %add3A_26], %parallel_loop3A_1334 : memref<8x8x128xf32, #tpu.memory_space<vmem>>[vector<16xi32>, vector<16xi32>, vector<16xi32>], vector<16xf32>,
      } {sc.loop_unroll_factor = 4 : i64, sc.parallel_access}
      %add3A_746 = arith.addi %mul3A_2, %add3A_712 : i32
      %jit3A_747 = arith.constant 128 : i32
      %div3A_748 = arith.divsi %add3A_746, %jit3A_747 : i32
      %sign3A_749 = arith.constant 0 : i32
      %sign3A_750 = arith.cmpi sgt, %add3A_746, %sign3A_749 : i32
      %sign3A_751 = arith.extui %sign3A_750 : i1 to i32
      %sign3A_752 = arith.constant 0 : i32
      %sign3A_753 = arith.cmpi slt, %add3A_746, %sign3A_752 : i32
      %sign3A_754 = arith.extui %sign3A_753 : i1 to i32
      %sign3A_755 = arith.subi %sign3A_751, %sign3A_754 : i32
      %sign3A_756 = arith.constant 0 : i32
      %sign3A_757 = arith.cmpi sgt, %jit3A_747, %sign3A_756 : i32
      %sign3A_758 = arith.extui %sign3A_757 : i1 to i32
      %sign3A_759 = arith.constant 0 : i32
      %sign3A_760 = arith.cmpi slt, %jit3A_747, %sign3A_759 : i32
      %sign3A_761 = arith.extui %sign3A_760 : i1 to i32
      %sign3A_762 = arith.subi %sign3A_758, %sign3A_761 : i32
      %ne3A_763 = arith.cmpi ne, %sign3A_755, %sign3A_762 : i32
      %rem3A_764 = arith.remsi %add3A_746, %jit3A_747 : i32
      %ne3A_765 = arith.constant 0 : i32
      %ne3A_766 = arith.cmpi ne, %rem3A_764, %ne3A_765 : i32
      %and3A_767 = arith.andi %ne3A_763, %ne3A_766 : i1
      %sub3A_768 = arith.constant 1 : i32
      %sub3A_769 = arith.subi %div3A_748, %sub3A_768 : i32
      %select_n3A_770 = arith.select %and3A_767, %sub3A_769, %div3A_748 : i32
      %jit3A_771 = arith.constant 128 : i32
      %eq3A_772 = arith.constant 0 : i32
      %eq3A_773 = arith.cmpi eq, %jit3A_771, %eq3A_772 : i32
      %jit3A_774 = arith.constant 1 : i32
      %select_n3A_775 = arith.select %eq3A_773, %jit3A_774, %jit3A_771 : i32
      %rem3A_776 = arith.remsi %add3A_746, %select_n3A_775 : i32
      %ne3A_777 = arith.constant 0 : i32
      %ne3A_778 = arith.cmpi ne, %rem3A_776, %ne3A_777 : i32
      %lt3A_779 = arith.constant 0 : i32
      %lt3A_780 = arith.cmpi slt, %rem3A_776, %lt3A_779 : i32
      %lt3A_781 = arith.constant 0 : i32
      %lt3A_782 = arith.cmpi slt, %select_n3A_775, %lt3A_781 : i32
      %ne3A_783 = arith.xori %lt3A_780, %lt3A_782 : i1
      %and3A_784 = arith.andi %ne3A_783, %ne3A_778 : i1
      %add3A_785 = arith.addi %rem3A_776, %select_n3A_775 : i32
      %select_n3A_786 = arith.select %and3A_784, %add3A_785, %rem3A_776 : i32
      %mul3A_787 = arith.constant 128 : i32
      %mul3A_788 = arith.muli %select_n3A_786, %mul3A_787 : i32
      %jit3A_789 = arith.constant 128 : i32
      %div3A_790 = arith.divsi %mul3A_788, %jit3A_789 : i32
      %sign3A_791 = arith.constant 0 : i32
      %sign3A_792 = arith.cmpi sgt, %mul3A_788, %sign3A_791 : i32
      %sign3A_793 = arith.extui %sign3A_792 : i1 to i32
      %sign3A_794 = arith.constant 0 : i32
      %sign3A_795 = arith.cmpi slt, %mul3A_788, %sign3A_794 : i32
      %sign3A_796 = arith.extui %sign3A_795 : i1 to i32
      %sign3A_797 = arith.subi %sign3A_793, %sign3A_796 : i32
      %sign3A_798 = arith.constant 0 : i32
      %sign3A_799 = arith.cmpi sgt, %jit3A_789, %sign3A_798 : i32
      %sign3A_800 = arith.extui %sign3A_799 : i1 to i32
      %sign3A_801 = arith.constant 0 : i32
      %sign3A_802 = arith.cmpi slt, %jit3A_789, %sign3A_801 : i32
      %sign3A_803 = arith.extui %sign3A_802 : i1 to i32
      %sign3A_804 = arith.subi %sign3A_800, %sign3A_803 : i32
      %ne3A_805 = arith.cmpi ne, %sign3A_797, %sign3A_804 : i32
      %rem3A_806 = arith.remsi %mul3A_788, %jit3A_789 : i32
      %ne3A_807 = arith.constant 0 : i32
      %ne3A_808 = arith.cmpi ne, %rem3A_806, %ne3A_807 : i32
      %and3A_809 = arith.andi %ne3A_805, %ne3A_808 : i1
      %sub3A_810 = arith.constant 1 : i32
      %sub3A_811 = arith.subi %div3A_790, %sub3A_810 : i32
      %select_n3A_812 = arith.select %and3A_809, %sub3A_811, %div3A_790 : i32
      %dma_start3A_813 = arith.constant 0 : i32
      %dma_start3A_814 = arith.constant 0 : i32
      %dma_start3A_815 = arith.constant 0 : i32
      %dma_start3A_816 = arith.constant 0 : i32
      %dma_start3A_817 = arith.constant 0 : i32
      %dma_start3A_818 = tpu.memref_slice %arg7[%dma_start3A_813, %dma_start3A_815, %dma_start3A_816, %dma_start3A_817] : memref<4x8x8x128xf32, #tpu.memory_space<vmem>> -> memref<1x8x8x128xf32, #tpu.memory_space<vmem>>
      %dma_start3A_819 = tpu.memref_squeeze %dma_start3A_818 : memref<1x8x8x128xf32, #tpu.memory_space<vmem>> -> memref<8x8x128xf32, #tpu.memory_space<vmem>>
      %dma_start3A_820 = arith.constant 0 : i32
      %dma_start3A_821 = arith.constant 0 : i32
      %dma_start3A_822 = arith.constant 0 : i32
      %dma_start3A_823 = tpu.memref_slice %arg4[%select_n3A_770, %dma_start3A_820, %select_n3A_812, %dma_start3A_821, %dma_start3A_822] : memref<50x8x128x8x128xf32, #tpu.memory_space<hbm>> -> memref<1x8x1x8x128xf32, #tpu.memory_space<hbm>>
      %dma_start3A_824 = tpu.memref_squeeze %dma_start3A_823 : memref<1x8x1x8x128xf32, #tpu.memory_space<hbm>> -> memref<8x8x128xf32, #tpu.memory_space<hbm>>
      %dma_start3A_825 = tpu.memref_slice %arg10[%dma_start3A_814] : memref<4x!tpu.dma_semaphore, #tpu.memory_space<semaphore_mem>> -> memref<1x!tpu.dma_semaphore, #tpu.memory_space<semaphore_mem>>
      %dma_start3A_826 = tpu.memref_squeeze %dma_start3A_825 : memref<1x!tpu.dma_semaphore, #tpu.memory_space<semaphore_mem>> -> memref<!tpu.dma_semaphore, #tpu.memory_space<semaphore_mem>>
      %dma_start3A_827 = arith.constant 0 : i32
      %dma_start3A_828 = arith.constant 0 : i32
      %dma_start3A_829 = arith.constant 0 : i32
      %dma_start3A_830 = tpu.memref_slice %arg4[%select_n3A_770, %dma_start3A_827, %select_n3A_812, %dma_start3A_828, %dma_start3A_829] : memref<50x8x128x8x128xf32, #tpu.memory_space<hbm>> -> memref<1x8x1x8x128xf32, #tpu.memory_space<hbm>>
      %dma_start3A_831 = tpu.memref_squeeze %dma_start3A_830 : memref<1x8x1x8x128xf32, #tpu.memory_space<hbm>> -> memref<8x8x128xf32, #tpu.memory_space<hbm>>
      %dma_start3A_832 = arith.constant 0 : i32
      %dma_start3A_833 = arith.constant 0 : i32
      %dma_start3A_834 = arith.constant 0 : i32
      %dma_start3A_835 = tpu.memref_slice %arg7[%dma_start3A_813, %dma_start3A_832, %dma_start3A_833, %dma_start3A_834] : memref<4x8x8x128xf32, #tpu.memory_space<vmem>> -> memref<1x8x8x128xf32, #tpu.memory_space<vmem>>
      %dma_start3A_836 = tpu.memref_squeeze %dma_start3A_835 : memref<1x8x8x128xf32, #tpu.memory_space<vmem>> -> memref<8x8x128xf32, #tpu.memory_space<vmem>>
      tpu.enqueue_dma source(%dma_start3A_836 : memref<8x8x128xf32, #tpu.memory_space<vmem>>) target(%dma_start3A_831 : memref<8x8x128xf32, #tpu.memory_space<hbm>>) target_semaphore(%dma_start3A_826 : memref<!tpu.dma_semaphore, #tpu.memory_space<semaphore_mem>>)
      %mul3A_837 = arith.constant 4 : i32
      %mul3A_838 = arith.muli %scan3A_708, %mul3A_837 : i32
      %add3A_839 = arith.constant 1 : i32
      %add3A_840 = arith.addi %mul3A_838, %add3A_839 : i32
      %add3A_841 = arith.constant 3 : i32
      %add3A_842 = arith.addi %add3A_840, %add3A_841 : i32
      %lt3A_843 = arith.constant 200 : i32
      %lt3A_844 = arith.cmpi slt, %add3A_842, %lt3A_843 : i32
      %convert_element_type3A_845 = arith.extui %lt3A_844 : i1 to i32
      %cond3A_846 = arith.constant 0 : i32
      %cond3A_847 = arith.cmpi ne, %convert_element_type3A_845, %cond3A_846 : i32
      scf.if %cond3A_847 {
        %add3A_1233 = arith.constant 3 : i32
        %add3A_1234 = arith.addi %add3A_840, %add3A_1233 : i32
        %add3A_1235 = arith.addi %mul3A_2, %add3A_1234 : i32
        %jit3A_1236 = arith.constant 128 : i32
        %div3A_1237 = arith.divsi %add3A_1235, %jit3A_1236 : i32
        %sign3A_1238 = arith.constant 0 : i32
        %sign3A_1239 = arith.cmpi sgt, %add3A_1235, %sign3A_1238 : i32
        %sign3A_1240 = arith.extui %sign3A_1239 : i1 to i32
        %sign3A_1241 = arith.constant 0 : i32
        %sign3A_1242 = arith.cmpi slt, %add3A_1235, %sign3A_1241 : i32
        %sign3A_1243 = arith.extui %sign3A_1242 : i1 to i32
        %sign3A_1244 = arith.subi %sign3A_1240, %sign3A_1243 : i32
        %sign3A_1245 = arith.constant 0 : i32
        %sign3A_1246 = arith.cmpi sgt, %jit3A_1236, %sign3A_1245 : i32
        %sign3A_1247 = arith.extui %sign3A_1246 : i1 to i32
        %sign3A_1248 = arith.constant 0 : i32
        %sign3A_1249 = arith.cmpi slt, %jit3A_1236, %sign3A_1248 : i32
        %sign3A_1250 = arith.extui %sign3A_1249 : i1 to i32
        %sign3A_1251 = arith.subi %sign3A_1247, %sign3A_1250 : i32
        %ne3A_1252 = arith.cmpi ne, %sign3A_1244, %sign3A_1251 : i32
        %rem3A_1253 = arith.remsi %add3A_1235, %jit3A_1236 : i32
        %ne3A_1254 = arith.constant 0 : i32
        %ne3A_1255 = arith.cmpi ne, %rem3A_1253, %ne3A_1254 : i32
        %and3A_1256 = arith.andi %ne3A_1252, %ne3A_1255 : i1
        %sub3A_1257 = arith.constant 1 : i32
        %sub3A_1258 = arith.subi %div3A_1237, %sub3A_1257 : i32
        %select_n3A_1259 = arith.select %and3A_1256, %sub3A_1258, %div3A_1237 : i32
        %jit3A_1260 = arith.constant 128 : i32
        %eq3A_1261 = arith.constant 0 : i32
        %eq3A_1262 = arith.cmpi eq, %jit3A_1260, %eq3A_1261 : i32
        %jit3A_1263 = arith.constant 1 : i32
        %select_n3A_1264 = arith.select %eq3A_1262, %jit3A_1263, %jit3A_1260 : i32
        %rem3A_1265 = arith.remsi %add3A_1235, %select_n3A_1264 : i32
        %ne3A_1266 = arith.constant 0 : i32
        %ne3A_1267 = arith.cmpi ne, %rem3A_1265, %ne3A_1266 : i32
        %lt3A_1268 = arith.constant 0 : i32
        %lt3A_1269 = arith.cmpi slt, %rem3A_1265, %lt3A_1268 : i32
        %lt3A_1270 = arith.constant 0 : i32
        %lt3A_1271 = arith.cmpi slt, %select_n3A_1264, %lt3A_1270 : i32
        %ne3A_1272 = arith.xori %lt3A_1269, %lt3A_1271 : i1
        %and3A_1273 = arith.andi %ne3A_1272, %ne3A_1267 : i1
        %add3A_1274 = arith.addi %rem3A_1265, %select_n3A_1264 : i32
        %select_n3A_1275 = arith.select %and3A_1273, %add3A_1274, %rem3A_1265 : i32
        %mul3A_1276 = arith.constant 128 : i32
        %mul3A_1277 = arith.muli %select_n3A_1275, %mul3A_1276 : i32
        %dma_start3A_1278 = arith.constant 0 : i32
        %dma_start3A_1279 = arith.constant 0 : i32
        %dma_start3A_1280 = arith.constant 0 : i32
        %dma_start3A_1281 = tpu.memref_slice %arg5[%dma_start3A_1278, %dma_start3A_1280] : memref<4x128xi32, #tpu.memory_space<vmem>> -> memref<1x128xi32, #tpu.memory_space<vmem>>
        %dma_start3A_1282 = tpu.memref_squeeze %dma_start3A_1281 : memref<1x128xi32, #tpu.memory_space<vmem>> -> memref<128xi32, #tpu.memory_space<vmem>>
        %dma_start3A_1283 = tpu.memref_slice %arg2[%select_n3A_1259, %mul3A_1277] : memref<56x16384xi32, #tpu.memory_space<hbm>> -> memref<1x128xi32, #tpu.memory_space<hbm>>
        %dma_start3A_1284 = tpu.memref_squeeze %dma_start3A_1283 : memref<1x128xi32, #tpu.memory_space<hbm>> -> memref<128xi32, #tpu.memory_space<hbm>>
        %dma_start3A_1285 = tpu.memref_slice %arg8[%dma_start3A_1279] : memref<4x!tpu.dma_semaphore, #tpu.memory_space<semaphore_mem>> -> memref<1x!tpu.dma_semaphore, #tpu.memory_space<semaphore_mem>>
        %dma_start3A_1286 = tpu.memref_squeeze %dma_start3A_1285 : memref<1x!tpu.dma_semaphore, #tpu.memory_space<semaphore_mem>> -> memref<!tpu.dma_semaphore, #tpu.memory_space<semaphore_mem>>
        %dma_start3A_1287 = arith.constant 0 : i32
        %dma_start3A_1288 = tpu.memref_slice %arg5[%dma_start3A_1278, %dma_start3A_1287] : memref<4x128xi32, #tpu.memory_space<vmem>> -> memref<1x128xi32, #tpu.memory_space<vmem>>
        %dma_start3A_1289 = tpu.memref_squeeze %dma_start3A_1288 : memref<1x128xi32, #tpu.memory_space<vmem>> -> memref<128xi32, #tpu.memory_space<vmem>>
        %dma_start3A_1290 = tpu.memref_slice %arg2[%select_n3A_1259, %mul3A_1277] : memref<56x16384xi32, #tpu.memory_space<hbm>> -> memref<1x128xi32, #tpu.memory_space<hbm>>
        %dma_start3A_1291 = tpu.memref_squeeze %dma_start3A_1290 : memref<1x128xi32, #tpu.memory_space<hbm>> -> memref<128xi32, #tpu.memory_space<hbm>>
        tpu.enqueue_dma source(%dma_start3A_1291 : memref<128xi32, #tpu.memory_space<hbm>>) target(%dma_start3A_1289 : memref<128xi32, #tpu.memory_space<vmem>>) target_semaphore(%dma_start3A_1286 : memref<!tpu.dma_semaphore, #tpu.memory_space<semaphore_mem>>)
      } else {
      }
      %add3A_848 = arith.constant 2 : i32
      %add3A_849 = arith.addi %add3A_840, %add3A_848 : i32
      %lt3A_850 = arith.constant 200 : i32
      %lt3A_851 = arith.cmpi slt, %add3A_849, %lt3A_850 : i32
      %convert_element_type3A_852 = arith.extui %lt3A_851 : i1 to i32
      %cond3A_853 = arith.constant 0 : i32
      %cond3A_854 = arith.cmpi ne, %convert_element_type3A_852, %cond3A_853 : i32
      scf.if %cond3A_854 {
        %add3A_1233 = arith.constant 2 : i32
        %add3A_1234 = arith.addi %add3A_840, %add3A_1233 : i32
        %add3A_1235 = arith.addi %mul3A_2, %add3A_1234 : i32
        %jit3A_1236 = arith.constant 128 : i32
        %div3A_1237 = arith.divsi %add3A_1235, %jit3A_1236 : i32
        %sign3A_1238 = arith.constant 0 : i32
        %sign3A_1239 = arith.cmpi sgt, %add3A_1235, %sign3A_1238 : i32
        %sign3A_1240 = arith.extui %sign3A_1239 : i1 to i32
        %sign3A_1241 = arith.constant 0 : i32
        %sign3A_1242 = arith.cmpi slt, %add3A_1235, %sign3A_1241 : i32
        %sign3A_1243 = arith.extui %sign3A_1242 : i1 to i32
        %sign3A_1244 = arith.subi %sign3A_1240, %sign3A_1243 : i32
        %sign3A_1245 = arith.constant 0 : i32
        %sign3A_1246 = arith.cmpi sgt, %jit3A_1236, %sign3A_1245 : i32
        %sign3A_1247 = arith.extui %sign3A_1246 : i1 to i32
        %sign3A_1248 = arith.constant 0 : i32
        %sign3A_1249 = arith.cmpi slt, %jit3A_1236, %sign3A_1248 : i32
        %sign3A_1250 = arith.extui %sign3A_1249 : i1 to i32
        %sign3A_1251 = arith.subi %sign3A_1247, %sign3A_1250 : i32
        %ne3A_1252 = arith.cmpi ne, %sign3A_1244, %sign3A_1251 : i32
        %rem3A_1253 = arith.remsi %add3A_1235, %jit3A_1236 : i32
        %ne3A_1254 = arith.constant 0 : i32
        %ne3A_1255 = arith.cmpi ne, %rem3A_1253, %ne3A_1254 : i32
        %and3A_1256 = arith.andi %ne3A_1252, %ne3A_1255 : i1
        %sub3A_1257 = arith.constant 1 : i32
        %sub3A_1258 = arith.subi %div3A_1237, %sub3A_1257 : i32
        %select_n3A_1259 = arith.select %and3A_1256, %sub3A_1258, %div3A_1237 : i32
        %jit3A_1260 = arith.constant 128 : i32
        %eq3A_1261 = arith.constant 0 : i32
        %eq3A_1262 = arith.cmpi eq, %jit3A_1260, %eq3A_1261 : i32
        %jit3A_1263 = arith.constant 1 : i32
        %select_n3A_1264 = arith.select %eq3A_1262, %jit3A_1263, %jit3A_1260 : i32
        %rem3A_1265 = arith.remsi %add3A_1235, %select_n3A_1264 : i32
        %ne3A_1266 = arith.constant 0 : i32
        %ne3A_1267 = arith.cmpi ne, %rem3A_1265, %ne3A_1266 : i32
        %lt3A_1268 = arith.constant 0 : i32
        %lt3A_1269 = arith.cmpi slt, %rem3A_1265, %lt3A_1268 : i32
        %lt3A_1270 = arith.constant 0 : i32
        %lt3A_1271 = arith.cmpi slt, %select_n3A_1264, %lt3A_1270 : i32
        %ne3A_1272 = arith.xori %lt3A_1269, %lt3A_1271 : i1
        %and3A_1273 = arith.andi %ne3A_1272, %ne3A_1267 : i1
        %add3A_1274 = arith.addi %rem3A_1265, %select_n3A_1264 : i32
        %select_n3A_1275 = arith.select %and3A_1273, %add3A_1274, %rem3A_1265 : i32
        %mul3A_1276 = arith.constant 128 : i32
        %mul3A_1277 = arith.muli %select_n3A_1275, %mul3A_1276 : i32
        %dma_wait3A_1278 = arith.constant 3 : i32
        %dma_wait3A_1279 = arith.constant 3 : i32
        %dma_wait3A_1280 = arith.constant 0 : i32
        %dma_wait3A_1281 = tpu.memref_slice %arg5[%dma_wait3A_1278, %dma_wait3A_1280] : memref<4x128xi32, #tpu.memory_space<vmem>> -> memref<1x128xi32, #tpu.memory_space<vmem>>
        %dma_wait3A_1282 = tpu.memref_squeeze %dma_wait3A_1281 : memref<1x128xi32, #tpu.memory_space<vmem>> -> memref<128xi32, #tpu.memory_space<vmem>>
        %dma_wait3A_1283 = tpu.memref_slice %arg2[%select_n3A_1259, %mul3A_1277] : memref<56x16384xi32, #tpu.memory_space<hbm>> -> memref<1x128xi32, #tpu.memory_space<hbm>>
        %dma_wait3A_1284 = tpu.memref_squeeze %dma_wait3A_1283 : memref<1x128xi32, #tpu.memory_space<hbm>> -> memref<128xi32, #tpu.memory_space<hbm>>
        %dma_wait3A_1285 = tpu.memref_slice %arg8[%dma_wait3A_1279] : memref<4x!tpu.dma_semaphore, #tpu.memory_space<semaphore_mem>> -> memref<1x!tpu.dma_semaphore, #tpu.memory_space<semaphore_mem>>
        %dma_wait3A_1286 = tpu.memref_squeeze %dma_wait3A_1285 : memref<1x!tpu.dma_semaphore, #tpu.memory_space<semaphore_mem>> -> memref<!tpu.dma_semaphore, #tpu.memory_space<semaphore_mem>>
        %dma_wait3A_1287 = arith.constant 0 : i32
        %dma_wait3A_1288 = tpu.memref_slice %arg5[%dma_wait3A_1278, %dma_wait3A_1287] : memref<4x128xi32, #tpu.memory_space<vmem>> -> memref<1x128xi32, #tpu.memory_space<vmem>>
        %dma_wait3A_1289 = tpu.memref_squeeze %dma_wait3A_1288 : memref<1x128xi32, #tpu.memory_space<vmem>> -> memref<128xi32, #tpu.memory_space<vmem>>
        %dma_wait3A_1290 = tpu.memref_slice %arg2[%select_n3A_1259, %mul3A_1277] : memref<56x16384xi32, #tpu.memory_space<hbm>> -> memref<1x128xi32, #tpu.memory_space<hbm>>
        %dma_wait3A_1291 = tpu.memref_squeeze %dma_wait3A_1290 : memref<1x128xi32, #tpu.memory_space<hbm>> -> memref<128xi32, #tpu.memory_space<hbm>>
        tpu.wait_dma2 semaphore(%dma_wait3A_1286 : memref<!tpu.dma_semaphore, #tpu.memory_space<semaphore_mem>>) src(%dma_wait3A_1291 : memref<128xi32, #tpu.memory_space<hbm>>) dst(%dma_wait3A_1289 : memref<128xi32, #tpu.memory_space<vmem>>)
        %dma_start3A_1292 = arith.constant 3 : i32
        %dma_start3A_1293 = arith.constant 3 : i32
        %dma_start3A_1294 = arith.constant 3 : i32
        %dma_start3A_1295 = arith.constant 0 : i32
        %dma_start3A_1296 = arith.constant 0 : i32
        %dma_start3A_1297 = tpu.memref_slice %arg6[%dma_start3A_1293, %dma_start3A_1295, %dma_start3A_1296] : memref<4x128x64xf32, #tpu.memory_space<vmem>> -> memref<1x128x64xf32, #tpu.memory_space<vmem>>
        %dma_start3A_1298 = tpu.memref_squeeze %dma_start3A_1297 : memref<1x128x64xf32, #tpu.memory_space<vmem>> -> memref<128x64xf32, #tpu.memory_space<vmem>>
        %dma_start3A_1299 = arith.constant 0 : i32
        %dma_start3A_1300 = tpu.memref_slice %arg5[%dma_start3A_1292, %dma_start3A_1299] : memref<4x128xi32, #tpu.memory_space<vmem>> -> memref<1x128xi32, #tpu.memory_space<vmem>>
        %dma_start3A_1301 = tpu.memref_squeeze %dma_start3A_1300 : memref<1x128xi32, #tpu.memory_space<vmem>> -> memref<128xi32, #tpu.memory_space<vmem>>
        %dma_start3A_1302 = arith.constant 0 : i32
        %dma_start3A_1303 = arith.constant 0 : i32
        %dma_start3A_1304 = tpu.memref_slice %arg3[%dma_start3A_1302, %dma_start3A_1303] : memref<1000000x64xf32, #tpu.memory_space<hbm>> -> memref<1000000x64xf32, #tpu.memory_space<hbm>>
        %dma_start3A_1305 = tpu.memref_slice %arg9[%dma_start3A_1294] : memref<4x!tpu.dma_semaphore, #tpu.memory_space<semaphore_mem>> -> memref<1x!tpu.dma_semaphore, #tpu.memory_space<semaphore_mem>>
        %dma_start3A_1306 = tpu.memref_squeeze %dma_start3A_1305 : memref<1x!tpu.dma_semaphore, #tpu.memory_space<semaphore_mem>> -> memref<!tpu.dma_semaphore, #tpu.memory_space<semaphore_mem>>
        tpu.enqueue_indirect_dma source(%dma_start3A_1304 : memref<1000000x64xf32, #tpu.memory_space<hbm>>) target(%dma_start3A_1298 : memref<128x64xf32, #tpu.memory_space<vmem>>) offsets(%dma_start3A_1301 : memref<128xi32, #tpu.memory_space<vmem>>) semaphore(%dma_start3A_1306 : memref<!tpu.dma_semaphore, #tpu.memory_space<semaphore_mem>>)
      } else {
      }
      %dma_wait3A_855 = arith.constant 1 : i32
      %dma_wait3A_856 = arith.constant 1 : i32
      %dma_wait3A_857 = arith.constant 1 : i32
      %dma_wait3A_858 = arith.constant 0 : i32
      %dma_wait3A_859 = arith.constant 0 : i32
      %dma_wait3A_860 = tpu.memref_slice %arg6[%dma_wait3A_856, %dma_wait3A_858, %dma_wait3A_859] : memref<4x128x64xf32, #tpu.memory_space<vmem>> -> memref<1x128x64xf32, #tpu.memory_space<vmem>>
      %dma_wait3A_861 = tpu.memref_squeeze %dma_wait3A_860 : memref<1x128x64xf32, #tpu.memory_space<vmem>> -> memref<128x64xf32, #tpu.memory_space<vmem>>
      %dma_wait3A_862 = arith.constant 0 : i32
      %dma_wait3A_863 = tpu.memref_slice %arg5[%dma_wait3A_855, %dma_wait3A_862] : memref<4x128xi32, #tpu.memory_space<vmem>> -> memref<1x128xi32, #tpu.memory_space<vmem>>
      %dma_wait3A_864 = tpu.memref_squeeze %dma_wait3A_863 : memref<1x128xi32, #tpu.memory_space<vmem>> -> memref<128xi32, #tpu.memory_space<vmem>>
      %dma_wait3A_865 = arith.constant 0 : i32
      %dma_wait3A_866 = arith.constant 0 : i32
      %dma_wait3A_867 = tpu.memref_slice %arg3[%dma_wait3A_865, %dma_wait3A_866] : memref<1000000x64xf32, #tpu.memory_space<hbm>> -> memref<1000000x64xf32, #tpu.memory_space<hbm>>
      %dma_wait3A_868 = tpu.memref_slice %arg9[%dma_wait3A_857] : memref<4x!tpu.dma_semaphore, #tpu.memory_space<semaphore_mem>> -> memref<1x!tpu.dma_semaphore, #tpu.memory_space<semaphore_mem>>
      %dma_wait3A_869 = tpu.memref_squeeze %dma_wait3A_868 : memref<1x!tpu.dma_semaphore, #tpu.memory_space<semaphore_mem>> -> memref<!tpu.dma_semaphore, #tpu.memory_space<semaphore_mem>>
      tpu.wait_indirect_dma semaphore(%dma_wait3A_869 : memref<!tpu.dma_semaphore, #tpu.memory_space<semaphore_mem>>) src(%dma_wait3A_867 : memref<1000000x64xf32, #tpu.memory_space<hbm>>) dst(%dma_wait3A_861 : memref<128x64xf32, #tpu.memory_space<vmem>>)
      %ge3A_870 = arith.constant 4 : i32
      %ge3A_871 = arith.cmpi sge, %add3A_840, %ge3A_870 : i32
      %convert_element_type3A_872 = arith.extui %ge3A_871 : i1 to i32
      %cond3A_873 = arith.constant 0 : i32
      %cond3A_874 = arith.cmpi ne, %convert_element_type3A_872, %cond3A_873 : i32
      scf.if %cond3A_874 {
        %sub3A_1233 = arith.constant 4 : i32
        %sub3A_1234 = arith.subi %add3A_840, %sub3A_1233 : i32
        %add3A_1235 = arith.addi %mul3A_2, %sub3A_1234 : i32
        %jit3A_1236 = arith.constant 128 : i32
        %div3A_1237 = arith.divsi %add3A_1235, %jit3A_1236 : i32
        %sign3A_1238 = arith.constant 0 : i32
        %sign3A_1239 = arith.cmpi sgt, %add3A_1235, %sign3A_1238 : i32
        %sign3A_1240 = arith.extui %sign3A_1239 : i1 to i32
        %sign3A_1241 = arith.constant 0 : i32
        %sign3A_1242 = arith.cmpi slt, %add3A_1235, %sign3A_1241 : i32
        %sign3A_1243 = arith.extui %sign3A_1242 : i1 to i32
        %sign3A_1244 = arith.subi %sign3A_1240, %sign3A_1243 : i32
        %sign3A_1245 = arith.constant 0 : i32
        %sign3A_1246 = arith.cmpi sgt, %jit3A_1236, %sign3A_1245 : i32
        %sign3A_1247 = arith.extui %sign3A_1246 : i1 to i32
        %sign3A_1248 = arith.constant 0 : i32
        %sign3A_1249 = arith.cmpi slt, %jit3A_1236, %sign3A_1248 : i32
        %sign3A_1250 = arith.extui %sign3A_1249 : i1 to i32
        %sign3A_1251 = arith.subi %sign3A_1247, %sign3A_1250 : i32
        %ne3A_1252 = arith.cmpi ne, %sign3A_1244, %sign3A_1251 : i32
        %rem3A_1253 = arith.remsi %add3A_1235, %jit3A_1236 : i32
        %ne3A_1254 = arith.constant 0 : i32
        %ne3A_1255 = arith.cmpi ne, %rem3A_1253, %ne3A_1254 : i32
        %and3A_1256 = arith.andi %ne3A_1252, %ne3A_1255 : i1
        %sub3A_1257 = arith.constant 1 : i32
        %sub3A_1258 = arith.subi %div3A_1237, %sub3A_1257 : i32
        %select_n3A_1259 = arith.select %and3A_1256, %sub3A_1258, %div3A_1237 : i32
        %jit3A_1260 = arith.constant 128 : i32
        %eq3A_1261 = arith.constant 0 : i32
        %eq3A_1262 = arith.cmpi eq, %jit3A_1260, %eq3A_1261 : i32
        %jit3A_1263 = arith.constant 1 : i32
        %select_n3A_1264 = arith.select %eq3A_1262, %jit3A_1263, %jit3A_1260 : i32
        %rem3A_1265 = arith.remsi %add3A_1235, %select_n3A_1264 : i32
        %ne3A_1266 = arith.constant 0 : i32
        %ne3A_1267 = arith.cmpi ne, %rem3A_1265, %ne3A_1266 : i32
        %lt3A_1268 = arith.constant 0 : i32
        %lt3A_1269 = arith.cmpi slt, %rem3A_1265, %lt3A_1268 : i32
        %lt3A_1270 = arith.constant 0 : i32
        %lt3A_1271 = arith.cmpi slt, %select_n3A_1264, %lt3A_1270 : i32
        %ne3A_1272 = arith.xori %lt3A_1269, %lt3A_1271 : i1
        %and3A_1273 = arith.andi %ne3A_1272, %ne3A_1267 : i1
        %add3A_1274 = arith.addi %rem3A_1265, %select_n3A_1264 : i32
        %select_n3A_1275 = arith.select %and3A_1273, %add3A_1274, %rem3A_1265 : i32
        %mul3A_1276 = arith.constant 128 : i32
        %mul3A_1277 = arith.muli %select_n3A_1275, %mul3A_1276 : i32
        %jit3A_1278 = arith.constant 128 : i32
        %div3A_1279 = arith.divsi %mul3A_1277, %jit3A_1278 : i32
        %sign3A_1280 = arith.constant 0 : i32
        %sign3A_1281 = arith.cmpi sgt, %mul3A_1277, %sign3A_1280 : i32
        %sign3A_1282 = arith.extui %sign3A_1281 : i1 to i32
        %sign3A_1283 = arith.constant 0 : i32
        %sign3A_1284 = arith.cmpi slt, %mul3A_1277, %sign3A_1283 : i32
        %sign3A_1285 = arith.extui %sign3A_1284 : i1 to i32
        %sign3A_1286 = arith.subi %sign3A_1282, %sign3A_1285 : i32
        %sign3A_1287 = arith.constant 0 : i32
        %sign3A_1288 = arith.cmpi sgt, %jit3A_1278, %sign3A_1287 : i32
        %sign3A_1289 = arith.extui %sign3A_1288 : i1 to i32
        %sign3A_1290 = arith.constant 0 : i32
        %sign3A_1291 = arith.cmpi slt, %jit3A_1278, %sign3A_1290 : i32
        %sign3A_1292 = arith.extui %sign3A_1291 : i1 to i32
        %sign3A_1293 = arith.subi %sign3A_1289, %sign3A_1292 : i32
        %ne3A_1294 = arith.cmpi ne, %sign3A_1286, %sign3A_1293 : i32
        %rem3A_1295 = arith.remsi %mul3A_1277, %jit3A_1278 : i32
        %ne3A_1296 = arith.constant 0 : i32
        %ne3A_1297 = arith.cmpi ne, %rem3A_1295, %ne3A_1296 : i32
        %and3A_1298 = arith.andi %ne3A_1294, %ne3A_1297 : i1
        %sub3A_1299 = arith.constant 1 : i32
        %sub3A_1300 = arith.subi %div3A_1279, %sub3A_1299 : i32
        %select_n3A_1301 = arith.select %and3A_1298, %sub3A_1300, %div3A_1279 : i32
        %dma_wait3A_1302 = arith.constant 1 : i32
        %dma_wait3A_1303 = arith.constant 1 : i32
        %dma_wait3A_1304 = arith.constant 0 : i32
        %dma_wait3A_1305 = arith.constant 0 : i32
        %dma_wait3A_1306 = arith.constant 0 : i32
        %dma_wait3A_1307 = tpu.memref_slice %arg7[%dma_wait3A_1302, %dma_wait3A_1304, %dma_wait3A_1305, %dma_wait3A_1306] : memref<4x8x8x128xf32, #tpu.memory_space<vmem>> -> memref<1x8x8x128xf32, #tpu.memory_space<vmem>>
        %dma_wait3A_1308 = tpu.memref_squeeze %dma_wait3A_1307 : memref<1x8x8x128xf32, #tpu.memory_space<vmem>> -> memref<8x8x128xf32, #tpu.memory_space<vmem>>
        %dma_wait3A_1309 = arith.constant 0 : i32
        %dma_wait3A_1310 = arith.constant 0 : i32
        %dma_wait3A_1311 = arith.constant 0 : i32
        %dma_wait3A_1312 = tpu.memref_slice %arg4[%select_n3A_1259, %dma_wait3A_1309, %select_n3A_1301, %dma_wait3A_1310, %dma_wait3A_1311] : memref<50x8x128x8x128xf32, #tpu.memory_space<hbm>> -> memref<1x8x1x8x128xf32, #tpu.memory_space<hbm>>
        %dma_wait3A_1313 = tpu.memref_squeeze %dma_wait3A_1312 : memref<1x8x1x8x128xf32, #tpu.memory_space<hbm>> -> memref<8x8x128xf32, #tpu.memory_space<hbm>>
        %dma_wait3A_1314 = tpu.memref_slice %arg10[%dma_wait3A_1303] : memref<4x!tpu.dma_semaphore, #tpu.memory_space<semaphore_mem>> -> memref<1x!tpu.dma_semaphore, #tpu.memory_space<semaphore_mem>>
        %dma_wait3A_1315 = tpu.memref_squeeze %dma_wait3A_1314 : memref<1x!tpu.dma_semaphore, #tpu.memory_space<semaphore_mem>> -> memref<!tpu.dma_semaphore, #tpu.memory_space<semaphore_mem>>
        %dma_wait3A_1316 = arith.constant 0 : i32
        %dma_wait3A_1317 = arith.constant 0 : i32
        %dma_wait3A_1318 = arith.constant 0 : i32
        %dma_wait3A_1319 = tpu.memref_slice %arg4[%select_n3A_1259, %dma_wait3A_1316, %select_n3A_1301, %dma_wait3A_1317, %dma_wait3A_1318] : memref<50x8x128x8x128xf32, #tpu.memory_space<hbm>> -> memref<1x8x1x8x128xf32, #tpu.memory_space<hbm>>
        %dma_wait3A_1320 = tpu.memref_squeeze %dma_wait3A_1319 : memref<1x8x1x8x128xf32, #tpu.memory_space<hbm>> -> memref<8x8x128xf32, #tpu.memory_space<hbm>>
        %dma_wait3A_1321 = arith.constant 0 : i32
        %dma_wait3A_1322 = arith.constant 0 : i32
        %dma_wait3A_1323 = arith.constant 0 : i32
        %dma_wait3A_1324 = tpu.memref_slice %arg7[%dma_wait3A_1302, %dma_wait3A_1321, %dma_wait3A_1322, %dma_wait3A_1323] : memref<4x8x8x128xf32, #tpu.memory_space<vmem>> -> memref<1x8x8x128xf32, #tpu.memory_space<vmem>>
        %dma_wait3A_1325 = tpu.memref_squeeze %dma_wait3A_1324 : memref<1x8x8x128xf32, #tpu.memory_space<vmem>> -> memref<8x8x128xf32, #tpu.memory_space<vmem>>
        tpu.wait_dma2 semaphore(%dma_wait3A_1315 : memref<!tpu.dma_semaphore, #tpu.memory_space<semaphore_mem>>) src(%dma_wait3A_1325 : memref<8x8x128xf32, #tpu.memory_space<vmem>>) dst(%dma_wait3A_1320 : memref<8x8x128xf32, #tpu.memory_space<hbm>>)
      } else {
      }
      %parallel_loop3A_875 = arith.constant 0 : i32
      %parallel_loop3A_876 = arith.constant 64 : i32
      %parallel_loop3A_877 = arith.constant 1 : i32
      scf.for %parallel_loop3A_1233 = %parallel_loop3A_875 to %parallel_loop3A_876 step %parallel_loop3A_877  : i32 {
        %parallel_loop3A_1234 = vector.broadcast %parallel_loop3A_1233 : i32 to vector<16xi32>
        %parallel_loop3A_1235 = arith.addi %parallel_loop3A_1234, %iota3A : vector<16xi32>
        %parallel_loop3A_1236 = arith.constant 63 : i32
        %parallel_loop3A_1237 = vector.broadcast %parallel_loop3A_1236 : i32 to vector<16xi32>
        %parallel_loop3A_1238 = arith.andi %parallel_loop3A_1235, %parallel_loop3A_1237 : vector<16xi32>
        %parallel_loop3A_1239 = arith.constant 3 : i32
        %parallel_loop3A_1240 = vector.broadcast %parallel_loop3A_1239 : i32 to vector<16xi32>
        %parallel_loop3A_1241 = arith.shrui %parallel_loop3A_1238, %parallel_loop3A_1240 : vector<16xi32>
        %parallel_loop3A_1242 = arith.constant 7 : i32
        %parallel_loop3A_1243 = vector.broadcast %parallel_loop3A_1242 : i32 to vector<16xi32>
        %parallel_loop3A_1244 = arith.andi %parallel_loop3A_1238, %parallel_loop3A_1243 : vector<16xi32>
        %parallel_loop3A_1245 = arith.constant 1 : i32
        %parallel_loop3A_1246 = arith.constant 0 : i32
        %parallel_loop3A_1247 = arith.constant 0 : i32
        %parallel_loop3A_1248 = tpu.memref_slice %arg6[%parallel_loop3A_1245, %parallel_loop3A_1246, %parallel_loop3A_1247] : memref<4x128x64xf32, #tpu.memory_space<vmem>> -> memref<1x128x64xf32, #tpu.memory_space<vmem>>
        %parallel_loop3A_1249 = tpu.memref_squeeze %parallel_loop3A_1248 : memref<1x128x64xf32, #tpu.memory_space<vmem>> -> memref<128x64xf32, #tpu.memory_space<vmem>>
        %parallel_loop3A_1250 = tpu.vector_load_idx %parallel_loop3A_1249[%add3A_5, %parallel_loop3A_1238] : memref<128x64xf32, #tpu.memory_space<vmem>>[vector<16xi32>, vector<16xi32>], vector<16xf32>,
        %parallel_loop3A_1251 = arith.constant 1 : i32
        %parallel_loop3A_1252 = arith.constant 0 : i32
        %parallel_loop3A_1253 = arith.constant 0 : i32
        %parallel_loop3A_1254 = arith.constant 0 : i32
        %parallel_loop3A_1255 = tpu.memref_slice %arg7[%parallel_loop3A_1251, %parallel_loop3A_1252, %parallel_loop3A_1253, %parallel_loop3A_1254] : memref<4x8x8x128xf32, #tpu.memory_space<vmem>> -> memref<1x8x8x128xf32, #tpu.memory_space<vmem>>
        %parallel_loop3A_1256 = tpu.memref_squeeze %parallel_loop3A_1255 : memref<1x8x8x128xf32, #tpu.memory_space<vmem>> -> memref<8x8x128xf32, #tpu.memory_space<vmem>>
        tpu.vector_store_idx %parallel_loop3A_1256[%parallel_loop3A_1241, %parallel_loop3A_1244, %add3A_5], %parallel_loop3A_1250 : memref<8x8x128xf32, #tpu.memory_space<vmem>>[vector<16xi32>, vector<16xi32>, vector<16xi32>], vector<16xf32>,
        %parallel_loop3A_1257 = arith.constant 1 : i32
        %parallel_loop3A_1258 = arith.constant 0 : i32
        %parallel_loop3A_1259 = arith.constant 0 : i32
        %parallel_loop3A_1260 = tpu.memref_slice %arg6[%parallel_loop3A_1257, %parallel_loop3A_1258, %parallel_loop3A_1259] : memref<4x128x64xf32, #tpu.memory_space<vmem>> -> memref<1x128x64xf32, #tpu.memory_space<vmem>>
        %parallel_loop3A_1261 = tpu.memref_squeeze %parallel_loop3A_1260 : memref<1x128x64xf32, #tpu.memory_space<vmem>> -> memref<128x64xf32, #tpu.memory_space<vmem>>
        %parallel_loop3A_1262 = tpu.vector_load_idx %parallel_loop3A_1261[%add3A_8, %parallel_loop3A_1238] : memref<128x64xf32, #tpu.memory_space<vmem>>[vector<16xi32>, vector<16xi32>], vector<16xf32>,
        %parallel_loop3A_1263 = arith.constant 1 : i32
        %parallel_loop3A_1264 = arith.constant 0 : i32
        %parallel_loop3A_1265 = arith.constant 0 : i32
        %parallel_loop3A_1266 = arith.constant 0 : i32
        %parallel_loop3A_1267 = tpu.memref_slice %arg7[%parallel_loop3A_1263, %parallel_loop3A_1264, %parallel_loop3A_1265, %parallel_loop3A_1266] : memref<4x8x8x128xf32, #tpu.memory_space<vmem>> -> memref<1x8x8x128xf32, #tpu.memory_space<vmem>>
        %parallel_loop3A_1268 = tpu.memref_squeeze %parallel_loop3A_1267 : memref<1x8x8x128xf32, #tpu.memory_space<vmem>> -> memref<8x8x128xf32, #tpu.memory_space<vmem>>
        tpu.vector_store_idx %parallel_loop3A_1268[%parallel_loop3A_1241, %parallel_loop3A_1244, %add3A_8], %parallel_loop3A_1262 : memref<8x8x128xf32, #tpu.memory_space<vmem>>[vector<16xi32>, vector<16xi32>, vector<16xi32>], vector<16xf32>,
        %parallel_loop3A_1269 = arith.constant 1 : i32
        %parallel_loop3A_1270 = arith.constant 0 : i32
        %parallel_loop3A_1271 = arith.constant 0 : i32
        %parallel_loop3A_1272 = tpu.memref_slice %arg6[%parallel_loop3A_1269, %parallel_loop3A_1270, %parallel_loop3A_1271] : memref<4x128x64xf32, #tpu.memory_space<vmem>> -> memref<1x128x64xf32, #tpu.memory_space<vmem>>
        %parallel_loop3A_1273 = tpu.memref_squeeze %parallel_loop3A_1272 : memref<1x128x64xf32, #tpu.memory_space<vmem>> -> memref<128x64xf32, #tpu.memory_space<vmem>>
        %parallel_loop3A_1274 = tpu.vector_load_idx %parallel_loop3A_1273[%add3A_11, %parallel_loop3A_1238] : memref<128x64xf32, #tpu.memory_space<vmem>>[vector<16xi32>, vector<16xi32>], vector<16xf32>,
        %parallel_loop3A_1275 = arith.constant 1 : i32
        %parallel_loop3A_1276 = arith.constant 0 : i32
        %parallel_loop3A_1277 = arith.constant 0 : i32
        %parallel_loop3A_1278 = arith.constant 0 : i32
        %parallel_loop3A_1279 = tpu.memref_slice %arg7[%parallel_loop3A_1275, %parallel_loop3A_1276, %parallel_loop3A_1277, %parallel_loop3A_1278] : memref<4x8x8x128xf32, #tpu.memory_space<vmem>> -> memref<1x8x8x128xf32, #tpu.memory_space<vmem>>
        %parallel_loop3A_1280 = tpu.memref_squeeze %parallel_loop3A_1279 : memref<1x8x8x128xf32, #tpu.memory_space<vmem>> -> memref<8x8x128xf32, #tpu.memory_space<vmem>>
        tpu.vector_store_idx %parallel_loop3A_1280[%parallel_loop3A_1241, %parallel_loop3A_1244, %add3A_11], %parallel_loop3A_1274 : memref<8x8x128xf32, #tpu.memory_space<vmem>>[vector<16xi32>, vector<16xi32>, vector<16xi32>], vector<16xf32>,
        %parallel_loop3A_1281 = arith.constant 1 : i32
        %parallel_loop3A_1282 = arith.constant 0 : i32
        %parallel_loop3A_1283 = arith.constant 0 : i32
        %parallel_loop3A_1284 = tpu.memref_slice %arg6[%parallel_loop3A_1281, %parallel_loop3A_1282, %parallel_loop3A_1283] : memref<4x128x64xf32, #tpu.memory_space<vmem>> -> memref<1x128x64xf32, #tpu.memory_space<vmem>>
        %parallel_loop3A_1285 = tpu.memref_squeeze %parallel_loop3A_1284 : memref<1x128x64xf32, #tpu.memory_space<vmem>> -> memref<128x64xf32, #tpu.memory_space<vmem>>
        %parallel_loop3A_1286 = tpu.vector_load_idx %parallel_loop3A_1285[%add3A_14, %parallel_loop3A_1238] : memref<128x64xf32, #tpu.memory_space<vmem>>[vector<16xi32>, vector<16xi32>], vector<16xf32>,
        %parallel_loop3A_1287 = arith.constant 1 : i32
        %parallel_loop3A_1288 = arith.constant 0 : i32
        %parallel_loop3A_1289 = arith.constant 0 : i32
        %parallel_loop3A_1290 = arith.constant 0 : i32
        %parallel_loop3A_1291 = tpu.memref_slice %arg7[%parallel_loop3A_1287, %parallel_loop3A_1288, %parallel_loop3A_1289, %parallel_loop3A_1290] : memref<4x8x8x128xf32, #tpu.memory_space<vmem>> -> memref<1x8x8x128xf32, #tpu.memory_space<vmem>>
        %parallel_loop3A_1292 = tpu.memref_squeeze %parallel_loop3A_1291 : memref<1x8x8x128xf32, #tpu.memory_space<vmem>> -> memref<8x8x128xf32, #tpu.memory_space<vmem>>
        tpu.vector_store_idx %parallel_loop3A_1292[%parallel_loop3A_1241, %parallel_loop3A_1244, %add3A_14], %parallel_loop3A_1286 : memref<8x8x128xf32, #tpu.memory_space<vmem>>[vector<16xi32>, vector<16xi32>, vector<16xi32>], vector<16xf32>,
        %parallel_loop3A_1293 = arith.constant 1 : i32
        %parallel_loop3A_1294 = arith.constant 0 : i32
        %parallel_loop3A_1295 = arith.constant 0 : i32
        %parallel_loop3A_1296 = tpu.memref_slice %arg6[%parallel_loop3A_1293, %parallel_loop3A_1294, %parallel_loop3A_1295] : memref<4x128x64xf32, #tpu.memory_space<vmem>> -> memref<1x128x64xf32, #tpu.memory_space<vmem>>
        %parallel_loop3A_1297 = tpu.memref_squeeze %parallel_loop3A_1296 : memref<1x128x64xf32, #tpu.memory_space<vmem>> -> memref<128x64xf32, #tpu.memory_space<vmem>>
        %parallel_loop3A_1298 = tpu.vector_load_idx %parallel_loop3A_1297[%add3A_17, %parallel_loop3A_1238] : memref<128x64xf32, #tpu.memory_space<vmem>>[vector<16xi32>, vector<16xi32>], vector<16xf32>,
        %parallel_loop3A_1299 = arith.constant 1 : i32
        %parallel_loop3A_1300 = arith.constant 0 : i32
        %parallel_loop3A_1301 = arith.constant 0 : i32
        %parallel_loop3A_1302 = arith.constant 0 : i32
        %parallel_loop3A_1303 = tpu.memref_slice %arg7[%parallel_loop3A_1299, %parallel_loop3A_1300, %parallel_loop3A_1301, %parallel_loop3A_1302] : memref<4x8x8x128xf32, #tpu.memory_space<vmem>> -> memref<1x8x8x128xf32, #tpu.memory_space<vmem>>
        %parallel_loop3A_1304 = tpu.memref_squeeze %parallel_loop3A_1303 : memref<1x8x8x128xf32, #tpu.memory_space<vmem>> -> memref<8x8x128xf32, #tpu.memory_space<vmem>>
        tpu.vector_store_idx %parallel_loop3A_1304[%parallel_loop3A_1241, %parallel_loop3A_1244, %add3A_17], %parallel_loop3A_1298 : memref<8x8x128xf32, #tpu.memory_space<vmem>>[vector<16xi32>, vector<16xi32>, vector<16xi32>], vector<16xf32>,
        %parallel_loop3A_1305 = arith.constant 1 : i32
        %parallel_loop3A_1306 = arith.constant 0 : i32
        %parallel_loop3A_1307 = arith.constant 0 : i32
        %parallel_loop3A_1308 = tpu.memref_slice %arg6[%parallel_loop3A_1305, %parallel_loop3A_1306, %parallel_loop3A_1307] : memref<4x128x64xf32, #tpu.memory_space<vmem>> -> memref<1x128x64xf32, #tpu.memory_space<vmem>>
        %parallel_loop3A_1309 = tpu.memref_squeeze %parallel_loop3A_1308 : memref<1x128x64xf32, #tpu.memory_space<vmem>> -> memref<128x64xf32, #tpu.memory_space<vmem>>
        %parallel_loop3A_1310 = tpu.vector_load_idx %parallel_loop3A_1309[%add3A_20, %parallel_loop3A_1238] : memref<128x64xf32, #tpu.memory_space<vmem>>[vector<16xi32>, vector<16xi32>], vector<16xf32>,
        %parallel_loop3A_1311 = arith.constant 1 : i32
        %parallel_loop3A_1312 = arith.constant 0 : i32
        %parallel_loop3A_1313 = arith.constant 0 : i32
        %parallel_loop3A_1314 = arith.constant 0 : i32
        %parallel_loop3A_1315 = tpu.memref_slice %arg7[%parallel_loop3A_1311, %parallel_loop3A_1312, %parallel_loop3A_1313, %parallel_loop3A_1314] : memref<4x8x8x128xf32, #tpu.memory_space<vmem>> -> memref<1x8x8x128xf32, #tpu.memory_space<vmem>>
        %parallel_loop3A_1316 = tpu.memref_squeeze %parallel_loop3A_1315 : memref<1x8x8x128xf32, #tpu.memory_space<vmem>> -> memref<8x8x128xf32, #tpu.memory_space<vmem>>
        tpu.vector_store_idx %parallel_loop3A_1316[%parallel_loop3A_1241, %parallel_loop3A_1244, %add3A_20], %parallel_loop3A_1310 : memref<8x8x128xf32, #tpu.memory_space<vmem>>[vector<16xi32>, vector<16xi32>, vector<16xi32>], vector<16xf32>,
        %parallel_loop3A_1317 = arith.constant 1 : i32
        %parallel_loop3A_1318 = arith.constant 0 : i32
        %parallel_loop3A_1319 = arith.constant 0 : i32
        %parallel_loop3A_1320 = tpu.memref_slice %arg6[%parallel_loop3A_1317, %parallel_loop3A_1318, %parallel_loop3A_1319] : memref<4x128x64xf32, #tpu.memory_space<vmem>> -> memref<1x128x64xf32, #tpu.memory_space<vmem>>
        %parallel_loop3A_1321 = tpu.memref_squeeze %parallel_loop3A_1320 : memref<1x128x64xf32, #tpu.memory_space<vmem>> -> memref<128x64xf32, #tpu.memory_space<vmem>>
        %parallel_loop3A_1322 = tpu.vector_load_idx %parallel_loop3A_1321[%add3A_23, %parallel_loop3A_1238] : memref<128x64xf32, #tpu.memory_space<vmem>>[vector<16xi32>, vector<16xi32>], vector<16xf32>,
        %parallel_loop3A_1323 = arith.constant 1 : i32
        %parallel_loop3A_1324 = arith.constant 0 : i32
        %parallel_loop3A_1325 = arith.constant 0 : i32
        %parallel_loop3A_1326 = arith.constant 0 : i32
        %parallel_loop3A_1327 = tpu.memref_slice %arg7[%parallel_loop3A_1323, %parallel_loop3A_1324, %parallel_loop3A_1325, %parallel_loop3A_1326] : memref<4x8x8x128xf32, #tpu.memory_space<vmem>> -> memref<1x8x8x128xf32, #tpu.memory_space<vmem>>
        %parallel_loop3A_1328 = tpu.memref_squeeze %parallel_loop3A_1327 : memref<1x8x8x128xf32, #tpu.memory_space<vmem>> -> memref<8x8x128xf32, #tpu.memory_space<vmem>>
        tpu.vector_store_idx %parallel_loop3A_1328[%parallel_loop3A_1241, %parallel_loop3A_1244, %add3A_23], %parallel_loop3A_1322 : memref<8x8x128xf32, #tpu.memory_space<vmem>>[vector<16xi32>, vector<16xi32>, vector<16xi32>], vector<16xf32>,
        %parallel_loop3A_1329 = arith.constant 1 : i32
        %parallel_loop3A_1330 = arith.constant 0 : i32
        %parallel_loop3A_1331 = arith.constant 0 : i32
        %parallel_loop3A_1332 = tpu.memref_slice %arg6[%parallel_loop3A_1329, %parallel_loop3A_1330, %parallel_loop3A_1331] : memref<4x128x64xf32, #tpu.memory_space<vmem>> -> memref<1x128x64xf32, #tpu.memory_space<vmem>>
        %parallel_loop3A_1333 = tpu.memref_squeeze %parallel_loop3A_1332 : memref<1x128x64xf32, #tpu.memory_space<vmem>> -> memref<128x64xf32, #tpu.memory_space<vmem>>
        %parallel_loop3A_1334 = tpu.vector_load_idx %parallel_loop3A_1333[%add3A_26, %parallel_loop3A_1238] : memref<128x64xf32, #tpu.memory_space<vmem>>[vector<16xi32>, vector<16xi32>], vector<16xf32>,
        %parallel_loop3A_1335 = arith.constant 1 : i32
        %parallel_loop3A_1336 = arith.constant 0 : i32
        %parallel_loop3A_1337 = arith.constant 0 : i32
        %parallel_loop3A_1338 = arith.constant 0 : i32
        %parallel_loop3A_1339 = tpu.memref_slice %arg7[%parallel_loop3A_1335, %parallel_loop3A_1336, %parallel_loop3A_1337, %parallel_loop3A_1338] : memref<4x8x8x128xf32, #tpu.memory_space<vmem>> -> memref<1x8x8x128xf32, #tpu.memory_space<vmem>>
        %parallel_loop3A_1340 = tpu.memref_squeeze %parallel_loop3A_1339 : memref<1x8x8x128xf32, #tpu.memory_space<vmem>> -> memref<8x8x128xf32, #tpu.memory_space<vmem>>
        tpu.vector_store_idx %parallel_loop3A_1340[%parallel_loop3A_1241, %parallel_loop3A_1244, %add3A_26], %parallel_loop3A_1334 : memref<8x8x128xf32, #tpu.memory_space<vmem>>[vector<16xi32>, vector<16xi32>, vector<16xi32>], vector<16xf32>,
      } {sc.loop_unroll_factor = 4 : i64, sc.parallel_access}
      %add3A_878 = arith.addi %mul3A_2, %add3A_840 : i32
      %jit3A_879 = arith.constant 128 : i32
      %div3A_880 = arith.divsi %add3A_878, %jit3A_879 : i32
      %sign3A_881 = arith.constant 0 : i32
      %sign3A_882 = arith.cmpi sgt, %add3A_878, %sign3A_881 : i32
      %sign3A_883 = arith.extui %sign3A_882 : i1 to i32
      %sign3A_884 = arith.constant 0 : i32
      %sign3A_885 = arith.cmpi slt, %add3A_878, %sign3A_884 : i32
      %sign3A_886 = arith.extui %sign3A_885 : i1 to i32
      %sign3A_887 = arith.subi %sign3A_883, %sign3A_886 : i32
      %sign3A_888 = arith.constant 0 : i32
      %sign3A_889 = arith.cmpi sgt, %jit3A_879, %sign3A_888 : i32
      %sign3A_890 = arith.extui %sign3A_889 : i1 to i32
      %sign3A_891 = arith.constant 0 : i32
      %sign3A_892 = arith.cmpi slt, %jit3A_879, %sign3A_891 : i32
      %sign3A_893 = arith.extui %sign3A_892 : i1 to i32
      %sign3A_894 = arith.subi %sign3A_890, %sign3A_893 : i32
      %ne3A_895 = arith.cmpi ne, %sign3A_887, %sign3A_894 : i32
      %rem3A_896 = arith.remsi %add3A_878, %jit3A_879 : i32
      %ne3A_897 = arith.constant 0 : i32
      %ne3A_898 = arith.cmpi ne, %rem3A_896, %ne3A_897 : i32
      %and3A_899 = arith.andi %ne3A_895, %ne3A_898 : i1
      %sub3A_900 = arith.constant 1 : i32
      %sub3A_901 = arith.subi %div3A_880, %sub3A_900 : i32
      %select_n3A_902 = arith.select %and3A_899, %sub3A_901, %div3A_880 : i32
      %jit3A_903 = arith.constant 128 : i32
      %eq3A_904 = arith.constant 0 : i32
      %eq3A_905 = arith.cmpi eq, %jit3A_903, %eq3A_904 : i32
      %jit3A_906 = arith.constant 1 : i32
      %select_n3A_907 = arith.select %eq3A_905, %jit3A_906, %jit3A_903 : i32
      %rem3A_908 = arith.remsi %add3A_878, %select_n3A_907 : i32
      %ne3A_909 = arith.constant 0 : i32
      %ne3A_910 = arith.cmpi ne, %rem3A_908, %ne3A_909 : i32
      %lt3A_911 = arith.constant 0 : i32
      %lt3A_912 = arith.cmpi slt, %rem3A_908, %lt3A_911 : i32
      %lt3A_913 = arith.constant 0 : i32
      %lt3A_914 = arith.cmpi slt, %select_n3A_907, %lt3A_913 : i32
      %ne3A_915 = arith.xori %lt3A_912, %lt3A_914 : i1
      %and3A_916 = arith.andi %ne3A_915, %ne3A_910 : i1
      %add3A_917 = arith.addi %rem3A_908, %select_n3A_907 : i32
      %select_n3A_918 = arith.select %and3A_916, %add3A_917, %rem3A_908 : i32
      %mul3A_919 = arith.constant 128 : i32
      %mul3A_920 = arith.muli %select_n3A_918, %mul3A_919 : i32
      %jit3A_921 = arith.constant 128 : i32
      %div3A_922 = arith.divsi %mul3A_920, %jit3A_921 : i32
      %sign3A_923 = arith.constant 0 : i32
      %sign3A_924 = arith.cmpi sgt, %mul3A_920, %sign3A_923 : i32
      %sign3A_925 = arith.extui %sign3A_924 : i1 to i32
      %sign3A_926 = arith.constant 0 : i32
      %sign3A_927 = arith.cmpi slt, %mul3A_920, %sign3A_926 : i32
      %sign3A_928 = arith.extui %sign3A_927 : i1 to i32
      %sign3A_929 = arith.subi %sign3A_925, %sign3A_928 : i32
      %sign3A_930 = arith.constant 0 : i32
      %sign3A_931 = arith.cmpi sgt, %jit3A_921, %sign3A_930 : i32
      %sign3A_932 = arith.extui %sign3A_931 : i1 to i32
      %sign3A_933 = arith.constant 0 : i32
      %sign3A_934 = arith.cmpi slt, %jit3A_921, %sign3A_933 : i32
      %sign3A_935 = arith.extui %sign3A_934 : i1 to i32
      %sign3A_936 = arith.subi %sign3A_932, %sign3A_935 : i32
      %ne3A_937 = arith.cmpi ne, %sign3A_929, %sign3A_936 : i32
      %rem3A_938 = arith.remsi %mul3A_920, %jit3A_921 : i32
      %ne3A_939 = arith.constant 0 : i32
      %ne3A_940 = arith.cmpi ne, %rem3A_938, %ne3A_939 : i32
      %and3A_941 = arith.andi %ne3A_937, %ne3A_940 : i1
      %sub3A_942 = arith.constant 1 : i32
      %sub3A_943 = arith.subi %div3A_922, %sub3A_942 : i32
      %select_n3A_944 = arith.select %and3A_941, %sub3A_943, %div3A_922 : i32
      %dma_start3A_945 = arith.constant 1 : i32
      %dma_start3A_946 = arith.constant 1 : i32
      %dma_start3A_947 = arith.constant 0 : i32
      %dma_start3A_948 = arith.constant 0 : i32
      %dma_start3A_949 = arith.constant 0 : i32
      %dma_start3A_950 = tpu.memref_slice %arg7[%dma_start3A_945, %dma_start3A_947, %dma_start3A_948, %dma_start3A_949] : memref<4x8x8x128xf32, #tpu.memory_space<vmem>> -> memref<1x8x8x128xf32, #tpu.memory_space<vmem>>
      %dma_start3A_951 = tpu.memref_squeeze %dma_start3A_950 : memref<1x8x8x128xf32, #tpu.memory_space<vmem>> -> memref<8x8x128xf32, #tpu.memory_space<vmem>>
      %dma_start3A_952 = arith.constant 0 : i32
      %dma_start3A_953 = arith.constant 0 : i32
      %dma_start3A_954 = arith.constant 0 : i32
      %dma_start3A_955 = tpu.memref_slice %arg4[%select_n3A_902, %dma_start3A_952, %select_n3A_944, %dma_start3A_953, %dma_start3A_954] : memref<50x8x128x8x128xf32, #tpu.memory_space<hbm>> -> memref<1x8x1x8x128xf32, #tpu.memory_space<hbm>>
      %dma_start3A_956 = tpu.memref_squeeze %dma_start3A_955 : memref<1x8x1x8x128xf32, #tpu.memory_space<hbm>> -> memref<8x8x128xf32, #tpu.memory_space<hbm>>
      %dma_start3A_957 = tpu.memref_slice %arg10[%dma_start3A_946] : memref<4x!tpu.dma_semaphore, #tpu.memory_space<semaphore_mem>> -> memref<1x!tpu.dma_semaphore, #tpu.memory_space<semaphore_mem>>
      %dma_start3A_958 = tpu.memref_squeeze %dma_start3A_957 : memref<1x!tpu.dma_semaphore, #tpu.memory_space<semaphore_mem>> -> memref<!tpu.dma_semaphore, #tpu.memory_space<semaphore_mem>>
      %dma_start3A_959 = arith.constant 0 : i32
      %dma_start3A_960 = arith.constant 0 : i32
      %dma_start3A_961 = arith.constant 0 : i32
      %dma_start3A_962 = tpu.memref_slice %arg4[%select_n3A_902, %dma_start3A_959, %select_n3A_944, %dma_start3A_960, %dma_start3A_961] : memref<50x8x128x8x128xf32, #tpu.memory_space<hbm>> -> memref<1x8x1x8x128xf32, #tpu.memory_space<hbm>>
      %dma_start3A_963 = tpu.memref_squeeze %dma_start3A_962 : memref<1x8x1x8x128xf32, #tpu.memory_space<hbm>> -> memref<8x8x128xf32, #tpu.memory_space<hbm>>
      %dma_start3A_964 = arith.constant 0 : i32
      %dma_start3A_965 = arith.constant 0 : i32
      %dma_start3A_966 = arith.constant 0 : i32
      %dma_start3A_967 = tpu.memref_slice %arg7[%dma_start3A_945, %dma_start3A_964, %dma_start3A_965, %dma_start3A_966] : memref<4x8x8x128xf32, #tpu.memory_space<vmem>> -> memref<1x8x8x128xf32, #tpu.memory_space<vmem>>
      %dma_start3A_968 = tpu.memref_squeeze %dma_start3A_967 : memref<1x8x8x128xf32, #tpu.memory_space<vmem>> -> memref<8x8x128xf32, #tpu.memory_space<vmem>>
      tpu.enqueue_dma source(%dma_start3A_968 : memref<8x8x128xf32, #tpu.memory_space<vmem>>) target(%dma_start3A_963 : memref<8x8x128xf32, #tpu.memory_space<hbm>>) target_semaphore(%dma_start3A_958 : memref<!tpu.dma_semaphore, #tpu.memory_space<semaphore_mem>>)
      %mul3A_969 = arith.constant 4 : i32
      %mul3A_970 = arith.muli %scan3A_708, %mul3A_969 : i32
      %add3A_971 = arith.constant 2 : i32
      %add3A_972 = arith.addi %mul3A_970, %add3A_971 : i32
      %add3A_973 = arith.constant 3 : i32
      %add3A_974 = arith.addi %add3A_972, %add3A_973 : i32
      %lt3A_975 = arith.constant 200 : i32
      %lt3A_976 = arith.cmpi slt, %add3A_974, %lt3A_975 : i32
      %convert_element_type3A_977 = arith.extui %lt3A_976 : i1 to i32
      %cond3A_978 = arith.constant 0 : i32
      %cond3A_979 = arith.cmpi ne, %convert_element_type3A_977, %cond3A_978 : i32
      scf.if %cond3A_979 {
        %add3A_1233 = arith.constant 3 : i32
        %add3A_1234 = arith.addi %add3A_972, %add3A_1233 : i32
        %add3A_1235 = arith.addi %mul3A_2, %add3A_1234 : i32
        %jit3A_1236 = arith.constant 128 : i32
        %div3A_1237 = arith.divsi %add3A_1235, %jit3A_1236 : i32
        %sign3A_1238 = arith.constant 0 : i32
        %sign3A_1239 = arith.cmpi sgt, %add3A_1235, %sign3A_1238 : i32
        %sign3A_1240 = arith.extui %sign3A_1239 : i1 to i32
        %sign3A_1241 = arith.constant 0 : i32
        %sign3A_1242 = arith.cmpi slt, %add3A_1235, %sign3A_1241 : i32
        %sign3A_1243 = arith.extui %sign3A_1242 : i1 to i32
        %sign3A_1244 = arith.subi %sign3A_1240, %sign3A_1243 : i32
        %sign3A_1245 = arith.constant 0 : i32
        %sign3A_1246 = arith.cmpi sgt, %jit3A_1236, %sign3A_1245 : i32
        %sign3A_1247 = arith.extui %sign3A_1246 : i1 to i32
        %sign3A_1248 = arith.constant 0 : i32
        %sign3A_1249 = arith.cmpi slt, %jit3A_1236, %sign3A_1248 : i32
        %sign3A_1250 = arith.extui %sign3A_1249 : i1 to i32
        %sign3A_1251 = arith.subi %sign3A_1247, %sign3A_1250 : i32
        %ne3A_1252 = arith.cmpi ne, %sign3A_1244, %sign3A_1251 : i32
        %rem3A_1253 = arith.remsi %add3A_1235, %jit3A_1236 : i32
        %ne3A_1254 = arith.constant 0 : i32
        %ne3A_1255 = arith.cmpi ne, %rem3A_1253, %ne3A_1254 : i32
        %and3A_1256 = arith.andi %ne3A_1252, %ne3A_1255 : i1
        %sub3A_1257 = arith.constant 1 : i32
        %sub3A_1258 = arith.subi %div3A_1237, %sub3A_1257 : i32
        %select_n3A_1259 = arith.select %and3A_1256, %sub3A_1258, %div3A_1237 : i32
        %jit3A_1260 = arith.constant 128 : i32
        %eq3A_1261 = arith.constant 0 : i32
        %eq3A_1262 = arith.cmpi eq, %jit3A_1260, %eq3A_1261 : i32
        %jit3A_1263 = arith.constant 1 : i32
        %select_n3A_1264 = arith.select %eq3A_1262, %jit3A_1263, %jit3A_1260 : i32
        %rem3A_1265 = arith.remsi %add3A_1235, %select_n3A_1264 : i32
        %ne3A_1266 = arith.constant 0 : i32
        %ne3A_1267 = arith.cmpi ne, %rem3A_1265, %ne3A_1266 : i32
        %lt3A_1268 = arith.constant 0 : i32
        %lt3A_1269 = arith.cmpi slt, %rem3A_1265, %lt3A_1268 : i32
        %lt3A_1270 = arith.constant 0 : i32
        %lt3A_1271 = arith.cmpi slt, %select_n3A_1264, %lt3A_1270 : i32
        %ne3A_1272 = arith.xori %lt3A_1269, %lt3A_1271 : i1
        %and3A_1273 = arith.andi %ne3A_1272, %ne3A_1267 : i1
        %add3A_1274 = arith.addi %rem3A_1265, %select_n3A_1264 : i32
        %select_n3A_1275 = arith.select %and3A_1273, %add3A_1274, %rem3A_1265 : i32
        %mul3A_1276 = arith.constant 128 : i32
        %mul3A_1277 = arith.muli %select_n3A_1275, %mul3A_1276 : i32
        %dma_start3A_1278 = arith.constant 1 : i32
        %dma_start3A_1279 = arith.constant 1 : i32
        %dma_start3A_1280 = arith.constant 0 : i32
        %dma_start3A_1281 = tpu.memref_slice %arg5[%dma_start3A_1278, %dma_start3A_1280] : memref<4x128xi32, #tpu.memory_space<vmem>> -> memref<1x128xi32, #tpu.memory_space<vmem>>
        %dma_start3A_1282 = tpu.memref_squeeze %dma_start3A_1281 : memref<1x128xi32, #tpu.memory_space<vmem>> -> memref<128xi32, #tpu.memory_space<vmem>>
        %dma_start3A_1283 = tpu.memref_slice %arg2[%select_n3A_1259, %mul3A_1277] : memref<56x16384xi32, #tpu.memory_space<hbm>> -> memref<1x128xi32, #tpu.memory_space<hbm>>
        %dma_start3A_1284 = tpu.memref_squeeze %dma_start3A_1283 : memref<1x128xi32, #tpu.memory_space<hbm>> -> memref<128xi32, #tpu.memory_space<hbm>>
        %dma_start3A_1285 = tpu.memref_slice %arg8[%dma_start3A_1279] : memref<4x!tpu.dma_semaphore, #tpu.memory_space<semaphore_mem>> -> memref<1x!tpu.dma_semaphore, #tpu.memory_space<semaphore_mem>>
        %dma_start3A_1286 = tpu.memref_squeeze %dma_start3A_1285 : memref<1x!tpu.dma_semaphore, #tpu.memory_space<semaphore_mem>> -> memref<!tpu.dma_semaphore, #tpu.memory_space<semaphore_mem>>
        %dma_start3A_1287 = arith.constant 0 : i32
        %dma_start3A_1288 = tpu.memref_slice %arg5[%dma_start3A_1278, %dma_start3A_1287] : memref<4x128xi32, #tpu.memory_space<vmem>> -> memref<1x128xi32, #tpu.memory_space<vmem>>
        %dma_start3A_1289 = tpu.memref_squeeze %dma_start3A_1288 : memref<1x128xi32, #tpu.memory_space<vmem>> -> memref<128xi32, #tpu.memory_space<vmem>>
        %dma_start3A_1290 = tpu.memref_slice %arg2[%select_n3A_1259, %mul3A_1277] : memref<56x16384xi32, #tpu.memory_space<hbm>> -> memref<1x128xi32, #tpu.memory_space<hbm>>
        %dma_start3A_1291 = tpu.memref_squeeze %dma_start3A_1290 : memref<1x128xi32, #tpu.memory_space<hbm>> -> memref<128xi32, #tpu.memory_space<hbm>>
        tpu.enqueue_dma source(%dma_start3A_1291 : memref<128xi32, #tpu.memory_space<hbm>>) target(%dma_start3A_1289 : memref<128xi32, #tpu.memory_space<vmem>>) target_semaphore(%dma_start3A_1286 : memref<!tpu.dma_semaphore, #tpu.memory_space<semaphore_mem>>)
      } else {
      }
      %add3A_980 = arith.constant 2 : i32
      %add3A_981 = arith.addi %add3A_972, %add3A_980 : i32
      %lt3A_982 = arith.constant 200 : i32
      %lt3A_983 = arith.cmpi slt, %add3A_981, %lt3A_982 : i32
      %convert_element_type3A_984 = arith.extui %lt3A_983 : i1 to i32
      %cond3A_985 = arith.constant 0 : i32
      %cond3A_986 = arith.cmpi ne, %convert_element_type3A_984, %cond3A_985 : i32
      scf.if %cond3A_986 {
        %add3A_1233 = arith.constant 2 : i32
        %add3A_1234 = arith.addi %add3A_972, %add3A_1233 : i32
        %add3A_1235 = arith.addi %mul3A_2, %add3A_1234 : i32
        %jit3A_1236 = arith.constant 128 : i32
        %div3A_1237 = arith.divsi %add3A_1235, %jit3A_1236 : i32
        %sign3A_1238 = arith.constant 0 : i32
        %sign3A_1239 = arith.cmpi sgt, %add3A_1235, %sign3A_1238 : i32
        %sign3A_1240 = arith.extui %sign3A_1239 : i1 to i32
        %sign3A_1241 = arith.constant 0 : i32
        %sign3A_1242 = arith.cmpi slt, %add3A_1235, %sign3A_1241 : i32
        %sign3A_1243 = arith.extui %sign3A_1242 : i1 to i32
        %sign3A_1244 = arith.subi %sign3A_1240, %sign3A_1243 : i32
        %sign3A_1245 = arith.constant 0 : i32
        %sign3A_1246 = arith.cmpi sgt, %jit3A_1236, %sign3A_1245 : i32
        %sign3A_1247 = arith.extui %sign3A_1246 : i1 to i32
        %sign3A_1248 = arith.constant 0 : i32
        %sign3A_1249 = arith.cmpi slt, %jit3A_1236, %sign3A_1248 : i32
        %sign3A_1250 = arith.extui %sign3A_1249 : i1 to i32
        %sign3A_1251 = arith.subi %sign3A_1247, %sign3A_1250 : i32
        %ne3A_1252 = arith.cmpi ne, %sign3A_1244, %sign3A_1251 : i32
        %rem3A_1253 = arith.remsi %add3A_1235, %jit3A_1236 : i32
        %ne3A_1254 = arith.constant 0 : i32
        %ne3A_1255 = arith.cmpi ne, %rem3A_1253, %ne3A_1254 : i32
        %and3A_1256 = arith.andi %ne3A_1252, %ne3A_1255 : i1
        %sub3A_1257 = arith.constant 1 : i32
        %sub3A_1258 = arith.subi %div3A_1237, %sub3A_1257 : i32
        %select_n3A_1259 = arith.select %and3A_1256, %sub3A_1258, %div3A_1237 : i32
        %jit3A_1260 = arith.constant 128 : i32
        %eq3A_1261 = arith.constant 0 : i32
        %eq3A_1262 = arith.cmpi eq, %jit3A_1260, %eq3A_1261 : i32
        %jit3A_1263 = arith.constant 1 : i32
        %select_n3A_1264 = arith.select %eq3A_1262, %jit3A_1263, %jit3A_1260 : i32
        %rem3A_1265 = arith.remsi %add3A_1235, %select_n3A_1264 : i32
        %ne3A_1266 = arith.constant 0 : i32
        %ne3A_1267 = arith.cmpi ne, %rem3A_1265, %ne3A_1266 : i32
        %lt3A_1268 = arith.constant 0 : i32
        %lt3A_1269 = arith.cmpi slt, %rem3A_1265, %lt3A_1268 : i32
        %lt3A_1270 = arith.constant 0 : i32
        %lt3A_1271 = arith.cmpi slt, %select_n3A_1264, %lt3A_1270 : i32
        %ne3A_1272 = arith.xori %lt3A_1269, %lt3A_1271 : i1
        %and3A_1273 = arith.andi %ne3A_1272, %ne3A_1267 : i1
        %add3A_1274 = arith.addi %rem3A_1265, %select_n3A_1264 : i32
        %select_n3A_1275 = arith.select %and3A_1273, %add3A_1274, %rem3A_1265 : i32
        %mul3A_1276 = arith.constant 128 : i32
        %mul3A_1277 = arith.muli %select_n3A_1275, %mul3A_1276 : i32
        %dma_wait3A_1278 = arith.constant 0 : i32
        %dma_wait3A_1279 = arith.constant 0 : i32
        %dma_wait3A_1280 = arith.constant 0 : i32
        %dma_wait3A_1281 = tpu.memref_slice %arg5[%dma_wait3A_1278, %dma_wait3A_1280] : memref<4x128xi32, #tpu.memory_space<vmem>> -> memref<1x128xi32, #tpu.memory_space<vmem>>
        %dma_wait3A_1282 = tpu.memref_squeeze %dma_wait3A_1281 : memref<1x128xi32, #tpu.memory_space<vmem>> -> memref<128xi32, #tpu.memory_space<vmem>>
        %dma_wait3A_1283 = tpu.memref_slice %arg2[%select_n3A_1259, %mul3A_1277] : memref<56x16384xi32, #tpu.memory_space<hbm>> -> memref<1x128xi32, #tpu.memory_space<hbm>>
        %dma_wait3A_1284 = tpu.memref_squeeze %dma_wait3A_1283 : memref<1x128xi32, #tpu.memory_space<hbm>> -> memref<128xi32, #tpu.memory_space<hbm>>
        %dma_wait3A_1285 = tpu.memref_slice %arg8[%dma_wait3A_1279] : memref<4x!tpu.dma_semaphore, #tpu.memory_space<semaphore_mem>> -> memref<1x!tpu.dma_semaphore, #tpu.memory_space<semaphore_mem>>
        %dma_wait3A_1286 = tpu.memref_squeeze %dma_wait3A_1285 : memref<1x!tpu.dma_semaphore, #tpu.memory_space<semaphore_mem>> -> memref<!tpu.dma_semaphore, #tpu.memory_space<semaphore_mem>>
        %dma_wait3A_1287 = arith.constant 0 : i32
        %dma_wait3A_1288 = tpu.memref_slice %arg5[%dma_wait3A_1278, %dma_wait3A_1287] : memref<4x128xi32, #tpu.memory_space<vmem>> -> memref<1x128xi32, #tpu.memory_space<vmem>>
        %dma_wait3A_1289 = tpu.memref_squeeze %dma_wait3A_1288 : memref<1x128xi32, #tpu.memory_space<vmem>> -> memref<128xi32, #tpu.memory_space<vmem>>
        %dma_wait3A_1290 = tpu.memref_slice %arg2[%select_n3A_1259, %mul3A_1277] : memref<56x16384xi32, #tpu.memory_space<hbm>> -> memref<1x128xi32, #tpu.memory_space<hbm>>
        %dma_wait3A_1291 = tpu.memref_squeeze %dma_wait3A_1290 : memref<1x128xi32, #tpu.memory_space<hbm>> -> memref<128xi32, #tpu.memory_space<hbm>>
        tpu.wait_dma2 semaphore(%dma_wait3A_1286 : memref<!tpu.dma_semaphore, #tpu.memory_space<semaphore_mem>>) src(%dma_wait3A_1291 : memref<128xi32, #tpu.memory_space<hbm>>) dst(%dma_wait3A_1289 : memref<128xi32, #tpu.memory_space<vmem>>)
        %dma_start3A_1292 = arith.constant 0 : i32
        %dma_start3A_1293 = arith.constant 0 : i32
        %dma_start3A_1294 = arith.constant 0 : i32
        %dma_start3A_1295 = arith.constant 0 : i32
        %dma_start3A_1296 = arith.constant 0 : i32
        %dma_start3A_1297 = tpu.memref_slice %arg6[%dma_start3A_1293, %dma_start3A_1295, %dma_start3A_1296] : memref<4x128x64xf32, #tpu.memory_space<vmem>> -> memref<1x128x64xf32, #tpu.memory_space<vmem>>
        %dma_start3A_1298 = tpu.memref_squeeze %dma_start3A_1297 : memref<1x128x64xf32, #tpu.memory_space<vmem>> -> memref<128x64xf32, #tpu.memory_space<vmem>>
        %dma_start3A_1299 = arith.constant 0 : i32
        %dma_start3A_1300 = tpu.memref_slice %arg5[%dma_start3A_1292, %dma_start3A_1299] : memref<4x128xi32, #tpu.memory_space<vmem>> -> memref<1x128xi32, #tpu.memory_space<vmem>>
        %dma_start3A_1301 = tpu.memref_squeeze %dma_start3A_1300 : memref<1x128xi32, #tpu.memory_space<vmem>> -> memref<128xi32, #tpu.memory_space<vmem>>
        %dma_start3A_1302 = arith.constant 0 : i32
        %dma_start3A_1303 = arith.constant 0 : i32
        %dma_start3A_1304 = tpu.memref_slice %arg3[%dma_start3A_1302, %dma_start3A_1303] : memref<1000000x64xf32, #tpu.memory_space<hbm>> -> memref<1000000x64xf32, #tpu.memory_space<hbm>>
        %dma_start3A_1305 = tpu.memref_slice %arg9[%dma_start3A_1294] : memref<4x!tpu.dma_semaphore, #tpu.memory_space<semaphore_mem>> -> memref<1x!tpu.dma_semaphore, #tpu.memory_space<semaphore_mem>>
        %dma_start3A_1306 = tpu.memref_squeeze %dma_start3A_1305 : memref<1x!tpu.dma_semaphore, #tpu.memory_space<semaphore_mem>> -> memref<!tpu.dma_semaphore, #tpu.memory_space<semaphore_mem>>
        tpu.enqueue_indirect_dma source(%dma_start3A_1304 : memref<1000000x64xf32, #tpu.memory_space<hbm>>) target(%dma_start3A_1298 : memref<128x64xf32, #tpu.memory_space<vmem>>) offsets(%dma_start3A_1301 : memref<128xi32, #tpu.memory_space<vmem>>) semaphore(%dma_start3A_1306 : memref<!tpu.dma_semaphore, #tpu.memory_space<semaphore_mem>>)
      } else {
      }
      %dma_wait3A_987 = arith.constant 2 : i32
      %dma_wait3A_988 = arith.constant 2 : i32
      %dma_wait3A_989 = arith.constant 2 : i32
      %dma_wait3A_990 = arith.constant 0 : i32
      %dma_wait3A_991 = arith.constant 0 : i32
      %dma_wait3A_992 = tpu.memref_slice %arg6[%dma_wait3A_988, %dma_wait3A_990, %dma_wait3A_991] : memref<4x128x64xf32, #tpu.memory_space<vmem>> -> memref<1x128x64xf32, #tpu.memory_space<vmem>>
      %dma_wait3A_993 = tpu.memref_squeeze %dma_wait3A_992 : memref<1x128x64xf32, #tpu.memory_space<vmem>> -> memref<128x64xf32, #tpu.memory_space<vmem>>
      %dma_wait3A_994 = arith.constant 0 : i32
      %dma_wait3A_995 = tpu.memref_slice %arg5[%dma_wait3A_987, %dma_wait3A_994] : memref<4x128xi32, #tpu.memory_space<vmem>> -> memref<1x128xi32, #tpu.memory_space<vmem>>
      %dma_wait3A_996 = tpu.memref_squeeze %dma_wait3A_995 : memref<1x128xi32, #tpu.memory_space<vmem>> -> memref<128xi32, #tpu.memory_space<vmem>>
      %dma_wait3A_997 = arith.constant 0 : i32
      %dma_wait3A_998 = arith.constant 0 : i32
      %dma_wait3A_999 = tpu.memref_slice %arg3[%dma_wait3A_997, %dma_wait3A_998] : memref<1000000x64xf32, #tpu.memory_space<hbm>> -> memref<1000000x64xf32, #tpu.memory_space<hbm>>
      %dma_wait3A_1000 = tpu.memref_slice %arg9[%dma_wait3A_989] : memref<4x!tpu.dma_semaphore, #tpu.memory_space<semaphore_mem>> -> memref<1x!tpu.dma_semaphore, #tpu.memory_space<semaphore_mem>>
      %dma_wait3A_1001 = tpu.memref_squeeze %dma_wait3A_1000 : memref<1x!tpu.dma_semaphore, #tpu.memory_space<semaphore_mem>> -> memref<!tpu.dma_semaphore, #tpu.memory_space<semaphore_mem>>
      tpu.wait_indirect_dma semaphore(%dma_wait3A_1001 : memref<!tpu.dma_semaphore, #tpu.memory_space<semaphore_mem>>) src(%dma_wait3A_999 : memref<1000000x64xf32, #tpu.memory_space<hbm>>) dst(%dma_wait3A_993 : memref<128x64xf32, #tpu.memory_space<vmem>>)
      %ge3A_1002 = arith.constant 4 : i32
      %ge3A_1003 = arith.cmpi sge, %add3A_972, %ge3A_1002 : i32
      %convert_element_type3A_1004 = arith.extui %ge3A_1003 : i1 to i32
      %cond3A_1005 = arith.constant 0 : i32
      %cond3A_1006 = arith.cmpi ne, %convert_element_type3A_1004, %cond3A_1005 : i32
      scf.if %cond3A_1006 {
        %sub3A_1233 = arith.constant 4 : i32
        %sub3A_1234 = arith.subi %add3A_972, %sub3A_1233 : i32
        %add3A_1235 = arith.addi %mul3A_2, %sub3A_1234 : i32
        %jit3A_1236 = arith.constant 128 : i32
        %div3A_1237 = arith.divsi %add3A_1235, %jit3A_1236 : i32
        %sign3A_1238 = arith.constant 0 : i32
        %sign3A_1239 = arith.cmpi sgt, %add3A_1235, %sign3A_1238 : i32
        %sign3A_1240 = arith.extui %sign3A_1239 : i1 to i32
        %sign3A_1241 = arith.constant 0 : i32
        %sign3A_1242 = arith.cmpi slt, %add3A_1235, %sign3A_1241 : i32
        %sign3A_1243 = arith.extui %sign3A_1242 : i1 to i32
        %sign3A_1244 = arith.subi %sign3A_1240, %sign3A_1243 : i32
        %sign3A_1245 = arith.constant 0 : i32
        %sign3A_1246 = arith.cmpi sgt, %jit3A_1236, %sign3A_1245 : i32
        %sign3A_1247 = arith.extui %sign3A_1246 : i1 to i32
        %sign3A_1248 = arith.constant 0 : i32
        %sign3A_1249 = arith.cmpi slt, %jit3A_1236, %sign3A_1248 : i32
        %sign3A_1250 = arith.extui %sign3A_1249 : i1 to i32
        %sign3A_1251 = arith.subi %sign3A_1247, %sign3A_1250 : i32
        %ne3A_1252 = arith.cmpi ne, %sign3A_1244, %sign3A_1251 : i32
        %rem3A_1253 = arith.remsi %add3A_1235, %jit3A_1236 : i32
        %ne3A_1254 = arith.constant 0 : i32
        %ne3A_1255 = arith.cmpi ne, %rem3A_1253, %ne3A_1254 : i32
        %and3A_1256 = arith.andi %ne3A_1252, %ne3A_1255 : i1
        %sub3A_1257 = arith.constant 1 : i32
        %sub3A_1258 = arith.subi %div3A_1237, %sub3A_1257 : i32
        %select_n3A_1259 = arith.select %and3A_1256, %sub3A_1258, %div3A_1237 : i32
        %jit3A_1260 = arith.constant 128 : i32
        %eq3A_1261 = arith.constant 0 : i32
        %eq3A_1262 = arith.cmpi eq, %jit3A_1260, %eq3A_1261 : i32
        %jit3A_1263 = arith.constant 1 : i32
        %select_n3A_1264 = arith.select %eq3A_1262, %jit3A_1263, %jit3A_1260 : i32
        %rem3A_1265 = arith.remsi %add3A_1235, %select_n3A_1264 : i32
        %ne3A_1266 = arith.constant 0 : i32
        %ne3A_1267 = arith.cmpi ne, %rem3A_1265, %ne3A_1266 : i32
        %lt3A_1268 = arith.constant 0 : i32
        %lt3A_1269 = arith.cmpi slt, %rem3A_1265, %lt3A_1268 : i32
        %lt3A_1270 = arith.constant 0 : i32
        %lt3A_1271 = arith.cmpi slt, %select_n3A_1264, %lt3A_1270 : i32
        %ne3A_1272 = arith.xori %lt3A_1269, %lt3A_1271 : i1
        %and3A_1273 = arith.andi %ne3A_1272, %ne3A_1267 : i1
        %add3A_1274 = arith.addi %rem3A_1265, %select_n3A_1264 : i32
        %select_n3A_1275 = arith.select %and3A_1273, %add3A_1274, %rem3A_1265 : i32
        %mul3A_1276 = arith.constant 128 : i32
        %mul3A_1277 = arith.muli %select_n3A_1275, %mul3A_1276 : i32
        %jit3A_1278 = arith.constant 128 : i32
        %div3A_1279 = arith.divsi %mul3A_1277, %jit3A_1278 : i32
        %sign3A_1280 = arith.constant 0 : i32
        %sign3A_1281 = arith.cmpi sgt, %mul3A_1277, %sign3A_1280 : i32
        %sign3A_1282 = arith.extui %sign3A_1281 : i1 to i32
        %sign3A_1283 = arith.constant 0 : i32
        %sign3A_1284 = arith.cmpi slt, %mul3A_1277, %sign3A_1283 : i32
        %sign3A_1285 = arith.extui %sign3A_1284 : i1 to i32
        %sign3A_1286 = arith.subi %sign3A_1282, %sign3A_1285 : i32
        %sign3A_1287 = arith.constant 0 : i32
        %sign3A_1288 = arith.cmpi sgt, %jit3A_1278, %sign3A_1287 : i32
        %sign3A_1289 = arith.extui %sign3A_1288 : i1 to i32
        %sign3A_1290 = arith.constant 0 : i32
        %sign3A_1291 = arith.cmpi slt, %jit3A_1278, %sign3A_1290 : i32
        %sign3A_1292 = arith.extui %sign3A_1291 : i1 to i32
        %sign3A_1293 = arith.subi %sign3A_1289, %sign3A_1292 : i32
        %ne3A_1294 = arith.cmpi ne, %sign3A_1286, %sign3A_1293 : i32
        %rem3A_1295 = arith.remsi %mul3A_1277, %jit3A_1278 : i32
        %ne3A_1296 = arith.constant 0 : i32
        %ne3A_1297 = arith.cmpi ne, %rem3A_1295, %ne3A_1296 : i32
        %and3A_1298 = arith.andi %ne3A_1294, %ne3A_1297 : i1
        %sub3A_1299 = arith.constant 1 : i32
        %sub3A_1300 = arith.subi %div3A_1279, %sub3A_1299 : i32
        %select_n3A_1301 = arith.select %and3A_1298, %sub3A_1300, %div3A_1279 : i32
        %dma_wait3A_1302 = arith.constant 2 : i32
        %dma_wait3A_1303 = arith.constant 2 : i32
        %dma_wait3A_1304 = arith.constant 0 : i32
        %dma_wait3A_1305 = arith.constant 0 : i32
        %dma_wait3A_1306 = arith.constant 0 : i32
        %dma_wait3A_1307 = tpu.memref_slice %arg7[%dma_wait3A_1302, %dma_wait3A_1304, %dma_wait3A_1305, %dma_wait3A_1306] : memref<4x8x8x128xf32, #tpu.memory_space<vmem>> -> memref<1x8x8x128xf32, #tpu.memory_space<vmem>>
        %dma_wait3A_1308 = tpu.memref_squeeze %dma_wait3A_1307 : memref<1x8x8x128xf32, #tpu.memory_space<vmem>> -> memref<8x8x128xf32, #tpu.memory_space<vmem>>
        %dma_wait3A_1309 = arith.constant 0 : i32
        %dma_wait3A_1310 = arith.constant 0 : i32
        %dma_wait3A_1311 = arith.constant 0 : i32
        %dma_wait3A_1312 = tpu.memref_slice %arg4[%select_n3A_1259, %dma_wait3A_1309, %select_n3A_1301, %dma_wait3A_1310, %dma_wait3A_1311] : memref<50x8x128x8x128xf32, #tpu.memory_space<hbm>> -> memref<1x8x1x8x128xf32, #tpu.memory_space<hbm>>
        %dma_wait3A_1313 = tpu.memref_squeeze %dma_wait3A_1312 : memref<1x8x1x8x128xf32, #tpu.memory_space<hbm>> -> memref<8x8x128xf32, #tpu.memory_space<hbm>>
        %dma_wait3A_1314 = tpu.memref_slice %arg10[%dma_wait3A_1303] : memref<4x!tpu.dma_semaphore, #tpu.memory_space<semaphore_mem>> -> memref<1x!tpu.dma_semaphore, #tpu.memory_space<semaphore_mem>>
        %dma_wait3A_1315 = tpu.memref_squeeze %dma_wait3A_1314 : memref<1x!tpu.dma_semaphore, #tpu.memory_space<semaphore_mem>> -> memref<!tpu.dma_semaphore, #tpu.memory_space<semaphore_mem>>
        %dma_wait3A_1316 = arith.constant 0 : i32
        %dma_wait3A_1317 = arith.constant 0 : i32
        %dma_wait3A_1318 = arith.constant 0 : i32
        %dma_wait3A_1319 = tpu.memref_slice %arg4[%select_n3A_1259, %dma_wait3A_1316, %select_n3A_1301, %dma_wait3A_1317, %dma_wait3A_1318] : memref<50x8x128x8x128xf32, #tpu.memory_space<hbm>> -> memref<1x8x1x8x128xf32, #tpu.memory_space<hbm>>
        %dma_wait3A_1320 = tpu.memref_squeeze %dma_wait3A_1319 : memref<1x8x1x8x128xf32, #tpu.memory_space<hbm>> -> memref<8x8x128xf32, #tpu.memory_space<hbm>>
        %dma_wait3A_1321 = arith.constant 0 : i32
        %dma_wait3A_1322 = arith.constant 0 : i32
        %dma_wait3A_1323 = arith.constant 0 : i32
        %dma_wait3A_1324 = tpu.memref_slice %arg7[%dma_wait3A_1302, %dma_wait3A_1321, %dma_wait3A_1322, %dma_wait3A_1323] : memref<4x8x8x128xf32, #tpu.memory_space<vmem>> -> memref<1x8x8x128xf32, #tpu.memory_space<vmem>>
        %dma_wait3A_1325 = tpu.memref_squeeze %dma_wait3A_1324 : memref<1x8x8x128xf32, #tpu.memory_space<vmem>> -> memref<8x8x128xf32, #tpu.memory_space<vmem>>
        tpu.wait_dma2 semaphore(%dma_wait3A_1315 : memref<!tpu.dma_semaphore, #tpu.memory_space<semaphore_mem>>) src(%dma_wait3A_1325 : memref<8x8x128xf32, #tpu.memory_space<vmem>>) dst(%dma_wait3A_1320 : memref<8x8x128xf32, #tpu.memory_space<hbm>>)
      } else {
      }
      %parallel_loop3A_1007 = arith.constant 0 : i32
      %parallel_loop3A_1008 = arith.constant 64 : i32
      %parallel_loop3A_1009 = arith.constant 1 : i32
      scf.for %parallel_loop3A_1233 = %parallel_loop3A_1007 to %parallel_loop3A_1008 step %parallel_loop3A_1009  : i32 {
        %parallel_loop3A_1234 = vector.broadcast %parallel_loop3A_1233 : i32 to vector<16xi32>
        %parallel_loop3A_1235 = arith.addi %parallel_loop3A_1234, %iota3A : vector<16xi32>
        %parallel_loop3A_1236 = arith.constant 63 : i32
        %parallel_loop3A_1237 = vector.broadcast %parallel_loop3A_1236 : i32 to vector<16xi32>
        %parallel_loop3A_1238 = arith.andi %parallel_loop3A_1235, %parallel_loop3A_1237 : vector<16xi32>
        %parallel_loop3A_1239 = arith.constant 3 : i32
        %parallel_loop3A_1240 = vector.broadcast %parallel_loop3A_1239 : i32 to vector<16xi32>
        %parallel_loop3A_1241 = arith.shrui %parallel_loop3A_1238, %parallel_loop3A_1240 : vector<16xi32>
        %parallel_loop3A_1242 = arith.constant 7 : i32
        %parallel_loop3A_1243 = vector.broadcast %parallel_loop3A_1242 : i32 to vector<16xi32>
        %parallel_loop3A_1244 = arith.andi %parallel_loop3A_1238, %parallel_loop3A_1243 : vector<16xi32>
        %parallel_loop3A_1245 = arith.constant 2 : i32
        %parallel_loop3A_1246 = arith.constant 0 : i32
        %parallel_loop3A_1247 = arith.constant 0 : i32
        %parallel_loop3A_1248 = tpu.memref_slice %arg6[%parallel_loop3A_1245, %parallel_loop3A_1246, %parallel_loop3A_1247] : memref<4x128x64xf32, #tpu.memory_space<vmem>> -> memref<1x128x64xf32, #tpu.memory_space<vmem>>
        %parallel_loop3A_1249 = tpu.memref_squeeze %parallel_loop3A_1248 : memref<1x128x64xf32, #tpu.memory_space<vmem>> -> memref<128x64xf32, #tpu.memory_space<vmem>>
        %parallel_loop3A_1250 = tpu.vector_load_idx %parallel_loop3A_1249[%add3A_5, %parallel_loop3A_1238] : memref<128x64xf32, #tpu.memory_space<vmem>>[vector<16xi32>, vector<16xi32>], vector<16xf32>,
        %parallel_loop3A_1251 = arith.constant 2 : i32
        %parallel_loop3A_1252 = arith.constant 0 : i32
        %parallel_loop3A_1253 = arith.constant 0 : i32
        %parallel_loop3A_1254 = arith.constant 0 : i32
        %parallel_loop3A_1255 = tpu.memref_slice %arg7[%parallel_loop3A_1251, %parallel_loop3A_1252, %parallel_loop3A_1253, %parallel_loop3A_1254] : memref<4x8x8x128xf32, #tpu.memory_space<vmem>> -> memref<1x8x8x128xf32, #tpu.memory_space<vmem>>
        %parallel_loop3A_1256 = tpu.memref_squeeze %parallel_loop3A_1255 : memref<1x8x8x128xf32, #tpu.memory_space<vmem>> -> memref<8x8x128xf32, #tpu.memory_space<vmem>>
        tpu.vector_store_idx %parallel_loop3A_1256[%parallel_loop3A_1241, %parallel_loop3A_1244, %add3A_5], %parallel_loop3A_1250 : memref<8x8x128xf32, #tpu.memory_space<vmem>>[vector<16xi32>, vector<16xi32>, vector<16xi32>], vector<16xf32>,
        %parallel_loop3A_1257 = arith.constant 2 : i32
        %parallel_loop3A_1258 = arith.constant 0 : i32
        %parallel_loop3A_1259 = arith.constant 0 : i32
        %parallel_loop3A_1260 = tpu.memref_slice %arg6[%parallel_loop3A_1257, %parallel_loop3A_1258, %parallel_loop3A_1259] : memref<4x128x64xf32, #tpu.memory_space<vmem>> -> memref<1x128x64xf32, #tpu.memory_space<vmem>>
        %parallel_loop3A_1261 = tpu.memref_squeeze %parallel_loop3A_1260 : memref<1x128x64xf32, #tpu.memory_space<vmem>> -> memref<128x64xf32, #tpu.memory_space<vmem>>
        %parallel_loop3A_1262 = tpu.vector_load_idx %parallel_loop3A_1261[%add3A_8, %parallel_loop3A_1238] : memref<128x64xf32, #tpu.memory_space<vmem>>[vector<16xi32>, vector<16xi32>], vector<16xf32>,
        %parallel_loop3A_1263 = arith.constant 2 : i32
        %parallel_loop3A_1264 = arith.constant 0 : i32
        %parallel_loop3A_1265 = arith.constant 0 : i32
        %parallel_loop3A_1266 = arith.constant 0 : i32
        %parallel_loop3A_1267 = tpu.memref_slice %arg7[%parallel_loop3A_1263, %parallel_loop3A_1264, %parallel_loop3A_1265, %parallel_loop3A_1266] : memref<4x8x8x128xf32, #tpu.memory_space<vmem>> -> memref<1x8x8x128xf32, #tpu.memory_space<vmem>>
        %parallel_loop3A_1268 = tpu.memref_squeeze %parallel_loop3A_1267 : memref<1x8x8x128xf32, #tpu.memory_space<vmem>> -> memref<8x8x128xf32, #tpu.memory_space<vmem>>
        tpu.vector_store_idx %parallel_loop3A_1268[%parallel_loop3A_1241, %parallel_loop3A_1244, %add3A_8], %parallel_loop3A_1262 : memref<8x8x128xf32, #tpu.memory_space<vmem>>[vector<16xi32>, vector<16xi32>, vector<16xi32>], vector<16xf32>,
        %parallel_loop3A_1269 = arith.constant 2 : i32
        %parallel_loop3A_1270 = arith.constant 0 : i32
        %parallel_loop3A_1271 = arith.constant 0 : i32
        %parallel_loop3A_1272 = tpu.memref_slice %arg6[%parallel_loop3A_1269, %parallel_loop3A_1270, %parallel_loop3A_1271] : memref<4x128x64xf32, #tpu.memory_space<vmem>> -> memref<1x128x64xf32, #tpu.memory_space<vmem>>
        %parallel_loop3A_1273 = tpu.memref_squeeze %parallel_loop3A_1272 : memref<1x128x64xf32, #tpu.memory_space<vmem>> -> memref<128x64xf32, #tpu.memory_space<vmem>>
        %parallel_loop3A_1274 = tpu.vector_load_idx %parallel_loop3A_1273[%add3A_11, %parallel_loop3A_1238] : memref<128x64xf32, #tpu.memory_space<vmem>>[vector<16xi32>, vector<16xi32>], vector<16xf32>,
        %parallel_loop3A_1275 = arith.constant 2 : i32
        %parallel_loop3A_1276 = arith.constant 0 : i32
        %parallel_loop3A_1277 = arith.constant 0 : i32
        %parallel_loop3A_1278 = arith.constant 0 : i32
        %parallel_loop3A_1279 = tpu.memref_slice %arg7[%parallel_loop3A_1275, %parallel_loop3A_1276, %parallel_loop3A_1277, %parallel_loop3A_1278] : memref<4x8x8x128xf32, #tpu.memory_space<vmem>> -> memref<1x8x8x128xf32, #tpu.memory_space<vmem>>
        %parallel_loop3A_1280 = tpu.memref_squeeze %parallel_loop3A_1279 : memref<1x8x8x128xf32, #tpu.memory_space<vmem>> -> memref<8x8x128xf32, #tpu.memory_space<vmem>>
        tpu.vector_store_idx %parallel_loop3A_1280[%parallel_loop3A_1241, %parallel_loop3A_1244, %add3A_11], %parallel_loop3A_1274 : memref<8x8x128xf32, #tpu.memory_space<vmem>>[vector<16xi32>, vector<16xi32>, vector<16xi32>], vector<16xf32>,
        %parallel_loop3A_1281 = arith.constant 2 : i32
        %parallel_loop3A_1282 = arith.constant 0 : i32
        %parallel_loop3A_1283 = arith.constant 0 : i32
        %parallel_loop3A_1284 = tpu.memref_slice %arg6[%parallel_loop3A_1281, %parallel_loop3A_1282, %parallel_loop3A_1283] : memref<4x128x64xf32, #tpu.memory_space<vmem>> -> memref<1x128x64xf32, #tpu.memory_space<vmem>>
        %parallel_loop3A_1285 = tpu.memref_squeeze %parallel_loop3A_1284 : memref<1x128x64xf32, #tpu.memory_space<vmem>> -> memref<128x64xf32, #tpu.memory_space<vmem>>
        %parallel_loop3A_1286 = tpu.vector_load_idx %parallel_loop3A_1285[%add3A_14, %parallel_loop3A_1238] : memref<128x64xf32, #tpu.memory_space<vmem>>[vector<16xi32>, vector<16xi32>], vector<16xf32>,
        %parallel_loop3A_1287 = arith.constant 2 : i32
        %parallel_loop3A_1288 = arith.constant 0 : i32
        %parallel_loop3A_1289 = arith.constant 0 : i32
        %parallel_loop3A_1290 = arith.constant 0 : i32
        %parallel_loop3A_1291 = tpu.memref_slice %arg7[%parallel_loop3A_1287, %parallel_loop3A_1288, %parallel_loop3A_1289, %parallel_loop3A_1290] : memref<4x8x8x128xf32, #tpu.memory_space<vmem>> -> memref<1x8x8x128xf32, #tpu.memory_space<vmem>>
        %parallel_loop3A_1292 = tpu.memref_squeeze %parallel_loop3A_1291 : memref<1x8x8x128xf32, #tpu.memory_space<vmem>> -> memref<8x8x128xf32, #tpu.memory_space<vmem>>
        tpu.vector_store_idx %parallel_loop3A_1292[%parallel_loop3A_1241, %parallel_loop3A_1244, %add3A_14], %parallel_loop3A_1286 : memref<8x8x128xf32, #tpu.memory_space<vmem>>[vector<16xi32>, vector<16xi32>, vector<16xi32>], vector<16xf32>,
        %parallel_loop3A_1293 = arith.constant 2 : i32
        %parallel_loop3A_1294 = arith.constant 0 : i32
        %parallel_loop3A_1295 = arith.constant 0 : i32
        %parallel_loop3A_1296 = tpu.memref_slice %arg6[%parallel_loop3A_1293, %parallel_loop3A_1294, %parallel_loop3A_1295] : memref<4x128x64xf32, #tpu.memory_space<vmem>> -> memref<1x128x64xf32, #tpu.memory_space<vmem>>
        %parallel_loop3A_1297 = tpu.memref_squeeze %parallel_loop3A_1296 : memref<1x128x64xf32, #tpu.memory_space<vmem>> -> memref<128x64xf32, #tpu.memory_space<vmem>>
        %parallel_loop3A_1298 = tpu.vector_load_idx %parallel_loop3A_1297[%add3A_17, %parallel_loop3A_1238] : memref<128x64xf32, #tpu.memory_space<vmem>>[vector<16xi32>, vector<16xi32>], vector<16xf32>,
        %parallel_loop3A_1299 = arith.constant 2 : i32
        %parallel_loop3A_1300 = arith.constant 0 : i32
        %parallel_loop3A_1301 = arith.constant 0 : i32
        %parallel_loop3A_1302 = arith.constant 0 : i32
        %parallel_loop3A_1303 = tpu.memref_slice %arg7[%parallel_loop3A_1299, %parallel_loop3A_1300, %parallel_loop3A_1301, %parallel_loop3A_1302] : memref<4x8x8x128xf32, #tpu.memory_space<vmem>> -> memref<1x8x8x128xf32, #tpu.memory_space<vmem>>
        %parallel_loop3A_1304 = tpu.memref_squeeze %parallel_loop3A_1303 : memref<1x8x8x128xf32, #tpu.memory_space<vmem>> -> memref<8x8x128xf32, #tpu.memory_space<vmem>>
        tpu.vector_store_idx %parallel_loop3A_1304[%parallel_loop3A_1241, %parallel_loop3A_1244, %add3A_17], %parallel_loop3A_1298 : memref<8x8x128xf32, #tpu.memory_space<vmem>>[vector<16xi32>, vector<16xi32>, vector<16xi32>], vector<16xf32>,
        %parallel_loop3A_1305 = arith.constant 2 : i32
        %parallel_loop3A_1306 = arith.constant 0 : i32
        %parallel_loop3A_1307 = arith.constant 0 : i32
        %parallel_loop3A_1308 = tpu.memref_slice %arg6[%parallel_loop3A_1305, %parallel_loop3A_1306, %parallel_loop3A_1307] : memref<4x128x64xf32, #tpu.memory_space<vmem>> -> memref<1x128x64xf32, #tpu.memory_space<vmem>>
        %parallel_loop3A_1309 = tpu.memref_squeeze %parallel_loop3A_1308 : memref<1x128x64xf32, #tpu.memory_space<vmem>> -> memref<128x64xf32, #tpu.memory_space<vmem>>
        %parallel_loop3A_1310 = tpu.vector_load_idx %parallel_loop3A_1309[%add3A_20, %parallel_loop3A_1238] : memref<128x64xf32, #tpu.memory_space<vmem>>[vector<16xi32>, vector<16xi32>], vector<16xf32>,
        %parallel_loop3A_1311 = arith.constant 2 : i32
        %parallel_loop3A_1312 = arith.constant 0 : i32
        %parallel_loop3A_1313 = arith.constant 0 : i32
        %parallel_loop3A_1314 = arith.constant 0 : i32
        %parallel_loop3A_1315 = tpu.memref_slice %arg7[%parallel_loop3A_1311, %parallel_loop3A_1312, %parallel_loop3A_1313, %parallel_loop3A_1314] : memref<4x8x8x128xf32, #tpu.memory_space<vmem>> -> memref<1x8x8x128xf32, #tpu.memory_space<vmem>>
        %parallel_loop3A_1316 = tpu.memref_squeeze %parallel_loop3A_1315 : memref<1x8x8x128xf32, #tpu.memory_space<vmem>> -> memref<8x8x128xf32, #tpu.memory_space<vmem>>
        tpu.vector_store_idx %parallel_loop3A_1316[%parallel_loop3A_1241, %parallel_loop3A_1244, %add3A_20], %parallel_loop3A_1310 : memref<8x8x128xf32, #tpu.memory_space<vmem>>[vector<16xi32>, vector<16xi32>, vector<16xi32>], vector<16xf32>,
        %parallel_loop3A_1317 = arith.constant 2 : i32
        %parallel_loop3A_1318 = arith.constant 0 : i32
        %parallel_loop3A_1319 = arith.constant 0 : i32
        %parallel_loop3A_1320 = tpu.memref_slice %arg6[%parallel_loop3A_1317, %parallel_loop3A_1318, %parallel_loop3A_1319] : memref<4x128x64xf32, #tpu.memory_space<vmem>> -> memref<1x128x64xf32, #tpu.memory_space<vmem>>
        %parallel_loop3A_1321 = tpu.memref_squeeze %parallel_loop3A_1320 : memref<1x128x64xf32, #tpu.memory_space<vmem>> -> memref<128x64xf32, #tpu.memory_space<vmem>>
        %parallel_loop3A_1322 = tpu.vector_load_idx %parallel_loop3A_1321[%add3A_23, %parallel_loop3A_1238] : memref<128x64xf32, #tpu.memory_space<vmem>>[vector<16xi32>, vector<16xi32>], vector<16xf32>,
        %parallel_loop3A_1323 = arith.constant 2 : i32
        %parallel_loop3A_1324 = arith.constant 0 : i32
        %parallel_loop3A_1325 = arith.constant 0 : i32
        %parallel_loop3A_1326 = arith.constant 0 : i32
        %parallel_loop3A_1327 = tpu.memref_slice %arg7[%parallel_loop3A_1323, %parallel_loop3A_1324, %parallel_loop3A_1325, %parallel_loop3A_1326] : memref<4x8x8x128xf32, #tpu.memory_space<vmem>> -> memref<1x8x8x128xf32, #tpu.memory_space<vmem>>
        %parallel_loop3A_1328 = tpu.memref_squeeze %parallel_loop3A_1327 : memref<1x8x8x128xf32, #tpu.memory_space<vmem>> -> memref<8x8x128xf32, #tpu.memory_space<vmem>>
        tpu.vector_store_idx %parallel_loop3A_1328[%parallel_loop3A_1241, %parallel_loop3A_1244, %add3A_23], %parallel_loop3A_1322 : memref<8x8x128xf32, #tpu.memory_space<vmem>>[vector<16xi32>, vector<16xi32>, vector<16xi32>], vector<16xf32>,
        %parallel_loop3A_1329 = arith.constant 2 : i32
        %parallel_loop3A_1330 = arith.constant 0 : i32
        %parallel_loop3A_1331 = arith.constant 0 : i32
        %parallel_loop3A_1332 = tpu.memref_slice %arg6[%parallel_loop3A_1329, %parallel_loop3A_1330, %parallel_loop3A_1331] : memref<4x128x64xf32, #tpu.memory_space<vmem>> -> memref<1x128x64xf32, #tpu.memory_space<vmem>>
        %parallel_loop3A_1333 = tpu.memref_squeeze %parallel_loop3A_1332 : memref<1x128x64xf32, #tpu.memory_space<vmem>> -> memref<128x64xf32, #tpu.memory_space<vmem>>
        %parallel_loop3A_1334 = tpu.vector_load_idx %parallel_loop3A_1333[%add3A_26, %parallel_loop3A_1238] : memref<128x64xf32, #tpu.memory_space<vmem>>[vector<16xi32>, vector<16xi32>], vector<16xf32>,
        %parallel_loop3A_1335 = arith.constant 2 : i32
        %parallel_loop3A_1336 = arith.constant 0 : i32
        %parallel_loop3A_1337 = arith.constant 0 : i32
        %parallel_loop3A_1338 = arith.constant 0 : i32
        %parallel_loop3A_1339 = tpu.memref_slice %arg7[%parallel_loop3A_1335, %parallel_loop3A_1336, %parallel_loop3A_1337, %parallel_loop3A_1338] : memref<4x8x8x128xf32, #tpu.memory_space<vmem>> -> memref<1x8x8x128xf32, #tpu.memory_space<vmem>>
        %parallel_loop3A_1340 = tpu.memref_squeeze %parallel_loop3A_1339 : memref<1x8x8x128xf32, #tpu.memory_space<vmem>> -> memref<8x8x128xf32, #tpu.memory_space<vmem>>
        tpu.vector_store_idx %parallel_loop3A_1340[%parallel_loop3A_1241, %parallel_loop3A_1244, %add3A_26], %parallel_loop3A_1334 : memref<8x8x128xf32, #tpu.memory_space<vmem>>[vector<16xi32>, vector<16xi32>, vector<16xi32>], vector<16xf32>,
      } {sc.loop_unroll_factor = 4 : i64, sc.parallel_access}
      %add3A_1010 = arith.addi %mul3A_2, %add3A_972 : i32
      %jit3A_1011 = arith.constant 128 : i32
      %div3A_1012 = arith.divsi %add3A_1010, %jit3A_1011 : i32
      %sign3A_1013 = arith.constant 0 : i32
      %sign3A_1014 = arith.cmpi sgt, %add3A_1010, %sign3A_1013 : i32
      %sign3A_1015 = arith.extui %sign3A_1014 : i1 to i32
      %sign3A_1016 = arith.constant 0 : i32
      %sign3A_1017 = arith.cmpi slt, %add3A_1010, %sign3A_1016 : i32
      %sign3A_1018 = arith.extui %sign3A_1017 : i1 to i32
      %sign3A_1019 = arith.subi %sign3A_1015, %sign3A_1018 : i32
      %sign3A_1020 = arith.constant 0 : i32
      %sign3A_1021 = arith.cmpi sgt, %jit3A_1011, %sign3A_1020 : i32
      %sign3A_1022 = arith.extui %sign3A_1021 : i1 to i32
      %sign3A_1023 = arith.constant 0 : i32
      %sign3A_1024 = arith.cmpi slt, %jit3A_1011, %sign3A_1023 : i32
      %sign3A_1025 = arith.extui %sign3A_1024 : i1 to i32
      %sign3A_1026 = arith.subi %sign3A_1022, %sign3A_1025 : i32
      %ne3A_1027 = arith.cmpi ne, %sign3A_1019, %sign3A_1026 : i32
      %rem3A_1028 = arith.remsi %add3A_1010, %jit3A_1011 : i32
      %ne3A_1029 = arith.constant 0 : i32
      %ne3A_1030 = arith.cmpi ne, %rem3A_1028, %ne3A_1029 : i32
      %and3A_1031 = arith.andi %ne3A_1027, %ne3A_1030 : i1
      %sub3A_1032 = arith.constant 1 : i32
      %sub3A_1033 = arith.subi %div3A_1012, %sub3A_1032 : i32
      %select_n3A_1034 = arith.select %and3A_1031, %sub3A_1033, %div3A_1012 : i32
      %jit3A_1035 = arith.constant 128 : i32
      %eq3A_1036 = arith.constant 0 : i32
      %eq3A_1037 = arith.cmpi eq, %jit3A_1035, %eq3A_1036 : i32
      %jit3A_1038 = arith.constant 1 : i32
      %select_n3A_1039 = arith.select %eq3A_1037, %jit3A_1038, %jit3A_1035 : i32
      %rem3A_1040 = arith.remsi %add3A_1010, %select_n3A_1039 : i32
      %ne3A_1041 = arith.constant 0 : i32
      %ne3A_1042 = arith.cmpi ne, %rem3A_1040, %ne3A_1041 : i32
      %lt3A_1043 = arith.constant 0 : i32
      %lt3A_1044 = arith.cmpi slt, %rem3A_1040, %lt3A_1043 : i32
      %lt3A_1045 = arith.constant 0 : i32
      %lt3A_1046 = arith.cmpi slt, %select_n3A_1039, %lt3A_1045 : i32
      %ne3A_1047 = arith.xori %lt3A_1044, %lt3A_1046 : i1
      %and3A_1048 = arith.andi %ne3A_1047, %ne3A_1042 : i1
      %add3A_1049 = arith.addi %rem3A_1040, %select_n3A_1039 : i32
      %select_n3A_1050 = arith.select %and3A_1048, %add3A_1049, %rem3A_1040 : i32
      %mul3A_1051 = arith.constant 128 : i32
      %mul3A_1052 = arith.muli %select_n3A_1050, %mul3A_1051 : i32
      %jit3A_1053 = arith.constant 128 : i32
      %div3A_1054 = arith.divsi %mul3A_1052, %jit3A_1053 : i32
      %sign3A_1055 = arith.constant 0 : i32
      %sign3A_1056 = arith.cmpi sgt, %mul3A_1052, %sign3A_1055 : i32
      %sign3A_1057 = arith.extui %sign3A_1056 : i1 to i32
      %sign3A_1058 = arith.constant 0 : i32
      %sign3A_1059 = arith.cmpi slt, %mul3A_1052, %sign3A_1058 : i32
      %sign3A_1060 = arith.extui %sign3A_1059 : i1 to i32
      %sign3A_1061 = arith.subi %sign3A_1057, %sign3A_1060 : i32
      %sign3A_1062 = arith.constant 0 : i32
      %sign3A_1063 = arith.cmpi sgt, %jit3A_1053, %sign3A_1062 : i32
      %sign3A_1064 = arith.extui %sign3A_1063 : i1 to i32
      %sign3A_1065 = arith.constant 0 : i32
      %sign3A_1066 = arith.cmpi slt, %jit3A_1053, %sign3A_1065 : i32
      %sign3A_1067 = arith.extui %sign3A_1066 : i1 to i32
      %sign3A_1068 = arith.subi %sign3A_1064, %sign3A_1067 : i32
      %ne3A_1069 = arith.cmpi ne, %sign3A_1061, %sign3A_1068 : i32
      %rem3A_1070 = arith.remsi %mul3A_1052, %jit3A_1053 : i32
      %ne3A_1071 = arith.constant 0 : i32
      %ne3A_1072 = arith.cmpi ne, %rem3A_1070, %ne3A_1071 : i32
      %and3A_1073 = arith.andi %ne3A_1069, %ne3A_1072 : i1
      %sub3A_1074 = arith.constant 1 : i32
      %sub3A_1075 = arith.subi %div3A_1054, %sub3A_1074 : i32
      %select_n3A_1076 = arith.select %and3A_1073, %sub3A_1075, %div3A_1054 : i32
      %dma_start3A_1077 = arith.constant 2 : i32
      %dma_start3A_1078 = arith.constant 2 : i32
      %dma_start3A_1079 = arith.constant 0 : i32
      %dma_start3A_1080 = arith.constant 0 : i32
      %dma_start3A_1081 = arith.constant 0 : i32
      %dma_start3A_1082 = tpu.memref_slice %arg7[%dma_start3A_1077, %dma_start3A_1079, %dma_start3A_1080, %dma_start3A_1081] : memref<4x8x8x128xf32, #tpu.memory_space<vmem>> -> memref<1x8x8x128xf32, #tpu.memory_space<vmem>>
      %dma_start3A_1083 = tpu.memref_squeeze %dma_start3A_1082 : memref<1x8x8x128xf32, #tpu.memory_space<vmem>> -> memref<8x8x128xf32, #tpu.memory_space<vmem>>
      %dma_start3A_1084 = arith.constant 0 : i32
      %dma_start3A_1085 = arith.constant 0 : i32
      %dma_start3A_1086 = arith.constant 0 : i32
      %dma_start3A_1087 = tpu.memref_slice %arg4[%select_n3A_1034, %dma_start3A_1084, %select_n3A_1076, %dma_start3A_1085, %dma_start3A_1086] : memref<50x8x128x8x128xf32, #tpu.memory_space<hbm>> -> memref<1x8x1x8x128xf32, #tpu.memory_space<hbm>>
      %dma_start3A_1088 = tpu.memref_squeeze %dma_start3A_1087 : memref<1x8x1x8x128xf32, #tpu.memory_space<hbm>> -> memref<8x8x128xf32, #tpu.memory_space<hbm>>
      %dma_start3A_1089 = tpu.memref_slice %arg10[%dma_start3A_1078] : memref<4x!tpu.dma_semaphore, #tpu.memory_space<semaphore_mem>> -> memref<1x!tpu.dma_semaphore, #tpu.memory_space<semaphore_mem>>
      %dma_start3A_1090 = tpu.memref_squeeze %dma_start3A_1089 : memref<1x!tpu.dma_semaphore, #tpu.memory_space<semaphore_mem>> -> memref<!tpu.dma_semaphore, #tpu.memory_space<semaphore_mem>>
      %dma_start3A_1091 = arith.constant 0 : i32
      %dma_start3A_1092 = arith.constant 0 : i32
      %dma_start3A_1093 = arith.constant 0 : i32
      %dma_start3A_1094 = tpu.memref_slice %arg4[%select_n3A_1034, %dma_start3A_1091, %select_n3A_1076, %dma_start3A_1092, %dma_start3A_1093] : memref<50x8x128x8x128xf32, #tpu.memory_space<hbm>> -> memref<1x8x1x8x128xf32, #tpu.memory_space<hbm>>
      %dma_start3A_1095 = tpu.memref_squeeze %dma_start3A_1094 : memref<1x8x1x8x128xf32, #tpu.memory_space<hbm>> -> memref<8x8x128xf32, #tpu.memory_space<hbm>>
      %dma_start3A_1096 = arith.constant 0 : i32
      %dma_start3A_1097 = arith.constant 0 : i32
      %dma_start3A_1098 = arith.constant 0 : i32
      %dma_start3A_1099 = tpu.memref_slice %arg7[%dma_start3A_1077, %dma_start3A_1096, %dma_start3A_1097, %dma_start3A_1098] : memref<4x8x8x128xf32, #tpu.memory_space<vmem>> -> memref<1x8x8x128xf32, #tpu.memory_space<vmem>>
      %dma_start3A_1100 = tpu.memref_squeeze %dma_start3A_1099 : memref<1x8x8x128xf32, #tpu.memory_space<vmem>> -> memref<8x8x128xf32, #tpu.memory_space<vmem>>
      tpu.enqueue_dma source(%dma_start3A_1100 : memref<8x8x128xf32, #tpu.memory_space<vmem>>) target(%dma_start3A_1095 : memref<8x8x128xf32, #tpu.memory_space<hbm>>) target_semaphore(%dma_start3A_1090 : memref<!tpu.dma_semaphore, #tpu.memory_space<semaphore_mem>>)
      %mul3A_1101 = arith.constant 4 : i32
      %mul3A_1102 = arith.muli %scan3A_708, %mul3A_1101 : i32
      %add3A_1103 = arith.constant 3 : i32
      %add3A_1104 = arith.addi %mul3A_1102, %add3A_1103 : i32
      %add3A_1105 = arith.constant 3 : i32
      %add3A_1106 = arith.addi %add3A_1104, %add3A_1105 : i32
      %lt3A_1107 = arith.constant 200 : i32
      %lt3A_1108 = arith.cmpi slt, %add3A_1106, %lt3A_1107 : i32
      %convert_element_type3A_1109 = arith.extui %lt3A_1108 : i1 to i32
      %cond3A_1110 = arith.constant 0 : i32
      %cond3A_1111 = arith.cmpi ne, %convert_element_type3A_1109, %cond3A_1110 : i32
      scf.if %cond3A_1111 {
        %add3A_1233 = arith.constant 3 : i32
        %add3A_1234 = arith.addi %add3A_1104, %add3A_1233 : i32
        %add3A_1235 = arith.addi %mul3A_2, %add3A_1234 : i32
        %jit3A_1236 = arith.constant 128 : i32
        %div3A_1237 = arith.divsi %add3A_1235, %jit3A_1236 : i32
        %sign3A_1238 = arith.constant 0 : i32
        %sign3A_1239 = arith.cmpi sgt, %add3A_1235, %sign3A_1238 : i32
        %sign3A_1240 = arith.extui %sign3A_1239 : i1 to i32
        %sign3A_1241 = arith.constant 0 : i32
        %sign3A_1242 = arith.cmpi slt, %add3A_1235, %sign3A_1241 : i32
        %sign3A_1243 = arith.extui %sign3A_1242 : i1 to i32
        %sign3A_1244 = arith.subi %sign3A_1240, %sign3A_1243 : i32
        %sign3A_1245 = arith.constant 0 : i32
        %sign3A_1246 = arith.cmpi sgt, %jit3A_1236, %sign3A_1245 : i32
        %sign3A_1247 = arith.extui %sign3A_1246 : i1 to i32
        %sign3A_1248 = arith.constant 0 : i32
        %sign3A_1249 = arith.cmpi slt, %jit3A_1236, %sign3A_1248 : i32
        %sign3A_1250 = arith.extui %sign3A_1249 : i1 to i32
        %sign3A_1251 = arith.subi %sign3A_1247, %sign3A_1250 : i32
        %ne3A_1252 = arith.cmpi ne, %sign3A_1244, %sign3A_1251 : i32
        %rem3A_1253 = arith.remsi %add3A_1235, %jit3A_1236 : i32
        %ne3A_1254 = arith.constant 0 : i32
        %ne3A_1255 = arith.cmpi ne, %rem3A_1253, %ne3A_1254 : i32
        %and3A_1256 = arith.andi %ne3A_1252, %ne3A_1255 : i1
        %sub3A_1257 = arith.constant 1 : i32
        %sub3A_1258 = arith.subi %div3A_1237, %sub3A_1257 : i32
        %select_n3A_1259 = arith.select %and3A_1256, %sub3A_1258, %div3A_1237 : i32
        %jit3A_1260 = arith.constant 128 : i32
        %eq3A_1261 = arith.constant 0 : i32
        %eq3A_1262 = arith.cmpi eq, %jit3A_1260, %eq3A_1261 : i32
        %jit3A_1263 = arith.constant 1 : i32
        %select_n3A_1264 = arith.select %eq3A_1262, %jit3A_1263, %jit3A_1260 : i32
        %rem3A_1265 = arith.remsi %add3A_1235, %select_n3A_1264 : i32
        %ne3A_1266 = arith.constant 0 : i32
        %ne3A_1267 = arith.cmpi ne, %rem3A_1265, %ne3A_1266 : i32
        %lt3A_1268 = arith.constant 0 : i32
        %lt3A_1269 = arith.cmpi slt, %rem3A_1265, %lt3A_1268 : i32
        %lt3A_1270 = arith.constant 0 : i32
        %lt3A_1271 = arith.cmpi slt, %select_n3A_1264, %lt3A_1270 : i32
        %ne3A_1272 = arith.xori %lt3A_1269, %lt3A_1271 : i1
        %and3A_1273 = arith.andi %ne3A_1272, %ne3A_1267 : i1
        %add3A_1274 = arith.addi %rem3A_1265, %select_n3A_1264 : i32
        %select_n3A_1275 = arith.select %and3A_1273, %add3A_1274, %rem3A_1265 : i32
        %mul3A_1276 = arith.constant 128 : i32
        %mul3A_1277 = arith.muli %select_n3A_1275, %mul3A_1276 : i32
        %dma_start3A_1278 = arith.constant 2 : i32
        %dma_start3A_1279 = arith.constant 2 : i32
        %dma_start3A_1280 = arith.constant 0 : i32
        %dma_start3A_1281 = tpu.memref_slice %arg5[%dma_start3A_1278, %dma_start3A_1280] : memref<4x128xi32, #tpu.memory_space<vmem>> -> memref<1x128xi32, #tpu.memory_space<vmem>>
        %dma_start3A_1282 = tpu.memref_squeeze %dma_start3A_1281 : memref<1x128xi32, #tpu.memory_space<vmem>> -> memref<128xi32, #tpu.memory_space<vmem>>
        %dma_start3A_1283 = tpu.memref_slice %arg2[%select_n3A_1259, %mul3A_1277] : memref<56x16384xi32, #tpu.memory_space<hbm>> -> memref<1x128xi32, #tpu.memory_space<hbm>>
        %dma_start3A_1284 = tpu.memref_squeeze %dma_start3A_1283 : memref<1x128xi32, #tpu.memory_space<hbm>> -> memref<128xi32, #tpu.memory_space<hbm>>
        %dma_start3A_1285 = tpu.memref_slice %arg8[%dma_start3A_1279] : memref<4x!tpu.dma_semaphore, #tpu.memory_space<semaphore_mem>> -> memref<1x!tpu.dma_semaphore, #tpu.memory_space<semaphore_mem>>
        %dma_start3A_1286 = tpu.memref_squeeze %dma_start3A_1285 : memref<1x!tpu.dma_semaphore, #tpu.memory_space<semaphore_mem>> -> memref<!tpu.dma_semaphore, #tpu.memory_space<semaphore_mem>>
        %dma_start3A_1287 = arith.constant 0 : i32
        %dma_start3A_1288 = tpu.memref_slice %arg5[%dma_start3A_1278, %dma_start3A_1287] : memref<4x128xi32, #tpu.memory_space<vmem>> -> memref<1x128xi32, #tpu.memory_space<vmem>>
        %dma_start3A_1289 = tpu.memref_squeeze %dma_start3A_1288 : memref<1x128xi32, #tpu.memory_space<vmem>> -> memref<128xi32, #tpu.memory_space<vmem>>
        %dma_start3A_1290 = tpu.memref_slice %arg2[%select_n3A_1259, %mul3A_1277] : memref<56x16384xi32, #tpu.memory_space<hbm>> -> memref<1x128xi32, #tpu.memory_space<hbm>>
        %dma_start3A_1291 = tpu.memref_squeeze %dma_start3A_1290 : memref<1x128xi32, #tpu.memory_space<hbm>> -> memref<128xi32, #tpu.memory_space<hbm>>
        tpu.enqueue_dma source(%dma_start3A_1291 : memref<128xi32, #tpu.memory_space<hbm>>) target(%dma_start3A_1289 : memref<128xi32, #tpu.memory_space<vmem>>) target_semaphore(%dma_start3A_1286 : memref<!tpu.dma_semaphore, #tpu.memory_space<semaphore_mem>>)
      } else {
      }
      %add3A_1112 = arith.constant 2 : i32
      %add3A_1113 = arith.addi %add3A_1104, %add3A_1112 : i32
      %lt3A_1114 = arith.constant 200 : i32
      %lt3A_1115 = arith.cmpi slt, %add3A_1113, %lt3A_1114 : i32
      %convert_element_type3A_1116 = arith.extui %lt3A_1115 : i1 to i32
      %cond3A_1117 = arith.constant 0 : i32
      %cond3A_1118 = arith.cmpi ne, %convert_element_type3A_1116, %cond3A_1117 : i32
      scf.if %cond3A_1118 {
        %add3A_1233 = arith.constant 2 : i32
        %add3A_1234 = arith.addi %add3A_1104, %add3A_1233 : i32
        %add3A_1235 = arith.addi %mul3A_2, %add3A_1234 : i32
        %jit3A_1236 = arith.constant 128 : i32
        %div3A_1237 = arith.divsi %add3A_1235, %jit3A_1236 : i32
        %sign3A_1238 = arith.constant 0 : i32
        %sign3A_1239 = arith.cmpi sgt, %add3A_1235, %sign3A_1238 : i32
        %sign3A_1240 = arith.extui %sign3A_1239 : i1 to i32
        %sign3A_1241 = arith.constant 0 : i32
        %sign3A_1242 = arith.cmpi slt, %add3A_1235, %sign3A_1241 : i32
        %sign3A_1243 = arith.extui %sign3A_1242 : i1 to i32
        %sign3A_1244 = arith.subi %sign3A_1240, %sign3A_1243 : i32
        %sign3A_1245 = arith.constant 0 : i32
        %sign3A_1246 = arith.cmpi sgt, %jit3A_1236, %sign3A_1245 : i32
        %sign3A_1247 = arith.extui %sign3A_1246 : i1 to i32
        %sign3A_1248 = arith.constant 0 : i32
        %sign3A_1249 = arith.cmpi slt, %jit3A_1236, %sign3A_1248 : i32
        %sign3A_1250 = arith.extui %sign3A_1249 : i1 to i32
        %sign3A_1251 = arith.subi %sign3A_1247, %sign3A_1250 : i32
        %ne3A_1252 = arith.cmpi ne, %sign3A_1244, %sign3A_1251 : i32
        %rem3A_1253 = arith.remsi %add3A_1235, %jit3A_1236 : i32
        %ne3A_1254 = arith.constant 0 : i32
        %ne3A_1255 = arith.cmpi ne, %rem3A_1253, %ne3A_1254 : i32
        %and3A_1256 = arith.andi %ne3A_1252, %ne3A_1255 : i1
        %sub3A_1257 = arith.constant 1 : i32
        %sub3A_1258 = arith.subi %div3A_1237, %sub3A_1257 : i32
        %select_n3A_1259 = arith.select %and3A_1256, %sub3A_1258, %div3A_1237 : i32
        %jit3A_1260 = arith.constant 128 : i32
        %eq3A_1261 = arith.constant 0 : i32
        %eq3A_1262 = arith.cmpi eq, %jit3A_1260, %eq3A_1261 : i32
        %jit3A_1263 = arith.constant 1 : i32
        %select_n3A_1264 = arith.select %eq3A_1262, %jit3A_1263, %jit3A_1260 : i32
        %rem3A_1265 = arith.remsi %add3A_1235, %select_n3A_1264 : i32
        %ne3A_1266 = arith.constant 0 : i32
        %ne3A_1267 = arith.cmpi ne, %rem3A_1265, %ne3A_1266 : i32
        %lt3A_1268 = arith.constant 0 : i32
        %lt3A_1269 = arith.cmpi slt, %rem3A_1265, %lt3A_1268 : i32
        %lt3A_1270 = arith.constant 0 : i32
        %lt3A_1271 = arith.cmpi slt, %select_n3A_1264, %lt3A_1270 : i32
        %ne3A_1272 = arith.xori %lt3A_1269, %lt3A_1271 : i1
        %and3A_1273 = arith.andi %ne3A_1272, %ne3A_1267 : i1
        %add3A_1274 = arith.addi %rem3A_1265, %select_n3A_1264 : i32
        %select_n3A_1275 = arith.select %and3A_1273, %add3A_1274, %rem3A_1265 : i32
        %mul3A_1276 = arith.constant 128 : i32
        %mul3A_1277 = arith.muli %select_n3A_1275, %mul3A_1276 : i32
        %dma_wait3A_1278 = arith.constant 1 : i32
        %dma_wait3A_1279 = arith.constant 1 : i32
        %dma_wait3A_1280 = arith.constant 0 : i32
        %dma_wait3A_1281 = tpu.memref_slice %arg5[%dma_wait3A_1278, %dma_wait3A_1280] : memref<4x128xi32, #tpu.memory_space<vmem>> -> memref<1x128xi32, #tpu.memory_space<vmem>>
        %dma_wait3A_1282 = tpu.memref_squeeze %dma_wait3A_1281 : memref<1x128xi32, #tpu.memory_space<vmem>> -> memref<128xi32, #tpu.memory_space<vmem>>
        %dma_wait3A_1283 = tpu.memref_slice %arg2[%select_n3A_1259, %mul3A_1277] : memref<56x16384xi32, #tpu.memory_space<hbm>> -> memref<1x128xi32, #tpu.memory_space<hbm>>
        %dma_wait3A_1284 = tpu.memref_squeeze %dma_wait3A_1283 : memref<1x128xi32, #tpu.memory_space<hbm>> -> memref<128xi32, #tpu.memory_space<hbm>>
        %dma_wait3A_1285 = tpu.memref_slice %arg8[%dma_wait3A_1279] : memref<4x!tpu.dma_semaphore, #tpu.memory_space<semaphore_mem>> -> memref<1x!tpu.dma_semaphore, #tpu.memory_space<semaphore_mem>>
        %dma_wait3A_1286 = tpu.memref_squeeze %dma_wait3A_1285 : memref<1x!tpu.dma_semaphore, #tpu.memory_space<semaphore_mem>> -> memref<!tpu.dma_semaphore, #tpu.memory_space<semaphore_mem>>
        %dma_wait3A_1287 = arith.constant 0 : i32
        %dma_wait3A_1288 = tpu.memref_slice %arg5[%dma_wait3A_1278, %dma_wait3A_1287] : memref<4x128xi32, #tpu.memory_space<vmem>> -> memref<1x128xi32, #tpu.memory_space<vmem>>
        %dma_wait3A_1289 = tpu.memref_squeeze %dma_wait3A_1288 : memref<1x128xi32, #tpu.memory_space<vmem>> -> memref<128xi32, #tpu.memory_space<vmem>>
        %dma_wait3A_1290 = tpu.memref_slice %arg2[%select_n3A_1259, %mul3A_1277] : memref<56x16384xi32, #tpu.memory_space<hbm>> -> memref<1x128xi32, #tpu.memory_space<hbm>>
        %dma_wait3A_1291 = tpu.memref_squeeze %dma_wait3A_1290 : memref<1x128xi32, #tpu.memory_space<hbm>> -> memref<128xi32, #tpu.memory_space<hbm>>
        tpu.wait_dma2 semaphore(%dma_wait3A_1286 : memref<!tpu.dma_semaphore, #tpu.memory_space<semaphore_mem>>) src(%dma_wait3A_1291 : memref<128xi32, #tpu.memory_space<hbm>>) dst(%dma_wait3A_1289 : memref<128xi32, #tpu.memory_space<vmem>>)
        %dma_start3A_1292 = arith.constant 1 : i32
        %dma_start3A_1293 = arith.constant 1 : i32
        %dma_start3A_1294 = arith.constant 1 : i32
        %dma_start3A_1295 = arith.constant 0 : i32
        %dma_start3A_1296 = arith.constant 0 : i32
        %dma_start3A_1297 = tpu.memref_slice %arg6[%dma_start3A_1293, %dma_start3A_1295, %dma_start3A_1296] : memref<4x128x64xf32, #tpu.memory_space<vmem>> -> memref<1x128x64xf32, #tpu.memory_space<vmem>>
        %dma_start3A_1298 = tpu.memref_squeeze %dma_start3A_1297 : memref<1x128x64xf32, #tpu.memory_space<vmem>> -> memref<128x64xf32, #tpu.memory_space<vmem>>
        %dma_start3A_1299 = arith.constant 0 : i32
        %dma_start3A_1300 = tpu.memref_slice %arg5[%dma_start3A_1292, %dma_start3A_1299] : memref<4x128xi32, #tpu.memory_space<vmem>> -> memref<1x128xi32, #tpu.memory_space<vmem>>
        %dma_start3A_1301 = tpu.memref_squeeze %dma_start3A_1300 : memref<1x128xi32, #tpu.memory_space<vmem>> -> memref<128xi32, #tpu.memory_space<vmem>>
        %dma_start3A_1302 = arith.constant 0 : i32
        %dma_start3A_1303 = arith.constant 0 : i32
        %dma_start3A_1304 = tpu.memref_slice %arg3[%dma_start3A_1302, %dma_start3A_1303] : memref<1000000x64xf32, #tpu.memory_space<hbm>> -> memref<1000000x64xf32, #tpu.memory_space<hbm>>
        %dma_start3A_1305 = tpu.memref_slice %arg9[%dma_start3A_1294] : memref<4x!tpu.dma_semaphore, #tpu.memory_space<semaphore_mem>> -> memref<1x!tpu.dma_semaphore, #tpu.memory_space<semaphore_mem>>
        %dma_start3A_1306 = tpu.memref_squeeze %dma_start3A_1305 : memref<1x!tpu.dma_semaphore, #tpu.memory_space<semaphore_mem>> -> memref<!tpu.dma_semaphore, #tpu.memory_space<semaphore_mem>>
        tpu.enqueue_indirect_dma source(%dma_start3A_1304 : memref<1000000x64xf32, #tpu.memory_space<hbm>>) target(%dma_start3A_1298 : memref<128x64xf32, #tpu.memory_space<vmem>>) offsets(%dma_start3A_1301 : memref<128xi32, #tpu.memory_space<vmem>>) semaphore(%dma_start3A_1306 : memref<!tpu.dma_semaphore, #tpu.memory_space<semaphore_mem>>)
      } else {
      }
      %dma_wait3A_1119 = arith.constant 3 : i32
      %dma_wait3A_1120 = arith.constant 3 : i32
      %dma_wait3A_1121 = arith.constant 3 : i32
      %dma_wait3A_1122 = arith.constant 0 : i32
      %dma_wait3A_1123 = arith.constant 0 : i32
      %dma_wait3A_1124 = tpu.memref_slice %arg6[%dma_wait3A_1120, %dma_wait3A_1122, %dma_wait3A_1123] : memref<4x128x64xf32, #tpu.memory_space<vmem>> -> memref<1x128x64xf32, #tpu.memory_space<vmem>>
      %dma_wait3A_1125 = tpu.memref_squeeze %dma_wait3A_1124 : memref<1x128x64xf32, #tpu.memory_space<vmem>> -> memref<128x64xf32, #tpu.memory_space<vmem>>
      %dma_wait3A_1126 = arith.constant 0 : i32
      %dma_wait3A_1127 = tpu.memref_slice %arg5[%dma_wait3A_1119, %dma_wait3A_1126] : memref<4x128xi32, #tpu.memory_space<vmem>> -> memref<1x128xi32, #tpu.memory_space<vmem>>
      %dma_wait3A_1128 = tpu.memref_squeeze %dma_wait3A_1127 : memref<1x128xi32, #tpu.memory_space<vmem>> -> memref<128xi32, #tpu.memory_space<vmem>>
      %dma_wait3A_1129 = arith.constant 0 : i32
      %dma_wait3A_1130 = arith.constant 0 : i32
      %dma_wait3A_1131 = tpu.memref_slice %arg3[%dma_wait3A_1129, %dma_wait3A_1130] : memref<1000000x64xf32, #tpu.memory_space<hbm>> -> memref<1000000x64xf32, #tpu.memory_space<hbm>>
      %dma_wait3A_1132 = tpu.memref_slice %arg9[%dma_wait3A_1121] : memref<4x!tpu.dma_semaphore, #tpu.memory_space<semaphore_mem>> -> memref<1x!tpu.dma_semaphore, #tpu.memory_space<semaphore_mem>>
      %dma_wait3A_1133 = tpu.memref_squeeze %dma_wait3A_1132 : memref<1x!tpu.dma_semaphore, #tpu.memory_space<semaphore_mem>> -> memref<!tpu.dma_semaphore, #tpu.memory_space<semaphore_mem>>
      tpu.wait_indirect_dma semaphore(%dma_wait3A_1133 : memref<!tpu.dma_semaphore, #tpu.memory_space<semaphore_mem>>) src(%dma_wait3A_1131 : memref<1000000x64xf32, #tpu.memory_space<hbm>>) dst(%dma_wait3A_1125 : memref<128x64xf32, #tpu.memory_space<vmem>>)
      %ge3A_1134 = arith.constant 4 : i32
      %ge3A_1135 = arith.cmpi sge, %add3A_1104, %ge3A_1134 : i32
      %convert_element_type3A_1136 = arith.extui %ge3A_1135 : i1 to i32
      %cond3A_1137 = arith.constant 0 : i32
      %cond3A_1138 = arith.cmpi ne, %convert_element_type3A_1136, %cond3A_1137 : i32
      scf.if %cond3A_1138 {
        %sub3A_1233 = arith.constant 4 : i32
        %sub3A_1234 = arith.subi %add3A_1104, %sub3A_1233 : i32
        %add3A_1235 = arith.addi %mul3A_2, %sub3A_1234 : i32
        %jit3A_1236 = arith.constant 128 : i32
        %div3A_1237 = arith.divsi %add3A_1235, %jit3A_1236 : i32
        %sign3A_1238 = arith.constant 0 : i32
        %sign3A_1239 = arith.cmpi sgt, %add3A_1235, %sign3A_1238 : i32
        %sign3A_1240 = arith.extui %sign3A_1239 : i1 to i32
        %sign3A_1241 = arith.constant 0 : i32
        %sign3A_1242 = arith.cmpi slt, %add3A_1235, %sign3A_1241 : i32
        %sign3A_1243 = arith.extui %sign3A_1242 : i1 to i32
        %sign3A_1244 = arith.subi %sign3A_1240, %sign3A_1243 : i32
        %sign3A_1245 = arith.constant 0 : i32
        %sign3A_1246 = arith.cmpi sgt, %jit3A_1236, %sign3A_1245 : i32
        %sign3A_1247 = arith.extui %sign3A_1246 : i1 to i32
        %sign3A_1248 = arith.constant 0 : i32
        %sign3A_1249 = arith.cmpi slt, %jit3A_1236, %sign3A_1248 : i32
        %sign3A_1250 = arith.extui %sign3A_1249 : i1 to i32
        %sign3A_1251 = arith.subi %sign3A_1247, %sign3A_1250 : i32
        %ne3A_1252 = arith.cmpi ne, %sign3A_1244, %sign3A_1251 : i32
        %rem3A_1253 = arith.remsi %add3A_1235, %jit3A_1236 : i32
        %ne3A_1254 = arith.constant 0 : i32
        %ne3A_1255 = arith.cmpi ne, %rem3A_1253, %ne3A_1254 : i32
        %and3A_1256 = arith.andi %ne3A_1252, %ne3A_1255 : i1
        %sub3A_1257 = arith.constant 1 : i32
        %sub3A_1258 = arith.subi %div3A_1237, %sub3A_1257 : i32
        %select_n3A_1259 = arith.select %and3A_1256, %sub3A_1258, %div3A_1237 : i32
        %jit3A_1260 = arith.constant 128 : i32
        %eq3A_1261 = arith.constant 0 : i32
        %eq3A_1262 = arith.cmpi eq, %jit3A_1260, %eq3A_1261 : i32
        %jit3A_1263 = arith.constant 1 : i32
        %select_n3A_1264 = arith.select %eq3A_1262, %jit3A_1263, %jit3A_1260 : i32
        %rem3A_1265 = arith.remsi %add3A_1235, %select_n3A_1264 : i32
        %ne3A_1266 = arith.constant 0 : i32
        %ne3A_1267 = arith.cmpi ne, %rem3A_1265, %ne3A_1266 : i32
        %lt3A_1268 = arith.constant 0 : i32
        %lt3A_1269 = arith.cmpi slt, %rem3A_1265, %lt3A_1268 : i32
        %lt3A_1270 = arith.constant 0 : i32
        %lt3A_1271 = arith.cmpi slt, %select_n3A_1264, %lt3A_1270 : i32
        %ne3A_1272 = arith.xori %lt3A_1269, %lt3A_1271 : i1
        %and3A_1273 = arith.andi %ne3A_1272, %ne3A_1267 : i1
        %add3A_1274 = arith.addi %rem3A_1265, %select_n3A_1264 : i32
        %select_n3A_1275 = arith.select %and3A_1273, %add3A_1274, %rem3A_1265 : i32
        %mul3A_1276 = arith.constant 128 : i32
        %mul3A_1277 = arith.muli %select_n3A_1275, %mul3A_1276 : i32
        %jit3A_1278 = arith.constant 128 : i32
        %div3A_1279 = arith.divsi %mul3A_1277, %jit3A_1278 : i32
        %sign3A_1280 = arith.constant 0 : i32
        %sign3A_1281 = arith.cmpi sgt, %mul3A_1277, %sign3A_1280 : i32
        %sign3A_1282 = arith.extui %sign3A_1281 : i1 to i32
        %sign3A_1283 = arith.constant 0 : i32
        %sign3A_1284 = arith.cmpi slt, %mul3A_1277, %sign3A_1283 : i32
        %sign3A_1285 = arith.extui %sign3A_1284 : i1 to i32
        %sign3A_1286 = arith.subi %sign3A_1282, %sign3A_1285 : i32
        %sign3A_1287 = arith.constant 0 : i32
        %sign3A_1288 = arith.cmpi sgt, %jit3A_1278, %sign3A_1287 : i32
        %sign3A_1289 = arith.extui %sign3A_1288 : i1 to i32
        %sign3A_1290 = arith.constant 0 : i32
        %sign3A_1291 = arith.cmpi slt, %jit3A_1278, %sign3A_1290 : i32
        %sign3A_1292 = arith.extui %sign3A_1291 : i1 to i32
        %sign3A_1293 = arith.subi %sign3A_1289, %sign3A_1292 : i32
        %ne3A_1294 = arith.cmpi ne, %sign3A_1286, %sign3A_1293 : i32
        %rem3A_1295 = arith.remsi %mul3A_1277, %jit3A_1278 : i32
        %ne3A_1296 = arith.constant 0 : i32
        %ne3A_1297 = arith.cmpi ne, %rem3A_1295, %ne3A_1296 : i32
        %and3A_1298 = arith.andi %ne3A_1294, %ne3A_1297 : i1
        %sub3A_1299 = arith.constant 1 : i32
        %sub3A_1300 = arith.subi %div3A_1279, %sub3A_1299 : i32
        %select_n3A_1301 = arith.select %and3A_1298, %sub3A_1300, %div3A_1279 : i32
        %dma_wait3A_1302 = arith.constant 3 : i32
        %dma_wait3A_1303 = arith.constant 3 : i32
        %dma_wait3A_1304 = arith.constant 0 : i32
        %dma_wait3A_1305 = arith.constant 0 : i32
        %dma_wait3A_1306 = arith.constant 0 : i32
        %dma_wait3A_1307 = tpu.memref_slice %arg7[%dma_wait3A_1302, %dma_wait3A_1304, %dma_wait3A_1305, %dma_wait3A_1306] : memref<4x8x8x128xf32, #tpu.memory_space<vmem>> -> memref<1x8x8x128xf32, #tpu.memory_space<vmem>>
        %dma_wait3A_1308 = tpu.memref_squeeze %dma_wait3A_1307 : memref<1x8x8x128xf32, #tpu.memory_space<vmem>> -> memref<8x8x128xf32, #tpu.memory_space<vmem>>
        %dma_wait3A_1309 = arith.constant 0 : i32
        %dma_wait3A_1310 = arith.constant 0 : i32
        %dma_wait3A_1311 = arith.constant 0 : i32
        %dma_wait3A_1312 = tpu.memref_slice %arg4[%select_n3A_1259, %dma_wait3A_1309, %select_n3A_1301, %dma_wait3A_1310, %dma_wait3A_1311] : memref<50x8x128x8x128xf32, #tpu.memory_space<hbm>> -> memref<1x8x1x8x128xf32, #tpu.memory_space<hbm>>
        %dma_wait3A_1313 = tpu.memref_squeeze %dma_wait3A_1312 : memref<1x8x1x8x128xf32, #tpu.memory_space<hbm>> -> memref<8x8x128xf32, #tpu.memory_space<hbm>>
        %dma_wait3A_1314 = tpu.memref_slice %arg10[%dma_wait3A_1303] : memref<4x!tpu.dma_semaphore, #tpu.memory_space<semaphore_mem>> -> memref<1x!tpu.dma_semaphore, #tpu.memory_space<semaphore_mem>>
        %dma_wait3A_1315 = tpu.memref_squeeze %dma_wait3A_1314 : memref<1x!tpu.dma_semaphore, #tpu.memory_space<semaphore_mem>> -> memref<!tpu.dma_semaphore, #tpu.memory_space<semaphore_mem>>
        %dma_wait3A_1316 = arith.constant 0 : i32
        %dma_wait3A_1317 = arith.constant 0 : i32
        %dma_wait3A_1318 = arith.constant 0 : i32
        %dma_wait3A_1319 = tpu.memref_slice %arg4[%select_n3A_1259, %dma_wait3A_1316, %select_n3A_1301, %dma_wait3A_1317, %dma_wait3A_1318] : memref<50x8x128x8x128xf32, #tpu.memory_space<hbm>> -> memref<1x8x1x8x128xf32, #tpu.memory_space<hbm>>
        %dma_wait3A_1320 = tpu.memref_squeeze %dma_wait3A_1319 : memref<1x8x1x8x128xf32, #tpu.memory_space<hbm>> -> memref<8x8x128xf32, #tpu.memory_space<hbm>>
        %dma_wait3A_1321 = arith.constant 0 : i32
        %dma_wait3A_1322 = arith.constant 0 : i32
        %dma_wait3A_1323 = arith.constant 0 : i32
        %dma_wait3A_1324 = tpu.memref_slice %arg7[%dma_wait3A_1302, %dma_wait3A_1321, %dma_wait3A_1322, %dma_wait3A_1323] : memref<4x8x8x128xf32, #tpu.memory_space<vmem>> -> memref<1x8x8x128xf32, #tpu.memory_space<vmem>>
        %dma_wait3A_1325 = tpu.memref_squeeze %dma_wait3A_1324 : memref<1x8x8x128xf32, #tpu.memory_space<vmem>> -> memref<8x8x128xf32, #tpu.memory_space<vmem>>
        tpu.wait_dma2 semaphore(%dma_wait3A_1315 : memref<!tpu.dma_semaphore, #tpu.memory_space<semaphore_mem>>) src(%dma_wait3A_1325 : memref<8x8x128xf32, #tpu.memory_space<vmem>>) dst(%dma_wait3A_1320 : memref<8x8x128xf32, #tpu.memory_space<hbm>>)
      } else {
      }
      %parallel_loop3A_1139 = arith.constant 0 : i32
      %parallel_loop3A_1140 = arith.constant 64 : i32
      %parallel_loop3A_1141 = arith.constant 1 : i32
      scf.for %parallel_loop3A_1233 = %parallel_loop3A_1139 to %parallel_loop3A_1140 step %parallel_loop3A_1141  : i32 {
        %parallel_loop3A_1234 = vector.broadcast %parallel_loop3A_1233 : i32 to vector<16xi32>
        %parallel_loop3A_1235 = arith.addi %parallel_loop3A_1234, %iota3A : vector<16xi32>
        %parallel_loop3A_1236 = arith.constant 63 : i32
        %parallel_loop3A_1237 = vector.broadcast %parallel_loop3A_1236 : i32 to vector<16xi32>
        %parallel_loop3A_1238 = arith.andi %parallel_loop3A_1235, %parallel_loop3A_1237 : vector<16xi32>
        %parallel_loop3A_1239 = arith.constant 3 : i32
        %parallel_loop3A_1240 = vector.broadcast %parallel_loop3A_1239 : i32 to vector<16xi32>
        %parallel_loop3A_1241 = arith.shrui %parallel_loop3A_1238, %parallel_loop3A_1240 : vector<16xi32>
        %parallel_loop3A_1242 = arith.constant 7 : i32
        %parallel_loop3A_1243 = vector.broadcast %parallel_loop3A_1242 : i32 to vector<16xi32>
        %parallel_loop3A_1244 = arith.andi %parallel_loop3A_1238, %parallel_loop3A_1243 : vector<16xi32>
        %parallel_loop3A_1245 = arith.constant 3 : i32
        %parallel_loop3A_1246 = arith.constant 0 : i32
        %parallel_loop3A_1247 = arith.constant 0 : i32
        %parallel_loop3A_1248 = tpu.memref_slice %arg6[%parallel_loop3A_1245, %parallel_loop3A_1246, %parallel_loop3A_1247] : memref<4x128x64xf32, #tpu.memory_space<vmem>> -> memref<1x128x64xf32, #tpu.memory_space<vmem>>
        %parallel_loop3A_1249 = tpu.memref_squeeze %parallel_loop3A_1248 : memref<1x128x64xf32, #tpu.memory_space<vmem>> -> memref<128x64xf32, #tpu.memory_space<vmem>>
        %parallel_loop3A_1250 = tpu.vector_load_idx %parallel_loop3A_1249[%add3A_5, %parallel_loop3A_1238] : memref<128x64xf32, #tpu.memory_space<vmem>>[vector<16xi32>, vector<16xi32>], vector<16xf32>,
        %parallel_loop3A_1251 = arith.constant 3 : i32
        %parallel_loop3A_1252 = arith.constant 0 : i32
        %parallel_loop3A_1253 = arith.constant 0 : i32
        %parallel_loop3A_1254 = arith.constant 0 : i32
        %parallel_loop3A_1255 = tpu.memref_slice %arg7[%parallel_loop3A_1251, %parallel_loop3A_1252, %parallel_loop3A_1253, %parallel_loop3A_1254] : memref<4x8x8x128xf32, #tpu.memory_space<vmem>> -> memref<1x8x8x128xf32, #tpu.memory_space<vmem>>
        %parallel_loop3A_1256 = tpu.memref_squeeze %parallel_loop3A_1255 : memref<1x8x8x128xf32, #tpu.memory_space<vmem>> -> memref<8x8x128xf32, #tpu.memory_space<vmem>>
        tpu.vector_store_idx %parallel_loop3A_1256[%parallel_loop3A_1241, %parallel_loop3A_1244, %add3A_5], %parallel_loop3A_1250 : memref<8x8x128xf32, #tpu.memory_space<vmem>>[vector<16xi32>, vector<16xi32>, vector<16xi32>], vector<16xf32>,
        %parallel_loop3A_1257 = arith.constant 3 : i32
        %parallel_loop3A_1258 = arith.constant 0 : i32
        %parallel_loop3A_1259 = arith.constant 0 : i32
        %parallel_loop3A_1260 = tpu.memref_slice %arg6[%parallel_loop3A_1257, %parallel_loop3A_1258, %parallel_loop3A_1259] : memref<4x128x64xf32, #tpu.memory_space<vmem>> -> memref<1x128x64xf32, #tpu.memory_space<vmem>>
        %parallel_loop3A_1261 = tpu.memref_squeeze %parallel_loop3A_1260 : memref<1x128x64xf32, #tpu.memory_space<vmem>> -> memref<128x64xf32, #tpu.memory_space<vmem>>
        %parallel_loop3A_1262 = tpu.vector_load_idx %parallel_loop3A_1261[%add3A_8, %parallel_loop3A_1238] : memref<128x64xf32, #tpu.memory_space<vmem>>[vector<16xi32>, vector<16xi32>], vector<16xf32>,
        %parallel_loop3A_1263 = arith.constant 3 : i32
        %parallel_loop3A_1264 = arith.constant 0 : i32
        %parallel_loop3A_1265 = arith.constant 0 : i32
        %parallel_loop3A_1266 = arith.constant 0 : i32
        %parallel_loop3A_1267 = tpu.memref_slice %arg7[%parallel_loop3A_1263, %parallel_loop3A_1264, %parallel_loop3A_1265, %parallel_loop3A_1266] : memref<4x8x8x128xf32, #tpu.memory_space<vmem>> -> memref<1x8x8x128xf32, #tpu.memory_space<vmem>>
        %parallel_loop3A_1268 = tpu.memref_squeeze %parallel_loop3A_1267 : memref<1x8x8x128xf32, #tpu.memory_space<vmem>> -> memref<8x8x128xf32, #tpu.memory_space<vmem>>
        tpu.vector_store_idx %parallel_loop3A_1268[%parallel_loop3A_1241, %parallel_loop3A_1244, %add3A_8], %parallel_loop3A_1262 : memref<8x8x128xf32, #tpu.memory_space<vmem>>[vector<16xi32>, vector<16xi32>, vector<16xi32>], vector<16xf32>,
        %parallel_loop3A_1269 = arith.constant 3 : i32
        %parallel_loop3A_1270 = arith.constant 0 : i32
        %parallel_loop3A_1271 = arith.constant 0 : i32
        %parallel_loop3A_1272 = tpu.memref_slice %arg6[%parallel_loop3A_1269, %parallel_loop3A_1270, %parallel_loop3A_1271] : memref<4x128x64xf32, #tpu.memory_space<vmem>> -> memref<1x128x64xf32, #tpu.memory_space<vmem>>
        %parallel_loop3A_1273 = tpu.memref_squeeze %parallel_loop3A_1272 : memref<1x128x64xf32, #tpu.memory_space<vmem>> -> memref<128x64xf32, #tpu.memory_space<vmem>>
        %parallel_loop3A_1274 = tpu.vector_load_idx %parallel_loop3A_1273[%add3A_11, %parallel_loop3A_1238] : memref<128x64xf32, #tpu.memory_space<vmem>>[vector<16xi32>, vector<16xi32>], vector<16xf32>,
        %parallel_loop3A_1275 = arith.constant 3 : i32
        %parallel_loop3A_1276 = arith.constant 0 : i32
        %parallel_loop3A_1277 = arith.constant 0 : i32
        %parallel_loop3A_1278 = arith.constant 0 : i32
        %parallel_loop3A_1279 = tpu.memref_slice %arg7[%parallel_loop3A_1275, %parallel_loop3A_1276, %parallel_loop3A_1277, %parallel_loop3A_1278] : memref<4x8x8x128xf32, #tpu.memory_space<vmem>> -> memref<1x8x8x128xf32, #tpu.memory_space<vmem>>
        %parallel_loop3A_1280 = tpu.memref_squeeze %parallel_loop3A_1279 : memref<1x8x8x128xf32, #tpu.memory_space<vmem>> -> memref<8x8x128xf32, #tpu.memory_space<vmem>>
        tpu.vector_store_idx %parallel_loop3A_1280[%parallel_loop3A_1241, %parallel_loop3A_1244, %add3A_11], %parallel_loop3A_1274 : memref<8x8x128xf32, #tpu.memory_space<vmem>>[vector<16xi32>, vector<16xi32>, vector<16xi32>], vector<16xf32>,
        %parallel_loop3A_1281 = arith.constant 3 : i32
        %parallel_loop3A_1282 = arith.constant 0 : i32
        %parallel_loop3A_1283 = arith.constant 0 : i32
        %parallel_loop3A_1284 = tpu.memref_slice %arg6[%parallel_loop3A_1281, %parallel_loop3A_1282, %parallel_loop3A_1283] : memref<4x128x64xf32, #tpu.memory_space<vmem>> -> memref<1x128x64xf32, #tpu.memory_space<vmem>>
        %parallel_loop3A_1285 = tpu.memref_squeeze %parallel_loop3A_1284 : memref<1x128x64xf32, #tpu.memory_space<vmem>> -> memref<128x64xf32, #tpu.memory_space<vmem>>
        %parallel_loop3A_1286 = tpu.vector_load_idx %parallel_loop3A_1285[%add3A_14, %parallel_loop3A_1238] : memref<128x64xf32, #tpu.memory_space<vmem>>[vector<16xi32>, vector<16xi32>], vector<16xf32>,
        %parallel_loop3A_1287 = arith.constant 3 : i32
        %parallel_loop3A_1288 = arith.constant 0 : i32
        %parallel_loop3A_1289 = arith.constant 0 : i32
        %parallel_loop3A_1290 = arith.constant 0 : i32
        %parallel_loop3A_1291 = tpu.memref_slice %arg7[%parallel_loop3A_1287, %parallel_loop3A_1288, %parallel_loop3A_1289, %parallel_loop3A_1290] : memref<4x8x8x128xf32, #tpu.memory_space<vmem>> -> memref<1x8x8x128xf32, #tpu.memory_space<vmem>>
        %parallel_loop3A_1292 = tpu.memref_squeeze %parallel_loop3A_1291 : memref<1x8x8x128xf32, #tpu.memory_space<vmem>> -> memref<8x8x128xf32, #tpu.memory_space<vmem>>
        tpu.vector_store_idx %parallel_loop3A_1292[%parallel_loop3A_1241, %parallel_loop3A_1244, %add3A_14], %parallel_loop3A_1286 : memref<8x8x128xf32, #tpu.memory_space<vmem>>[vector<16xi32>, vector<16xi32>, vector<16xi32>], vector<16xf32>,
        %parallel_loop3A_1293 = arith.constant 3 : i32
        %parallel_loop3A_1294 = arith.constant 0 : i32
        %parallel_loop3A_1295 = arith.constant 0 : i32
        %parallel_loop3A_1296 = tpu.memref_slice %arg6[%parallel_loop3A_1293, %parallel_loop3A_1294, %parallel_loop3A_1295] : memref<4x128x64xf32, #tpu.memory_space<vmem>> -> memref<1x128x64xf32, #tpu.memory_space<vmem>>
        %parallel_loop3A_1297 = tpu.memref_squeeze %parallel_loop3A_1296 : memref<1x128x64xf32, #tpu.memory_space<vmem>> -> memref<128x64xf32, #tpu.memory_space<vmem>>
        %parallel_loop3A_1298 = tpu.vector_load_idx %parallel_loop3A_1297[%add3A_17, %parallel_loop3A_1238] : memref<128x64xf32, #tpu.memory_space<vmem>>[vector<16xi32>, vector<16xi32>], vector<16xf32>,
        %parallel_loop3A_1299 = arith.constant 3 : i32
        %parallel_loop3A_1300 = arith.constant 0 : i32
        %parallel_loop3A_1301 = arith.constant 0 : i32
        %parallel_loop3A_1302 = arith.constant 0 : i32
        %parallel_loop3A_1303 = tpu.memref_slice %arg7[%parallel_loop3A_1299, %parallel_loop3A_1300, %parallel_loop3A_1301, %parallel_loop3A_1302] : memref<4x8x8x128xf32, #tpu.memory_space<vmem>> -> memref<1x8x8x128xf32, #tpu.memory_space<vmem>>
        %parallel_loop3A_1304 = tpu.memref_squeeze %parallel_loop3A_1303 : memref<1x8x8x128xf32, #tpu.memory_space<vmem>> -> memref<8x8x128xf32, #tpu.memory_space<vmem>>
        tpu.vector_store_idx %parallel_loop3A_1304[%parallel_loop3A_1241, %parallel_loop3A_1244, %add3A_17], %parallel_loop3A_1298 : memref<8x8x128xf32, #tpu.memory_space<vmem>>[vector<16xi32>, vector<16xi32>, vector<16xi32>], vector<16xf32>,
        %parallel_loop3A_1305 = arith.constant 3 : i32
        %parallel_loop3A_1306 = arith.constant 0 : i32
        %parallel_loop3A_1307 = arith.constant 0 : i32
        %parallel_loop3A_1308 = tpu.memref_slice %arg6[%parallel_loop3A_1305, %parallel_loop3A_1306, %parallel_loop3A_1307] : memref<4x128x64xf32, #tpu.memory_space<vmem>> -> memref<1x128x64xf32, #tpu.memory_space<vmem>>
        %parallel_loop3A_1309 = tpu.memref_squeeze %parallel_loop3A_1308 : memref<1x128x64xf32, #tpu.memory_space<vmem>> -> memref<128x64xf32, #tpu.memory_space<vmem>>
        %parallel_loop3A_1310 = tpu.vector_load_idx %parallel_loop3A_1309[%add3A_20, %parallel_loop3A_1238] : memref<128x64xf32, #tpu.memory_space<vmem>>[vector<16xi32>, vector<16xi32>], vector<16xf32>,
        %parallel_loop3A_1311 = arith.constant 3 : i32
        %parallel_loop3A_1312 = arith.constant 0 : i32
        %parallel_loop3A_1313 = arith.constant 0 : i32
        %parallel_loop3A_1314 = arith.constant 0 : i32
        %parallel_loop3A_1315 = tpu.memref_slice %arg7[%parallel_loop3A_1311, %parallel_loop3A_1312, %parallel_loop3A_1313, %parallel_loop3A_1314] : memref<4x8x8x128xf32, #tpu.memory_space<vmem>> -> memref<1x8x8x128xf32, #tpu.memory_space<vmem>>
        %parallel_loop3A_1316 = tpu.memref_squeeze %parallel_loop3A_1315 : memref<1x8x8x128xf32, #tpu.memory_space<vmem>> -> memref<8x8x128xf32, #tpu.memory_space<vmem>>
        tpu.vector_store_idx %parallel_loop3A_1316[%parallel_loop3A_1241, %parallel_loop3A_1244, %add3A_20], %parallel_loop3A_1310 : memref<8x8x128xf32, #tpu.memory_space<vmem>>[vector<16xi32>, vector<16xi32>, vector<16xi32>], vector<16xf32>,
        %parallel_loop3A_1317 = arith.constant 3 : i32
        %parallel_loop3A_1318 = arith.constant 0 : i32
        %parallel_loop3A_1319 = arith.constant 0 : i32
        %parallel_loop3A_1320 = tpu.memref_slice %arg6[%parallel_loop3A_1317, %parallel_loop3A_1318, %parallel_loop3A_1319] : memref<4x128x64xf32, #tpu.memory_space<vmem>> -> memref<1x128x64xf32, #tpu.memory_space<vmem>>
        %parallel_loop3A_1321 = tpu.memref_squeeze %parallel_loop3A_1320 : memref<1x128x64xf32, #tpu.memory_space<vmem>> -> memref<128x64xf32, #tpu.memory_space<vmem>>
        %parallel_loop3A_1322 = tpu.vector_load_idx %parallel_loop3A_1321[%add3A_23, %parallel_loop3A_1238] : memref<128x64xf32, #tpu.memory_space<vmem>>[vector<16xi32>, vector<16xi32>], vector<16xf32>,
        %parallel_loop3A_1323 = arith.constant 3 : i32
        %parallel_loop3A_1324 = arith.constant 0 : i32
        %parallel_loop3A_1325 = arith.constant 0 : i32
        %parallel_loop3A_1326 = arith.constant 0 : i32
        %parallel_loop3A_1327 = tpu.memref_slice %arg7[%parallel_loop3A_1323, %parallel_loop3A_1324, %parallel_loop3A_1325, %parallel_loop3A_1326] : memref<4x8x8x128xf32, #tpu.memory_space<vmem>> -> memref<1x8x8x128xf32, #tpu.memory_space<vmem>>
        %parallel_loop3A_1328 = tpu.memref_squeeze %parallel_loop3A_1327 : memref<1x8x8x128xf32, #tpu.memory_space<vmem>> -> memref<8x8x128xf32, #tpu.memory_space<vmem>>
        tpu.vector_store_idx %parallel_loop3A_1328[%parallel_loop3A_1241, %parallel_loop3A_1244, %add3A_23], %parallel_loop3A_1322 : memref<8x8x128xf32, #tpu.memory_space<vmem>>[vector<16xi32>, vector<16xi32>, vector<16xi32>], vector<16xf32>,
        %parallel_loop3A_1329 = arith.constant 3 : i32
        %parallel_loop3A_1330 = arith.constant 0 : i32
        %parallel_loop3A_1331 = arith.constant 0 : i32
        %parallel_loop3A_1332 = tpu.memref_slice %arg6[%parallel_loop3A_1329, %parallel_loop3A_1330, %parallel_loop3A_1331] : memref<4x128x64xf32, #tpu.memory_space<vmem>> -> memref<1x128x64xf32, #tpu.memory_space<vmem>>
        %parallel_loop3A_1333 = tpu.memref_squeeze %parallel_loop3A_1332 : memref<1x128x64xf32, #tpu.memory_space<vmem>> -> memref<128x64xf32, #tpu.memory_space<vmem>>
        %parallel_loop3A_1334 = tpu.vector_load_idx %parallel_loop3A_1333[%add3A_26, %parallel_loop3A_1238] : memref<128x64xf32, #tpu.memory_space<vmem>>[vector<16xi32>, vector<16xi32>], vector<16xf32>,
        %parallel_loop3A_1335 = arith.constant 3 : i32
        %parallel_loop3A_1336 = arith.constant 0 : i32
        %parallel_loop3A_1337 = arith.constant 0 : i32
        %parallel_loop3A_1338 = arith.constant 0 : i32
        %parallel_loop3A_1339 = tpu.memref_slice %arg7[%parallel_loop3A_1335, %parallel_loop3A_1336, %parallel_loop3A_1337, %parallel_loop3A_1338] : memref<4x8x8x128xf32, #tpu.memory_space<vmem>> -> memref<1x8x8x128xf32, #tpu.memory_space<vmem>>
        %parallel_loop3A_1340 = tpu.memref_squeeze %parallel_loop3A_1339 : memref<1x8x8x128xf32, #tpu.memory_space<vmem>> -> memref<8x8x128xf32, #tpu.memory_space<vmem>>
        tpu.vector_store_idx %parallel_loop3A_1340[%parallel_loop3A_1241, %parallel_loop3A_1244, %add3A_26], %parallel_loop3A_1334 : memref<8x8x128xf32, #tpu.memory_space<vmem>>[vector<16xi32>, vector<16xi32>, vector<16xi32>], vector<16xf32>,
      } {sc.loop_unroll_factor = 4 : i64, sc.parallel_access}
      %add3A_1142 = arith.addi %mul3A_2, %add3A_1104 : i32
      %jit3A_1143 = arith.constant 128 : i32
      %div3A_1144 = arith.divsi %add3A_1142, %jit3A_1143 : i32
      %sign3A_1145 = arith.constant 0 : i32
      %sign3A_1146 = arith.cmpi sgt, %add3A_1142, %sign3A_1145 : i32
      %sign3A_1147 = arith.extui %sign3A_1146 : i1 to i32
      %sign3A_1148 = arith.constant 0 : i32
      %sign3A_1149 = arith.cmpi slt, %add3A_1142, %sign3A_1148 : i32
      %sign3A_1150 = arith.extui %sign3A_1149 : i1 to i32
      %sign3A_1151 = arith.subi %sign3A_1147, %sign3A_1150 : i32
      %sign3A_1152 = arith.constant 0 : i32
      %sign3A_1153 = arith.cmpi sgt, %jit3A_1143, %sign3A_1152 : i32
      %sign3A_1154 = arith.extui %sign3A_1153 : i1 to i32
      %sign3A_1155 = arith.constant 0 : i32
      %sign3A_1156 = arith.cmpi slt, %jit3A_1143, %sign3A_1155 : i32
      %sign3A_1157 = arith.extui %sign3A_1156 : i1 to i32
      %sign3A_1158 = arith.subi %sign3A_1154, %sign3A_1157 : i32
      %ne3A_1159 = arith.cmpi ne, %sign3A_1151, %sign3A_1158 : i32
      %rem3A_1160 = arith.remsi %add3A_1142, %jit3A_1143 : i32
      %ne3A_1161 = arith.constant 0 : i32
      %ne3A_1162 = arith.cmpi ne, %rem3A_1160, %ne3A_1161 : i32
      %and3A_1163 = arith.andi %ne3A_1159, %ne3A_1162 : i1
      %sub3A_1164 = arith.constant 1 : i32
      %sub3A_1165 = arith.subi %div3A_1144, %sub3A_1164 : i32
      %select_n3A_1166 = arith.select %and3A_1163, %sub3A_1165, %div3A_1144 : i32
      %jit3A_1167 = arith.constant 128 : i32
      %eq3A_1168 = arith.constant 0 : i32
      %eq3A_1169 = arith.cmpi eq, %jit3A_1167, %eq3A_1168 : i32
      %jit3A_1170 = arith.constant 1 : i32
      %select_n3A_1171 = arith.select %eq3A_1169, %jit3A_1170, %jit3A_1167 : i32
      %rem3A_1172 = arith.remsi %add3A_1142, %select_n3A_1171 : i32
      %ne3A_1173 = arith.constant 0 : i32
      %ne3A_1174 = arith.cmpi ne, %rem3A_1172, %ne3A_1173 : i32
      %lt3A_1175 = arith.constant 0 : i32
      %lt3A_1176 = arith.cmpi slt, %rem3A_1172, %lt3A_1175 : i32
      %lt3A_1177 = arith.constant 0 : i32
      %lt3A_1178 = arith.cmpi slt, %select_n3A_1171, %lt3A_1177 : i32
      %ne3A_1179 = arith.xori %lt3A_1176, %lt3A_1178 : i1
      %and3A_1180 = arith.andi %ne3A_1179, %ne3A_1174 : i1
      %add3A_1181 = arith.addi %rem3A_1172, %select_n3A_1171 : i32
      %select_n3A_1182 = arith.select %and3A_1180, %add3A_1181, %rem3A_1172 : i32
      %mul3A_1183 = arith.constant 128 : i32
      %mul3A_1184 = arith.muli %select_n3A_1182, %mul3A_1183 : i32
      %jit3A_1185 = arith.constant 128 : i32
      %div3A_1186 = arith.divsi %mul3A_1184, %jit3A_1185 : i32
      %sign3A_1187 = arith.constant 0 : i32
      %sign3A_1188 = arith.cmpi sgt, %mul3A_1184, %sign3A_1187 : i32
      %sign3A_1189 = arith.extui %sign3A_1188 : i1 to i32
      %sign3A_1190 = arith.constant 0 : i32
      %sign3A_1191 = arith.cmpi slt, %mul3A_1184, %sign3A_1190 : i32
      %sign3A_1192 = arith.extui %sign3A_1191 : i1 to i32
      %sign3A_1193 = arith.subi %sign3A_1189, %sign3A_1192 : i32
      %sign3A_1194 = arith.constant 0 : i32
      %sign3A_1195 = arith.cmpi sgt, %jit3A_1185, %sign3A_1194 : i32
      %sign3A_1196 = arith.extui %sign3A_1195 : i1 to i32
      %sign3A_1197 = arith.constant 0 : i32
      %sign3A_1198 = arith.cmpi slt, %jit3A_1185, %sign3A_1197 : i32
      %sign3A_1199 = arith.extui %sign3A_1198 : i1 to i32
      %sign3A_1200 = arith.subi %sign3A_1196, %sign3A_1199 : i32
      %ne3A_1201 = arith.cmpi ne, %sign3A_1193, %sign3A_1200 : i32
      %rem3A_1202 = arith.remsi %mul3A_1184, %jit3A_1185 : i32
      %ne3A_1203 = arith.constant 0 : i32
      %ne3A_1204 = arith.cmpi ne, %rem3A_1202, %ne3A_1203 : i32
      %and3A_1205 = arith.andi %ne3A_1201, %ne3A_1204 : i1
      %sub3A_1206 = arith.constant 1 : i32
      %sub3A_1207 = arith.subi %div3A_1186, %sub3A_1206 : i32
      %select_n3A_1208 = arith.select %and3A_1205, %sub3A_1207, %div3A_1186 : i32
      %dma_start3A_1209 = arith.constant 3 : i32
      %dma_start3A_1210 = arith.constant 3 : i32
      %dma_start3A_1211 = arith.constant 0 : i32
      %dma_start3A_1212 = arith.constant 0 : i32
      %dma_start3A_1213 = arith.constant 0 : i32
      %dma_start3A_1214 = tpu.memref_slice %arg7[%dma_start3A_1209, %dma_start3A_1211, %dma_start3A_1212, %dma_start3A_1213] : memref<4x8x8x128xf32, #tpu.memory_space<vmem>> -> memref<1x8x8x128xf32, #tpu.memory_space<vmem>>
      %dma_start3A_1215 = tpu.memref_squeeze %dma_start3A_1214 : memref<1x8x8x128xf32, #tpu.memory_space<vmem>> -> memref<8x8x128xf32, #tpu.memory_space<vmem>>
      %dma_start3A_1216 = arith.constant 0 : i32
      %dma_start3A_1217 = arith.constant 0 : i32
      %dma_start3A_1218 = arith.constant 0 : i32
      %dma_start3A_1219 = tpu.memref_slice %arg4[%select_n3A_1166, %dma_start3A_1216, %select_n3A_1208, %dma_start3A_1217, %dma_start3A_1218] : memref<50x8x128x8x128xf32, #tpu.memory_space<hbm>> -> memref<1x8x1x8x128xf32, #tpu.memory_space<hbm>>
      %dma_start3A_1220 = tpu.memref_squeeze %dma_start3A_1219 : memref<1x8x1x8x128xf32, #tpu.memory_space<hbm>> -> memref<8x8x128xf32, #tpu.memory_space<hbm>>
      %dma_start3A_1221 = tpu.memref_slice %arg10[%dma_start3A_1210] : memref<4x!tpu.dma_semaphore, #tpu.memory_space<semaphore_mem>> -> memref<1x!tpu.dma_semaphore, #tpu.memory_space<semaphore_mem>>
      %dma_start3A_1222 = tpu.memref_squeeze %dma_start3A_1221 : memref<1x!tpu.dma_semaphore, #tpu.memory_space<semaphore_mem>> -> memref<!tpu.dma_semaphore, #tpu.memory_space<semaphore_mem>>
      %dma_start3A_1223 = arith.constant 0 : i32
      %dma_start3A_1224 = arith.constant 0 : i32
      %dma_start3A_1225 = arith.constant 0 : i32
      %dma_start3A_1226 = tpu.memref_slice %arg4[%select_n3A_1166, %dma_start3A_1223, %select_n3A_1208, %dma_start3A_1224, %dma_start3A_1225] : memref<50x8x128x8x128xf32, #tpu.memory_space<hbm>> -> memref<1x8x1x8x128xf32, #tpu.memory_space<hbm>>
      %dma_start3A_1227 = tpu.memref_squeeze %dma_start3A_1226 : memref<1x8x1x8x128xf32, #tpu.memory_space<hbm>> -> memref<8x8x128xf32, #tpu.memory_space<hbm>>
      %dma_start3A_1228 = arith.constant 0 : i32
      %dma_start3A_1229 = arith.constant 0 : i32
      %dma_start3A_1230 = arith.constant 0 : i32
      %dma_start3A_1231 = tpu.memref_slice %arg7[%dma_start3A_1209, %dma_start3A_1228, %dma_start3A_1229, %dma_start3A_1230] : memref<4x8x8x128xf32, #tpu.memory_space<vmem>> -> memref<1x8x8x128xf32, #tpu.memory_space<vmem>>
      %dma_start3A_1232 = tpu.memref_squeeze %dma_start3A_1231 : memref<1x8x8x128xf32, #tpu.memory_space<vmem>> -> memref<8x8x128xf32, #tpu.memory_space<vmem>>
      tpu.enqueue_dma source(%dma_start3A_1232 : memref<8x8x128xf32, #tpu.memory_space<vmem>>) target(%dma_start3A_1227 : memref<8x8x128xf32, #tpu.memory_space<hbm>>) target_semaphore(%dma_start3A_1222 : memref<!tpu.dma_semaphore, #tpu.memory_space<semaphore_mem>>)
    }
    %scan3A_339 = arith.constant 50 : i32
    %add3A_340 = arith.constant 196 : i32
    %add3A_341 = arith.addi %mul3A_2, %add3A_340 : i32
    %jit3A_342 = arith.constant 128 : i32
    %div3A_343 = arith.divsi %add3A_341, %jit3A_342 : i32
    %sign3A_344 = arith.constant 0 : i32
    %sign3A_345 = arith.cmpi sgt, %add3A_341, %sign3A_344 : i32
    %sign3A_346 = arith.extui %sign3A_345 : i1 to i32
    %sign3A_347 = arith.constant 0 : i32
    %sign3A_348 = arith.cmpi slt, %add3A_341, %sign3A_347 : i32
    %sign3A_349 = arith.extui %sign3A_348 : i1 to i32
    %sign3A_350 = arith.subi %sign3A_346, %sign3A_349 : i32
    %sign3A_351 = arith.constant 0 : i32
    %sign3A_352 = arith.cmpi sgt, %jit3A_342, %sign3A_351 : i32
    %sign3A_353 = arith.extui %sign3A_352 : i1 to i32
    %sign3A_354 = arith.constant 0 : i32
    %sign3A_355 = arith.cmpi slt, %jit3A_342, %sign3A_354 : i32
    %sign3A_356 = arith.extui %sign3A_355 : i1 to i32
    %sign3A_357 = arith.subi %sign3A_353, %sign3A_356 : i32
    %ne3A_358 = arith.cmpi ne, %sign3A_350, %sign3A_357 : i32
    %rem3A_359 = arith.remsi %add3A_341, %jit3A_342 : i32
    %ne3A_360 = arith.constant 0 : i32
    %ne3A_361 = arith.cmpi ne, %rem3A_359, %ne3A_360 : i32
    %and3A_362 = arith.andi %ne3A_358, %ne3A_361 : i1
    %sub3A_363 = arith.constant 1 : i32
    %sub3A_364 = arith.subi %div3A_343, %sub3A_363 : i32
    %select_n3A_365 = arith.select %and3A_362, %sub3A_364, %div3A_343 : i32
    %jit3A_366 = arith.constant 128 : i32
    %eq3A_367 = arith.constant 0 : i32
    %eq3A_368 = arith.cmpi eq, %jit3A_366, %eq3A_367 : i32
    %jit3A_369 = arith.constant 1 : i32
    %select_n3A_370 = arith.select %eq3A_368, %jit3A_369, %jit3A_366 : i32
    %rem3A_371 = arith.remsi %add3A_341, %select_n3A_370 : i32
    %ne3A_372 = arith.constant 0 : i32
    %ne3A_373 = arith.cmpi ne, %rem3A_371, %ne3A_372 : i32
    %lt3A_374 = arith.constant 0 : i32
    %lt3A_375 = arith.cmpi slt, %rem3A_371, %lt3A_374 : i32
    %lt3A_376 = arith.constant 0 : i32
    %lt3A_377 = arith.cmpi slt, %select_n3A_370, %lt3A_376 : i32
    %ne3A_378 = arith.xori %lt3A_375, %lt3A_377 : i1
    %and3A_379 = arith.andi %ne3A_378, %ne3A_373 : i1
    %add3A_380 = arith.addi %rem3A_371, %select_n3A_370 : i32
    %select_n3A_381 = arith.select %and3A_379, %add3A_380, %rem3A_371 : i32
    %mul3A_382 = arith.constant 128 : i32
    %mul3A_383 = arith.muli %select_n3A_381, %mul3A_382 : i32
    %jit3A_384 = arith.constant 128 : i32
    %div3A_385 = arith.divsi %mul3A_383, %jit3A_384 : i32
    %sign3A_386 = arith.constant 0 : i32
    %sign3A_387 = arith.cmpi sgt, %mul3A_383, %sign3A_386 : i32
    %sign3A_388 = arith.extui %sign3A_387 : i1 to i32
    %sign3A_389 = arith.constant 0 : i32
    %sign3A_390 = arith.cmpi slt, %mul3A_383, %sign3A_389 : i32
    %sign3A_391 = arith.extui %sign3A_390 : i1 to i32
    %sign3A_392 = arith.subi %sign3A_388, %sign3A_391 : i32
    %sign3A_393 = arith.constant 0 : i32
    %sign3A_394 = arith.cmpi sgt, %jit3A_384, %sign3A_393 : i32
    %sign3A_395 = arith.extui %sign3A_394 : i1 to i32
    %sign3A_396 = arith.constant 0 : i32
    %sign3A_397 = arith.cmpi slt, %jit3A_384, %sign3A_396 : i32
    %sign3A_398 = arith.extui %sign3A_397 : i1 to i32
    %sign3A_399 = arith.subi %sign3A_395, %sign3A_398 : i32
    %ne3A_400 = arith.cmpi ne, %sign3A_392, %sign3A_399 : i32
    %rem3A_401 = arith.remsi %mul3A_383, %jit3A_384 : i32
    %ne3A_402 = arith.constant 0 : i32
    %ne3A_403 = arith.cmpi ne, %rem3A_401, %ne3A_402 : i32
    %and3A_404 = arith.andi %ne3A_400, %ne3A_403 : i1
    %sub3A_405 = arith.constant 1 : i32
    %sub3A_406 = arith.subi %div3A_385, %sub3A_405 : i32
    %select_n3A_407 = arith.select %and3A_404, %sub3A_406, %div3A_385 : i32
    %dma_wait3A_408 = arith.constant 0 : i32
    %dma_wait3A_409 = arith.constant 0 : i32
    %dma_wait3A_410 = arith.constant 0 : i32
    %dma_wait3A_411 = arith.constant 0 : i32
    %dma_wait3A_412 = arith.constant 0 : i32
    %dma_wait3A_413 = tpu.memref_slice %arg7[%dma_wait3A_408, %dma_wait3A_410, %dma_wait3A_411, %dma_wait3A_412] : memref<4x8x8x128xf32, #tpu.memory_space<vmem>> -> memref<1x8x8x128xf32, #tpu.memory_space<vmem>>
    %dma_wait3A_414 = tpu.memref_squeeze %dma_wait3A_413 : memref<1x8x8x128xf32, #tpu.memory_space<vmem>> -> memref<8x8x128xf32, #tpu.memory_space<vmem>>
    %dma_wait3A_415 = arith.constant 0 : i32
    %dma_wait3A_416 = arith.constant 0 : i32
    %dma_wait3A_417 = arith.constant 0 : i32
    %dma_wait3A_418 = tpu.memref_slice %arg4[%select_n3A_365, %dma_wait3A_415, %select_n3A_407, %dma_wait3A_416, %dma_wait3A_417] : memref<50x8x128x8x128xf32, #tpu.memory_space<hbm>> -> memref<1x8x1x8x128xf32, #tpu.memory_space<hbm>>
    %dma_wait3A_419 = tpu.memref_squeeze %dma_wait3A_418 : memref<1x8x1x8x128xf32, #tpu.memory_space<hbm>> -> memref<8x8x128xf32, #tpu.memory_space<hbm>>
    %dma_wait3A_420 = tpu.memref_slice %arg10[%dma_wait3A_409] : memref<4x!tpu.dma_semaphore, #tpu.memory_space<semaphore_mem>> -> memref<1x!tpu.dma_semaphore, #tpu.memory_space<semaphore_mem>>
    %dma_wait3A_421 = tpu.memref_squeeze %dma_wait3A_420 : memref<1x!tpu.dma_semaphore, #tpu.memory_space<semaphore_mem>> -> memref<!tpu.dma_semaphore, #tpu.memory_space<semaphore_mem>>
    %dma_wait3A_422 = arith.constant 0 : i32
    %dma_wait3A_423 = arith.constant 0 : i32
    %dma_wait3A_424 = arith.constant 0 : i32
    %dma_wait3A_425 = tpu.memref_slice %arg4[%select_n3A_365, %dma_wait3A_422, %select_n3A_407, %dma_wait3A_423, %dma_wait3A_424] : memref<50x8x128x8x128xf32, #tpu.memory_space<hbm>> -> memref<1x8x1x8x128xf32, #tpu.memory_space<hbm>>
    %dma_wait3A_426 = tpu.memref_squeeze %dma_wait3A_425 : memref<1x8x1x8x128xf32, #tpu.memory_space<hbm>> -> memref<8x8x128xf32, #tpu.memory_space<hbm>>
    %dma_wait3A_427 = arith.constant 0 : i32
    %dma_wait3A_428 = arith.constant 0 : i32
    %dma_wait3A_429 = arith.constant 0 : i32
    %dma_wait3A_430 = tpu.memref_slice %arg7[%dma_wait3A_408, %dma_wait3A_427, %dma_wait3A_428, %dma_wait3A_429] : memref<4x8x8x128xf32, #tpu.memory_space<vmem>> -> memref<1x8x8x128xf32, #tpu.memory_space<vmem>>
    %dma_wait3A_431 = tpu.memref_squeeze %dma_wait3A_430 : memref<1x8x8x128xf32, #tpu.memory_space<vmem>> -> memref<8x8x128xf32, #tpu.memory_space<vmem>>
    tpu.wait_dma2 semaphore(%dma_wait3A_421 : memref<!tpu.dma_semaphore, #tpu.memory_space<semaphore_mem>>) src(%dma_wait3A_431 : memref<8x8x128xf32, #tpu.memory_space<vmem>>) dst(%dma_wait3A_426 : memref<8x8x128xf32, #tpu.memory_space<hbm>>)
    %add3A_432 = arith.constant 197 : i32
    %add3A_433 = arith.addi %mul3A_2, %add3A_432 : i32
    %jit3A_434 = arith.constant 128 : i32
    %div3A_435 = arith.divsi %add3A_433, %jit3A_434 : i32
    %sign3A_436 = arith.constant 0 : i32
    %sign3A_437 = arith.cmpi sgt, %add3A_433, %sign3A_436 : i32
    %sign3A_438 = arith.extui %sign3A_437 : i1 to i32
    %sign3A_439 = arith.constant 0 : i32
    %sign3A_440 = arith.cmpi slt, %add3A_433, %sign3A_439 : i32
    %sign3A_441 = arith.extui %sign3A_440 : i1 to i32
    %sign3A_442 = arith.subi %sign3A_438, %sign3A_441 : i32
    %sign3A_443 = arith.constant 0 : i32
    %sign3A_444 = arith.cmpi sgt, %jit3A_434, %sign3A_443 : i32
    %sign3A_445 = arith.extui %sign3A_444 : i1 to i32
    %sign3A_446 = arith.constant 0 : i32
    %sign3A_447 = arith.cmpi slt, %jit3A_434, %sign3A_446 : i32
    %sign3A_448 = arith.extui %sign3A_447 : i1 to i32
    %sign3A_449 = arith.subi %sign3A_445, %sign3A_448 : i32
    %ne3A_450 = arith.cmpi ne, %sign3A_442, %sign3A_449 : i32
    %rem3A_451 = arith.remsi %add3A_433, %jit3A_434 : i32
    %ne3A_452 = arith.constant 0 : i32
    %ne3A_453 = arith.cmpi ne, %rem3A_451, %ne3A_452 : i32
    %and3A_454 = arith.andi %ne3A_450, %ne3A_453 : i1
    %sub3A_455 = arith.constant 1 : i32
    %sub3A_456 = arith.subi %div3A_435, %sub3A_455 : i32
    %select_n3A_457 = arith.select %and3A_454, %sub3A_456, %div3A_435 : i32
    %jit3A_458 = arith.constant 128 : i32
    %eq3A_459 = arith.constant 0 : i32
    %eq3A_460 = arith.cmpi eq, %jit3A_458, %eq3A_459 : i32
    %jit3A_461 = arith.constant 1 : i32
    %select_n3A_462 = arith.select %eq3A_460, %jit3A_461, %jit3A_458 : i32
    %rem3A_463 = arith.remsi %add3A_433, %select_n3A_462 : i32
    %ne3A_464 = arith.constant 0 : i32
    %ne3A_465 = arith.cmpi ne, %rem3A_463, %ne3A_464 : i32
    %lt3A_466 = arith.constant 0 : i32
    %lt3A_467 = arith.cmpi slt, %rem3A_463, %lt3A_466 : i32
    %lt3A_468 = arith.constant 0 : i32
    %lt3A_469 = arith.cmpi slt, %select_n3A_462, %lt3A_468 : i32
    %ne3A_470 = arith.xori %lt3A_467, %lt3A_469 : i1
    %and3A_471 = arith.andi %ne3A_470, %ne3A_465 : i1
    %add3A_472 = arith.addi %rem3A_463, %select_n3A_462 : i32
    %select_n3A_473 = arith.select %and3A_471, %add3A_472, %rem3A_463 : i32
    %mul3A_474 = arith.constant 128 : i32
    %mul3A_475 = arith.muli %select_n3A_473, %mul3A_474 : i32
    %jit3A_476 = arith.constant 128 : i32
    %div3A_477 = arith.divsi %mul3A_475, %jit3A_476 : i32
    %sign3A_478 = arith.constant 0 : i32
    %sign3A_479 = arith.cmpi sgt, %mul3A_475, %sign3A_478 : i32
    %sign3A_480 = arith.extui %sign3A_479 : i1 to i32
    %sign3A_481 = arith.constant 0 : i32
    %sign3A_482 = arith.cmpi slt, %mul3A_475, %sign3A_481 : i32
    %sign3A_483 = arith.extui %sign3A_482 : i1 to i32
    %sign3A_484 = arith.subi %sign3A_480, %sign3A_483 : i32
    %sign3A_485 = arith.constant 0 : i32
    %sign3A_486 = arith.cmpi sgt, %jit3A_476, %sign3A_485 : i32
    %sign3A_487 = arith.extui %sign3A_486 : i1 to i32
    %sign3A_488 = arith.constant 0 : i32
    %sign3A_489 = arith.cmpi slt, %jit3A_476, %sign3A_488 : i32
    %sign3A_490 = arith.extui %sign3A_489 : i1 to i32
    %sign3A_491 = arith.subi %sign3A_487, %sign3A_490 : i32
    %ne3A_492 = arith.cmpi ne, %sign3A_484, %sign3A_491 : i32
    %rem3A_493 = arith.remsi %mul3A_475, %jit3A_476 : i32
    %ne3A_494 = arith.constant 0 : i32
    %ne3A_495 = arith.cmpi ne, %rem3A_493, %ne3A_494 : i32
    %and3A_496 = arith.andi %ne3A_492, %ne3A_495 : i1
    %sub3A_497 = arith.constant 1 : i32
    %sub3A_498 = arith.subi %div3A_477, %sub3A_497 : i32
    %select_n3A_499 = arith.select %and3A_496, %sub3A_498, %div3A_477 : i32
    %dma_wait3A_500 = arith.constant 1 : i32
    %dma_wait3A_501 = arith.constant 1 : i32
    %dma_wait3A_502 = arith.constant 0 : i32
    %dma_wait3A_503 = arith.constant 0 : i32
    %dma_wait3A_504 = arith.constant 0 : i32
    %dma_wait3A_505 = tpu.memref_slice %arg7[%dma_wait3A_500, %dma_wait3A_502, %dma_wait3A_503, %dma_wait3A_504] : memref<4x8x8x128xf32, #tpu.memory_space<vmem>> -> memref<1x8x8x128xf32, #tpu.memory_space<vmem>>
    %dma_wait3A_506 = tpu.memref_squeeze %dma_wait3A_505 : memref<1x8x8x128xf32, #tpu.memory_space<vmem>> -> memref<8x8x128xf32, #tpu.memory_space<vmem>>
    %dma_wait3A_507 = arith.constant 0 : i32
    %dma_wait3A_508 = arith.constant 0 : i32
    %dma_wait3A_509 = arith.constant 0 : i32
    %dma_wait3A_510 = tpu.memref_slice %arg4[%select_n3A_457, %dma_wait3A_507, %select_n3A_499, %dma_wait3A_508, %dma_wait3A_509] : memref<50x8x128x8x128xf32, #tpu.memory_space<hbm>> -> memref<1x8x1x8x128xf32, #tpu.memory_space<hbm>>
    %dma_wait3A_511 = tpu.memref_squeeze %dma_wait3A_510 : memref<1x8x1x8x128xf32, #tpu.memory_space<hbm>> -> memref<8x8x128xf32, #tpu.memory_space<hbm>>
    %dma_wait3A_512 = tpu.memref_slice %arg10[%dma_wait3A_501] : memref<4x!tpu.dma_semaphore, #tpu.memory_space<semaphore_mem>> -> memref<1x!tpu.dma_semaphore, #tpu.memory_space<semaphore_mem>>
    %dma_wait3A_513 = tpu.memref_squeeze %dma_wait3A_512 : memref<1x!tpu.dma_semaphore, #tpu.memory_space<semaphore_mem>> -> memref<!tpu.dma_semaphore, #tpu.memory_space<semaphore_mem>>
    %dma_wait3A_514 = arith.constant 0 : i32
    %dma_wait3A_515 = arith.constant 0 : i32
    %dma_wait3A_516 = arith.constant 0 : i32
    %dma_wait3A_517 = tpu.memref_slice %arg4[%select_n3A_457, %dma_wait3A_514, %select_n3A_499, %dma_wait3A_515, %dma_wait3A_516] : memref<50x8x128x8x128xf32, #tpu.memory_space<hbm>> -> memref<1x8x1x8x128xf32, #tpu.memory_space<hbm>>
    %dma_wait3A_518 = tpu.memref_squeeze %dma_wait3A_517 : memref<1x8x1x8x128xf32, #tpu.memory_space<hbm>> -> memref<8x8x128xf32, #tpu.memory_space<hbm>>
    %dma_wait3A_519 = arith.constant 0 : i32
    %dma_wait3A_520 = arith.constant 0 : i32
    %dma_wait3A_521 = arith.constant 0 : i32
    %dma_wait3A_522 = tpu.memref_slice %arg7[%dma_wait3A_500, %dma_wait3A_519, %dma_wait3A_520, %dma_wait3A_521] : memref<4x8x8x128xf32, #tpu.memory_space<vmem>> -> memref<1x8x8x128xf32, #tpu.memory_space<vmem>>
    %dma_wait3A_523 = tpu.memref_squeeze %dma_wait3A_522 : memref<1x8x8x128xf32, #tpu.memory_space<vmem>> -> memref<8x8x128xf32, #tpu.memory_space<vmem>>
    tpu.wait_dma2 semaphore(%dma_wait3A_513 : memref<!tpu.dma_semaphore, #tpu.memory_space<semaphore_mem>>) src(%dma_wait3A_523 : memref<8x8x128xf32, #tpu.memory_space<vmem>>) dst(%dma_wait3A_518 : memref<8x8x128xf32, #tpu.memory_space<hbm>>)
    %add3A_524 = arith.constant 198 : i32
    %add3A_525 = arith.addi %mul3A_2, %add3A_524 : i32
    %jit3A_526 = arith.constant 128 : i32
    %div3A_527 = arith.divsi %add3A_525, %jit3A_526 : i32
    %sign3A_528 = arith.constant 0 : i32
    %sign3A_529 = arith.cmpi sgt, %add3A_525, %sign3A_528 : i32
    %sign3A_530 = arith.extui %sign3A_529 : i1 to i32
    %sign3A_531 = arith.constant 0 : i32
    %sign3A_532 = arith.cmpi slt, %add3A_525, %sign3A_531 : i32
    %sign3A_533 = arith.extui %sign3A_532 : i1 to i32
    %sign3A_534 = arith.subi %sign3A_530, %sign3A_533 : i32
    %sign3A_535 = arith.constant 0 : i32
    %sign3A_536 = arith.cmpi sgt, %jit3A_526, %sign3A_535 : i32
    %sign3A_537 = arith.extui %sign3A_536 : i1 to i32
    %sign3A_538 = arith.constant 0 : i32
    %sign3A_539 = arith.cmpi slt, %jit3A_526, %sign3A_538 : i32
    %sign3A_540 = arith.extui %sign3A_539 : i1 to i32
    %sign3A_541 = arith.subi %sign3A_537, %sign3A_540 : i32
    %ne3A_542 = arith.cmpi ne, %sign3A_534, %sign3A_541 : i32
    %rem3A_543 = arith.remsi %add3A_525, %jit3A_526 : i32
    %ne3A_544 = arith.constant 0 : i32
    %ne3A_545 = arith.cmpi ne, %rem3A_543, %ne3A_544 : i32
    %and3A_546 = arith.andi %ne3A_542, %ne3A_545 : i1
    %sub3A_547 = arith.constant 1 : i32
    %sub3A_548 = arith.subi %div3A_527, %sub3A_547 : i32
    %select_n3A_549 = arith.select %and3A_546, %sub3A_548, %div3A_527 : i32
    %jit3A_550 = arith.constant 128 : i32
    %eq3A_551 = arith.constant 0 : i32
    %eq3A_552 = arith.cmpi eq, %jit3A_550, %eq3A_551 : i32
    %jit3A_553 = arith.constant 1 : i32
    %select_n3A_554 = arith.select %eq3A_552, %jit3A_553, %jit3A_550 : i32
    %rem3A_555 = arith.remsi %add3A_525, %select_n3A_554 : i32
    %ne3A_556 = arith.constant 0 : i32
    %ne3A_557 = arith.cmpi ne, %rem3A_555, %ne3A_556 : i32
    %lt3A_558 = arith.constant 0 : i32
    %lt3A_559 = arith.cmpi slt, %rem3A_555, %lt3A_558 : i32
    %lt3A_560 = arith.constant 0 : i32
    %lt3A_561 = arith.cmpi slt, %select_n3A_554, %lt3A_560 : i32
    %ne3A_562 = arith.xori %lt3A_559, %lt3A_561 : i1
    %and3A_563 = arith.andi %ne3A_562, %ne3A_557 : i1
    %add3A_564 = arith.addi %rem3A_555, %select_n3A_554 : i32
    %select_n3A_565 = arith.select %and3A_563, %add3A_564, %rem3A_555 : i32
    %mul3A_566 = arith.constant 128 : i32
    %mul3A_567 = arith.muli %select_n3A_565, %mul3A_566 : i32
    %jit3A_568 = arith.constant 128 : i32
    %div3A_569 = arith.divsi %mul3A_567, %jit3A_568 : i32
    %sign3A_570 = arith.constant 0 : i32
    %sign3A_571 = arith.cmpi sgt, %mul3A_567, %sign3A_570 : i32
    %sign3A_572 = arith.extui %sign3A_571 : i1 to i32
    %sign3A_573 = arith.constant 0 : i32
    %sign3A_574 = arith.cmpi slt, %mul3A_567, %sign3A_573 : i32
    %sign3A_575 = arith.extui %sign3A_574 : i1 to i32
    %sign3A_576 = arith.subi %sign3A_572, %sign3A_575 : i32
    %sign3A_577 = arith.constant 0 : i32
    %sign3A_578 = arith.cmpi sgt, %jit3A_568, %sign3A_577 : i32
    %sign3A_579 = arith.extui %sign3A_578 : i1 to i32
    %sign3A_580 = arith.constant 0 : i32
    %sign3A_581 = arith.cmpi slt, %jit3A_568, %sign3A_580 : i32
    %sign3A_582 = arith.extui %sign3A_581 : i1 to i32
    %sign3A_583 = arith.subi %sign3A_579, %sign3A_582 : i32
    %ne3A_584 = arith.cmpi ne, %sign3A_576, %sign3A_583 : i32
    %rem3A_585 = arith.remsi %mul3A_567, %jit3A_568 : i32
    %ne3A_586 = arith.constant 0 : i32
    %ne3A_587 = arith.cmpi ne, %rem3A_585, %ne3A_586 : i32
    %and3A_588 = arith.andi %ne3A_584, %ne3A_587 : i1
    %sub3A_589 = arith.constant 1 : i32
    %sub3A_590 = arith.subi %div3A_569, %sub3A_589 : i32
    %select_n3A_591 = arith.select %and3A_588, %sub3A_590, %div3A_569 : i32
    %dma_wait3A_592 = arith.constant 2 : i32
    %dma_wait3A_593 = arith.constant 2 : i32
    %dma_wait3A_594 = arith.constant 0 : i32
    %dma_wait3A_595 = arith.constant 0 : i32
    %dma_wait3A_596 = arith.constant 0 : i32
    %dma_wait3A_597 = tpu.memref_slice %arg7[%dma_wait3A_592, %dma_wait3A_594, %dma_wait3A_595, %dma_wait3A_596] : memref<4x8x8x128xf32, #tpu.memory_space<vmem>> -> memref<1x8x8x128xf32, #tpu.memory_space<vmem>>
    %dma_wait3A_598 = tpu.memref_squeeze %dma_wait3A_597 : memref<1x8x8x128xf32, #tpu.memory_space<vmem>> -> memref<8x8x128xf32, #tpu.memory_space<vmem>>
    %dma_wait3A_599 = arith.constant 0 : i32
    %dma_wait3A_600 = arith.constant 0 : i32
    %dma_wait3A_601 = arith.constant 0 : i32
    %dma_wait3A_602 = tpu.memref_slice %arg4[%select_n3A_549, %dma_wait3A_599, %select_n3A_591, %dma_wait3A_600, %dma_wait3A_601] : memref<50x8x128x8x128xf32, #tpu.memory_space<hbm>> -> memref<1x8x1x8x128xf32, #tpu.memory_space<hbm>>
    %dma_wait3A_603 = tpu.memref_squeeze %dma_wait3A_602 : memref<1x8x1x8x128xf32, #tpu.memory_space<hbm>> -> memref<8x8x128xf32, #tpu.memory_space<hbm>>
    %dma_wait3A_604 = tpu.memref_slice %arg10[%dma_wait3A_593] : memref<4x!tpu.dma_semaphore, #tpu.memory_space<semaphore_mem>> -> memref<1x!tpu.dma_semaphore, #tpu.memory_space<semaphore_mem>>
    %dma_wait3A_605 = tpu.memref_squeeze %dma_wait3A_604 : memref<1x!tpu.dma_semaphore, #tpu.memory_space<semaphore_mem>> -> memref<!tpu.dma_semaphore, #tpu.memory_space<semaphore_mem>>
    %dma_wait3A_606 = arith.constant 0 : i32
    %dma_wait3A_607 = arith.constant 0 : i32
    %dma_wait3A_608 = arith.constant 0 : i32
    %dma_wait3A_609 = tpu.memref_slice %arg4[%select_n3A_549, %dma_wait3A_606, %select_n3A_591, %dma_wait3A_607, %dma_wait3A_608] : memref<50x8x128x8x128xf32, #tpu.memory_space<hbm>> -> memref<1x8x1x8x128xf32, #tpu.memory_space<hbm>>
    %dma_wait3A_610 = tpu.memref_squeeze %dma_wait3A_609 : memref<1x8x1x8x128xf32, #tpu.memory_space<hbm>> -> memref<8x8x128xf32, #tpu.memory_space<hbm>>
    %dma_wait3A_611 = arith.constant 0 : i32
    %dma_wait3A_612 = arith.constant 0 : i32
    %dma_wait3A_613 = arith.constant 0 : i32
    %dma_wait3A_614 = tpu.memref_slice %arg7[%dma_wait3A_592, %dma_wait3A_611, %dma_wait3A_612, %dma_wait3A_613] : memref<4x8x8x128xf32, #tpu.memory_space<vmem>> -> memref<1x8x8x128xf32, #tpu.memory_space<vmem>>
    %dma_wait3A_615 = tpu.memref_squeeze %dma_wait3A_614 : memref<1x8x8x128xf32, #tpu.memory_space<vmem>> -> memref<8x8x128xf32, #tpu.memory_space<vmem>>
    tpu.wait_dma2 semaphore(%dma_wait3A_605 : memref<!tpu.dma_semaphore, #tpu.memory_space<semaphore_mem>>) src(%dma_wait3A_615 : memref<8x8x128xf32, #tpu.memory_space<vmem>>) dst(%dma_wait3A_610 : memref<8x8x128xf32, #tpu.memory_space<hbm>>)
    %add3A_616 = arith.constant 199 : i32
    %add3A_617 = arith.addi %mul3A_2, %add3A_616 : i32
    %jit3A_618 = arith.constant 128 : i32
    %div3A_619 = arith.divsi %add3A_617, %jit3A_618 : i32
    %sign3A_620 = arith.constant 0 : i32
    %sign3A_621 = arith.cmpi sgt, %add3A_617, %sign3A_620 : i32
    %sign3A_622 = arith.extui %sign3A_621 : i1 to i32
    %sign3A_623 = arith.constant 0 : i32
    %sign3A_624 = arith.cmpi slt, %add3A_617, %sign3A_623 : i32
    %sign3A_625 = arith.extui %sign3A_624 : i1 to i32
    %sign3A_626 = arith.subi %sign3A_622, %sign3A_625 : i32
    %sign3A_627 = arith.constant 0 : i32
    %sign3A_628 = arith.cmpi sgt, %jit3A_618, %sign3A_627 : i32
    %sign3A_629 = arith.extui %sign3A_628 : i1 to i32
    %sign3A_630 = arith.constant 0 : i32
    %sign3A_631 = arith.cmpi slt, %jit3A_618, %sign3A_630 : i32
    %sign3A_632 = arith.extui %sign3A_631 : i1 to i32
    %sign3A_633 = arith.subi %sign3A_629, %sign3A_632 : i32
    %ne3A_634 = arith.cmpi ne, %sign3A_626, %sign3A_633 : i32
    %rem3A_635 = arith.remsi %add3A_617, %jit3A_618 : i32
    %ne3A_636 = arith.constant 0 : i32
    %ne3A_637 = arith.cmpi ne, %rem3A_635, %ne3A_636 : i32
    %and3A_638 = arith.andi %ne3A_634, %ne3A_637 : i1
    %sub3A_639 = arith.constant 1 : i32
    %sub3A_640 = arith.subi %div3A_619, %sub3A_639 : i32
    %select_n3A_641 = arith.select %and3A_638, %sub3A_640, %div3A_619 : i32
    %jit3A_642 = arith.constant 128 : i32
    %eq3A_643 = arith.constant 0 : i32
    %eq3A_644 = arith.cmpi eq, %jit3A_642, %eq3A_643 : i32
    %jit3A_645 = arith.constant 1 : i32
    %select_n3A_646 = arith.select %eq3A_644, %jit3A_645, %jit3A_642 : i32
    %rem3A_647 = arith.remsi %add3A_617, %select_n3A_646 : i32
    %ne3A_648 = arith.constant 0 : i32
    %ne3A_649 = arith.cmpi ne, %rem3A_647, %ne3A_648 : i32
    %lt3A_650 = arith.constant 0 : i32
    %lt3A_651 = arith.cmpi slt, %rem3A_647, %lt3A_650 : i32
    %lt3A_652 = arith.constant 0 : i32
    %lt3A_653 = arith.cmpi slt, %select_n3A_646, %lt3A_652 : i32
    %ne3A_654 = arith.xori %lt3A_651, %lt3A_653 : i1
    %and3A_655 = arith.andi %ne3A_654, %ne3A_649 : i1
    %add3A_656 = arith.addi %rem3A_647, %select_n3A_646 : i32
    %select_n3A_657 = arith.select %and3A_655, %add3A_656, %rem3A_647 : i32
    %mul3A_658 = arith.constant 128 : i32
    %mul3A_659 = arith.muli %select_n3A_657, %mul3A_658 : i32
    %jit3A_660 = arith.constant 128 : i32
    %div3A_661 = arith.divsi %mul3A_659, %jit3A_660 : i32
    %sign3A_662 = arith.constant 0 : i32
    %sign3A_663 = arith.cmpi sgt, %mul3A_659, %sign3A_662 : i32
    %sign3A_664 = arith.extui %sign3A_663 : i1 to i32
    %sign3A_665 = arith.constant 0 : i32
    %sign3A_666 = arith.cmpi slt, %mul3A_659, %sign3A_665 : i32
    %sign3A_667 = arith.extui %sign3A_666 : i1 to i32
    %sign3A_668 = arith.subi %sign3A_664, %sign3A_667 : i32
    %sign3A_669 = arith.constant 0 : i32
    %sign3A_670 = arith.cmpi sgt, %jit3A_660, %sign3A_669 : i32
    %sign3A_671 = arith.extui %sign3A_670 : i1 to i32
    %sign3A_672 = arith.constant 0 : i32
    %sign3A_673 = arith.cmpi slt, %jit3A_660, %sign3A_672 : i32
    %sign3A_674 = arith.extui %sign3A_673 : i1 to i32
    %sign3A_675 = arith.subi %sign3A_671, %sign3A_674 : i32
    %ne3A_676 = arith.cmpi ne, %sign3A_668, %sign3A_675 : i32
    %rem3A_677 = arith.remsi %mul3A_659, %jit3A_660 : i32
    %ne3A_678 = arith.constant 0 : i32
    %ne3A_679 = arith.cmpi ne, %rem3A_677, %ne3A_678 : i32
    %and3A_680 = arith.andi %ne3A_676, %ne3A_679 : i1
    %sub3A_681 = arith.constant 1 : i32
    %sub3A_682 = arith.subi %div3A_661, %sub3A_681 : i32
    %select_n3A_683 = arith.select %and3A_680, %sub3A_682, %div3A_661 : i32
    %dma_wait3A_684 = arith.constant 3 : i32
    %dma_wait3A_685 = arith.constant 3 : i32
    %dma_wait3A_686 = arith.constant 0 : i32
    %dma_wait3A_687 = arith.constant 0 : i32
    %dma_wait3A_688 = arith.constant 0 : i32
    %dma_wait3A_689 = tpu.memref_slice %arg7[%dma_wait3A_684, %dma_wait3A_686, %dma_wait3A_687, %dma_wait3A_688] : memref<4x8x8x128xf32, #tpu.memory_space<vmem>> -> memref<1x8x8x128xf32, #tpu.memory_space<vmem>>
    %dma_wait3A_690 = tpu.memref_squeeze %dma_wait3A_689 : memref<1x8x8x128xf32, #tpu.memory_space<vmem>> -> memref<8x8x128xf32, #tpu.memory_space<vmem>>
    %dma_wait3A_691 = arith.constant 0 : i32
    %dma_wait3A_692 = arith.constant 0 : i32
    %dma_wait3A_693 = arith.constant 0 : i32
    %dma_wait3A_694 = tpu.memref_slice %arg4[%select_n3A_641, %dma_wait3A_691, %select_n3A_683, %dma_wait3A_692, %dma_wait3A_693] : memref<50x8x128x8x128xf32, #tpu.memory_space<hbm>> -> memref<1x8x1x8x128xf32, #tpu.memory_space<hbm>>
    %dma_wait3A_695 = tpu.memref_squeeze %dma_wait3A_694 : memref<1x8x1x8x128xf32, #tpu.memory_space<hbm>> -> memref<8x8x128xf32, #tpu.memory_space<hbm>>
    %dma_wait3A_696 = tpu.memref_slice %arg10[%dma_wait3A_685] : memref<4x!tpu.dma_semaphore, #tpu.memory_space<semaphore_mem>> -> memref<1x!tpu.dma_semaphore, #tpu.memory_space<semaphore_mem>>
    %dma_wait3A_697 = tpu.memref_squeeze %dma_wait3A_696 : memref<1x!tpu.dma_semaphore, #tpu.memory_space<semaphore_mem>> -> memref<!tpu.dma_semaphore, #tpu.memory_space<semaphore_mem>>
    %dma_wait3A_698 = arith.constant 0 : i32
    %dma_wait3A_699 = arith.constant 0 : i32
    %dma_wait3A_700 = arith.constant 0 : i32
    %dma_wait3A_701 = tpu.memref_slice %arg4[%select_n3A_641, %dma_wait3A_698, %select_n3A_683, %dma_wait3A_699, %dma_wait3A_700] : memref<50x8x128x8x128xf32, #tpu.memory_space<hbm>> -> memref<1x8x1x8x128xf32, #tpu.memory_space<hbm>>
    %dma_wait3A_702 = tpu.memref_squeeze %dma_wait3A_701 : memref<1x8x1x8x128xf32, #tpu.memory_space<hbm>> -> memref<8x8x128xf32, #tpu.memory_space<hbm>>
    %dma_wait3A_703 = arith.constant 0 : i32
    %dma_wait3A_704 = arith.constant 0 : i32
    %dma_wait3A_705 = arith.constant 0 : i32
    %dma_wait3A_706 = tpu.memref_slice %arg7[%dma_wait3A_684, %dma_wait3A_703, %dma_wait3A_704, %dma_wait3A_705] : memref<4x8x8x128xf32, #tpu.memory_space<vmem>> -> memref<1x8x8x128xf32, #tpu.memory_space<vmem>>
    %dma_wait3A_707 = tpu.memref_squeeze %dma_wait3A_706 : memref<1x8x8x128xf32, #tpu.memory_space<vmem>> -> memref<8x8x128xf32, #tpu.memory_space<vmem>>
    tpu.wait_dma2 semaphore(%dma_wait3A_697 : memref<!tpu.dma_semaphore, #tpu.memory_space<semaphore_mem>>) src(%dma_wait3A_707 : memref<8x8x128xf32, #tpu.memory_space<vmem>>) dst(%dma_wait3A_702 : memref<8x8x128xf32, #tpu.memory_space<hbm>>)
    return
  }
}

</mosaic_0001>

<sc_bundles>
// kernel: kernel.3.cloned.1.call-start
scs
__scs_entry_jumppad:
0x0: {  	(pc) =	sbr.rel $0x88, $3  }
0x1: {  	(tag) =	ssettag $0x0;
	lr =	simm.s32 $0x1  }
0x2: {  	[smem:$0x3F9F] =	sst lr;
	_ =	strace $0xD0000000  }
0x3: {  	_ = 	snop  }
0x4: {  	_ = 	snop  }
0x5: {  	_ = 	snop  }
0x6: {  	_ = 	snop  }
0x7: {  	_ = 	snop  }
__scs_overlays_trampoline_lowered:
0x8: {  	[smem:$0x3FAE] =	sst s0  }
0x9: {  	[smem:$0x3FAF] =	sst s1  }
0xa: {  	[smem:$0x3FB0] =	sst s2  }
0xb: {  	[smem:$0x3FB1] =	sst s3  }
0xc: {  	[smem:$0x3FB2] =	sst s4  }
0xd: {  	[smem:$0x3FB3] =	sst s5  }
0xe: {  	[smem:$0x3FB4] =	sst s6  }
0xf: {  	[smem:$0x3FB5] =	sst s7  }
0x10: {  	[smem:$0x3FB6] =	sst s8  }
0x11: {  	[smem:$0x3FB7] =	sst s9;
	s0 =	simm.s32 @!p0 $0x0  }
0x12: {  	s1 =	sld [smem:$0x3F9D];
	s0 =	simm.s32 @p0 $0x1  }
0x13: {  	[smem:$0x3FB8] =	sst s0;
	s0 =	simm.s32 @!p1 $0x0  }
0x14: {  	s2 =	sld [smem:$0x3F9C];
	s0 =	simm.s32 @p1 $0x1  }
0x15: {  	[smem:$0x3FB9] =	sst s0;
	s0 =	simm.s32 @!p2 $0x0  }
0x16: {  	s3 =	sld [smem:$0x3FDB];
	s0 =	simm.s32 @p2 $0x1  }
0x17: {  	s4 =	simm.s32 $0x1BF5;
	[smem:$0x3FBB] =	sst s0  }
0x18: {  	s0 =	sld [smem:$0x3F9E];
	_ =	swait.ge [sflag:s4], $0x0  }
0x19: {  	s7 =	sld [smem:$0x3F9F]  }
0x1a: {  	s8 =	sadd.s32 $0xFFFFE003, lr  }
0x1b: {  	s9 =	sadd.s32 $0xFFFFFEF7, lr;
	s5 =	simm.s32 $0xFFFFFFFF;
	p2 =	slt.u32 s8, $0xFFFFF086  }
0x1c: {  	p1 =	slt.u32 s9, $0xF7A;
	s5 =	simm.s32 @!p2 $0x0  }
0x1d: {  	s5 =	simm.s32 @p1 $0x1;
	p0 =	seq.s32 s7, s2  }
0x1e: {  	s7 =	smul.u32 @!p0 $0xF7A, s2;
	p2 =	seq.s32 @!p0 s5, $0x0  }
0x1f: {  	s9 =	smul.u32 $0xF7A, s1;
	s8 =	simm.s32 @!p0 $0x1BF5;
	p2 =	por !p2, p0  }
0x20: {  	[sflag:s8] =	ssyncset.s32 @!p0 $0xFFFFF086;
	s6 =	sadd.s32 @!p0 s3, s7;
	s7 =	simm.s32 @!p0 $0x108  }
0x21: {  	s3 =	sadd.s32 s3, s9;
	s6 =	sadd.s32 @!p0 $0x88, s6;
	s7 =	simm.s32 @p2 $0x1082  }
0x22: {  	[simem:s7], [sflag:s8] =	dma.local @!p0 [hbm:s6], $0xF7A  }
0x23: {  	s9 =	sor.u32 $0xD0000000, s2;
	s6 =	simm.s32 $0x108;
	_ =	swait.ge @!p0 [sflag:s8], $0x0  }
0x24: {  	s3 =	sadd.s32 $0x88, s3;
	s6 =	simm.s32 @!p1 $0x1082;
	[sflag:s4] =	ssyncset.s32 $0xFFFFF086  }
0x25: {  	[simem:s6], [sflag:s4] =	dma.local [hbm:s3], $0xF7A  }
0x26: {  	[smem:$0x3F9F] =	sst s1;
	(tag) =	ssettag s2;
	_ =	strace s9  }
0x27: {  	s1 =	sld [smem:$0x3FAF]  }
0x28: {  	s2 =	sld [smem:$0x3FB0]  }
0x29: {  	s4 =	sld [smem:$0x3FB2]  }
0x2a: {  	p0 =	seq.s32 s5, $0x0;
	s5 =	sld [smem:$0x3FB3]  }
0x2b: {  	s6 =	sld [smem:$0x3FB4]  }
0x2c: {  	s7 =	sld [smem:$0x3FB5]  }
0x2d: {  	s3 =	simm.s32 $0x108;
	s8 =	sld [smem:$0x3FB6]  }
0x2e: {  	s3 =	simm.s32 @!p0 $0x1082;
	s9 =	sld [smem:$0x3FB7]  }
0x2f: {  	lr =	sadd.s32 s0, s3;
	s0 =	sld [smem:$0x3FAE]  }
0x30: {  	s3 =	sld [smem:$0x3FB1]  }
0x31: {  	[smem:$0x3FBA] =	sst s10  }
0x32: {  	s10 =	sld [smem:$0x3FB8];
	_ =	sdelay $0x3  }
0x33: {  	p0 =	seq.s32 s10, $0x1;
	s10 =	sld [smem:$0x3FBA];
	_ =	sdelay $0x3  }
0x34: {  	[smem:$0x3FBA] =	sst s10  }
0x35: {  	s10 =	sld [smem:$0x3FB9];
	_ =	sdelay $0x3  }
0x36: {  	p1 =	seq.s32 s10, $0x1;
	s10 =	sld [smem:$0x3FBA];
	_ =	sdelay $0x3  }
0x37: {  	[smem:$0x3FBA] =	sst s10  }
0x38: {  	s10 =	sld [smem:$0x3FBB]  }
0x39: {  	_ = 	snop;
	(pc) =	sbr.ind lr, $3  }
0x3a: {  	_ = 	snop  }
0x3b: {  	_ = 	snop  }
0x3c: {  	p2 =	seq.s32 s10, $0x1;
	s10 =	sld [smem:$0x3FBA]  }
0x3d: {  	_ =	shalt  }
0x3e: {  	_ =	shalt  }
0x3f: {  	_ =	shalt  }
0x40: {  	_ =	shalt  }
0x41: {  	_ =	shalt  }
0x42: {  	_ =	shalt  }
0x43: {  	_ =	shalt  }
0x44: {  	_ =	shalt  }
0x45: {  	_ =	shalt  }
0x46: {  	_ =	shalt  }
0x47: {  	_ =	shalt  }
0x48: {  	_ =	shalt  }
0x49: {  	_ =	shalt  }
0x4a: {  	_ =	shalt  }
0x4b: {  	_ =	shalt  }
0x4c: {  	_ =	shalt  }
0x4d: {  	_ =	shalt  }
0x4e: {  	_ =	shalt  }
0x4f: {  	_ =	shalt  }
0x50: {  	_ =	shalt  }
0x51: {  	_ =	shalt  }
0x52: {  	_ =	shalt  }
0x53: {  	_ =	shalt  }
0x54: {  	_ =	shalt  }
0x55: {  	_ =	shalt  }
0x56: {  	_ =	shalt  }
0x57: {  	_ =	shalt  }
0x58: {  	_ =	shalt  }
0x59: {  	_ =	shalt  }
0x5a: {  	_ =	shalt  }
0x5b: {  	_ =	shalt  }
0x5c: {  	_ =	shalt  }
0x5d: {  	_ =	shalt  }
0x5e: {  	_ =	shalt  }
0x5f: {  	_ =	shalt  }
0x60: {  	_ =	shalt  }
0x61: {  	_ =	shalt  }
0x62: {  	_ =	shalt  }
0x63: {  	_ =	shalt  }
0x64: {  	_ =	shalt  }
0x65: {  	_ =	shalt  }
0x66: {  	_ =	shalt  }
0x67: {  	_ =	shalt  }
0x68: {  	_ =	shalt  }
0x69: {  	_ =	shalt  }
0x6a: {  	_ =	shalt  }
0x6b: {  	_ =	shalt  }
0x6c: {  	_ =	shalt  }
0x6d: {  	_ =	shalt  }
0x6e: {  	_ =	shalt  }
0x6f: {  	_ =	shalt  }
0x70: {  	_ =	shalt  }
0x71: {  	_ =	shalt  }
0x72: {  	_ =	shalt  }
0x73: {  	_ =	shalt  }
0x74: {  	_ =	shalt  }
0x75: {  	_ =	shalt  }
0x76: {  	_ =	shalt  }
0x77: {  	_ =	shalt  }
0x78: {  	_ =	shalt  }
0x79: {  	_ =	shalt  }
0x7a: {  	_ =	shalt  }
0x7b: {  	_ =	shalt  }
0x7c: {  	_ =	shalt  }
0x7d: {  	_ =	shalt  }
0x7e: {  	_ =	shalt  }
0x7f: {  	_ =	shalt  }
0x80: {  	_ =	shalt  }
0x81: {  	_ =	shalt  }
0x82: {  	_ =	shalt  }
0x83: {  	_ =	shalt  }
0x84: {  	_ =	shalt  }
0x85: {  	_ =	shalt  }
0x86: {  	_ =	shalt  }
0x87: {  	_ =	shalt  }
.Lfunc_end0:
.L_simem_size_0:
called_computation_lowered:
.L_overlay_start_0:
0x88: {  	s2 =	sld [smem:$0x3FD9]  }
0x89: {  	s3 =	sld [smem:$0x3FFE];
	_ =	sdelay $0x1  }
0x8a: {  	s1 =	srdreg.scid  }
0x8b: {  	s0 =	sand.u32 $0x1, s1  }
0x8c: {  	s17 =	sshll.u32 s0, $0xA;
	s2 =	sadd.s32 s3, s2  }
0x8d: {  	s2 =	sadd.s32 s2, s17  }
0x8e: {  	[smem:$0x3FC6] =	sst s2  }
0x8f: {  	_ = 	snop  }
0x90: {  	s2 =	sld [smem:$0x3FD0];
	(tm) =	ssettm $0x1  }
0x91: {  	s18 =	sld [smem:$0x3FFB];
	_ =	sdelay $0x3  }
0x92: {  	_ =	strace s18  }
0x93: {  	s3 =	sld [smem:$0x3FFC];
	_ =	sdelay $0x3  }
0x94: {  	_ =	strace s3  }
0x95: {  	s3 =	sld [smem:$0x3FFD];
	_ =	sdelay $0x3  }
0x96: {  	_ =	strace s3  }
0x97: {  	_ =	strace $0x8FFFFFFF  }
0x98: {  	s19 =	sld [smem:$0x3FDB];
	_ =	sdelay $0x1  }
0x99: {  	s4 =	simm.s32 $_scs_section_size  }
0x9a: {  	s5 =	simm.s32 $_size__tile_overlayer_lowered;
	s6 =	simm.s32 $_tile_overlayer_lowered  }
0x9b: {  	s22 =	simm.s32 $0x1BFF;
	s21 =	sshll.u32 s6, $0x1;
	s3 =	sadd.s32 s4, s19  }
0x9c: {  	s7 =	simm.s32 $0x0;
	s20 =	sshll.u32 s5, $0x1;
	s5 =	sadd.s32 s21, s3  }
0x9d: {  	[timem:s7], [sflag:s22] =	dma.local [hbm:s5], s20  }
0x9e: {  	_ =	swait.ge [sflag:s22], s20  }
0x9f: {  	s4 =	ssub.s32 $0x0, s20;
	[sflag:s22] =	ssyncset.done $0x0  }
0xa0: {  	[sflag:s22] =	ssyncadd.s32 s4;
	_ =	sdelay $0x1  }
0xa1: {  	s23 =	simm.s32 $0x1B8B  }
0xa2: {  	_ =	swait.ge [sflag:s23], $0x1  }
0xa3: {  	[sflag:s23] =	ssyncset.done $0x0  }
0xa4: {  	s25 =	simm.s32 $0x1B8E;
	s24 =	sld [smem:$0x3FFE];
	[sflag:s23] =	ssyncadd.s32 $0xFFFFFFFF  }
0xa5: {  	s26 =	simm.s32 $execute0_lowered;
	[smem:$0x3FD2] =	sst s25  }
0xa6: {  	s5 =	sshll.u32 s26, $0x1;
	_ =	strace $0x80000046;
	[dreg:$0x1] =	wrdreg $0xFFFFFFFF  }
0xa7: {  	s28 =	simm.s32 $_size_execute0_lowered;
	s3 =	sadd.s32 s3, s5;
	[dreg:$0x0] =	wrdreg $0x0  }
0xa8: {  	s5 =	sshll.u32 s28, $0x1;
	[dreg:$0x2] =	wrdreg s3  }
0xa9: {  	[dreg:$0x3] =	wrdreg s5  }
0xaa: {  	[dreg:$0x4] =	wrdreg $0xC0  }
0xab: {  	_ =	task [dreg:s7], $0x5FFFF  }
0xac: {  	[dreg:$0x1] =	wrdreg $0xFFFFFFFF  }
0xad: {  	[dreg:$0x0] =	wrdreg $0x60  }
0xae: {  	[dreg:$0x2] =	wrdreg s24  }
0xaf: {  	[dreg:$0x3] =	wrdreg s2  }
0xb0: {  	[dreg:$0x4] =	wrdreg $0x9  }
0xb1: {  	_ =	task.clear_ibuf [dreg:s7], $0x5FFFF;
	_ =	strace $0x90000046  }
0xb2: {  	s29 =	simm.s32 $0x9;
	_ =	strace $0x80000048  }
0xb3: {  	_ =	swait.ge [sflag:s29], $0x1  }
0xb4: {  	[sflag:s29] =	ssyncadd.s32 $0xFFFFFFFF  }
0xb5: {  	_ =	strace $0x90000048  }
0xb6: {  	_ =	sfence  }
0xb7: {  	s30 =	sld [smem:$0x0];
	_ =	sdelay $0x2  }
0xb8: {  	s31 =	sshll.u32 s1, $0xD;
	s1 =	sshrl.u32 s1, $0x2  }
0xb9: {  	s3 =	sand.u32 $0x4000, s31;
	s1 =	sadd.s32 s1, s30  }
0xba: {  	s0 =	sor.u32 s3, s0;
	s1 =	sshll.u32 s1, $0x11  }
0xbb: {  	s0 =	sor.u32 s1, s0  }
0xbc: {  	s0 =	sadd.s32 $0x8F2B, s0  }
0xbd: {  	[sflag:s0] =	ssyncadd.remote.s32 $0x1  }
0xbe: {  	_ =	sfence.sel $0xFFFF  }
0xbf: {  	[dreg:$0x0] =	wrdreg $0xFFFFFFFF;
	(pc) =	sbr.abs _section_cstart, $3  }
0xc0: {  	[dreg:$0x1] =	wrdreg $0xFFFFFFFF  }
0xc1: {  	_ =	task.clear_ibuf [dreg:s7], $0x2FFFF;
	_ =	strace $0x9FFFFFFF  }
0xc2: {  	(tm) =	ssettm $0x7FFFFFFF  }
0xc3: {  	_ =	shalt  }
tec
execute0_lowered:
.L_overlay_start_1:
0x0: {  	(tag) =	ssettag $0x1  }
0x1: {  	s0 =	srdreg.scid;
	s5 =	rddreg [dreg:$0x0]  }
0x2: {  	s1 =	stileid.u32;
	s2 =	rddreg [dreg:$0x1]  }
0x3: {  	s3 =	simm.s32 $0x0;
	s14 =	simm.s32 $0x80;
	s17 =	simm.s32 $0x200  }
0x4: {  	s19 =	simm.s32 $0x2200;
	s0 =	sand.u32 $0x1, s0;
	s1 =	sshll.u32 s1, $0x1  }
0x5: {  	s13 =	simm.s32 $0x180;
	s21 =	simm.s32 $0x3;
	s1 =	sor.u32 s0, s1  }
0x6: {  	s22 =	simm.s32 $0x4200;
	s28 =	simm.s32 $0x4;
	s4 =	smul.u32 $0x6400, s1  }
0x7: {  	s29 =	simm.s32 $0x6200;
	s30 =	simm.s32 $0x6;
	s6 =	smul.u32 $0x2400, s1  }
0x8: {  	s31 =	simm.s32 $0xA200;
	s9 =	simm.s32 $0x8;
	s0 =	ssub.s32 $0x2, s0  }
0x9: {  	s8 =	sshrl.u32 s0, $0x1;
	s7 =	sand.u32 $0xFC000, s4;
	s6 =	sand.u32 $0x3C00, s6  }
0xa: {  	[smem:$0x7FF] =	sst s3;
	s0 =	ssub.s32 s0, s8;
	s6 =	sor.u32 s6, s7  }
0xb: {  	s4 =	sadd.s32 $0x600, s5;
	s0 =	smax.u32 s0, $0x1;
	s7 =	sshrl.u32 s6, $0x3  }
0xc: {  	_ =	strace $0x80000047;
	[dreg:$0x9] =	wrdreg s0;
	s23 =	sadd.s32 s4, s7  }
0xd: {  	s6 =	smul.u32 $0xC8, s1;
	s7 =	sadd.s32 $0x10, s23;
	[dreg:$0x3] =	wrdreg s23  }
0xe: {  	v0 =	vlaneseq.u32;
	s11 =	simm.s32 $0x0;
	s1 =	sadd.s32 $0x20, s23;
	[dreg:$0x4] =	wrdreg s7  }
0xf: {  	v1 =	vmul.u32 $0x40, v0;
	v3 =	vor.u32 $0x10, v0;
	v5 =	vor.u32 $0x20, v0;
	s8 =	simm.s32 $0xC200;
	s24 =	sor.u32 $0x4, s6;
	[dreg:$0x5] =	wrdreg s1  }
0x10: {  	v7 =	vor.u32 $0x30, v0;
	v9 =	vor.u32 $0x40, v0;
	v11 =	vor.u32 $0x50, v0;
	s5 =	sadd.s32 $0xF42A00, s5;
	s25 =	sor.u32 $0x5, s6;
	[dreg:$0x6] =	wrdreg s24  }
0x11: {  	v13 =	vor.u32 $0x60, v0;
	v15 =	vor.u32 $0x70, v0;
	v2 =	vor.u32 $0x400, v1;
	s26 =	sor.u32 $0x6, s6;
	s23 =	simm.s32 $0x5;
	[dreg:$0x7] =	wrdreg s25  }
0x12: {  	v4 =	vor.u32 $0x800, v1;
	v6 =	vor.u32 $0xC00, v1;
	v8 =	vor.u32 $0x1000, v1;
	[dreg:$0x8] =	wrdreg s26;
	s24 =	simm.s32 $0x8200;
	s25 =	simm.s32 $0x400  }
0x13: {  	v10 =	vor.u32 $0x1400, v1;
	v12 =	vor.u32 $0x1800, v1;
	v14 =	vor.u32 $0x1C00, v1;
	s26 =	simm.s32 $0x20000;
	s1 =	simm.s32 $0x7;
	s7 =	simm.s32 $0xE200  }
.LBB2_1:
0x14: {  	[dreg:$0xa] =	wrdreg s11  }
0x15: {  	s0 =	rddreg [dreg:$0x3]  }
0x16: {  	[tilespmem:s3], [sflag:$0x1] =	stream.linear.gather [hbm4b:s0+s3], $0x80, $0x38;
	[tilespmem:$0x10200] =	vst v63  }
0x17: {  	s15 =	rddreg [dreg:$0x4]  }
0x18: {  	[tilespmem:s14], [sflag:$0x2] =	stream.linear.gather [hbm4b:s15+s3], $0x80, $0x38;
	[tilespmem:$0x10200] =	vst v63  }
0x19: {  	s16 =	rddreg [dreg:$0x5];
	s10 =	simm.s32 $0x100;
	s18 =	simm.s32 $0x1  }
0x1a: {  	[tilespmem:s10], [sflag:$0x3] =	stream.linear.gather [hbm4b:s16+s3], $0x80, $0x38;
	[tilespmem:$0x10200] =	vst v63  }
0x1b: {  	_ =	swait.ge [sflag:s18], $0x80  }
0x1c: {  	[sflag:s18] =	ssyncset.done $0x0  }
0x1d: {  	s20 =	simm.s32 $0x2;
	[sflag:s18] =	ssyncadd.s32 $0xFFFFFF80  }
0x1e: {  	[tilespmem:s17], [sflag:$0x5] =	stream.indirect.gather [hbm4b:s5+s14], $0x40, s3, s14, $0xb8;
	[tilespmem:$0x10200] =	vst v63  }
0x1f: {  	_ =	swait.ge [sflag:s20], $0x80  }
0x20: {  	[sflag:s20] =	ssyncset.done $0x0  }
0x21: {  	s11 =	simm.s32 $0x0;
	[sflag:s20] =	ssyncadd.s32 $0xFFFFFF80  }
0x22: {  	[tilespmem:s19], [sflag:$0x6] =	stream.indirect.gather [hbm4b:s5+s14], $0x40, s14, s14, $0xb8;
	[tilespmem:$0x10200] =	vst v63  }
.LBB2_2:
0x23: {  	s15 =	sshll.u32 s11, $0x2  }
0x24: {  	s10 =	sadd.s32 s15, s6  }
0x25: {  	s12 =	sadd.s32 $0x3, s10  }
0x26: {  	s10 =	sshll.u32 s12, $0x4  }
0x27: {  	s10 =	sand.u32 $0xFFFFFF0, s10  }
0x28: {  	s10 =	sadd.s32 s4, s10  }
0x29: {  	[tilespmem:s13], [sflag:$0x4] =	stream.linear.gather [hbm4b:s10+s3], $0x80, $0x38;
	[tilespmem:$0x10200] =	vst v63  }
0x2a: {  	_ =	swait.ge [sflag:s21], $0x80  }
0x2b: {  	[sflag:s21] =	ssyncset.done $0x0  }
0x2c: {  	s0 =	simm.s32 $0x100;
	s18 =	simm.s32 $0x0;
	[sflag:s21] =	ssyncadd.s32 $0xFFFFFF80  }
0x2d: {  	v16 =	vadd.s32 s18, v0;
	[tilespmem:s22], [sflag:$0x7] =	stream.indirect.gather [hbm4b:s5+s14], $0x40, s0, s14, $0xb8;
	[tilespmem:$0x10200] =	vst v63  }
0x2e: {  	s20 =	simm.s32 $0x3;
	v31 =	vand.u32 $0x3F, v16;
	_ =	swait.ge [sflag:s23], $0x2000  }
0x2f: {  	p0 =	seq.s32 s11, $0x0;
	v17 =	vadd.s32 s20, v0;
	v18 =	vor.u32 v1, v31;
	s0 =	simm.s32 $0x2;
	[sflag:s23] =	ssyncset.done $0x0  }
0x30: {  	s16 =	simm.s32 @!p0 $0x9;
	s18 =	simm.s32 $0x1;
	v32 =	vand.u32 $0x3F, v17;
	v19 =	vadd.s32 s0, v0;
	[sflag:s23] =	ssyncadd.s32 $0xFFFFE000  }
0x31: {  	v22 =	vadd.s32 s18, v0;
	v21 =	vor.u32 v1, v32;
	v36 =	vand.u32 $0x3F, v19;
	_ =	swait.ge @!p0 [sflag:s16], $0x2000  }
0x32: {  	v16 =	vshll.u32 v16, $0x7;
	v33 =	vand.u32 $0x3F, v22;
	v23 =	vor.u32 v1, v36;
	[sflag:s16] =	ssyncset.done @!p0 $0x0  }
0x33: {  	v17 =	vshll.u32 v17, $0x7;
	v20 =	vand.u32 $0x1F80, v16;
	v24 =	vor.u32 v1, v33;
	[sflag:s16] =	ssyncadd.s32 @!p0 $0xFFFFE000  }
0x34: {  	v37 =	vand.u32 $0x1F80, v17;
	v16 =	vor.u32 v0, v20;
	v17 =	vld.idx.msk [tilespmem:v18+s17+$0x0], $0xffff  }
0x35: {  	v25 =	vor.u32 v2, v31;
	v18 =	vshll.u32 v19, $0x7  }
0x36: {  	v22 =	vshll.u32 v22, $0x7;
	v19 =	vor.u32 v0, v37;
	v21 =	vld.idx.msk [tilespmem:v21+s17+$0x0], $0xffff;
	v35 =	vand.u32 $0x1F80, v18  }
0x37: {  	v34 =	vand.u32 $0x1F80, v22;
	v18 =	vor.u32 v2, v32;
	v23 =	vld.idx.msk [tilespmem:v23+s17+$0x0], $0xffff;
	v22 =	vor.u32 v0, v35  }
0x38: {  	v27 =	vor.u32 v0, v34;
	v26 =	vor.u32 v2, v36;
	v24 =	vld.idx.msk [tilespmem:v24+s17+$0x0], $0xffff  }
0x39: {  	v28 =	vor.u32 v2, v33;
	[tilespmem:v16+s24+$0x0] =	vst.idx.msk $0xffff, v17  }
0x3a: {  	v17 =	vor.u32 v3, v20;
	v16 =	vld.idx.msk [tilespmem:v25+s17+$0x0], $0xffff  }
0x3b: {  	[tilespmem:v19+s24+$0x0] =	vst.idx.msk $0xffff, v21  }
0x3c: {  	v19 =	vor.u32 v4, v31;
	v21 =	vor.u32 v3, v37;
	v18 =	vld.idx.msk [tilespmem:v18+s17+$0x0], $0xffff;
	[tilespmem:v22+s24+$0x0] =	vst.idx.msk $0xffff, v23  }
0x3d: {  	[tilespmem:v27+s24+$0x0] =	vst.idx.msk $0xffff, v24;
	v24 =	vor.u32 v3, v35;
	v22 =	vor.u32 v4, v32;
	v23 =	vld.idx.msk [tilespmem:v26+s17+$0x0], $0xffff  }
0x3e: {  	v25 =	vld.idx.msk [tilespmem:v28+s17+$0x0], $0xffff;
	v28 =	vor.u32 v4, v36;
	v26 =	vor.u32 v3, v34  }
0x3f: {  	[tilespmem:v17+s24+$0x0] =	vst.idx.msk $0xffff, v16;
	v16 =	vor.u32 v4, v33  }
0x40: {  	v29 =	vor.u32 v6, v32;
	v38 =	vor.u32 v10, v31  }
0x41: {  	v50 =	vor.u32 v10, v32;
	[tilespmem:v21+s24+$0x0] =	vst.idx.msk $0xffff, v18;
	v18 =	vor.u32 v5, v20;
	v17 =	vld.idx.msk [tilespmem:v19+s17+$0x0], $0xffff  }
0x42: {  	v21 =	vor.u32 v6, v31;
	v19 =	vld.idx.msk [tilespmem:v22+s17+$0x0], $0xffff;
	v22 =	vor.u32 v5, v37;
	[tilespmem:v24+s24+$0x0] =	vst.idx.msk $0xffff, v23  }
0x43: {  	v61 =	vor.u32 v12, v32;
	[tilespmem:v26+s24+$0x0] =	vst.idx.msk $0xffff, v25;
	v24 =	vor.u32 v5, v35;
	v23 =	vld.idx.msk [tilespmem:v28+s17+$0x0], $0xffff  }
0x44: {  	v30 =	vor.u32 v7, v37;
	v25 =	vor.u32 v5, v34;
	v26 =	vor.u32 v6, v36;
	v16 =	vld.idx.msk [tilespmem:v16+s17+$0x0], $0xffff  }
0x45: {  	s20 =	simm.s32 $0x5;
	v41 =	vor.u32 v8, v33;
	v46 =	vor.u32 v9, v20;
	v60 =	vor.u32 v11, v37  }
0x46: {  	v44 =	vadd.s32 s20, v0;
	v56 =	vor.u32 v12, v33;
	[tilespmem:v18+s24+$0x0] =	vst.idx.msk $0xffff, v17;
	v17 =	vor.u32 v6, v33  }
0x47: {  	s18 =	simm.s32 $0x6;
	v40 =	vor.u32 v9, v34;
	s0 =	simm.s32 $0x4;
	[tilespmem:v22+s24+$0x0] =	vst.idx.msk $0xffff, v19;
	v19 =	vor.u32 v7, v20;
	v18 =	vld.idx.msk [tilespmem:v21+s17+$0x0], $0xffff  }
0x48: {  	v47 =	vadd.s32 s18, v0;
	v45 =	vadd.s32 s0, v0;
	v21 =	vld.idx.msk [tilespmem:v29+s17+$0x0], $0xffff;
	v29 =	vor.u32 v8, v31;
	[tilespmem:v24+s24+$0x0] =	vst.idx.msk $0xffff, v23  }
0x49: {  	v23 =	vor.u32 v8, v32;
	v24 =	vld.idx.msk [tilespmem:v26+s17+$0x0], $0xffff;
	[tilespmem:v25+s24+$0x0] =	vst.idx.msk $0xffff, v16;
	v25 =	vor.u32 v7, v35  }
0x4a: {  	v43 =	vor.u32 v7, v34;
	v42 =	vor.u32 v8, v36;
	v16 =	vand.u32 $0x3F, v45  }
0x4b: {  	v39 =	vor.u32 v10, v36;
	v57 =	vor.u32 v9, v35;
	v17 =	vld.idx.msk [tilespmem:v17+s17+$0x0], $0xffff;
	v49 =	vor.u32 v1, v16  }
0x4c: {  	v27 =	vor.u32 v15, v37;
	v22 =	vand.u32 $0x3F, v44;
	v26 =	vor.u32 v9, v37;
	[tilespmem:v19+s24+$0x0] =	vst.idx.msk $0xffff, v18  }
0x4d: {  	s20 =	simm.s32 $0x7;
	[tilespmem:v30+s24+$0x0] =	vst.idx.msk $0xffff, v21;
	v21 =	vor.u32 v1, v22;
	v18 =	vand.u32 $0x3F, v47;
	v29 =	vld.idx.msk [tilespmem:v29+s17+$0x0], $0xffff  }
0x4e: {  	v58 =	vshll.u32 v47, $0x7;
	v19 =	vadd.s32 s20, v0;
	v48 =	vld.idx.msk [tilespmem:v23+s17+$0x0], $0xffff;
	v51 =	vor.u32 v1, v18;
	[tilespmem:v25+s24+$0x0] =	vst.idx.msk $0xffff, v24  }
0x4f: {  	v28 =	vor.u32 v10, v33;
	v33 =	vor.u32 v14, v33;
	v23 =	vand.u32 $0x3F, v19;
	v42 =	vld.idx.msk [tilespmem:v42+s17+$0x0], $0xffff  }
0x50: {  	v55 =	vor.u32 v2, v22;
	v63 =	vor.u32 v1, v23;
	[tilespmem:v43+s24+$0x0] =	vst.idx.msk $0xffff, v17;
	v62 =	vld.idx.msk [tilespmem:v49+s17+$0x0], $0xffff  }
0x51: {  	v52 =	vor.u32 v2, v16;
	v24 =	vshll.u32 v19, $0x7;
	v19 =	vshll.u32 v44, $0x7;
	v41 =	vld.idx.msk [tilespmem:v41+s17+$0x0], $0xffff  }
0x52: {  	v53 =	vor.u32 v2, v18;
	v19 =	vand.u32 $0x1F80, v19;
	v17 =	vshll.u32 v45, $0x7;
	v47 =	vld.idx.msk [tilespmem:v21+s17+$0x0], $0xffff  }
0x53: {  	v17 =	vand.u32 $0x1F80, v17;
	v54 =	vor.u32 v0, v19;
	[tilespmem:v26+s24+$0x0] =	vst.idx.msk $0xffff, v48;
	v51 =	vld.idx.msk [tilespmem:v51+s17+$0x0], $0xffff  }
0x54: {  	v30 =	vor.u32 v6, v23;
	v21 =	vand.u32 $0x1F80, v58;
	v59 =	vor.u32 v0, v17;
	v50 =	vld.idx.msk [tilespmem:v50+s17+$0x0], $0xffff  }
0x55: {  	v25 =	vand.u32 $0x1F80, v24;
	[tilespmem:v46+s24+$0x0] =	vst.idx.msk $0xffff, v29;
	v48 =	vor.u32 v0, v21;
	v44 =	vld.idx.msk [tilespmem:v63+s17+$0x0], $0xffff  }
0x56: {  	v49 =	vor.u32 v0, v25;
	v24 =	vor.u32 v15, v25;
	v45 =	vld.idx.msk [tilespmem:v38+s17+$0x0], $0xffff;
	[tilespmem:v57+s24+$0x0] =	vst.idx.msk $0xffff, v42  }
0x57: {  	v29 =	vor.u32 v14, v31;
	v63 =	vor.u32 v2, v23;
	[tilespmem:v40+s24+$0x0] =	vst.idx.msk $0xffff, v41;
	v39 =	vld.idx.msk [tilespmem:v39+s17+$0x0], $0xffff  }
0x58: {  	v26 =	vor.u32 v15, v20;
	[tilespmem:v54+s24+$0x0] =	vst.idx.msk $0xffff, v47;
	v54 =	vor.u32 v11, v35;
	v41 =	vld.idx.msk [tilespmem:v28+s17+$0x0], $0xffff  }
0x59: {  	[tilespmem:v59+s24+$0x0] =	vst.idx.msk $0xffff, v62;
	v62 =	vor.u32 v11, v34;
	v38 =	vld.idx.msk [tilespmem:v55+s17+$0x0], $0xffff;
	v55 =	vor.u32 v12, v36  }
0x5a: {  	v57 =	vor.u32 v3, v17;
	v47 =	vor.u32 v11, v20;
	[tilespmem:v48+s24+$0x0] =	vst.idx.msk $0xffff, v51;
	v52 =	vld.idx.msk [tilespmem:v52+s17+$0x0], $0xffff  }
0x5b: {  	v40 =	vor.u32 v4, v16;
	[tilespmem:v49+s24+$0x0] =	vst.idx.msk $0xffff, v44;
	v49 =	vor.u32 v12, v31;
	v53 =	vld.idx.msk [tilespmem:v53+s17+$0x0], $0xffff  }
0x5c: {  	v59 =	vor.u32 v4, v23;
	[tilespmem:v60+s24+$0x0] =	vst.idx.msk $0xffff, v50;
	v50 =	vor.u32 v3, v25;
	v58 =	vld.idx.msk [tilespmem:v63+s17+$0x0], $0xffff  }
0x5d: {  	v31 =	vor.u32 v14, v36;
	v60 =	vor.u32 v13, v37;
	v51 =	vld.idx.msk [tilespmem:v61+s17+$0x0], $0xffff;
	[tilespmem:v54+s24+$0x0] =	vst.idx.msk $0xffff, v39  }
0x5e: {  	v61 =	vor.u32 v3, v21;
	v63 =	vor.u32 v14, v32;
	[tilespmem:v62+s24+$0x0] =	vst.idx.msk $0xffff, v41;
	v37 =	vld.idx.msk [tilespmem:v55+s17+$0x0], $0xffff  }
0x5f: {  	v44 =	vor.u32 v4, v18;
	[tilespmem:v47+s24+$0x0] =	vst.idx.msk $0xffff, v45;
	v47 =	vor.u32 v3, v19;
	v36 =	vld.idx.msk [tilespmem:v56+s17+$0x0], $0xffff  }
0x60: {  	v48 =	vor.u32 v4, v22;
	v41 =	vor.u32 v13, v34;
	v32 =	vld.idx.msk [tilespmem:v49+s17+$0x0], $0xffff;
	[tilespmem:v57+s24+$0x0] =	vst.idx.msk $0xffff, v52  }
0x61: {  	v43 =	vor.u32 v5, v17;
	v39 =	vor.u32 v13, v35;
	v42 =	vld.idx.msk [tilespmem:v40+s17+$0x0], $0xffff;
	[tilespmem:v50+s24+$0x0] =	vst.idx.msk $0xffff, v58  }
0x62: {  	v28 =	vor.u32 v15, v35;
	v45 =	vor.u32 v6, v16;
	[tilespmem:v60+s24+$0x0] =	vst.idx.msk $0xffff, v51;
	v46 =	vld.idx.msk [tilespmem:v59+s17+$0x0], $0xffff  }
0x63: {  	s18 =	simm.s32 $0x8;
	s16 =	sor.u32 $0x2, s15;
	v34 =	vor.u32 v15, v34;
	v49 =	vor.u32 v5, v25;
	[tilespmem:v61+s24+$0x0] =	vst.idx.msk $0xffff, v53;
	v40 =	vld.idx.msk [tilespmem:v63+s17+$0x0], $0xffff  }
.LBB2_3:
0x64: {  	p1 =	slt.u32 s18, $0x3C;
	v35 =	vor.u32 v10, v16;
	[tilespmem:v47+s24+$0x0] =	vst.idx.msk $0xffff, v38;
	v38 =	vld.idx.msk [tilespmem:v44+s17+$0x0], $0xffff;
	v20 =	vor.u32 v13, v20;
	s10 =	smov.u32 s18;
	s18 =	sadd.s32 $0x4, s18  }
0x65: {  	v47 =	vor.u32 v10, v22;
	v44 =	vld.idx.msk [tilespmem:v48+s17+$0x0], $0xffff;
	v48 =	vor.u32 v5, v21;
	[tilespmem:v41+s24+$0x0] =	vst.idx.msk $0xffff, v36  }
0x66: {  	v36 =	vor.u32 v5, v19;
	v41 =	vor.u32 v6, v18;
	v50 =	vld.idx.msk [tilespmem:v33+s17+$0x0], $0xffff;
	[tilespmem:v39+s24+$0x0] =	vst.idx.msk $0xffff, v37  }
0x67: {  	v37 =	vor.u32 v6, v22;
	v39 =	vor.u32 v10, v18;
	[tilespmem:v43+s24+$0x0] =	vst.idx.msk $0xffff, v42;
	v31 =	vld.idx.msk [tilespmem:v31+s17+$0x0], $0xffff  }
0x68: {  	v43 =	vor.u32 v9, v19;
	v42 =	vld.idx.msk [tilespmem:v45+s17+$0x0], $0xffff;
	[tilespmem:v49+s24+$0x0] =	vst.idx.msk $0xffff, v46;
	v45 =	vor.u32 v10, v23  }
0x69: {  	v46 =	vor.u32 v7, v17;
	v49 =	vor.u32 v8, v22;
	v30 =	vld.idx.msk [tilespmem:v30+s17+$0x0], $0xffff;
	[tilespmem:v27+s24+$0x0] =	vst.idx.msk $0xffff, v40  }
0x6a: {  	v33 =	vmov v22;
	v27 =	vor.u32 v8, v16;
	[tilespmem:v48+s24+$0x0] =	vst.idx.msk $0xffff, v38;
	v38 =	vor.u32 v7, v25  }
0x6b: {  	v40 =	vor.u32 v8, v23;
	[tilespmem:v36+s24+$0x0] =	vst.idx.msk $0xffff, v44;
	v36 =	vld.idx.msk [tilespmem:v41+s17+$0x0], $0xffff;
	v41 =	vor.u32 v9, v25  }
0x6c: {  	v48 =	vor.u32 v8, v18;
	v44 =	vor.u32 v7, v21;
	v37 =	vld.idx.msk [tilespmem:v37+s17+$0x0], $0xffff;
	[tilespmem:v34+s24+$0x0] =	vst.idx.msk $0xffff, v50  }
0x6d: {  	v51 =	vor.u32 v7, v19;
	s20 =	sadd.s32 $0x1, s10;
	s0 =	sadd.s32 $0x2, s10;
	v34 =	vadd.s32 s10, v0;
	s10 =	sadd.s32 $0x3, s10;
	v50 =	vor.u32 v9, v17;
	[tilespmem:v20+s24+$0x0] =	vst.idx.msk $0xffff, v32  }
0x6e: {  	v20 =	vadd.s32 s20, v0;
	v32 =	vadd.s32 s0, v0;
	v52 =	vadd.s32 s10, v0;
	[tilespmem:v46+s24+$0x0] =	vst.idx.msk $0xffff, v42;
	v42 =	vmovc v18;
	v46 =	vmovc v16  }
0x6f: {  	v55 =	vmovc v23;
	v22 =	vand.u32 $0x3F, v20;
	v18 =	vand.u32 $0x3F, v32;
	v53 =	vshll.u32 v52, $0x7;
	v54 =	vld.idx.msk [tilespmem:v27+s17+$0x0], $0xffff;
	[tilespmem:v38+s24+$0x0] =	vst.idx.msk $0xffff, v30  }
0x70: {  	v57 =	vmovc v19;
	v16 =	vand.u32 $0x3F, v34;
	v38 =	vor.u32 v1, v22;
	v56 =	vor.u32 v1, v18;
	v40 =	vld.idx.msk [tilespmem:v40+s17+$0x0], $0xffff  }
0x71: {  	v19 =	vshll.u32 v20, $0x7;
	v23 =	vand.u32 $0x3F, v52;
	v58 =	vor.u32 v1, v16;
	[tilespmem:v44+s24+$0x0] =	vst.idx.msk $0xffff, v36;
	v29 =	vld.idx.msk [tilespmem:v29+s17+$0x0], $0xffff  }
0x72: {  	v19 =	vand.u32 $0x1F80, v19;
	v36 =	vor.u32 v1, v23;
	[tilespmem:v51+s24+$0x0] =	vst.idx.msk $0xffff, v37;
	v37 =	vmovc v25;
	v25 =	vand.u32 $0x1F80, v53  }
0x73: {  	v30 =	vor.u32 v6, v23;
	v20 =	vmov v17;
	v44 =	vshll.u32 v34, $0x7;
	v34 =	vld.idx.msk [tilespmem:v48+s17+$0x0], $0xffff;
	[tilespmem:v28+s24+$0x0] =	vst.idx.msk $0xffff, v31  }
0x74: {  	v27 =	vmovc v24;
	v17 =	vand.u32 $0x1F80, v44;
	v28 =	vshll.u32 v32, $0x7;
	v32 =	vor.u32 v9, v21;
	v31 =	vld.idx.msk [tilespmem:v49+s17+$0x0], $0xffff;
	v49 =	vmovc v21  }
0x75: {  	v44 =	vor.u32 v0, v17;
	v21 =	vand.u32 $0x1F80, v28;
	v38 =	vld.idx.msk [tilespmem:v38+s17+$0x0], $0xffff;
	[tilespmem:v50+s24+$0x0] =	vst.idx.msk $0xffff, v54  }
0x76: {  	v51 =	vor.u32 v0, v25;
	v50 =	vor.u32 v0, v21;
	v48 =	vld.idx.msk [tilespmem:v58+s17+$0x0], $0xffff;
	[tilespmem:v41+s24+$0x0] =	vst.idx.msk $0xffff, v40  }
0x77: {  	v40 =	vor.u32 v2, v16;
	v41 =	vor.u32 v2, v18;
	v45 =	vld.idx.msk [tilespmem:v45+s17+$0x0], $0xffff;
	[tilespmem:v26+s24+$0x0] =	vst.idx.msk $0xffff, v29  }
0x78: {  	v52 =	vor.u32 v0, v19;
	v24 =	vor.u32 v15, v25;
	v36 =	vld.idx.msk [tilespmem:v36+s17+$0x0], $0xffff  }
0x79: {  	v53 =	vor.u32 v2, v22;
	v29 =	vor.u32 v14, v46;
	v54 =	vld.idx.msk [tilespmem:v56+s17+$0x0], $0xffff;
	[tilespmem:v32+s24+$0x0] =	vst.idx.msk $0xffff, v34  }
0x7a: {  	v32 =	vor.u32 v2, v23;
	[tilespmem:v43+s24+$0x0] =	vst.idx.msk $0xffff, v31;
	v34 =	vld.idx.msk [tilespmem:v39+s17+$0x0], $0xffff;
	v39 =	vor.u32 v11, v37  }
0x7b: {  	v28 =	vor.u32 v15, v49;
	v26 =	vor.u32 v15, v20;
	v43 =	vld.idx.msk [tilespmem:v47+s17+$0x0], $0xffff;
	v47 =	vor.u32 v12, v55  }
0x7c: {  	[tilespmem:v44+s24+$0x0] =	vst.idx.msk $0xffff, v48;
	v35 =	vld.idx.msk [tilespmem:v35+s17+$0x0], $0xffff;
	v44 =	vor.u32 v11, v57;
	v48 =	vor.u32 v12, v33  }
0x7d: {  	v56 =	vor.u32 v11, v49;
	v40 =	vld.idx.msk [tilespmem:v40+s17+$0x0], $0xffff;
	[tilespmem:v52+s24+$0x0] =	vst.idx.msk $0xffff, v38;
	v52 =	vor.u32 v11, v20  }
0x7e: {  	v46 =	vor.u32 v12, v46;
	v38 =	vld.idx.msk [tilespmem:v53+s17+$0x0], $0xffff;
	[tilespmem:v51+s24+$0x0] =	vst.idx.msk $0xffff, v36;
	v51 =	vor.u32 v12, v42  }
0x7f: {  	v31 =	vor.u32 v14, v42;
	v53 =	vor.u32 v3, v17;
	v58 =	vld.idx.msk [tilespmem:v32+s17+$0x0], $0xffff;
	[tilespmem:v39+s24+$0x0] =	vst.idx.msk $0xffff, v45  }
0x80: {  	v39 =	vor.u32 v4, v16;
	v45 =	vor.u32 v3, v25;
	[tilespmem:v50+s24+$0x0] =	vst.idx.msk $0xffff, v54;
	v50 =	vld.idx.msk [tilespmem:v47+s17+$0x0], $0xffff  }
0x81: {  	v59 =	vor.u32 v4, v23;
	v60 =	vor.u32 v13, v37;
	v54 =	vld.idx.msk [tilespmem:v41+s17+$0x0], $0xffff;
	[tilespmem:v44+s24+$0x0] =	vst.idx.msk $0xffff, v43  }
0x82: {  	v61 =	vor.u32 v3, v21;
	[tilespmem:v52+s24+$0x0] =	vst.idx.msk $0xffff, v35;
	v36 =	vld.idx.msk [tilespmem:v48+s17+$0x0], $0xffff;
	v35 =	vor.u32 v14, v55  }
.Ltmp0:
0x83: {  	v47 =	vor.u32 v3, v19;
	v44 =	vor.u32 v4, v18;
	v32 =	vld.idx.msk [tilespmem:v46+s17+$0x0], $0xffff;
	[tilespmem:v56+s24+$0x0] =	vst.idx.msk $0xffff, v34;
	(pc) =	sbr.rel @p1 .LBB2_3-.Ltmp0, $4  }
0x84: {  	v41 =	vor.u32 v13, v57;
	v48 =	vor.u32 v4, v22;
	[tilespmem:v53+s24+$0x0] =	vst.idx.msk $0xffff, v40;
	v37 =	vld.idx.msk [tilespmem:v51+s17+$0x0], $0xffff  }
0x85: {  	v33 =	vor.u32 v14, v33;
	v42 =	vld.idx.msk [tilespmem:v39+s17+$0x0], $0xffff;
	[tilespmem:v45+s24+$0x0] =	vst.idx.msk $0xffff, v58;
	v39 =	vor.u32 v13, v49  }
0x86: {  	v43 =	vor.u32 v5, v17;
	v34 =	vor.u32 v15, v57;
	v46 =	vld.idx.msk [tilespmem:v59+s17+$0x0], $0xffff;
	[tilespmem:v60+s24+$0x0] =	vst.idx.msk $0xffff, v50  }
0x87: {  	v45 =	vor.u32 v6, v16;
	v49 =	vor.u32 v5, v25;
	[tilespmem:v61+s24+$0x0] =	vst.idx.msk $0xffff, v54;
	v40 =	vld.idx.msk [tilespmem:v35+s17+$0x0], $0xffff  }
0x88: {  	_ =	sdelay $0x3  }
0x89: {  	[tilespmem:v47+s24+$0x0] =	vst.idx.msk $0xffff, v38;
	v44 =	vld.idx.msk [tilespmem:v44+s17+$0x0], $0xffff;
	v62 =	vor.u32 v5, v21  }
0x8a: {  	v61 =	vor.u32 v5, v19;
	v50 =	vor.u32 v6, v18;
	v35 =	vld.idx.msk [tilespmem:v48+s17+$0x0], $0xffff  }
0x8b: {  	v63 =	vor.u32 v6, v22;
	_ =	sdelay $0x1  }
0x8c: {  	[tilespmem:v49+s24+$0x0] =	vst.idx.msk $0xffff, v46  }
0x8d: {  	v52 =	vor.u32 v7, v25;
	v30 =	vld.idx.msk [tilespmem:v30+s17+$0x0], $0xffff;
	[tilespmem:v62+s24+$0x0] =	vst.idx.msk $0xffff, v44  }
0x8e: {  	v53 =	vor.u32 v8, v23;
	v57 =	vor.u32 v7, v21;
	[tilespmem:v61+s24+$0x0] =	vst.idx.msk $0xffff, v35;
	v56 =	vld.idx.msk [tilespmem:v50+s17+$0x0], $0xffff  }
0x8f: {  	v54 =	vor.u32 v7, v19;
	v59 =	vor.u32 v8, v18;
	[tilespmem:v43+s24+$0x0] =	vst.idx.msk $0xffff, v42;
	v38 =	vld.idx.msk [tilespmem:v63+s17+$0x0], $0xffff  }
0x90: {  	v55 =	vor.u32 v8, v22;
	v58 =	vor.u32 v7, v17;
	v45 =	vld.idx.msk [tilespmem:v45+s17+$0x0], $0xffff  }
0x91: {  	v60 =	vor.u32 v8, v16  }
0x92: {  	[tilespmem:v52+s24+$0x0] =	vst.idx.msk $0xffff, v30  }
0x93: {  	v30 =	vor.u32 v9, v25;
	v35 =	vld.idx.msk [tilespmem:v53+s17+$0x0], $0xffff;
	[tilespmem:v57+s24+$0x0] =	vst.idx.msk $0xffff, v56  }
0x94: {  	v62 =	vor.u32 v10, v23;
	v53 =	vor.u32 v9, v21;
	[tilespmem:v54+s24+$0x0] =	vst.idx.msk $0xffff, v38;
	v52 =	vld.idx.msk [tilespmem:v59+s17+$0x0], $0xffff  }
0x95: {  	v61 =	vor.u32 v9, v19;
	[tilespmem:v58+s24+$0x0] =	vst.idx.msk $0xffff, v45;
	v54 =	vor.u32 v10, v18;
	v42 =	vld.idx.msk [tilespmem:v55+s17+$0x0], $0xffff  }
0x96: {  	v63 =	vor.u32 v10, v22;
	v56 =	vld.idx.msk [tilespmem:v60+s17+$0x0], $0xffff;
	v55 =	vor.u32 v9, v17  }
0x97: {  	[tilespmem:v41+s24+$0x0] =	vst.idx.msk $0xffff, v36;
	v57 =	vor.u32 v10, v16  }
0x98: {  	[tilespmem:v30+s24+$0x0] =	vst.idx.msk $0xffff, v35  }
0x99: {  	v58 =	vor.u32 v11, v25;
	v30 =	vld.idx.msk [tilespmem:v62+s17+$0x0], $0xffff;
	[tilespmem:v53+s24+$0x0] =	vst.idx.msk $0xffff, v52  }
0x9a: {  	v48 =	vor.u32 v11, v21;
	v60 =	vor.u32 v12, v23;
	[tilespmem:v61+s24+$0x0] =	vst.idx.msk $0xffff, v42;
	v62 =	vld.idx.msk [tilespmem:v54+s17+$0x0], $0xffff  }
0x9b: {  	v51 =	vor.u32 v12, v18;
	v61 =	vor.u32 v11, v19;
	[tilespmem:v55+s24+$0x0] =	vst.idx.msk $0xffff, v56;
	v59 =	vld.idx.msk [tilespmem:v63+s17+$0x0], $0xffff  }
0x9c: {  	[tilespmem:v39+s24+$0x0] =	vst.idx.msk $0xffff, v37;
	v50 =	vor.u32 v11, v17;
	v63 =	vor.u32 v12, v22;
	v49 =	vld.idx.msk [tilespmem:v57+s17+$0x0], $0xffff  }
0x9d: {  	v20 =	vor.u32 v13, v20;
	[tilespmem:v27+s24+$0x0] =	vst.idx.msk $0xffff, v40;
	v27 =	vor.u32 v12, v16  }
0x9e: {  	v33 =	vld.idx.msk [tilespmem:v33+s17+$0x0], $0xffff;
	[tilespmem:v58+s24+$0x0] =	vst.idx.msk $0xffff, v30  }
0x9f: {  	v25 =	vor.u32 v13, v25;
	v30 =	vld.idx.msk [tilespmem:v60+s17+$0x0], $0xffff;
	[tilespmem:v48+s24+$0x0] =	vst.idx.msk $0xffff, v62  }
0xa0: {  	v23 =	vor.u32 v14, v23;
	v55 =	vor.u32 v13, v21;
	[tilespmem:v61+s24+$0x0] =	vst.idx.msk $0xffff, v59;
	v54 =	vld.idx.msk [tilespmem:v51+s17+$0x0], $0xffff  }
0xa1: {  	v18 =	vor.u32 v14, v18;
	v53 =	vor.u32 v13, v19;
	[tilespmem:v50+s24+$0x0] =	vst.idx.msk $0xffff, v49;
	v52 =	vld.idx.msk [tilespmem:v63+s17+$0x0], $0xffff  }
0xa2: {  	[tilespmem:v20+s24+$0x0] =	vst.idx.msk $0xffff, v32;
	v56 =	vor.u32 v13, v17;
	v22 =	vor.u32 v14, v22;
	v27 =	vld.idx.msk [tilespmem:v27+s17+$0x0], $0xffff  }
0xa3: {  	v31 =	vld.idx.msk [tilespmem:v31+s17+$0x0], $0xffff;
	[tilespmem:v34+s24+$0x0] =	vst.idx.msk $0xffff, v33;
	v16 =	vor.u32 v14, v16  }
0xa4: {  	v20 =	vld.idx.msk [tilespmem:v29+s17+$0x0], $0xffff;
	[tilespmem:v25+s24+$0x0] =	vst.idx.msk $0xffff, v30  }
0xa5: {  	v23 =	vld.idx.msk [tilespmem:v23+s17+$0x0], $0xffff;
	[tilespmem:v55+s24+$0x0] =	vst.idx.msk $0xffff, v54  }
0xa6: {  	v21 =	vor.u32 v15, v21;
	[tilespmem:v53+s24+$0x0] =	vst.idx.msk $0xffff, v52;
	v18 =	vld.idx.msk [tilespmem:v18+s17+$0x0], $0xffff  }
0xa7: {  	v19 =	vor.u32 v15, v19;
	[tilespmem:v56+s24+$0x0] =	vst.idx.msk $0xffff, v27;
	v22 =	vld.idx.msk [tilespmem:v22+s17+$0x0], $0xffff  }
0xa8: {  	[tilespmem:v28+s24+$0x0] =	vst.idx.msk $0xffff, v31;
	v17 =	vor.u32 v15, v17;
	v16 =	vld.idx.msk [tilespmem:v16+s17+$0x0], $0xffff  }
0xa9: {  	s0 =	sadd.s32 s6, s15;
	[tilespmem:v26+s24+$0x0] =	vst.idx.msk $0xffff, v20  }
0xaa: {  	s10 =	sshll.u32 s0, $0x7;
	[tilespmem:v24+s24+$0x0] =	vst.idx.msk $0xffff, v23  }
0xab: {  	s0 =	sshll.u32 s0, $0xA;
	s10 =	sand.u32 $0x3E00, s10;
	[tilespmem:v21+s24+$0x0] =	vst.idx.msk $0xffff, v18  }
0xac: {  	s0 =	sand.u32 $0xFFE0000, s0;
	s10 =	sadd.s32 s2, s10;
	[tilespmem:v19+s24+$0x0] =	vst.idx.msk $0xffff, v22  }
0xad: {  	s0 =	sadd.s32 s0, s10;
	[tilespmem:v17+s24+$0x0] =	vst.idx.msk $0xffff, v16  }
0xae: {  	[hbm4b:s0+s25] =	stream.strided.scatter [tilespmem:s24], [sflag:$0x9], $0x2000, s26, s25, $0x38;
	[tilespmem:$0x10200] =	vst v63  }
0xaf: {  	p1 =	seq.s32 s11, $0x31;
	s0 =	rddreg [dreg:$0x6]  }
0xb0: {  	s0 =	sadd.s32 @!p1 s15, s0  }
0xb1: {  	s0 =	sshll.u32 @!p1 s0, $0x4  }
0xb2: {  	s0 =	sand.u32 @!p1 $0xFFFFFC0, s0  }
0xb3: {  	s10 =	simm.s32 @!p1 $0x0;
	s0 =	sadd.s32 @!p1 s4, s0  }
0xb4: {  	[tilespmem:s10], [sflag:$0x1] =	stream.linear.gather @!p1 [hbm4b:s0+s10], $0x80, $0x38;
	[tilespmem:$0x10200] =	vst v63  }
0xb5: {  	_ =	swait.ge [sflag:s28], $0x80  }
0xb6: {  	[sflag:s28] =	ssyncset.done $0x0  }
0xb7: {  	[sflag:s28] =	ssyncadd.s32 $0xFFFFFF80  }
0xb8: {  	[tilespmem:s29], [sflag:$0x8] =	stream.indirect.gather [hbm4b:s5+s14], $0x40, s13, s14, $0xb8;
	[tilespmem:$0x10200] =	vst v63  }
0xb9: {  	s13 =	simm.s32 $0x0  }
0xba: {  	v16 =	vadd.s32 s13, v0  }
0xbb: {  	s18 =	simm.s32 $0x3;
	_ =	swait.ge [sflag:s30], $0x2000;
	v31 =	vand.u32 $0x3F, v16  }
0xbc: {  	s20 =	simm.s32 $0x2;
	v17 =	vadd.s32 s18, v0;
	[sflag:s30] =	ssyncset.done $0x0;
	v18 =	vor.u32 v1, v31  }
0xbd: {  	s18 =	simm.s32 $0x1;
	v19 =	vadd.s32 s20, v0;
	v32 =	vand.u32 $0x3F, v17;
	s10 =	simm.s32 @!p0 $0xA;
	[sflag:s30] =	ssyncadd.s32 $0xFFFFE000  }
0xbe: {  	v22 =	vadd.s32 s18, v0;
	v36 =	vand.u32 $0x3F, v19;
	v21 =	vor.u32 v1, v32;
	_ =	swait.ge @!p0 [sflag:s10], $0x2000  }
0xbf: {  	v33 =	vand.u32 $0x3F, v22;
	v23 =	vor.u32 v1, v36;
	v16 =	vshll.u32 v16, $0x7;
	[sflag:s10] =	ssyncset.done @!p0 $0x0  }
0xc0: {  	v17 =	vshll.u32 v17, $0x7;
	v24 =	vor.u32 v1, v33;
	v20 =	vand.u32 $0x1F80, v16;
	[sflag:s10] =	ssyncadd.s32 @!p0 $0xFFFFE000  }
0xc1: {  	v37 =	vand.u32 $0x1F80, v17;
	v16 =	vor.u32 v0, v20;
	v17 =	vld.idx.msk [tilespmem:v18+s19+$0x0], $0xffff  }
0xc2: {  	v25 =	vor.u32 v2, v31;
	v18 =	vshll.u32 v19, $0x7  }
0xc3: {  	v22 =	vshll.u32 v22, $0x7;
	v21 =	vld.idx.msk [tilespmem:v21+s19+$0x0], $0xffff;
	v19 =	vor.u32 v0, v37;
	v35 =	vand.u32 $0x1F80, v18  }
0xc4: {  	v34 =	vand.u32 $0x1F80, v22;
	v23 =	vld.idx.msk [tilespmem:v23+s19+$0x0], $0xffff;
	v18 =	vor.u32 v2, v32;
	v22 =	vor.u32 v0, v35  }
0xc5: {  	v26 =	vor.u32 v2, v36;
	v27 =	vor.u32 v0, v34;
	v24 =	vld.idx.msk [tilespmem:v24+s19+$0x0], $0xffff  }
0xc6: {  	v28 =	vor.u32 v2, v33;
	[tilespmem:v16+s31+$0x0] =	vst.idx.msk $0xffff, v17  }
0xc7: {  	v17 =	vor.u32 v3, v20;
	v16 =	vld.idx.msk [tilespmem:v25+s19+$0x0], $0xffff  }
0xc8: {  	[tilespmem:v19+s31+$0x0] =	vst.idx.msk $0xffff, v21  }
0xc9: {  	v19 =	vor.u32 v4, v31;
	v21 =	vor.u32 v3, v37;
	v18 =	vld.idx.msk [tilespmem:v18+s19+$0x0], $0xffff;
	[tilespmem:v22+s31+$0x0] =	vst.idx.msk $0xffff, v23  }
0xca: {  	[tilespmem:v27+s31+$0x0] =	vst.idx.msk $0xffff, v24;
	v24 =	vor.u32 v3, v35;
	v22 =	vor.u32 v4, v32;
	v23 =	vld.idx.msk [tilespmem:v26+s19+$0x0], $0xffff  }
0xcb: {  	v25 =	vld.idx.msk [tilespmem:v28+s19+$0x0], $0xffff;
	v28 =	vor.u32 v4, v36;
	v26 =	vor.u32 v3, v34  }
0xcc: {  	[tilespmem:v17+s31+$0x0] =	vst.idx.msk $0xffff, v16;
	v16 =	vor.u32 v4, v33  }
0xcd: {  	v29 =	vor.u32 v6, v32  }
0xce: {  	v39 =	vor.u32 v10, v36;
	[tilespmem:v21+s31+$0x0] =	vst.idx.msk $0xffff, v18;
	v18 =	vor.u32 v5, v20;
	v17 =	vld.idx.msk [tilespmem:v19+s19+$0x0], $0xffff  }
0xcf: {  	v21 =	vor.u32 v6, v31;
	v19 =	vld.idx.msk [tilespmem:v22+s19+$0x0], $0xffff;
	v22 =	vor.u32 v5, v37;
	[tilespmem:v24+s31+$0x0] =	vst.idx.msk $0xffff, v23  }
0xd0: {  	v57 =	vor.u32 v8, v36;
	[tilespmem:v26+s31+$0x0] =	vst.idx.msk $0xffff, v25;
	v24 =	vor.u32 v5, v35;
	v23 =	vld.idx.msk [tilespmem:v28+s19+$0x0], $0xffff  }
0xd1: {  	v61 =	vor.u32 v10, v32;
	v25 =	vor.u32 v5, v34;
	v26 =	vor.u32 v6, v36;
	v16 =	vld.idx.msk [tilespmem:v16+s19+$0x0], $0xffff  }
0xd2: {  	v30 =	vor.u32 v7, v37;
	v41 =	vor.u32 v8, v33;
	v40 =	vor.u32 v9, v34  }
0xd3: {  	s18 =	simm.s32 $0x6;
	v58 =	vor.u32 v7, v34;
	s13 =	simm.s32 $0x4;
	[tilespmem:v18+s31+$0x0] =	vst.idx.msk $0xffff, v17;
	v17 =	vor.u32 v6, v33  }
0xd4: {  	v55 =	vadd.s32 s18, v0;
	v62 =	vadd.s32 s13, v0;
	[tilespmem:v22+s31+$0x0] =	vst.idx.msk $0xffff, v19;
	v19 =	vor.u32 v7, v20;
	v18 =	vld.idx.msk [tilespmem:v21+s19+$0x0], $0xffff  }
0xd5: {  	v38 =	vor.u32 v10, v31;
	v21 =	vld.idx.msk [tilespmem:v29+s19+$0x0], $0xffff;
	v29 =	vor.u32 v8, v31;
	[tilespmem:v24+s31+$0x0] =	vst.idx.msk $0xffff, v23  }
0xd6: {  	s10 =	simm.s32 $0x5;
	v23 =	vor.u32 v8, v32;
	v24 =	vld.idx.msk [tilespmem:v26+s19+$0x0], $0xffff;
	[tilespmem:v25+s31+$0x0] =	vst.idx.msk $0xffff, v16;
	v25 =	vor.u32 v7, v35  }
0xd7: {  	v54 =	vor.u32 v9, v20;
	v59 =	vadd.s32 s10, v0;
	v16 =	vand.u32 $0x3F, v62  }
0xd8: {  	v27 =	vor.u32 v15, v37;
	v28 =	vor.u32 v10, v33;
	v17 =	vld.idx.msk [tilespmem:v17+s19+$0x0], $0xffff;
	v60 =	vor.u32 v1, v16  }
0xd9: {  	s20 =	simm.s32 $0x7;
	v22 =	vand.u32 $0x3F, v59;
	v26 =	vor.u32 v9, v37;
	v52 =	vor.u32 v2, v16;
	[tilespmem:v19+s31+$0x0] =	vst.idx.msk $0xffff, v18  }
0xda: {  	[tilespmem:v30+s31+$0x0] =	vst.idx.msk $0xffff, v21;
	v21 =	vor.u32 v1, v22;
	v19 =	vadd.s32 s20, v0;
	v18 =	vand.u32 $0x3F, v55;
	v29 =	vld.idx.msk [tilespmem:v29+s19+$0x0], $0xffff  }
0xdb: {  	v56 =	vld.idx.msk [tilespmem:v23+s19+$0x0], $0xffff;
	v51 =	vor.u32 v1, v18;
	v23 =	vand.u32 $0x3F, v19;
	[tilespmem:v25+s31+$0x0] =	vst.idx.msk $0xffff, v24  }
0xdc: {  	v53 =	vor.u32 v2, v18;
	v63 =	vor.u32 v1, v23;
	v30 =	vor.u32 v6, v23;
	v42 =	vld.idx.msk [tilespmem:v57+s19+$0x0], $0xffff  }
0xdd: {  	[tilespmem:v58+s31+$0x0] =	vst.idx.msk $0xffff, v17;
	v17 =	vshll.u32 v62, $0x7;
	v57 =	vor.u32 v9, v35;
	v62 =	vld.idx.msk [tilespmem:v60+s19+$0x0], $0xffff  }
0xde: {  	v24 =	vshll.u32 v19, $0x7;
	v19 =	vshll.u32 v59, $0x7;
	v41 =	vld.idx.msk [tilespmem:v41+s19+$0x0], $0xffff;
	v17 =	vand.u32 $0x1F80, v17  }
0xdf: {  	v19 =	vand.u32 $0x1F80, v19;
	v58 =	vshll.u32 v55, $0x7;
	v47 =	vld.idx.msk [tilespmem:v21+s19+$0x0], $0xffff;
	[tilespmem:v54+s31+$0x0] =	vst.idx.msk $0xffff, v29;
	v59 =	vor.u32 v0, v17  }
0xe0: {  	v25 =	vand.u32 $0x1F80, v24;
	v21 =	vand.u32 $0x1F80, v58;
	[tilespmem:v26+s31+$0x0] =	vst.idx.msk $0xffff, v56;
	v54 =	vor.u32 v0, v19;
	v51 =	vld.idx.msk [tilespmem:v51+s19+$0x0], $0xffff  }
0xe1: {  	v55 =	vor.u32 v2, v22;
	v60 =	vor.u32 v11, v37;
	v48 =	vor.u32 v0, v21;
	v50 =	vld.idx.msk [tilespmem:v61+s19+$0x0], $0xffff  }
0xe2: {  	v49 =	vor.u32 v0, v25;
	v24 =	vor.u32 v15, v25;
	v44 =	vld.idx.msk [tilespmem:v63+s19+$0x0], $0xffff;
	[tilespmem:v57+s31+$0x0] =	vst.idx.msk $0xffff, v42  }
0xe3: {  	v29 =	vor.u32 v14, v31;
	v26 =	vor.u32 v15, v20;
	v45 =	vld.idx.msk [tilespmem:v38+s19+$0x0], $0xffff;
	[tilespmem:v40+s31+$0x0] =	vst.idx.msk $0xffff, v41  }
0xe4: {  	v56 =	vor.u32 v12, v33;
	v63 =	vor.u32 v2, v23;
	v39 =	vld.idx.msk [tilespmem:v39+s19+$0x0], $0xffff;
	[tilespmem:v59+s31+$0x0] =	vst.idx.msk $0xffff, v62  }
0xe5: {  	v61 =	vor.u32 v12, v32;
	v41 =	vld.idx.msk [tilespmem:v28+s19+$0x0], $0xffff;
	v62 =	vor.u32 v11, v34;
	[tilespmem:v54+s31+$0x0] =	vst.idx.msk $0xffff, v47  }
0xe6: {  	v33 =	vor.u32 v14, v33;
	v47 =	vor.u32 v11, v20;
	[tilespmem:v48+s31+$0x0] =	vst.idx.msk $0xffff, v51;
	v52 =	vld.idx.msk [tilespmem:v52+s19+$0x0], $0xffff  }
0xe7: {  	v54 =	vor.u32 v11, v35;
	v38 =	vld.idx.msk [tilespmem:v55+s19+$0x0], $0xffff;
	[tilespmem:v49+s31+$0x0] =	vst.idx.msk $0xffff, v44;
	v49 =	vor.u32 v12, v31  }
0xe8: {  	v57 =	vor.u32 v3, v17;
	v40 =	vor.u32 v4, v16;
	v55 =	vor.u32 v12, v36;
	v53 =	vld.idx.msk [tilespmem:v53+s19+$0x0], $0xffff  }
0xe9: {  	v59 =	vor.u32 v4, v23;
	[tilespmem:v60+s31+$0x0] =	vst.idx.msk $0xffff, v50;
	v50 =	vor.u32 v3, v25;
	v58 =	vld.idx.msk [tilespmem:v63+s19+$0x0], $0xffff  }
0xea: {  	v31 =	vor.u32 v14, v36;
	v60 =	vor.u32 v13, v37;
	v51 =	vld.idx.msk [tilespmem:v61+s19+$0x0], $0xffff;
	[tilespmem:v62+s31+$0x0] =	vst.idx.msk $0xffff, v41  }
0xeb: {  	v61 =	vor.u32 v3, v21;
	v63 =	vor.u32 v14, v32;
	[tilespmem:v47+s31+$0x0] =	vst.idx.msk $0xffff, v45;
	v36 =	vld.idx.msk [tilespmem:v56+s19+$0x0], $0xffff  }
0xec: {  	v44 =	vor.u32 v4, v18;
	v47 =	vor.u32 v3, v19;
	[tilespmem:v54+s31+$0x0] =	vst.idx.msk $0xffff, v39;
	v32 =	vld.idx.msk [tilespmem:v49+s19+$0x0], $0xffff  }
0xed: {  	v48 =	vor.u32 v4, v22;
	v41 =	vor.u32 v13, v34;
	[tilespmem:v57+s31+$0x0] =	vst.idx.msk $0xffff, v52;
	v37 =	vld.idx.msk [tilespmem:v55+s19+$0x0], $0xffff  }
0xee: {  	v43 =	vor.u32 v5, v17;
	v39 =	vor.u32 v13, v35;
	v42 =	vld.idx.msk [tilespmem:v40+s19+$0x0], $0xffff;
	[tilespmem:v50+s31+$0x0] =	vst.idx.msk $0xffff, v58  }
0xef: {  	v28 =	vor.u32 v15, v35;
	v34 =	vor.u32 v15, v34;
	[tilespmem:v60+s31+$0x0] =	vst.idx.msk $0xffff, v51;
	v46 =	vld.idx.msk [tilespmem:v59+s19+$0x0], $0xffff  }
0xf0: {  	s18 =	sor.u32 $0x1, s15;
	s10 =	simm.s32 $0x8;
	v45 =	vor.u32 v6, v16;
	v49 =	vor.u32 v5, v25;
	[tilespmem:v61+s31+$0x0] =	vst.idx.msk $0xffff, v53;
	v40 =	vld.idx.msk [tilespmem:v63+s19+$0x0], $0xffff  }
.LBB2_5:
0xf1: {  	p1 =	slt.u32 s10, $0x3C;
	v35 =	vor.u32 v10, v16;
	[tilespmem:v47+s31+$0x0] =	vst.idx.msk $0xffff, v38;
	v38 =	vld.idx.msk [tilespmem:v44+s19+$0x0], $0xffff;
	v20 =	vor.u32 v13, v20;
	s0 =	smov.u32 s10;
	s10 =	sadd.s32 $0x4, s10  }
0xf2: {  	v47 =	vor.u32 v10, v22;
	v44 =	vld.idx.msk [tilespmem:v48+s19+$0x0], $0xffff;
	v48 =	vor.u32 v5, v21;
	[tilespmem:v41+s31+$0x0] =	vst.idx.msk $0xffff, v36  }
0xf3: {  	v36 =	vor.u32 v5, v19;
	v41 =	vor.u32 v6, v18;
	v50 =	vld.idx.msk [tilespmem:v33+s19+$0x0], $0xffff;
	[tilespmem:v39+s31+$0x0] =	vst.idx.msk $0xffff, v37  }
0xf4: {  	v37 =	vor.u32 v6, v22;
	v39 =	vor.u32 v10, v18;
	[tilespmem:v43+s31+$0x0] =	vst.idx.msk $0xffff, v42;
	v31 =	vld.idx.msk [tilespmem:v31+s19+$0x0], $0xffff  }
0xf5: {  	v43 =	vor.u32 v9, v19;
	v42 =	vld.idx.msk [tilespmem:v45+s19+$0x0], $0xffff;
	[tilespmem:v49+s31+$0x0] =	vst.idx.msk $0xffff, v46;
	v45 =	vor.u32 v10, v23  }
0xf6: {  	v46 =	vor.u32 v7, v17;
	v49 =	vor.u32 v8, v22;
	v30 =	vld.idx.msk [tilespmem:v30+s19+$0x0], $0xffff;
	[tilespmem:v27+s31+$0x0] =	vst.idx.msk $0xffff, v40  }
0xf7: {  	v33 =	vmov v22;
	v27 =	vor.u32 v8, v16;
	[tilespmem:v48+s31+$0x0] =	vst.idx.msk $0xffff, v38;
	v38 =	vor.u32 v7, v25  }
0xf8: {  	v40 =	vor.u32 v8, v23;
	[tilespmem:v36+s31+$0x0] =	vst.idx.msk $0xffff, v44;
	v36 =	vld.idx.msk [tilespmem:v41+s19+$0x0], $0xffff;
	v41 =	vor.u32 v9, v25  }
0xf9: {  	v48 =	vor.u32 v8, v18;
	v44 =	vor.u32 v7, v21;
	v37 =	vld.idx.msk [tilespmem:v37+s19+$0x0], $0xffff;
	[tilespmem:v34+s31+$0x0] =	vst.idx.msk $0xffff, v50  }
0xfa: {  	v51 =	vor.u32 v7, v19;
	s20 =	sadd.s32 $0x1, s0;
	s13 =	sadd.s32 $0x2, s0;
	v34 =	vadd.s32 s0, v0;
	s0 =	sadd.s32 $0x3, s0;
	v50 =	vor.u32 v9, v17;
	[tilespmem:v20+s31+$0x0] =	vst.idx.msk $0xffff, v32  }
0xfb: {  	v20 =	vadd.s32 s20, v0;
	v32 =	vadd.s32 s13, v0;
	v52 =	vadd.s32 s0, v0;
	[tilespmem:v46+s31+$0x0] =	vst.idx.msk $0xffff, v42;
	v42 =	vmovc v18;
	v46 =	vmovc v16  }
0xfc: {  	v55 =	vmovc v23;
	v22 =	vand.u32 $0x3F, v20;
	v18 =	vand.u32 $0x3F, v32;
	v53 =	vshll.u32 v52, $0x7;
	v54 =	vld.idx.msk [tilespmem:v27+s19+$0x0], $0xffff;
	[tilespmem:v38+s31+$0x0] =	vst.idx.msk $0xffff, v30  }
0xfd: {  	v57 =	vmovc v19;
	v16 =	vand.u32 $0x3F, v34;
	v38 =	vor.u32 v1, v22;
	v56 =	vor.u32 v1, v18;
	v40 =	vld.idx.msk [tilespmem:v40+s19+$0x0], $0xffff  }
0xfe: {  	v19 =	vshll.u32 v20, $0x7;
	v23 =	vand.u32 $0x3F, v52;
	v58 =	vor.u32 v1, v16;
	[tilespmem:v44+s31+$0x0] =	vst.idx.msk $0xffff, v36;
	v29 =	vld.idx.msk [tilespmem:v29+s19+$0x0], $0xffff  }
0xff: {  	v19 =	vand.u32 $0x1F80, v19;
	v36 =	vor.u32 v1, v23;
	[tilespmem:v51+s31+$0x0] =	vst.idx.msk $0xffff, v37;
	v37 =	vmovc v25;
	v25 =	vand.u32 $0x1F80, v53  }
0x100: {  	v30 =	vor.u32 v6, v23;
	v20 =	vmov v17;
	v44 =	vshll.u32 v34, $0x7;
	v34 =	vld.idx.msk [tilespmem:v48+s19+$0x0], $0xffff;
	[tilespmem:v28+s31+$0x0] =	vst.idx.msk $0xffff, v31  }
0x101: {  	v27 =	vmovc v24;
	v17 =	vand.u32 $0x1F80, v44;
	v28 =	vshll.u32 v32, $0x7;
	v32 =	vor.u32 v9, v21;
	v31 =	vld.idx.msk [tilespmem:v49+s19+$0x0], $0xffff;
	v49 =	vmovc v21  }
0x102: {  	v44 =	vor.u32 v0, v17;
	v21 =	vand.u32 $0x1F80, v28;
	v38 =	vld.idx.msk [tilespmem:v38+s19+$0x0], $0xffff;
	[tilespmem:v50+s31+$0x0] =	vst.idx.msk $0xffff, v54  }
0x103: {  	v51 =	vor.u32 v0, v25;
	v50 =	vor.u32 v0, v21;
	v48 =	vld.idx.msk [tilespmem:v58+s19+$0x0], $0xffff;
	[tilespmem:v41+s31+$0x0] =	vst.idx.msk $0xffff, v40  }
0x104: {  	v40 =	vor.u32 v2, v16;
	v41 =	vor.u32 v2, v18;
	v45 =	vld.idx.msk [tilespmem:v45+s19+$0x0], $0xffff;
	[tilespmem:v26+s31+$0x0] =	vst.idx.msk $0xffff, v29  }
0x105: {  	v52 =	vor.u32 v0, v19;
	v24 =	vor.u32 v15, v25;
	v36 =	vld.idx.msk [tilespmem:v36+s19+$0x0], $0xffff  }
0x106: {  	v53 =	vor.u32 v2, v22;
	v29 =	vor.u32 v14, v46;
	v54 =	vld.idx.msk [tilespmem:v56+s19+$0x0], $0xffff;
	[tilespmem:v32+s31+$0x0] =	vst.idx.msk $0xffff, v34  }
0x107: {  	v32 =	vor.u32 v2, v23;
	[tilespmem:v43+s31+$0x0] =	vst.idx.msk $0xffff, v31;
	v34 =	vld.idx.msk [tilespmem:v39+s19+$0x0], $0xffff;
	v39 =	vor.u32 v11, v37  }
0x108: {  	v28 =	vor.u32 v15, v49;
	v26 =	vor.u32 v15, v20;
	v43 =	vld.idx.msk [tilespmem:v47+s19+$0x0], $0xffff;
	v47 =	vor.u32 v12, v55  }
0x109: {  	[tilespmem:v44+s31+$0x0] =	vst.idx.msk $0xffff, v48;
	v35 =	vld.idx.msk [tilespmem:v35+s19+$0x0], $0xffff;
	v44 =	vor.u32 v11, v57;
	v48 =	vor.u32 v12, v33  }
0x10a: {  	v56 =	vor.u32 v11, v49;
	v40 =	vld.idx.msk [tilespmem:v40+s19+$0x0], $0xffff;
	[tilespmem:v52+s31+$0x0] =	vst.idx.msk $0xffff, v38;
	v52 =	vor.u32 v11, v20  }
0x10b: {  	v46 =	vor.u32 v12, v46;
	v38 =	vld.idx.msk [tilespmem:v53+s19+$0x0], $0xffff;
	[tilespmem:v51+s31+$0x0] =	vst.idx.msk $0xffff, v36;
	v51 =	vor.u32 v12, v42  }
0x10c: {  	v31 =	vor.u32 v14, v42;
	v53 =	vor.u32 v3, v17;
	v58 =	vld.idx.msk [tilespmem:v32+s19+$0x0], $0xffff;
	[tilespmem:v39+s31+$0x0] =	vst.idx.msk $0xffff, v45  }
0x10d: {  	v39 =	vor.u32 v4, v16;
	v45 =	vor.u32 v3, v25;
	[tilespmem:v50+s31+$0x0] =	vst.idx.msk $0xffff, v54;
	v50 =	vld.idx.msk [tilespmem:v47+s19+$0x0], $0xffff  }
0x10e: {  	v59 =	vor.u32 v4, v23;
	v60 =	vor.u32 v13, v37;
	v54 =	vld.idx.msk [tilespmem:v41+s19+$0x0], $0xffff;
	[tilespmem:v44+s31+$0x0] =	vst.idx.msk $0xffff, v43  }
0x10f: {  	v61 =	vor.u32 v3, v21;
	[tilespmem:v52+s31+$0x0] =	vst.idx.msk $0xffff, v35;
	v36 =	vld.idx.msk [tilespmem:v48+s19+$0x0], $0xffff;
	v35 =	vor.u32 v14, v55  }
.Ltmp1:
0x110: {  	v47 =	vor.u32 v3, v19;
	v44 =	vor.u32 v4, v18;
	v32 =	vld.idx.msk [tilespmem:v46+s19+$0x0], $0xffff;
	[tilespmem:v56+s31+$0x0] =	vst.idx.msk $0xffff, v34;
	(pc) =	sbr.rel @p1 .LBB2_5-.Ltmp1, $4  }
0x111: {  	v41 =	vor.u32 v13, v57;
	v48 =	vor.u32 v4, v22;
	[tilespmem:v53+s31+$0x0] =	vst.idx.msk $0xffff, v40;
	v37 =	vld.idx.msk [tilespmem:v51+s19+$0x0], $0xffff  }
0x112: {  	v33 =	vor.u32 v14, v33;
	v42 =	vld.idx.msk [tilespmem:v39+s19+$0x0], $0xffff;
	[tilespmem:v45+s31+$0x0] =	vst.idx.msk $0xffff, v58;
	v39 =	vor.u32 v13, v49  }
0x113: {  	v43 =	vor.u32 v5, v17;
	v34 =	vor.u32 v15, v57;
	v46 =	vld.idx.msk [tilespmem:v59+s19+$0x0], $0xffff;
	[tilespmem:v60+s31+$0x0] =	vst.idx.msk $0xffff, v50  }
0x114: {  	v45 =	vor.u32 v6, v16;
	v49 =	vor.u32 v5, v25;
	[tilespmem:v61+s31+$0x0] =	vst.idx.msk $0xffff, v54;
	v40 =	vld.idx.msk [tilespmem:v35+s19+$0x0], $0xffff  }
0x115: {  	_ =	sdelay $0x3  }
0x116: {  	[tilespmem:v47+s31+$0x0] =	vst.idx.msk $0xffff, v38;
	v44 =	vld.idx.msk [tilespmem:v44+s19+$0x0], $0xffff;
	v63 =	vor.u32 v5, v21  }
0x117: {  	v62 =	vor.u32 v5, v19;
	v50 =	vor.u32 v6, v18;
	v35 =	vld.idx.msk [tilespmem:v48+s19+$0x0], $0xffff  }
0x118: {  	v52 =	vor.u32 v6, v22  }
0x119: {  	[tilespmem:v49+s31+$0x0] =	vst.idx.msk $0xffff, v46  }
0x11a: {  	v53 =	vor.u32 v7, v25;
	[tilespmem:v43+s31+$0x0] =	vst.idx.msk $0xffff, v42;
	v30 =	vld.idx.msk [tilespmem:v30+s19+$0x0], $0xffff  }
0x11b: {  	v54 =	vor.u32 v8, v23;
	v59 =	vor.u32 v7, v17;
	v45 =	vld.idx.msk [tilespmem:v45+s19+$0x0], $0xffff;
	[tilespmem:v63+s31+$0x0] =	vst.idx.msk $0xffff, v44  }
0x11c: {  	v58 =	vor.u32 v7, v21;
	v61 =	vor.u32 v8, v16;
	[tilespmem:v62+s31+$0x0] =	vst.idx.msk $0xffff, v35;
	v57 =	vld.idx.msk [tilespmem:v50+s19+$0x0], $0xffff  }
0x11d: {  	v55 =	vor.u32 v7, v19;
	v60 =	vor.u32 v8, v18;
	v38 =	vld.idx.msk [tilespmem:v52+s19+$0x0], $0xffff  }
0x11e: {  	v56 =	vor.u32 v8, v22  }
0x11f: {  	[tilespmem:v53+s31+$0x0] =	vst.idx.msk $0xffff, v30  }
0x120: {  	v62 =	vor.u32 v9, v25;
	[tilespmem:v59+s31+$0x0] =	vst.idx.msk $0xffff, v45;
	v35 =	vld.idx.msk [tilespmem:v54+s19+$0x0], $0xffff  }
0x121: {  	v52 =	vor.u32 v10, v23;
	[tilespmem:v58+s31+$0x0] =	vst.idx.msk $0xffff, v57;
	v57 =	vor.u32 v9, v17;
	v58 =	vld.idx.msk [tilespmem:v61+s19+$0x0], $0xffff  }
0x122: {  	v59 =	vor.u32 v10, v16;
	[tilespmem:v55+s31+$0x0] =	vst.idx.msk $0xffff, v38;
	v54 =	vld.idx.msk [tilespmem:v60+s19+$0x0], $0xffff;
	v55 =	vor.u32 v9, v21  }
0x123: {  	v63 =	vor.u32 v9, v19;
	v42 =	vld.idx.msk [tilespmem:v56+s19+$0x0], $0xffff;
	v56 =	vor.u32 v10, v18  }
0x124: {  	[tilespmem:v41+s31+$0x0] =	vst.idx.msk $0xffff, v36;
	v53 =	vor.u32 v10, v22  }
0x125: {  	[tilespmem:v62+s31+$0x0] =	vst.idx.msk $0xffff, v35  }
0x126: {  	v60 =	vor.u32 v11, v25;
	v30 =	vld.idx.msk [tilespmem:v52+s19+$0x0], $0xffff;
	[tilespmem:v57+s31+$0x0] =	vst.idx.msk $0xffff, v58  }
0x127: {  	v50 =	vor.u32 v11, v17;
	v61 =	vor.u32 v12, v23;
	[tilespmem:v55+s31+$0x0] =	vst.idx.msk $0xffff, v54;
	v36 =	vld.idx.msk [tilespmem:v59+s19+$0x0], $0xffff  }
0x128: {  	v49 =	vor.u32 v11, v21;
	v52 =	vor.u32 v12, v16;
	[tilespmem:v63+s31+$0x0] =	vst.idx.msk $0xffff, v42;
	v63 =	vld.idx.msk [tilespmem:v56+s19+$0x0], $0xffff  }
0x129: {  	v51 =	vor.u32 v12, v18;
	[tilespmem:v39+s31+$0x0] =	vst.idx.msk $0xffff, v37;
	v62 =	vor.u32 v11, v19;
	v38 =	vld.idx.msk [tilespmem:v53+s19+$0x0], $0xffff  }
0x12a: {  	v20 =	vor.u32 v13, v20;
	v48 =	vor.u32 v12, v22;
	[tilespmem:v27+s31+$0x0] =	vst.idx.msk $0xffff, v40  }
0x12b: {  	v33 =	vld.idx.msk [tilespmem:v33+s19+$0x0], $0xffff;
	[tilespmem:v60+s31+$0x0] =	vst.idx.msk $0xffff, v30  }
0x12c: {  	v53 =	vor.u32 v13, v25;
	v30 =	vld.idx.msk [tilespmem:v61+s19+$0x0], $0xffff;
	[tilespmem:v50+s31+$0x0] =	vst.idx.msk $0xffff, v36  }
0x12d: {  	v55 =	vor.u32 v14, v23;
	v61 =	vor.u32 v13, v17;
	[tilespmem:v49+s31+$0x0] =	vst.idx.msk $0xffff, v63;
	v27 =	vld.idx.msk [tilespmem:v52+s19+$0x0], $0xffff  }
0x12e: {  	v16 =	vor.u32 v14, v16;
	v59 =	vor.u32 v13, v21;
	[tilespmem:v62+s31+$0x0] =	vst.idx.msk $0xffff, v38;
	v57 =	vld.idx.msk [tilespmem:v51+s19+$0x0], $0xffff  }
0x12f: {  	[tilespmem:v20+s31+$0x0] =	vst.idx.msk $0xffff, v32;
	v56 =	vor.u32 v13, v19;
	v60 =	vor.u32 v14, v18;
	v54 =	vld.idx.msk [tilespmem:v48+s19+$0x0], $0xffff  }
0x130: {  	v31 =	vld.idx.msk [tilespmem:v31+s19+$0x0], $0xffff;
	[tilespmem:v34+s31+$0x0] =	vst.idx.msk $0xffff, v33;
	v58 =	vor.u32 v14, v22  }
0x131: {  	v20 =	vld.idx.msk [tilespmem:v29+s19+$0x0], $0xffff;
	[tilespmem:v53+s31+$0x0] =	vst.idx.msk $0xffff, v30  }
0x132: {  	v23 =	vld.idx.msk [tilespmem:v55+s19+$0x0], $0xffff;
	[tilespmem:v61+s31+$0x0] =	vst.idx.msk $0xffff, v27  }
0x133: {  	v17 =	vor.u32 v15, v17;
	[tilespmem:v59+s31+$0x0] =	vst.idx.msk $0xffff, v57;
	v16 =	vld.idx.msk [tilespmem:v16+s19+$0x0], $0xffff  }
0x134: {  	v63 =	vor.u32 v15, v21;
	[tilespmem:v56+s31+$0x0] =	vst.idx.msk $0xffff, v54;
	v18 =	vld.idx.msk [tilespmem:v60+s19+$0x0], $0xffff  }
0x135: {  	[tilespmem:v28+s31+$0x0] =	vst.idx.msk $0xffff, v31;
	v62 =	vor.u32 v15, v19;
	v22 =	vld.idx.msk [tilespmem:v58+s19+$0x0], $0xffff  }
0x136: {  	s0 =	sadd.s32 s6, s18;
	p1 =	sne.s32 s11, $0x31;
	[tilespmem:v26+s31+$0x0] =	vst.idx.msk $0xffff, v20  }
.Ltmp2:
0x137: {  	s10 =	sshll.u32 s0, $0x7;
	[tilespmem:v24+s31+$0x0] =	vst.idx.msk $0xffff, v23;
	(pc) =	sbr.rel @p1 .LBB2_8-.Ltmp2, $4  }
0x138: {  	s0 =	sshll.u32 s0, $0xA;
	s10 =	sand.u32 $0x3E80, s10;
	[tilespmem:v17+s31+$0x0] =	vst.idx.msk $0xffff, v16  }
0x139: {  	s0 =	sand.u32 $0xFFE0000, s0;
	s10 =	sadd.s32 s2, s10;
	[tilespmem:v63+s31+$0x0] =	vst.idx.msk $0xffff, v18  }
0x13a: {  	s0 =	sadd.s32 s0, s10;
	[tilespmem:v62+s31+$0x0] =	vst.idx.msk $0xffff, v22  }
0x13b: {  	[hbm4b:s0+s25] =	stream.strided.scatter [tilespmem:s31], [sflag:$0xA], $0x2000, s26, s25, $0x38;
	[tilespmem:$0x10200] =	vst v63  }
.Ltmp3:
0x13c: {  	(pc) =	sbr.rel .LBB2_9-.Ltmp3, $4  }
0x13d: {  	_ = 	snop  }
0x13e: {  	_ =	swait.ge [sflag:s1], $0x2000  }
0x13f: {  	[sflag:s1] =	ssyncset.done $0x0  }
0x140: {  	[sflag:s1] =	ssyncadd.s32 $0xFFFFE000  }
.LBB2_8:
0x141: {  	s0 =	rddreg [dreg:$0x7]  }
0x142: {  	s0 =	sadd.s32 s15, s0  }
0x143: {  	s0 =	sshll.u32 s0, $0x4  }
0x144: {  	s0 =	sand.u32 $0xFFFFFD0, s0  }
0x145: {  	s20 =	simm.s32 $0x1;
	s0 =	sadd.s32 s4, s0  }
0x146: {  	[tilespmem:s14], [sflag:$0x2] =	stream.linear.gather [hbm4b:s0+s3], $0x80, $0x38;
	[tilespmem:$0x10200] =	vst v63  }
0x147: {  	_ =	swait.ge [sflag:s20], $0x80  }
0x148: {  	[sflag:s20] =	ssyncset.done $0x0  }
.Ltmp4:
0x149: {  	[sflag:s20] =	ssyncadd.s32 $0xFFFFFF80;
	(pc) =	sbr.rel @p0 .LBB2_10-.Ltmp4, $4  }
0x14a: {  	[tilespmem:s17], [sflag:$0x5] =	stream.indirect.gather [hbm4b:s5+s14], $0x40, s3, s14, $0xb8;
	[tilespmem:$0x10200] =	vst v63  }
0x14b: {  	_ =	swait.ge [sflag:s1], $0x2000  }
0x14c: {  	[sflag:s1] =	ssyncset.done $0x0  }
0x14d: {  	[sflag:s1] =	ssyncadd.s32 $0xFFFFE000  }
.LBB2_9:
0x14e: {  	s0 =	simm.s32 $0xB  }
0x14f: {  	_ =	swait.ge [sflag:s0], $0x2000  }
0x150: {  	[sflag:s0] =	ssyncset.done $0x0  }
0x151: {  	[sflag:s0] =	ssyncadd.s32 $0xFFFFE000  }
.LBB2_10:
0x152: {  	s0 =	simm.s32 $0x0  }
0x153: {  	v16 =	vadd.s32 s0, v0  }
0x154: {  	s18 =	simm.s32 $0x3;
	v31 =	vand.u32 $0x3F, v16  }
0x155: {  	s20 =	simm.s32 $0x2;
	v17 =	vadd.s32 s18, v0;
	v18 =	vor.u32 v1, v31  }
0x156: {  	s10 =	simm.s32 $0x1;
	v19 =	vadd.s32 s20, v0;
	v32 =	vand.u32 $0x3F, v17  }
0x157: {  	v22 =	vadd.s32 s10, v0;
	v37 =	vand.u32 $0x3F, v19;
	v21 =	vor.u32 v1, v32  }
0x158: {  	v33 =	vand.u32 $0x3F, v22;
	v16 =	vshll.u32 v16, $0x7;
	v23 =	vor.u32 v1, v37  }
0x159: {  	v17 =	vshll.u32 v17, $0x7;
	v24 =	vor.u32 v1, v33;
	v20 =	vand.u32 $0x1F80, v16  }
0x15a: {  	v36 =	vand.u32 $0x1F80, v17;
	v16 =	vor.u32 v0, v20;
	v17 =	vld.idx.msk [tilespmem:v18+s22+$0x0], $0xffff  }
0x15b: {  	v25 =	vor.u32 v2, v31;
	v18 =	vshll.u32 v19, $0x7  }
0x15c: {  	v22 =	vshll.u32 v22, $0x7;
	v19 =	vor.u32 v0, v36;
	v21 =	vld.idx.msk [tilespmem:v21+s22+$0x0], $0xffff;
	v35 =	vand.u32 $0x1F80, v18  }
0x15d: {  	v34 =	vand.u32 $0x1F80, v22;
	v23 =	vld.idx.msk [tilespmem:v23+s22+$0x0], $0xffff;
	v18 =	vor.u32 v2, v32;
	v22 =	vor.u32 v0, v35  }
0x15e: {  	v26 =	vor.u32 v2, v37;
	v27 =	vor.u32 v0, v34;
	v24 =	vld.idx.msk [tilespmem:v24+s22+$0x0], $0xffff  }
0x15f: {  	v28 =	vor.u32 v2, v33;
	[tilespmem:v16+s8+$0x0] =	vst.idx.msk $0xffff, v17  }
0x160: {  	v17 =	vor.u32 v3, v20;
	v16 =	vld.idx.msk [tilespmem:v25+s22+$0x0], $0xffff  }
0x161: {  	[tilespmem:v19+s8+$0x0] =	vst.idx.msk $0xffff, v21  }
0x162: {  	v19 =	vor.u32 v4, v31;
	v21 =	vor.u32 v3, v36;
	v18 =	vld.idx.msk [tilespmem:v18+s22+$0x0], $0xffff;
	[tilespmem:v22+s8+$0x0] =	vst.idx.msk $0xffff, v23  }
0x163: {  	[tilespmem:v27+s8+$0x0] =	vst.idx.msk $0xffff, v24;
	v24 =	vor.u32 v3, v35;
	v22 =	vor.u32 v4, v32;
	v23 =	vld.idx.msk [tilespmem:v26+s22+$0x0], $0xffff  }
0x164: {  	v25 =	vld.idx.msk [tilespmem:v28+s22+$0x0], $0xffff;
	v28 =	vor.u32 v4, v37;
	v26 =	vor.u32 v3, v34  }
0x165: {  	s13 =	simm.s32 $0x4;
	s10 =	simm.s32 $0x5;
	[tilespmem:v17+s8+$0x0] =	vst.idx.msk $0xffff, v16;
	v16 =	vor.u32 v4, v33  }
0x166: {  	v45 =	vadd.s32 s13, v0;
	v44 =	vadd.s32 s10, v0  }
0x167: {  	v29 =	vor.u32 v6, v32;
	[tilespmem:v21+s8+$0x0] =	vst.idx.msk $0xffff, v18;
	v18 =	vor.u32 v5, v20;
	v17 =	vld.idx.msk [tilespmem:v19+s22+$0x0], $0xffff  }
0x168: {  	v21 =	vor.u32 v6, v31;
	v19 =	vld.idx.msk [tilespmem:v22+s22+$0x0], $0xffff;
	v22 =	vor.u32 v5, v36;
	[tilespmem:v24+s8+$0x0] =	vst.idx.msk $0xffff, v23  }
0x169: {  	v38 =	vor.u32 v10, v31;
	[tilespmem:v26+s8+$0x0] =	vst.idx.msk $0xffff, v25;
	v24 =	vor.u32 v5, v35;
	v23 =	vld.idx.msk [tilespmem:v28+s22+$0x0], $0xffff  }
0x16a: {  	v39 =	vor.u32 v10, v37;
	v25 =	vor.u32 v5, v34;
	v26 =	vor.u32 v6, v37;
	v16 =	vld.idx.msk [tilespmem:v16+s22+$0x0], $0xffff  }
0x16b: {  	s18 =	simm.s32 $0x6;
	v41 =	vor.u32 v8, v33;
	v42 =	vor.u32 v8, v37;
	v50 =	vor.u32 v10, v32  }
0x16c: {  	v47 =	vadd.s32 s18, v0;
	v61 =	vor.u32 v12, v32;
	[tilespmem:v18+s8+$0x0] =	vst.idx.msk $0xffff, v17;
	v17 =	vor.u32 v6, v33  }
0x16d: {  	v56 =	vor.u32 v12, v33;
	[tilespmem:v22+s8+$0x0] =	vst.idx.msk $0xffff, v19;
	v19 =	vor.u32 v7, v20;
	v18 =	vld.idx.msk [tilespmem:v21+s22+$0x0], $0xffff  }
0x16e: {  	v30 =	vor.u32 v7, v36;
	v21 =	vld.idx.msk [tilespmem:v29+s22+$0x0], $0xffff;
	v29 =	vor.u32 v8, v31;
	[tilespmem:v24+s8+$0x0] =	vst.idx.msk $0xffff, v23  }
0x16f: {  	v23 =	vor.u32 v8, v32;
	v24 =	vld.idx.msk [tilespmem:v26+s22+$0x0], $0xffff;
	[tilespmem:v25+s8+$0x0] =	vst.idx.msk $0xffff, v16;
	v25 =	vor.u32 v7, v35  }
0x170: {  	v40 =	vor.u32 v9, v34;
	v43 =	vor.u32 v7, v34;
	v16 =	vand.u32 $0x3F, v45  }
0x171: {  	v46 =	vor.u32 v9, v20;
	v60 =	vor.u32 v11, v36;
	v17 =	vld.idx.msk [tilespmem:v17+s22+$0x0], $0xffff;
	v49 =	vor.u32 v1, v16  }
0x172: {  	v57 =	vor.u32 v9, v35;
	v22 =	vand.u32 $0x3F, v44;
	v26 =	vor.u32 v9, v36;
	[tilespmem:v19+s8+$0x0] =	vst.idx.msk $0xffff, v18  }
0x173: {  	s20 =	simm.s32 $0x7;
	[tilespmem:v30+s8+$0x0] =	vst.idx.msk $0xffff, v21;
	v21 =	vor.u32 v1, v22;
	v18 =	vand.u32 $0x3F, v47;
	v29 =	vld.idx.msk [tilespmem:v29+s22+$0x0], $0xffff  }
0x174: {  	v58 =	vshll.u32 v47, $0x7;
	v19 =	vadd.s32 s20, v0;
	v48 =	vld.idx.msk [tilespmem:v23+s22+$0x0], $0xffff;
	v51 =	vor.u32 v1, v18;
	[tilespmem:v25+s8+$0x0] =	vst.idx.msk $0xffff, v24  }
0x175: {  	v27 =	vor.u32 v15, v36;
	v28 =	vor.u32 v10, v33;
	v23 =	vand.u32 $0x3F, v19;
	v42 =	vld.idx.msk [tilespmem:v42+s22+$0x0], $0xffff  }
0x176: {  	v63 =	vor.u32 v1, v23;
	v24 =	vshll.u32 v19, $0x7;
	v19 =	vshll.u32 v44, $0x7;
	[tilespmem:v43+s8+$0x0] =	vst.idx.msk $0xffff, v17;
	v62 =	vld.idx.msk [tilespmem:v49+s22+$0x0], $0xffff  }
0x177: {  	v33 =	vor.u32 v14, v33;
	v19 =	vand.u32 $0x1F80, v19;
	v17 =	vshll.u32 v45, $0x7;
	v41 =	vld.idx.msk [tilespmem:v41+s22+$0x0], $0xffff  }
0x178: {  	v55 =	vor.u32 v2, v22;
	v17 =	vand.u32 $0x1F80, v17;
	v47 =	vld.idx.msk [tilespmem:v21+s22+$0x0], $0xffff;
	v54 =	vor.u32 v0, v19  }
0x179: {  	v21 =	vand.u32 $0x1F80, v58;
	v59 =	vor.u32 v0, v17;
	[tilespmem:v26+s8+$0x0] =	vst.idx.msk $0xffff, v48;
	v51 =	vld.idx.msk [tilespmem:v51+s22+$0x0], $0xffff  }
0x17a: {  	v25 =	vand.u32 $0x1F80, v24;
	[tilespmem:v46+s8+$0x0] =	vst.idx.msk $0xffff, v29;
	v48 =	vor.u32 v0, v21;
	v50 =	vld.idx.msk [tilespmem:v50+s22+$0x0], $0xffff  }
0x17b: {  	v52 =	vor.u32 v2, v16;
	v49 =	vor.u32 v0, v25;
	v44 =	vld.idx.msk [tilespmem:v63+s22+$0x0], $0xffff;
	[tilespmem:v57+s8+$0x0] =	vst.idx.msk $0xffff, v42  }
0x17c: {  	v53 =	vor.u32 v2, v18;
	v30 =	vor.u32 v6, v23;
	v45 =	vld.idx.msk [tilespmem:v38+s22+$0x0], $0xffff;
	[tilespmem:v40+s8+$0x0] =	vst.idx.msk $0xffff, v41  }
0x17d: {  	v24 =	vor.u32 v15, v25;
	v63 =	vor.u32 v2, v23;
	v39 =	vld.idx.msk [tilespmem:v39+s22+$0x0], $0xffff;
	[tilespmem:v54+s8+$0x0] =	vst.idx.msk $0xffff, v47  }
0x17e: {  	v58 =	vor.u32 v4, v23;
	v41 =	vld.idx.msk [tilespmem:v28+s22+$0x0], $0xffff;
	[tilespmem:v59+s8+$0x0] =	vst.idx.msk $0xffff, v62;
	v62 =	vor.u32 v11, v34  }
0x17f: {  	v29 =	vor.u32 v14, v31;
	v47 =	vor.u32 v11, v20;
	v38 =	vld.idx.msk [tilespmem:v55+s22+$0x0], $0xffff;
	[tilespmem:v48+s8+$0x0] =	vst.idx.msk $0xffff, v51  }
0x180: {  	v54 =	vor.u32 v11, v35;
	v52 =	vld.idx.msk [tilespmem:v52+s22+$0x0], $0xffff;
	[tilespmem:v49+s8+$0x0] =	vst.idx.msk $0xffff, v44;
	v44 =	vor.u32 v12, v31  }
0x181: {  	v26 =	vor.u32 v15, v20;
	v55 =	vor.u32 v3, v17;
	v49 =	vor.u32 v12, v37;
	v53 =	vld.idx.msk [tilespmem:v53+s22+$0x0], $0xffff  }
0x182: {  	v40 =	vor.u32 v4, v16;
	[tilespmem:v60+s8+$0x0] =	vst.idx.msk $0xffff, v50;
	v50 =	vor.u32 v3, v25;
	v57 =	vld.idx.msk [tilespmem:v63+s22+$0x0], $0xffff  }
0x183: {  	v59 =	vor.u32 v13, v36;
	v48 =	vor.u32 v4, v22;
	v51 =	vld.idx.msk [tilespmem:v61+s22+$0x0], $0xffff;
	[tilespmem:v62+s8+$0x0] =	vst.idx.msk $0xffff, v41  }
0x184: {  	v60 =	vor.u32 v3, v21;
	v63 =	vor.u32 v14, v32;
	[tilespmem:v47+s8+$0x0] =	vst.idx.msk $0xffff, v45;
	v36 =	vld.idx.msk [tilespmem:v56+s22+$0x0], $0xffff  }
0x185: {  	v47 =	vor.u32 v3, v19;
	v45 =	vor.u32 v4, v18;
	[tilespmem:v54+s8+$0x0] =	vst.idx.msk $0xffff, v39;
	v32 =	vld.idx.msk [tilespmem:v44+s22+$0x0], $0xffff  }
0x186: {  	v31 =	vor.u32 v14, v37;
	v41 =	vor.u32 v13, v34;
	[tilespmem:v55+s8+$0x0] =	vst.idx.msk $0xffff, v52;
	v37 =	vld.idx.msk [tilespmem:v49+s22+$0x0], $0xffff  }
0x187: {  	v43 =	vor.u32 v5, v17;
	v42 =	vld.idx.msk [tilespmem:v40+s22+$0x0], $0xffff;
	[tilespmem:v50+s8+$0x0] =	vst.idx.msk $0xffff, v57;
	v40 =	vor.u32 v13, v35  }
0x188: {  	v28 =	vor.u32 v15, v35;
	v34 =	vor.u32 v15, v34;
	[tilespmem:v59+s8+$0x0] =	vst.idx.msk $0xffff, v51;
	v46 =	vld.idx.msk [tilespmem:v58+s22+$0x0], $0xffff  }
0x189: {  	s10 =	simm.s32 $0x8;
	v44 =	vor.u32 v6, v16;
	[tilespmem:v60+s8+$0x0] =	vst.idx.msk $0xffff, v53;
	v49 =	vor.u32 v5, v25;
	v39 =	vld.idx.msk [tilespmem:v63+s22+$0x0], $0xffff  }
.LBB2_11:
0x18a: {  	p2 =	slt.u32 s10, $0x3C;
	v35 =	vor.u32 v10, v16;
	[tilespmem:v47+s8+$0x0] =	vst.idx.msk $0xffff, v38;
	v38 =	vld.idx.msk [tilespmem:v45+s22+$0x0], $0xffff;
	v20 =	vor.u32 v13, v20;
	s0 =	smov.u32 s10;
	s10 =	sadd.s32 $0x4, s10  }
0x18b: {  	v47 =	vor.u32 v10, v22;
	v45 =	vld.idx.msk [tilespmem:v48+s22+$0x0], $0xffff;
	v48 =	vor.u32 v5, v21;
	[tilespmem:v41+s8+$0x0] =	vst.idx.msk $0xffff, v36  }
0x18c: {  	v36 =	vor.u32 v5, v19;
	v41 =	vor.u32 v6, v18;
	v50 =	vld.idx.msk [tilespmem:v33+s22+$0x0], $0xffff;
	[tilespmem:v40+s8+$0x0] =	vst.idx.msk $0xffff, v37  }
0x18d: {  	v37 =	vor.u32 v6, v22;
	v40 =	vor.u32 v10, v18;
	[tilespmem:v43+s8+$0x0] =	vst.idx.msk $0xffff, v42;
	v31 =	vld.idx.msk [tilespmem:v31+s22+$0x0], $0xffff  }
0x18e: {  	v43 =	vor.u32 v9, v19;
	v42 =	vld.idx.msk [tilespmem:v44+s22+$0x0], $0xffff;
	[tilespmem:v49+s8+$0x0] =	vst.idx.msk $0xffff, v46;
	v44 =	vor.u32 v10, v23  }
0x18f: {  	v46 =	vor.u32 v7, v17;
	v49 =	vor.u32 v8, v22;
	v30 =	vld.idx.msk [tilespmem:v30+s22+$0x0], $0xffff;
	[tilespmem:v27+s8+$0x0] =	vst.idx.msk $0xffff, v39  }
0x190: {  	v33 =	vmov v22;
	v27 =	vor.u32 v8, v16;
	[tilespmem:v48+s8+$0x0] =	vst.idx.msk $0xffff, v38;
	v38 =	vor.u32 v7, v25  }
0x191: {  	v39 =	vor.u32 v8, v23;
	[tilespmem:v36+s8+$0x0] =	vst.idx.msk $0xffff, v45;
	v36 =	vld.idx.msk [tilespmem:v41+s22+$0x0], $0xffff;
	v41 =	vor.u32 v9, v25  }
0x192: {  	v48 =	vor.u32 v8, v18;
	v45 =	vor.u32 v7, v21;
	v37 =	vld.idx.msk [tilespmem:v37+s22+$0x0], $0xffff;
	[tilespmem:v34+s8+$0x0] =	vst.idx.msk $0xffff, v50  }
0x193: {  	v51 =	vor.u32 v7, v19;
	s13 =	sadd.s32 $0x1, s0;
	s18 =	sadd.s32 $0x2, s0;
	v34 =	vadd.s32 s0, v0;
	s0 =	sadd.s32 $0x3, s0;
	v50 =	vor.u32 v9, v17;
	[tilespmem:v20+s8+$0x0] =	vst.idx.msk $0xffff, v32  }
0x194: {  	v20 =	vadd.s32 s13, v0;
	v32 =	vadd.s32 s18, v0;
	v52 =	vadd.s32 s0, v0;
	[tilespmem:v46+s8+$0x0] =	vst.idx.msk $0xffff, v42;
	v42 =	vmovc v18;
	v46 =	vmovc v16  }
0x195: {  	v55 =	vmovc v23;
	v22 =	vand.u32 $0x3F, v20;
	v18 =	vand.u32 $0x3F, v32;
	v53 =	vshll.u32 v52, $0x7;
	v54 =	vld.idx.msk [tilespmem:v27+s22+$0x0], $0xffff;
	[tilespmem:v38+s8+$0x0] =	vst.idx.msk $0xffff, v30  }
0x196: {  	v57 =	vmovc v19;
	v16 =	vand.u32 $0x3F, v34;
	v38 =	vor.u32 v1, v22;
	v56 =	vor.u32 v1, v18;
	v39 =	vld.idx.msk [tilespmem:v39+s22+$0x0], $0xffff  }
0x197: {  	v19 =	vshll.u32 v20, $0x7;
	v23 =	vand.u32 $0x3F, v52;
	v58 =	vor.u32 v1, v16;
	[tilespmem:v45+s8+$0x0] =	vst.idx.msk $0xffff, v36;
	v29 =	vld.idx.msk [tilespmem:v29+s22+$0x0], $0xffff  }
0x198: {  	v19 =	vand.u32 $0x1F80, v19;
	v36 =	vor.u32 v1, v23;
	[tilespmem:v51+s8+$0x0] =	vst.idx.msk $0xffff, v37;
	v37 =	vmovc v25;
	v25 =	vand.u32 $0x1F80, v53  }
0x199: {  	v30 =	vor.u32 v6, v23;
	v20 =	vmov v17;
	v45 =	vshll.u32 v34, $0x7;
	v34 =	vld.idx.msk [tilespmem:v48+s22+$0x0], $0xffff;
	[tilespmem:v28+s8+$0x0] =	vst.idx.msk $0xffff, v31  }
0x19a: {  	v27 =	vmovc v24;
	v17 =	vand.u32 $0x1F80, v45;
	v28 =	vshll.u32 v32, $0x7;
	v32 =	vor.u32 v9, v21;
	v31 =	vld.idx.msk [tilespmem:v49+s22+$0x0], $0xffff;
	v49 =	vmovc v21  }
0x19b: {  	v45 =	vor.u32 v0, v17;
	v21 =	vand.u32 $0x1F80, v28;
	v38 =	vld.idx.msk [tilespmem:v38+s22+$0x0], $0xffff;
	[tilespmem:v50+s8+$0x0] =	vst.idx.msk $0xffff, v54  }
0x19c: {  	v51 =	vor.u32 v0, v25;
	v50 =	vor.u32 v0, v21;
	v48 =	vld.idx.msk [tilespmem:v58+s22+$0x0], $0xffff;
	[tilespmem:v41+s8+$0x0] =	vst.idx.msk $0xffff, v39  }
0x19d: {  	v39 =	vor.u32 v2, v16;
	v41 =	vor.u32 v2, v18;
	v44 =	vld.idx.msk [tilespmem:v44+s22+$0x0], $0xffff;
	[tilespmem:v26+s8+$0x0] =	vst.idx.msk $0xffff, v29  }
0x19e: {  	v52 =	vor.u32 v0, v19;
	v24 =	vor.u32 v15, v25;
	v36 =	vld.idx.msk [tilespmem:v36+s22+$0x0], $0xffff  }
0x19f: {  	v53 =	vor.u32 v2, v22;
	v29 =	vor.u32 v14, v46;
	v54 =	vld.idx.msk [tilespmem:v56+s22+$0x0], $0xffff;
	[tilespmem:v32+s8+$0x0] =	vst.idx.msk $0xffff, v34  }
0x1a0: {  	v32 =	vor.u32 v2, v23;
	[tilespmem:v43+s8+$0x0] =	vst.idx.msk $0xffff, v31;
	v34 =	vld.idx.msk [tilespmem:v40+s22+$0x0], $0xffff;
	v40 =	vor.u32 v11, v37  }
0x1a1: {  	v28 =	vor.u32 v15, v49;
	v26 =	vor.u32 v15, v20;
	v43 =	vld.idx.msk [tilespmem:v47+s22+$0x0], $0xffff;
	v47 =	vor.u32 v12, v55  }
0x1a2: {  	[tilespmem:v45+s8+$0x0] =	vst.idx.msk $0xffff, v48;
	v35 =	vld.idx.msk [tilespmem:v35+s22+$0x0], $0xffff;
	v45 =	vor.u32 v11, v57;
	v48 =	vor.u32 v12, v33  }
0x1a3: {  	v56 =	vor.u32 v11, v49;
	v39 =	vld.idx.msk [tilespmem:v39+s22+$0x0], $0xffff;
	[tilespmem:v52+s8+$0x0] =	vst.idx.msk $0xffff, v38;
	v52 =	vor.u32 v11, v20  }
0x1a4: {  	v46 =	vor.u32 v12, v46;
	v38 =	vld.idx.msk [tilespmem:v53+s22+$0x0], $0xffff;
	[tilespmem:v51+s8+$0x0] =	vst.idx.msk $0xffff, v36;
	v51 =	vor.u32 v12, v42  }
0x1a5: {  	v31 =	vor.u32 v14, v42;
	v53 =	vor.u32 v3, v17;
	v58 =	vld.idx.msk [tilespmem:v32+s22+$0x0], $0xffff;
	[tilespmem:v40+s8+$0x0] =	vst.idx.msk $0xffff, v44  }
0x1a6: {  	v40 =	vor.u32 v4, v16;
	v44 =	vor.u32 v3, v25;
	[tilespmem:v50+s8+$0x0] =	vst.idx.msk $0xffff, v54;
	v50 =	vld.idx.msk [tilespmem:v47+s22+$0x0], $0xffff  }
0x1a7: {  	v59 =	vor.u32 v4, v23;
	v60 =	vor.u32 v13, v37;
	v54 =	vld.idx.msk [tilespmem:v41+s22+$0x0], $0xffff;
	[tilespmem:v45+s8+$0x0] =	vst.idx.msk $0xffff, v43  }
0x1a8: {  	v61 =	vor.u32 v3, v21;
	[tilespmem:v52+s8+$0x0] =	vst.idx.msk $0xffff, v35;
	v36 =	vld.idx.msk [tilespmem:v48+s22+$0x0], $0xffff;
	v35 =	vor.u32 v14, v55  }
.Ltmp5:
0x1a9: {  	v47 =	vor.u32 v3, v19;
	v45 =	vor.u32 v4, v18;
	v32 =	vld.idx.msk [tilespmem:v46+s22+$0x0], $0xffff;
	[tilespmem:v56+s8+$0x0] =	vst.idx.msk $0xffff, v34;
	(pc) =	sbr.rel @p2 .LBB2_11-.Ltmp5, $4  }
0x1aa: {  	v41 =	vor.u32 v13, v57;
	v48 =	vor.u32 v4, v22;
	[tilespmem:v53+s8+$0x0] =	vst.idx.msk $0xffff, v39;
	v37 =	vld.idx.msk [tilespmem:v51+s22+$0x0], $0xffff  }
0x1ab: {  	v33 =	vor.u32 v14, v33;
	v42 =	vld.idx.msk [tilespmem:v40+s22+$0x0], $0xffff;
	[tilespmem:v44+s8+$0x0] =	vst.idx.msk $0xffff, v58;
	v40 =	vor.u32 v13, v49  }
0x1ac: {  	v43 =	vor.u32 v5, v17;
	v34 =	vor.u32 v15, v57;
	v46 =	vld.idx.msk [tilespmem:v59+s22+$0x0], $0xffff;
	[tilespmem:v60+s8+$0x0] =	vst.idx.msk $0xffff, v50  }
0x1ad: {  	v44 =	vor.u32 v6, v16;
	v49 =	vor.u32 v5, v25;
	[tilespmem:v61+s8+$0x0] =	vst.idx.msk $0xffff, v54;
	v39 =	vld.idx.msk [tilespmem:v35+s22+$0x0], $0xffff  }
0x1ae: {  	_ =	sdelay $0x3  }
0x1af: {  	[tilespmem:v47+s8+$0x0] =	vst.idx.msk $0xffff, v38;
	v45 =	vld.idx.msk [tilespmem:v45+s22+$0x0], $0xffff;
	v63 =	vor.u32 v5, v21  }
0x1b0: {  	v62 =	vor.u32 v5, v19;
	v50 =	vor.u32 v6, v18;
	v35 =	vld.idx.msk [tilespmem:v48+s22+$0x0], $0xffff  }
0x1b1: {  	v52 =	vor.u32 v6, v22  }
0x1b2: {  	[tilespmem:v49+s8+$0x0] =	vst.idx.msk $0xffff, v46  }
0x1b3: {  	v53 =	vor.u32 v7, v25;
	[tilespmem:v43+s8+$0x0] =	vst.idx.msk $0xffff, v42;
	v30 =	vld.idx.msk [tilespmem:v30+s22+$0x0], $0xffff  }
0x1b4: {  	v54 =	vor.u32 v8, v23;
	v59 =	vor.u32 v7, v17;
	v44 =	vld.idx.msk [tilespmem:v44+s22+$0x0], $0xffff;
	[tilespmem:v63+s8+$0x0] =	vst.idx.msk $0xffff, v45  }
0x1b5: {  	v58 =	vor.u32 v7, v21;
	v61 =	vor.u32 v8, v16;
	[tilespmem:v62+s8+$0x0] =	vst.idx.msk $0xffff, v35;
	v57 =	vld.idx.msk [tilespmem:v50+s22+$0x0], $0xffff  }
0x1b6: {  	v55 =	vor.u32 v7, v19;
	v60 =	vor.u32 v8, v18;
	v38 =	vld.idx.msk [tilespmem:v52+s22+$0x0], $0xffff  }
0x1b7: {  	v56 =	vor.u32 v8, v22  }
0x1b8: {  	[tilespmem:v53+s8+$0x0] =	vst.idx.msk $0xffff, v30  }
0x1b9: {  	v62 =	vor.u32 v9, v25;
	[tilespmem:v59+s8+$0x0] =	vst.idx.msk $0xffff, v44;
	v35 =	vld.idx.msk [tilespmem:v54+s22+$0x0], $0xffff  }
0x1ba: {  	v52 =	vor.u32 v10, v23;
	[tilespmem:v58+s8+$0x0] =	vst.idx.msk $0xffff, v57;
	v57 =	vor.u32 v9, v17;
	v58 =	vld.idx.msk [tilespmem:v61+s22+$0x0], $0xffff  }
0x1bb: {  	v59 =	vor.u32 v10, v16;
	[tilespmem:v55+s8+$0x0] =	vst.idx.msk $0xffff, v38;
	v54 =	vld.idx.msk [tilespmem:v60+s22+$0x0], $0xffff;
	v55 =	vor.u32 v9, v21  }
0x1bc: {  	v63 =	vor.u32 v9, v19;
	v42 =	vld.idx.msk [tilespmem:v56+s22+$0x0], $0xffff;
	v56 =	vor.u32 v10, v18  }
0x1bd: {  	[tilespmem:v41+s8+$0x0] =	vst.idx.msk $0xffff, v36;
	v53 =	vor.u32 v10, v22  }
0x1be: {  	[tilespmem:v62+s8+$0x0] =	vst.idx.msk $0xffff, v35  }
0x1bf: {  	v60 =	vor.u32 v11, v25;
	v30 =	vld.idx.msk [tilespmem:v52+s22+$0x0], $0xffff;
	[tilespmem:v57+s8+$0x0] =	vst.idx.msk $0xffff, v58  }
0x1c0: {  	v50 =	vor.u32 v11, v17;
	v61 =	vor.u32 v12, v23;
	[tilespmem:v55+s8+$0x0] =	vst.idx.msk $0xffff, v54;
	v36 =	vld.idx.msk [tilespmem:v59+s22+$0x0], $0xffff  }
0x1c1: {  	v49 =	vor.u32 v11, v21;
	v52 =	vor.u32 v12, v16;
	[tilespmem:v63+s8+$0x0] =	vst.idx.msk $0xffff, v42;
	v63 =	vld.idx.msk [tilespmem:v56+s22+$0x0], $0xffff  }
0x1c2: {  	v51 =	vor.u32 v12, v18;
	[tilespmem:v40+s8+$0x0] =	vst.idx.msk $0xffff, v37;
	v62 =	vor.u32 v11, v19;
	v38 =	vld.idx.msk [tilespmem:v53+s22+$0x0], $0xffff  }
0x1c3: {  	v20 =	vor.u32 v13, v20;
	v48 =	vor.u32 v12, v22;
	[tilespmem:v27+s8+$0x0] =	vst.idx.msk $0xffff, v39  }
0x1c4: {  	v33 =	vld.idx.msk [tilespmem:v33+s22+$0x0], $0xffff;
	[tilespmem:v60+s8+$0x0] =	vst.idx.msk $0xffff, v30  }
0x1c5: {  	v53 =	vor.u32 v13, v25;
	v30 =	vld.idx.msk [tilespmem:v61+s22+$0x0], $0xffff;
	[tilespmem:v50+s8+$0x0] =	vst.idx.msk $0xffff, v36  }
0x1c6: {  	v55 =	vor.u32 v14, v23;
	v61 =	vor.u32 v13, v17;
	[tilespmem:v49+s8+$0x0] =	vst.idx.msk $0xffff, v63;
	v27 =	vld.idx.msk [tilespmem:v52+s22+$0x0], $0xffff  }
0x1c7: {  	v16 =	vor.u32 v14, v16;
	v59 =	vor.u32 v13, v21;
	[tilespmem:v62+s8+$0x0] =	vst.idx.msk $0xffff, v38;
	v57 =	vld.idx.msk [tilespmem:v51+s22+$0x0], $0xffff  }
0x1c8: {  	[tilespmem:v20+s8+$0x0] =	vst.idx.msk $0xffff, v32;
	v56 =	vor.u32 v13, v19;
	v60 =	vor.u32 v14, v18;
	v54 =	vld.idx.msk [tilespmem:v48+s22+$0x0], $0xffff  }
0x1c9: {  	v31 =	vld.idx.msk [tilespmem:v31+s22+$0x0], $0xffff;
	[tilespmem:v34+s8+$0x0] =	vst.idx.msk $0xffff, v33;
	v58 =	vor.u32 v14, v22  }
0x1ca: {  	v20 =	vld.idx.msk [tilespmem:v29+s22+$0x0], $0xffff;
	[tilespmem:v53+s8+$0x0] =	vst.idx.msk $0xffff, v30  }
0x1cb: {  	v23 =	vld.idx.msk [tilespmem:v55+s22+$0x0], $0xffff;
	[tilespmem:v61+s8+$0x0] =	vst.idx.msk $0xffff, v27  }
0x1cc: {  	v17 =	vor.u32 v15, v17;
	[tilespmem:v59+s8+$0x0] =	vst.idx.msk $0xffff, v57;
	v16 =	vld.idx.msk [tilespmem:v16+s22+$0x0], $0xffff  }
0x1cd: {  	v63 =	vor.u32 v15, v21;
	[tilespmem:v56+s8+$0x0] =	vst.idx.msk $0xffff, v54;
	v18 =	vld.idx.msk [tilespmem:v60+s22+$0x0], $0xffff  }
0x1ce: {  	[tilespmem:v28+s8+$0x0] =	vst.idx.msk $0xffff, v31;
	v62 =	vor.u32 v15, v19;
	v22 =	vld.idx.msk [tilespmem:v58+s22+$0x0], $0xffff  }
0x1cf: {  	s0 =	sadd.s32 s6, s16;
	[tilespmem:v26+s8+$0x0] =	vst.idx.msk $0xffff, v20  }
.Ltmp6:
0x1d0: {  	s10 =	sshll.u32 s0, $0x7;
	[tilespmem:v24+s8+$0x0] =	vst.idx.msk $0xffff, v23;
	(pc) =	sbr.rel @p1 .LBB2_14-.Ltmp6, $4  }
0x1d1: {  	s0 =	sshll.u32 s0, $0xA;
	s10 =	sand.u32 $0x3F00, s10;
	[tilespmem:v17+s8+$0x0] =	vst.idx.msk $0xffff, v16  }
0x1d2: {  	s0 =	sand.u32 $0xFFE0000, s0;
	s10 =	sadd.s32 s2, s10;
	[tilespmem:v63+s8+$0x0] =	vst.idx.msk $0xffff, v18  }
0x1d3: {  	s0 =	sadd.s32 s0, s10;
	[tilespmem:v62+s8+$0x0] =	vst.idx.msk $0xffff, v22  }
0x1d4: {  	[hbm4b:s0+s25] =	stream.strided.scatter [tilespmem:s8], [sflag:$0xB], $0x2000, s26, s25, $0x38;
	[tilespmem:$0x10200] =	vst v63  }
.Ltmp7:
0x1d5: {  	(pc) =	sbr.rel .LBB2_15-.Ltmp7, $4  }
0x1d6: {  	_ = 	snop  }
0x1d7: {  	_ =	swait.ge [sflag:s9], $0x2000  }
0x1d8: {  	[sflag:s9] =	ssyncset.done $0x0  }
0x1d9: {  	[sflag:s9] =	ssyncadd.s32 $0xFFFFE000  }
.LBB2_14:
0x1da: {  	s0 =	rddreg [dreg:$0x8]  }
0x1db: {  	s0 =	sadd.s32 s15, s0  }
0x1dc: {  	s0 =	sshll.u32 s0, $0x4  }
0x1dd: {  	s0 =	sand.u32 $0xFFFFFE0, s0  }
0x1de: {  	s10 =	simm.s32 $0x100;
	s20 =	simm.s32 $0x2;
	s0 =	sadd.s32 s4, s0  }
0x1df: {  	[tilespmem:s10], [sflag:$0x3] =	stream.linear.gather [hbm4b:s0+s3], $0x80, $0x38;
	[tilespmem:$0x10200] =	vst v63  }
0x1e0: {  	_ =	swait.ge [sflag:s20], $0x80  }
0x1e1: {  	[sflag:s20] =	ssyncset.done $0x0  }
.Ltmp8:
0x1e2: {  	[sflag:s20] =	ssyncadd.s32 $0xFFFFFF80;
	(pc) =	sbr.rel @p0 .LBB2_16-.Ltmp8, $4  }
0x1e3: {  	[tilespmem:s19], [sflag:$0x6] =	stream.indirect.gather [hbm4b:s5+s14], $0x40, s14, s14, $0xb8;
	[tilespmem:$0x10200] =	vst v63  }
0x1e4: {  	_ =	swait.ge [sflag:s9], $0x2000  }
0x1e5: {  	[sflag:s9] =	ssyncset.done $0x0  }
0x1e6: {  	[sflag:s9] =	ssyncadd.s32 $0xFFFFE000  }
.LBB2_15:
0x1e7: {  	s0 =	simm.s32 $0xC  }
0x1e8: {  	_ =	swait.ge [sflag:s0], $0x2000  }
0x1e9: {  	[sflag:s0] =	ssyncset.done $0x0  }
0x1ea: {  	[sflag:s0] =	ssyncadd.s32 $0xFFFFE000  }
.LBB2_16:
0x1eb: {  	s0 =	simm.s32 $0x0  }
0x1ec: {  	s10 =	simm.s32 $0x3;
	v16 =	vadd.s32 s0, v0  }
0x1ed: {  	s13 =	simm.s32 $0x2;
	v17 =	vadd.s32 s10, v0;
	v31 =	vand.u32 $0x3F, v16  }
0x1ee: {  	s10 =	simm.s32 $0x1;
	v19 =	vadd.s32 s13, v0;
	v32 =	vand.u32 $0x3F, v17;
	v18 =	vor.u32 v1, v31  }
0x1ef: {  	v22 =	vadd.s32 s10, v0;
	v37 =	vand.u32 $0x3F, v19;
	v21 =	vor.u32 v1, v32  }
0x1f0: {  	v33 =	vand.u32 $0x3F, v22;
	v23 =	vor.u32 v1, v37  }
0x1f1: {  	v16 =	vshll.u32 v16, $0x7;
	v17 =	vshll.u32 v17, $0x7;
	v24 =	vor.u32 v1, v33  }
0x1f2: {  	v20 =	vand.u32 $0x1F80, v16;
	v36 =	vand.u32 $0x1F80, v17  }
0x1f3: {  	v25 =	vor.u32 v2, v31;
	v16 =	vor.u32 v0, v20;
	v17 =	vld.idx.msk [tilespmem:v18+s29+$0x0], $0xffff;
	v18 =	vshll.u32 v19, $0x7  }
0x1f4: {  	v22 =	vshll.u32 v22, $0x7;
	v19 =	vor.u32 v0, v36;
	v21 =	vld.idx.msk [tilespmem:v21+s29+$0x0], $0xffff;
	v35 =	vand.u32 $0x1F80, v18  }
0x1f5: {  	v34 =	vand.u32 $0x1F80, v22;
	v23 =	vld.idx.msk [tilespmem:v23+s29+$0x0], $0xffff;
	v18 =	vor.u32 v2, v32;
	v22 =	vor.u32 v0, v35  }
0x1f6: {  	v26 =	vor.u32 v2, v37;
	v27 =	vor.u32 v0, v34;
	v24 =	vld.idx.msk [tilespmem:v24+s29+$0x0], $0xffff  }
0x1f7: {  	v28 =	vor.u32 v2, v33  }
0x1f8: {  	[tilespmem:v16+s7+$0x0] =	vst.idx.msk $0xffff, v17  }
0x1f9: {  	[tilespmem:v19+s7+$0x0] =	vst.idx.msk $0xffff, v21;
	v17 =	vor.u32 v3, v20;
	v16 =	vld.idx.msk [tilespmem:v25+s29+$0x0], $0xffff  }
0x1fa: {  	v19 =	vor.u32 v4, v31;
	v21 =	vor.u32 v3, v36;
	v18 =	vld.idx.msk [tilespmem:v18+s29+$0x0], $0xffff;
	[tilespmem:v22+s7+$0x0] =	vst.idx.msk $0xffff, v23  }
0x1fb: {  	[tilespmem:v27+s7+$0x0] =	vst.idx.msk $0xffff, v24;
	v24 =	vor.u32 v3, v35;
	v22 =	vor.u32 v4, v32;
	v23 =	vld.idx.msk [tilespmem:v26+s29+$0x0], $0xffff  }
0x1fc: {  	v25 =	vld.idx.msk [tilespmem:v28+s29+$0x0], $0xffff;
	v28 =	vor.u32 v4, v37  }
0x1fd: {  	v26 =	vor.u32 v3, v34  }
0x1fe: {  	s15 =	simm.s32 $0x5;
	[tilespmem:v17+s7+$0x0] =	vst.idx.msk $0xffff, v16;
	v16 =	vor.u32 v4, v33  }
0x1ff: {  	v44 =	vadd.s32 s15, v0;
	[tilespmem:v21+s7+$0x0] =	vst.idx.msk $0xffff, v18;
	v18 =	vor.u32 v5, v20;
	v17 =	vld.idx.msk [tilespmem:v19+s29+$0x0], $0xffff  }
0x200: {  	v21 =	vor.u32 v6, v31;
	v19 =	vld.idx.msk [tilespmem:v22+s29+$0x0], $0xffff;
	v22 =	vor.u32 v5, v36;
	[tilespmem:v24+s7+$0x0] =	vst.idx.msk $0xffff, v23  }
0x201: {  	s16 =	simm.s32 $0x4;
	v29 =	vor.u32 v6, v32;
	v38 =	vor.u32 v10, v31;
	v24 =	vor.u32 v5, v35;
	v23 =	vld.idx.msk [tilespmem:v28+s29+$0x0], $0xffff  }
0x202: {  	v45 =	vadd.s32 s16, v0;
	v39 =	vor.u32 v10, v37;
	[tilespmem:v26+s7+$0x0] =	vst.idx.msk $0xffff, v25;
	v26 =	vor.u32 v6, v37  }
0x203: {  	s18 =	simm.s32 $0x6;
	v42 =	vor.u32 v8, v37;
	v50 =	vor.u32 v10, v32;
	v25 =	vor.u32 v5, v34;
	v16 =	vld.idx.msk [tilespmem:v16+s29+$0x0], $0xffff  }
0x204: {  	v47 =	vadd.s32 s18, v0;
	v61 =	vor.u32 v12, v32;
	[tilespmem:v18+s7+$0x0] =	vst.idx.msk $0xffff, v17;
	v17 =	vor.u32 v6, v33  }
0x205: {  	v30 =	vor.u32 v7, v36;
	[tilespmem:v22+s7+$0x0] =	vst.idx.msk $0xffff, v19;
	v19 =	vor.u32 v7, v20;
	v18 =	vld.idx.msk [tilespmem:v21+s29+$0x0], $0xffff  }
0x206: {  	v41 =	vor.u32 v8, v33;
	v21 =	vld.idx.msk [tilespmem:v29+s29+$0x0], $0xffff;
	v29 =	vor.u32 v8, v31;
	[tilespmem:v24+s7+$0x0] =	vst.idx.msk $0xffff, v23  }
0x207: {  	v46 =	vor.u32 v9, v20;
	v23 =	vor.u32 v8, v32;
	v24 =	vld.idx.msk [tilespmem:v26+s29+$0x0], $0xffff;
	v26 =	vor.u32 v7, v35  }
0x208: {  	v60 =	vor.u32 v11, v36;
	v56 =	vor.u32 v12, v33;
	[tilespmem:v25+s7+$0x0] =	vst.idx.msk $0xffff, v16;
	v16 =	vand.u32 $0x3F, v45  }
0x209: {  	v40 =	vor.u32 v9, v34;
	v43 =	vor.u32 v7, v34;
	v17 =	vld.idx.msk [tilespmem:v17+s29+$0x0], $0xffff;
	v49 =	vor.u32 v1, v16  }
0x20a: {  	v57 =	vor.u32 v9, v35;
	v22 =	vand.u32 $0x3F, v44;
	v25 =	vor.u32 v9, v36;
	[tilespmem:v19+s7+$0x0] =	vst.idx.msk $0xffff, v18  }
0x20b: {  	s20 =	simm.s32 $0x7;
	[tilespmem:v30+s7+$0x0] =	vst.idx.msk $0xffff, v21;
	v21 =	vor.u32 v1, v22;
	v18 =	vand.u32 $0x3F, v47;
	v29 =	vld.idx.msk [tilespmem:v29+s29+$0x0], $0xffff  }
0x20c: {  	v58 =	vshll.u32 v47, $0x7;
	v19 =	vadd.s32 s20, v0;
	v48 =	vld.idx.msk [tilespmem:v23+s29+$0x0], $0xffff;
	v51 =	vor.u32 v1, v18;
	[tilespmem:v26+s7+$0x0] =	vst.idx.msk $0xffff, v24  }
0x20d: {  	v27 =	vor.u32 v15, v36;
	v28 =	vor.u32 v10, v33;
	v23 =	vand.u32 $0x3F, v19;
	v42 =	vld.idx.msk [tilespmem:v42+s29+$0x0], $0xffff  }
0x20e: {  	v24 =	vshll.u32 v19, $0x7;
	v19 =	vshll.u32 v44, $0x7;
	v26 =	vor.u32 v1, v23;
	[tilespmem:v43+s7+$0x0] =	vst.idx.msk $0xffff, v17;
	v62 =	vld.idx.msk [tilespmem:v49+s29+$0x0], $0xffff  }
0x20f: {  	v33 =	vor.u32 v14, v33;
	v19 =	vand.u32 $0x1F80, v19;
	v17 =	vshll.u32 v45, $0x7;
	v41 =	vld.idx.msk [tilespmem:v41+s29+$0x0], $0xffff  }
0x210: {  	v55 =	vor.u32 v2, v22;
	v53 =	vor.u32 v0, v19;
	v17 =	vand.u32 $0x1F80, v17;
	v45 =	vld.idx.msk [tilespmem:v21+s29+$0x0], $0xffff  }
0x211: {  	v21 =	vand.u32 $0x1F80, v58;
	v59 =	vor.u32 v0, v17;
	[tilespmem:v25+s7+$0x0] =	vst.idx.msk $0xffff, v48;
	v51 =	vld.idx.msk [tilespmem:v51+s29+$0x0], $0xffff  }
0x212: {  	v24 =	vand.u32 $0x1F80, v24;
	[tilespmem:v46+s7+$0x0] =	vst.idx.msk $0xffff, v29;
	v47 =	vor.u32 v0, v21;
	v50 =	vld.idx.msk [tilespmem:v50+s29+$0x0], $0xffff  }
0x213: {  	v49 =	vor.u32 v2, v16;
	v48 =	vor.u32 v0, v24;
	v54 =	vld.idx.msk [tilespmem:v26+s29+$0x0], $0xffff;
	[tilespmem:v57+s7+$0x0] =	vst.idx.msk $0xffff, v42  }
0x214: {  	v52 =	vor.u32 v2, v18;
	v30 =	vor.u32 v6, v23;
	v44 =	vld.idx.msk [tilespmem:v38+s29+$0x0], $0xffff;
	[tilespmem:v40+s7+$0x0] =	vst.idx.msk $0xffff, v41  }
0x215: {  	v63 =	vor.u32 v2, v23;
	v58 =	vor.u32 v4, v23;
	v39 =	vld.idx.msk [tilespmem:v39+s29+$0x0], $0xffff;
	[tilespmem:v53+s7+$0x0] =	vst.idx.msk $0xffff, v45  }
0x216: {  	v25 =	vor.u32 v15, v24;
	v41 =	vld.idx.msk [tilespmem:v28+s29+$0x0], $0xffff;
	[tilespmem:v59+s7+$0x0] =	vst.idx.msk $0xffff, v62;
	v62 =	vor.u32 v11, v34  }
0x217: {  	v29 =	vor.u32 v14, v31;
	v45 =	vor.u32 v11, v20;
	v38 =	vld.idx.msk [tilespmem:v55+s29+$0x0], $0xffff;
	[tilespmem:v47+s7+$0x0] =	vst.idx.msk $0xffff, v51  }
0x218: {  	v53 =	vor.u32 v11, v35;
	v49 =	vld.idx.msk [tilespmem:v49+s29+$0x0], $0xffff;
	[tilespmem:v48+s7+$0x0] =	vst.idx.msk $0xffff, v54;
	v48 =	vor.u32 v12, v31  }
0x219: {  	v43 =	vor.u32 v5, v17;
	v55 =	vor.u32 v3, v17;
	v54 =	vor.u32 v12, v37;
	v52 =	vld.idx.msk [tilespmem:v52+s29+$0x0], $0xffff  }
0x21a: {  	v40 =	vor.u32 v4, v16;
	[tilespmem:v60+s7+$0x0] =	vst.idx.msk $0xffff, v50;
	v50 =	vor.u32 v3, v24;
	v57 =	vld.idx.msk [tilespmem:v63+s29+$0x0], $0xffff  }
0x21b: {  	v59 =	vor.u32 v13, v36;
	v47 =	vor.u32 v3, v19;
	v51 =	vld.idx.msk [tilespmem:v61+s29+$0x0], $0xffff;
	[tilespmem:v62+s7+$0x0] =	vst.idx.msk $0xffff, v41  }
0x21c: {  	v60 =	vor.u32 v3, v21;
	v63 =	vor.u32 v14, v32;
	[tilespmem:v45+s7+$0x0] =	vst.idx.msk $0xffff, v44;
	v36 =	vld.idx.msk [tilespmem:v56+s29+$0x0], $0xffff  }
0x21d: {  	v31 =	vor.u32 v14, v37;
	v45 =	vor.u32 v4, v18;
	[tilespmem:v53+s7+$0x0] =	vst.idx.msk $0xffff, v39;
	v32 =	vld.idx.msk [tilespmem:v48+s29+$0x0], $0xffff  }
0x21e: {  	v41 =	vor.u32 v13, v34;
	[tilespmem:v55+s7+$0x0] =	vst.idx.msk $0xffff, v49;
	v48 =	vor.u32 v4, v22;
	v37 =	vld.idx.msk [tilespmem:v54+s29+$0x0], $0xffff  }
0x21f: {  	v26 =	vor.u32 v15, v20;
	v42 =	vld.idx.msk [tilespmem:v40+s29+$0x0], $0xffff;
	[tilespmem:v50+s7+$0x0] =	vst.idx.msk $0xffff, v57;
	v40 =	vor.u32 v13, v35  }
0x220: {  	v28 =	vor.u32 v15, v35;
	v44 =	vor.u32 v6, v16;
	[tilespmem:v59+s7+$0x0] =	vst.idx.msk $0xffff, v51;
	v46 =	vld.idx.msk [tilespmem:v58+s29+$0x0], $0xffff  }
0x221: {  	s10 =	simm.s32 $0x8;
	v34 =	vor.u32 v15, v34;
	[tilespmem:v60+s7+$0x0] =	vst.idx.msk $0xffff, v52;
	v49 =	vor.u32 v5, v24;
	v39 =	vld.idx.msk [tilespmem:v63+s29+$0x0], $0xffff  }
.LBB2_17:
0x222: {  	p0 =	slt.u32 s10, $0x3C;
	v35 =	vor.u32 v10, v16;
	[tilespmem:v47+s7+$0x0] =	vst.idx.msk $0xffff, v38;
	v38 =	vld.idx.msk [tilespmem:v45+s29+$0x0], $0xffff;
	v20 =	vor.u32 v13, v20;
	s0 =	smov.u32 s10;
	s10 =	sadd.s32 $0x4, s10  }
0x223: {  	v47 =	vor.u32 v10, v22;
	v45 =	vld.idx.msk [tilespmem:v48+s29+$0x0], $0xffff;
	v48 =	vor.u32 v5, v21;
	[tilespmem:v41+s7+$0x0] =	vst.idx.msk $0xffff, v36  }
0x224: {  	v36 =	vor.u32 v5, v19;
	v41 =	vor.u32 v6, v18;
	v50 =	vld.idx.msk [tilespmem:v33+s29+$0x0], $0xffff;
	[tilespmem:v40+s7+$0x0] =	vst.idx.msk $0xffff, v37  }
0x225: {  	v37 =	vor.u32 v6, v22;
	v40 =	vor.u32 v10, v18;
	[tilespmem:v43+s7+$0x0] =	vst.idx.msk $0xffff, v42;
	v31 =	vld.idx.msk [tilespmem:v31+s29+$0x0], $0xffff  }
0x226: {  	v43 =	vor.u32 v9, v19;
	v42 =	vld.idx.msk [tilespmem:v44+s29+$0x0], $0xffff;
	[tilespmem:v49+s7+$0x0] =	vst.idx.msk $0xffff, v46;
	v44 =	vor.u32 v10, v23  }
0x227: {  	v46 =	vor.u32 v7, v17;
	v49 =	vor.u32 v8, v22;
	v30 =	vld.idx.msk [tilespmem:v30+s29+$0x0], $0xffff;
	[tilespmem:v27+s7+$0x0] =	vst.idx.msk $0xffff, v39  }
0x228: {  	v33 =	vmov v22;
	v27 =	vor.u32 v8, v16;
	[tilespmem:v48+s7+$0x0] =	vst.idx.msk $0xffff, v38;
	v38 =	vor.u32 v7, v24  }
0x229: {  	v39 =	vor.u32 v8, v23;
	[tilespmem:v36+s7+$0x0] =	vst.idx.msk $0xffff, v45;
	v36 =	vld.idx.msk [tilespmem:v41+s29+$0x0], $0xffff;
	v41 =	vor.u32 v9, v24  }
0x22a: {  	v48 =	vor.u32 v8, v18;
	v45 =	vor.u32 v7, v21;
	v37 =	vld.idx.msk [tilespmem:v37+s29+$0x0], $0xffff;
	[tilespmem:v34+s7+$0x0] =	vst.idx.msk $0xffff, v50  }
0x22b: {  	v51 =	vor.u32 v7, v19;
	s13 =	sadd.s32 $0x1, s0;
	s15 =	sadd.s32 $0x2, s0;
	v34 =	vadd.s32 s0, v0;
	s0 =	sadd.s32 $0x3, s0;
	v50 =	vor.u32 v9, v17;
	[tilespmem:v20+s7+$0x0] =	vst.idx.msk $0xffff, v32  }
0x22c: {  	v20 =	vadd.s32 s13, v0;
	v32 =	vadd.s32 s15, v0;
	v52 =	vadd.s32 s0, v0;
	[tilespmem:v46+s7+$0x0] =	vst.idx.msk $0xffff, v42;
	v42 =	vmovc v18;
	v46 =	vmovc v16  }
0x22d: {  	v55 =	vmovc v23;
	v22 =	vand.u32 $0x3F, v20;
	v18 =	vand.u32 $0x3F, v32;
	v53 =	vshll.u32 v52, $0x7;
	v54 =	vld.idx.msk [tilespmem:v27+s29+$0x0], $0xffff;
	[tilespmem:v38+s7+$0x0] =	vst.idx.msk $0xffff, v30  }
0x22e: {  	v57 =	vmovc v19;
	v16 =	vand.u32 $0x3F, v34;
	v38 =	vor.u32 v1, v22;
	v56 =	vor.u32 v1, v18;
	v39 =	vld.idx.msk [tilespmem:v39+s29+$0x0], $0xffff  }
0x22f: {  	v19 =	vshll.u32 v20, $0x7;
	v23 =	vand.u32 $0x3F, v52;
	v58 =	vor.u32 v1, v16;
	[tilespmem:v45+s7+$0x0] =	vst.idx.msk $0xffff, v36;
	v29 =	vld.idx.msk [tilespmem:v29+s29+$0x0], $0xffff  }
0x230: {  	v19 =	vand.u32 $0x1F80, v19;
	v36 =	vor.u32 v1, v23;
	[tilespmem:v51+s7+$0x0] =	vst.idx.msk $0xffff, v37;
	v37 =	vmovc v24;
	v24 =	vand.u32 $0x1F80, v53  }
0x231: {  	v30 =	vor.u32 v6, v23;
	v20 =	vmov v17;
	v45 =	vshll.u32 v34, $0x7;
	v34 =	vld.idx.msk [tilespmem:v48+s29+$0x0], $0xffff;
	[tilespmem:v28+s7+$0x0] =	vst.idx.msk $0xffff, v31  }
0x232: {  	v27 =	vmovc v25;
	v17 =	vand.u32 $0x1F80, v45;
	v28 =	vshll.u32 v32, $0x7;
	v32 =	vor.u32 v9, v21;
	v31 =	vld.idx.msk [tilespmem:v49+s29+$0x0], $0xffff;
	v49 =	vmovc v21  }
0x233: {  	v45 =	vor.u32 v0, v17;
	v21 =	vand.u32 $0x1F80, v28;
	v38 =	vld.idx.msk [tilespmem:v38+s29+$0x0], $0xffff;
	[tilespmem:v50+s7+$0x0] =	vst.idx.msk $0xffff, v54  }
0x234: {  	v51 =	vor.u32 v0, v24;
	v50 =	vor.u32 v0, v21;
	v48 =	vld.idx.msk [tilespmem:v58+s29+$0x0], $0xffff;
	[tilespmem:v41+s7+$0x0] =	vst.idx.msk $0xffff, v39  }
0x235: {  	v39 =	vor.u32 v2, v16;
	v41 =	vor.u32 v2, v18;
	v44 =	vld.idx.msk [tilespmem:v44+s29+$0x0], $0xffff;
	[tilespmem:v26+s7+$0x0] =	vst.idx.msk $0xffff, v29  }
0x236: {  	v52 =	vor.u32 v0, v19;
	v25 =	vor.u32 v15, v24;
	v36 =	vld.idx.msk [tilespmem:v36+s29+$0x0], $0xffff  }
0x237: {  	v53 =	vor.u32 v2, v22;
	v29 =	vor.u32 v14, v46;
	v54 =	vld.idx.msk [tilespmem:v56+s29+$0x0], $0xffff;
	[tilespmem:v32+s7+$0x0] =	vst.idx.msk $0xffff, v34  }
0x238: {  	v32 =	vor.u32 v2, v23;
	[tilespmem:v43+s7+$0x0] =	vst.idx.msk $0xffff, v31;
	v34 =	vld.idx.msk [tilespmem:v40+s29+$0x0], $0xffff;
	v40 =	vor.u32 v11, v37  }
0x239: {  	v28 =	vor.u32 v15, v49;
	v26 =	vor.u32 v15, v20;
	v43 =	vld.idx.msk [tilespmem:v47+s29+$0x0], $0xffff;
	v47 =	vor.u32 v12, v55  }
0x23a: {  	[tilespmem:v45+s7+$0x0] =	vst.idx.msk $0xffff, v48;
	v35 =	vld.idx.msk [tilespmem:v35+s29+$0x0], $0xffff;
	v45 =	vor.u32 v11, v57;
	v48 =	vor.u32 v12, v33  }
0x23b: {  	v56 =	vor.u32 v11, v49;
	v39 =	vld.idx.msk [tilespmem:v39+s29+$0x0], $0xffff;
	[tilespmem:v52+s7+$0x0] =	vst.idx.msk $0xffff, v38;
	v52 =	vor.u32 v11, v20  }
0x23c: {  	v46 =	vor.u32 v12, v46;
	v38 =	vld.idx.msk [tilespmem:v53+s29+$0x0], $0xffff;
	[tilespmem:v51+s7+$0x0] =	vst.idx.msk $0xffff, v36;
	v51 =	vor.u32 v12, v42  }
0x23d: {  	v31 =	vor.u32 v14, v42;
	v53 =	vor.u32 v3, v17;
	v58 =	vld.idx.msk [tilespmem:v32+s29+$0x0], $0xffff;
	[tilespmem:v40+s7+$0x0] =	vst.idx.msk $0xffff, v44  }
0x23e: {  	v40 =	vor.u32 v4, v16;
	v44 =	vor.u32 v3, v24;
	[tilespmem:v50+s7+$0x0] =	vst.idx.msk $0xffff, v54;
	v50 =	vld.idx.msk [tilespmem:v47+s29+$0x0], $0xffff  }
0x23f: {  	v59 =	vor.u32 v4, v23;
	v60 =	vor.u32 v13, v37;
	v54 =	vld.idx.msk [tilespmem:v41+s29+$0x0], $0xffff;
	[tilespmem:v45+s7+$0x0] =	vst.idx.msk $0xffff, v43  }
0x240: {  	v61 =	vor.u32 v3, v21;
	[tilespmem:v52+s7+$0x0] =	vst.idx.msk $0xffff, v35;
	v36 =	vld.idx.msk [tilespmem:v48+s29+$0x0], $0xffff;
	v35 =	vor.u32 v14, v55  }
.Ltmp9:
0x241: {  	v47 =	vor.u32 v3, v19;
	v45 =	vor.u32 v4, v18;
	v32 =	vld.idx.msk [tilespmem:v46+s29+$0x0], $0xffff;
	[tilespmem:v56+s7+$0x0] =	vst.idx.msk $0xffff, v34;
	(pc) =	sbr.rel @p0 .LBB2_17-.Ltmp9, $4  }
0x242: {  	v41 =	vor.u32 v13, v57;
	v48 =	vor.u32 v4, v22;
	[tilespmem:v53+s7+$0x0] =	vst.idx.msk $0xffff, v39;
	v37 =	vld.idx.msk [tilespmem:v51+s29+$0x0], $0xffff  }
0x243: {  	v33 =	vor.u32 v14, v33;
	v42 =	vld.idx.msk [tilespmem:v40+s29+$0x0], $0xffff;
	[tilespmem:v44+s7+$0x0] =	vst.idx.msk $0xffff, v58;
	v40 =	vor.u32 v13, v49  }
0x244: {  	v43 =	vor.u32 v5, v17;
	v34 =	vor.u32 v15, v57;
	v46 =	vld.idx.msk [tilespmem:v59+s29+$0x0], $0xffff;
	[tilespmem:v60+s7+$0x0] =	vst.idx.msk $0xffff, v50  }
0x245: {  	v44 =	vor.u32 v6, v16;
	v49 =	vor.u32 v5, v24;
	[tilespmem:v61+s7+$0x0] =	vst.idx.msk $0xffff, v54;
	v39 =	vld.idx.msk [tilespmem:v35+s29+$0x0], $0xffff  }
0x246: {  	_ =	sdelay $0x3  }
0x247: {  	[tilespmem:v47+s7+$0x0] =	vst.idx.msk $0xffff, v38;
	v45 =	vld.idx.msk [tilespmem:v45+s29+$0x0], $0xffff;
	v63 =	vor.u32 v5, v21  }
0x248: {  	v62 =	vor.u32 v5, v19;
	v50 =	vor.u32 v6, v18;
	v35 =	vld.idx.msk [tilespmem:v48+s29+$0x0], $0xffff  }
0x249: {  	v52 =	vor.u32 v6, v22  }
0x24a: {  	[tilespmem:v49+s7+$0x0] =	vst.idx.msk $0xffff, v46  }
0x24b: {  	v53 =	vor.u32 v7, v24;
	[tilespmem:v43+s7+$0x0] =	vst.idx.msk $0xffff, v42;
	v30 =	vld.idx.msk [tilespmem:v30+s29+$0x0], $0xffff  }
0x24c: {  	v54 =	vor.u32 v8, v23;
	v59 =	vor.u32 v7, v17;
	v44 =	vld.idx.msk [tilespmem:v44+s29+$0x0], $0xffff;
	[tilespmem:v63+s7+$0x0] =	vst.idx.msk $0xffff, v45  }
0x24d: {  	v58 =	vor.u32 v7, v21;
	v61 =	vor.u32 v8, v16;
	[tilespmem:v62+s7+$0x0] =	vst.idx.msk $0xffff, v35;
	v57 =	vld.idx.msk [tilespmem:v50+s29+$0x0], $0xffff  }
0x24e: {  	v55 =	vor.u32 v7, v19;
	v60 =	vor.u32 v8, v18;
	v38 =	vld.idx.msk [tilespmem:v52+s29+$0x0], $0xffff  }
0x24f: {  	v56 =	vor.u32 v8, v22  }
0x250: {  	[tilespmem:v53+s7+$0x0] =	vst.idx.msk $0xffff, v30  }
0x251: {  	v62 =	vor.u32 v9, v24;
	[tilespmem:v59+s7+$0x0] =	vst.idx.msk $0xffff, v44;
	v35 =	vld.idx.msk [tilespmem:v54+s29+$0x0], $0xffff  }
0x252: {  	v52 =	vor.u32 v10, v23;
	[tilespmem:v58+s7+$0x0] =	vst.idx.msk $0xffff, v57;
	v57 =	vor.u32 v9, v17;
	v58 =	vld.idx.msk [tilespmem:v61+s29+$0x0], $0xffff  }
0x253: {  	v59 =	vor.u32 v10, v16;
	[tilespmem:v55+s7+$0x0] =	vst.idx.msk $0xffff, v38;
	v54 =	vld.idx.msk [tilespmem:v60+s29+$0x0], $0xffff;
	v55 =	vor.u32 v9, v21  }
0x254: {  	v63 =	vor.u32 v9, v19;
	v42 =	vld.idx.msk [tilespmem:v56+s29+$0x0], $0xffff;
	v56 =	vor.u32 v10, v18  }
0x255: {  	[tilespmem:v41+s7+$0x0] =	vst.idx.msk $0xffff, v36;
	v53 =	vor.u32 v10, v22  }
0x256: {  	[tilespmem:v62+s7+$0x0] =	vst.idx.msk $0xffff, v35  }
0x257: {  	v60 =	vor.u32 v11, v24;
	v30 =	vld.idx.msk [tilespmem:v52+s29+$0x0], $0xffff;
	[tilespmem:v57+s7+$0x0] =	vst.idx.msk $0xffff, v58  }
0x258: {  	v50 =	vor.u32 v11, v17;
	v61 =	vor.u32 v12, v23;
	[tilespmem:v55+s7+$0x0] =	vst.idx.msk $0xffff, v54;
	v36 =	vld.idx.msk [tilespmem:v59+s29+$0x0], $0xffff  }
0x259: {  	v49 =	vor.u32 v11, v21;
	v52 =	vor.u32 v12, v16;
	[tilespmem:v63+s7+$0x0] =	vst.idx.msk $0xffff, v42;
	v63 =	vld.idx.msk [tilespmem:v56+s29+$0x0], $0xffff  }
0x25a: {  	v51 =	vor.u32 v12, v18;
	[tilespmem:v40+s7+$0x0] =	vst.idx.msk $0xffff, v37;
	v62 =	vor.u32 v11, v19;
	v38 =	vld.idx.msk [tilespmem:v53+s29+$0x0], $0xffff  }
0x25b: {  	v20 =	vor.u32 v13, v20;
	v48 =	vor.u32 v12, v22;
	[tilespmem:v27+s7+$0x0] =	vst.idx.msk $0xffff, v39  }
0x25c: {  	v33 =	vld.idx.msk [tilespmem:v33+s29+$0x0], $0xffff;
	[tilespmem:v60+s7+$0x0] =	vst.idx.msk $0xffff, v30  }
0x25d: {  	v53 =	vor.u32 v13, v24;
	v30 =	vld.idx.msk [tilespmem:v61+s29+$0x0], $0xffff;
	[tilespmem:v50+s7+$0x0] =	vst.idx.msk $0xffff, v36  }
0x25e: {  	v55 =	vor.u32 v14, v23;
	v61 =	vor.u32 v13, v17;
	[tilespmem:v49+s7+$0x0] =	vst.idx.msk $0xffff, v63;
	v27 =	vld.idx.msk [tilespmem:v52+s29+$0x0], $0xffff  }
0x25f: {  	v16 =	vor.u32 v14, v16;
	v59 =	vor.u32 v13, v21;
	[tilespmem:v62+s7+$0x0] =	vst.idx.msk $0xffff, v38;
	v57 =	vld.idx.msk [tilespmem:v51+s29+$0x0], $0xffff  }
0x260: {  	[tilespmem:v20+s7+$0x0] =	vst.idx.msk $0xffff, v32;
	v56 =	vor.u32 v13, v19;
	v60 =	vor.u32 v14, v18;
	v54 =	vld.idx.msk [tilespmem:v48+s29+$0x0], $0xffff  }
0x261: {  	v31 =	vld.idx.msk [tilespmem:v31+s29+$0x0], $0xffff;
	[tilespmem:v34+s7+$0x0] =	vst.idx.msk $0xffff, v33;
	v58 =	vor.u32 v14, v22  }
0x262: {  	v20 =	vld.idx.msk [tilespmem:v29+s29+$0x0], $0xffff;
	[tilespmem:v53+s7+$0x0] =	vst.idx.msk $0xffff, v30  }
0x263: {  	v23 =	vld.idx.msk [tilespmem:v55+s29+$0x0], $0xffff;
	[tilespmem:v61+s7+$0x0] =	vst.idx.msk $0xffff, v27  }
0x264: {  	v17 =	vor.u32 v15, v17;
	[tilespmem:v59+s7+$0x0] =	vst.idx.msk $0xffff, v57;
	v16 =	vld.idx.msk [tilespmem:v16+s29+$0x0], $0xffff  }
0x265: {  	v63 =	vor.u32 v15, v21;
	[tilespmem:v56+s7+$0x0] =	vst.idx.msk $0xffff, v54;
	v18 =	vld.idx.msk [tilespmem:v60+s29+$0x0], $0xffff  }
0x266: {  	s11 =	sadd.s32 $0x1, s11;
	[tilespmem:v28+s7+$0x0] =	vst.idx.msk $0xffff, v31;
	v62 =	vor.u32 v15, v19;
	v22 =	vld.idx.msk [tilespmem:v58+s29+$0x0], $0xffff  }
0x267: {  	p0 =	sne.s32 s11, $0x32;
	[tilespmem:v26+s7+$0x0] =	vst.idx.msk $0xffff, v20  }
.Ltmp10:
0x268: {  	s0 =	sshll.u32 s12, $0x7;
	[tilespmem:v25+s7+$0x0] =	vst.idx.msk $0xffff, v23;
	(pc) =	sbr.rel @p0 .LBB2_2-.Ltmp10, $4  }
0x269: {  	s10 =	sshll.u32 s12, $0xA;
	s0 =	sand.u32 $0x3F80, s0;
	[tilespmem:v17+s7+$0x0] =	vst.idx.msk $0xffff, v16  }
0x26a: {  	s10 =	sand.u32 $0xFFE0000, s10;
	s0 =	sadd.s32 s2, s0;
	[tilespmem:v63+s7+$0x0] =	vst.idx.msk $0xffff, v18  }
0x26b: {  	s13 =	simm.s32 $0x180;
	s0 =	sadd.s32 s10, s0;
	[tilespmem:v62+s7+$0x0] =	vst.idx.msk $0xffff, v22  }
0x26c: {  	[hbm4b:s0+s25] =	stream.strided.scatter [tilespmem:s7], [sflag:$0xC], $0x2000, s26, s25, $0x38;
	[tilespmem:$0x10200] =	vst v63  }
0x26d: {  	s0 =	simm.s32 $0x9  }
0x26e: {  	_ =	swait.ge [sflag:s0], $0x2000  }
0x26f: {  	[sflag:s0] =	ssyncset.done $0x0  }
0x270: {  	s16 =	simm.s32 $0xA;
	[sflag:s0] =	ssyncadd.s32 $0xFFFFE000  }
0x271: {  	_ =	swait.ge [sflag:s16], $0x2000  }
0x272: {  	[sflag:s16] =	ssyncset.done $0x0  }
0x273: {  	s18 =	simm.s32 $0xB;
	[sflag:s16] =	ssyncadd.s32 $0xFFFFE000  }
0x274: {  	_ =	swait.ge [sflag:s18], $0x2000  }
0x275: {  	[sflag:s18] =	ssyncset.done $0x0  }
0x276: {  	s10 =	simm.s32 $0xC;
	[sflag:s18] =	ssyncadd.s32 $0xFFFFE000  }
0x277: {  	_ =	swait.ge [sflag:s10], $0x2000  }
0x278: {  	s11 =	rddreg [dreg:$0xa]  }
0x279: {  	s20 =	rddreg [dreg:$0x9];
	s11 =	sadd.s32 $0x1, s11  }
0x27a: {  	p0 =	sne.s32 s11, s20  }
.Ltmp11:
0x27b: {  	_ = 	snop;
	(pc) =	sbr.rel @p0 .LBB2_1-.Ltmp11, $3  }
0x27c: {  	_ =	sdelay $0x1  }
0x27d: {  	[sflag:s10] =	ssyncset.done $0x0  }
0x27e: {  	[sflag:s10] =	ssyncadd.s32 $0xFFFFE000  }
0x27f: {  	_ =	sfence.sel $0x180000  }
0x280: {  	[bflag:$0x0] =	sbarrier.arrive $0xFFFF  }
0x281: {  	_ =	strace $0x90000047  }
0x282: {  	s0 =	stileid.u32;
	[bflag:$0x2] =	sbarrier.arrive $0xFFFF  }
0x283: {  	p0 =	sne.s32 s0, $0x0;
	s0 =	rddreg [dreg:$0x2]  }
0x284: {  	s0 =	sadd.s32 @!p0 $0x100000, s0  }
0x285: {  	[sflag:s0] =	ssyncadd.tile.s32 @!p0 $0x1;
	_ =	shalt  }
.Lfunc_end2:
_tile_overlayer_lowered:
.L_overlay_start_2:
0x286: {  	(tag) =	ssettag $0x2  }
0x287: {  	s0 =	rddreg [dreg:$0x0];
	s2 =	stileid.u32  }
0x288: {  	s1 =	rddreg [dreg:$0x1];
	p0 =	sne.s32 s2, $0x0  }
0x289: {  	s3 =	rddreg [dreg:$0x2];
	[bflag:$0x3] =	sbarrier.arrive $0xFFFF;
	s2 =	simm.s32 @!p0 $0x1C0D  }
0x28a: {  	[timem:s3], [sflag:s2] =	dma.local @!p0 [hbm:s0], s1  }
0x28b: {  	s0 =	simm.s32 @!p0 $0xD  }
0x28c: {  	_ =	swait.ge @!p0 [sflag:s0], s1  }
0x28d: {  	s1 =	ssub.s32 @!p0 $0x0, s1;
	[sflag:s0] =	ssyncset.done @!p0 $0x0  }
0x28e: {  	[sflag:s0] =	ssyncadd.s32 @!p0 s1  }
0x28f: {  	[bflag:$0x3] =	sbarrier.arrive $0xFFFF  }
0x290: {  	_ =	shalt  }

</sc_bundles>
